<compile_context>
chip_gen: v7x
topology: tpu7x:2x2x1
jax: 0.10.2.dev20260603
libtpu: 0.0.44.dev20260713+nightly
codegen_flags: <defaults>
</compile_context>

<pallas_src>
import functools

import jax
import jax.numpy as jnp
from jax import lax
from jax.experimental import pallas as pl
from jax.experimental.pallas import tpu as pltpu
from jax.experimental.pallas import tpu_sc as plsc

N = 50000
E = 800000
G = 16

NP = 50176
EP = 819200
ER = EP // 128
TILES = 32
ROWS_PER_TILE = ER // TILES
BLK = 8
NBLK = ROWS_PER_TILE // BLK
STRIPE = NP // 16

_mesh = plsc.VectorSubcoreMesh(core_axis_name="c", subcore_axis_name="s")
_sc_params = pltpu.CompilerParams(use_tc_tiling_on_sc=False)
f32 = jnp.float32
i32 = jnp.int32
_HI = lax.Precision.HIGHEST


def _sigmoid(x):
    return 0.5 + 0.5 * jnp.tanh(0.5 * x)


def _zero_vec(ref, nwords):
    def body(j, _):
        ref[pl.ds(16 * j, 16)] = jnp.zeros((16,), f32)
        return 0
    lax.fori_loop(0, nwords // 16, body, 0)


_GDN = lax.GatherDimensionNumbers(
    offset_dims=(), collapsed_slice_dims=(0,), start_index_map=(0,))


def _splat(vec16, lane):
    idx = jnp.full((16, 1), lane, i32)
    return lax.gather(vec16, idx, _GDN, slice_sizes=(1,),
                      mode=lax.GatherScatterMode.PROMISE_IN_BOUNDS)


@functools.partial(
    pl.kernel,
    out_type=jax.ShapeDtypeStruct((2 * NP,), f32),
    mesh=_mesh,
    compiler_params=_sc_params,
    scratch_types=[
        pltpu.VMEM_SHARED((NP,), f32),
        pltpu.VMEM((BLK, 128), i32),
        pltpu.VMEM((BLK, 128), f32),
        pltpu.VMEM((STRIPE,), f32),
        pltpu.SemaphoreType.DMA,
    ],
)
def _sc_deg(dst_h, w_h, degp_h, acc, idst, wv, zv, sa):
    cid = lax.axis_index("c")
    sid = lax.axis_index("s")
    _zero_vec(zv, STRIPE)
    pltpu.sync_copy(zv, acc.at[pl.ds(STRIPE * sid, STRIPE)])
    plsc.subcore_barrier()
    row0 = (cid * 16 + sid) * ROWS_PER_TILE

    def block(b, _):
        r = row0 + b * BLK
        pltpu.sync_copy(dst_h.at[pl.ds(r, BLK)], idst)
        pltpu.sync_copy(w_h.at[pl.ds(r, BLK)], wv)

        def chunk(c, _):
            pltpu.async_copy(wv.at[c], acc.at[idst.at[c]], sa, add=True)
            return 0

        lax.fori_loop(0, BLK, chunk, 0)

        def drain(c, _):
            pltpu.make_async_copy(wv.at[0], acc.at[pl.ds(0, 128)], sa).wait()
            return 0

        lax.fori_loop(0, BLK, drain, 0)
        return 0

    lax.fori_loop(0, NBLK, block, 0)
    plsc.subcore_barrier()
    pltpu.sync_copy(acc.at[pl.ds(STRIPE * sid, STRIPE)], zv)
    pltpu.sync_copy(zv, degp_h.at[pl.ds(NP * cid + STRIPE * sid, STRIPE)])


@functools.partial(
    pl.kernel,
    out_type=(
        jax.ShapeDtypeStruct((ER, 128), f32),
        jax.ShapeDtypeStruct((2 * NP,), f32),
        jax.ShapeDtypeStruct((2 * NP,), f32),
        jax.ShapeDtypeStruct((2 * NP,), f32),
    ),
    mesh=_mesh,
    compiler_params=_sc_params,
    scratch_types=[
        pltpu.VMEM_SHARED((NP,), f32),
        pltpu.VMEM_SHARED((NP,), f32),
        pltpu.VMEM_SHARED((NP,), f32),
        pltpu.VMEM((BLK, 128), i32),
        pltpu.VMEM((BLK, 128), i32),
        pltpu.VMEM((BLK, 128), f32),
        pltpu.VMEM((BLK, 128), f32),
        pltpu.VMEM((BLK, 128), f32),
        pltpu.VMEM((BLK, 128), f32),
        pltpu.VMEM((BLK, 128), f32),
        pltpu.VMEM((BLK, 128), f32),
        pltpu.VMEM((BLK, 128), f32),
        pltpu.VMEM((BLK, 128), f32),
        pltpu.VMEM((BLK, 128), f32),
        pltpu.VMEM((STRIPE,), f32),
        pltpu.SemaphoreType.DMA,
        pltpu.SemaphoreType.DMA,
    ],
)
def _sc_l1(src_h, dst_h, w_h, dis_h, x0_h, x1_h, x2_h,
           v_h, a0_h, a1_h, a2_h,
           acc0, acc1, acc2, isrc, idst, wv, dv, vv,
           gx0, gx1, gx2, ms0, ms1, ms2, zv, sd, sa):
    cid = lax.axis_index("c")
    sid = lax.axis_index("s")
    _zero_vec(zv, STRIPE)
    for acc in (acc0, acc1, acc2):
        pltpu.sync_copy(zv, acc.at[pl.ds(STRIPE * sid, STRIPE)])
    plsc.subcore_barrier()
    row0 = (cid * 16 + sid) * ROWS_PER_TILE

    def ew_mul(dst_ref, a_ref, b_ref):
        def body(j, _):
            rr = j >> 3
            sl = pl.ds(16 * (j & 7), 16)
            dst_ref[rr, sl] = a_ref[rr, sl] * b_ref[rr, sl]
            return 0
        lax.fori_loop(0, BLK * 8, body, 0)

    def block(b, _):
        r = row0 + b * BLK
        pltpu.sync_copy(src_h.at[pl.ds(r, BLK)], isrc)
        pltpu.sync_copy(dst_h.at[pl.ds(r, BLK)], idst)
        pltpu.sync_copy(w_h.at[pl.ds(r, BLK)], wv)

        def fire_g(c, _):
            pltpu.async_copy(dis_h.at[isrc.at[c]], dv.at[c], sd)
            pltpu.async_copy(x0_h.at[isrc.at[c]], gx0.at[c], sd)
            pltpu.async_copy(x1_h.at[isrc.at[c]], gx1.at[c], sd)
            pltpu.async_copy(x2_h.at[isrc.at[c]], gx2.at[c], sd)
            return 0

        lax.fori_loop(0, BLK, fire_g, 0)

        def drain_g(c, _):
            pltpu.make_async_copy(dis_h.at[pl.ds(0, 128)], dv.at[0],
                                  sd).wait()
            return 0

        lax.fori_loop(0, 4 * BLK, drain_g, 0)
        ew_mul(vv, wv, dv)
        pltpu.async_copy(vv, v_h.at[pl.ds(r, BLK)], sa)
        ew_mul(ms0, gx0, vv)
        ew_mul(ms1, gx1, vv)
        ew_mul(ms2, gx2, vv)

        def fire_s(c, _):
            pltpu.async_copy(ms0.at[c], acc0.at[idst.at[c]], sa, add=True)
            pltpu.async_copy(ms1.at[c], acc1.at[idst.at[c]], sa, add=True)
            pltpu.async_copy(ms2.at[c], acc2.at[idst.at[c]], sa, add=True)
            return 0

        lax.fori_loop(0, BLK, fire_s, 0)

        def drain_s(c, _):
            pltpu.make_async_copy(ms0.at[0], acc0.at[pl.ds(0, 128)],
                                  sa).wait()
            return 0

        lax.fori_loop(0, 3 * BLK + BLK, drain_s, 0)
        return 0

    lax.fori_loop(0, NBLK, block, 0)
    plsc.subcore_barrier()
    for acc, out in ((acc0, a0_h), (acc1, a1_h), (acc2, a2_h)):
        pltpu.sync_copy(acc.at[pl.ds(STRIPE * sid, STRIPE)], zv)
        pltpu.sync_copy(zv, out.at[pl.ds(NP * cid + STRIPE * sid, STRIPE)])


FCH = 112
CROWS = 800
SROWS = 80
NCH = SROWS


@functools.partial(
    pl.kernel,
    out_type=jax.ShapeDtypeStruct((8 * NP, 32), f32),
    mesh=_mesh,
    compiler_params=_sc_params,
    scratch_types=[
        pltpu.VMEM_SHARED((NP, 32), f32),
        pltpu.VMEM((SROWS, 32), i32),
        pltpu.VMEM((SROWS, 32), i32),
        pltpu.VMEM((SROWS, 32), f32),
        pltpu.VMEM((32, 128), f32),
        pltpu.VMEM((32, 128), f32),
        pltpu.VMEM((32, 32), f32),
        pltpu.VMEM((32, 32), f32),
        pltpu.VMEM((FCH, 32), f32),
        pltpu.SemaphoreType.DMA,
        pltpu.SemaphoreType.DMA,
        pltpu.SemaphoreType.DMA,
        pltpu.SemaphoreType.DMA,
    ],
)
def _sc_l2(src_h, dst_h, v_h, h_h, a2p_h, acc, isrc, idst, vvt,
           g0, g1, m0, m1, zf, sg0, sg1, ss0, ss1):
    cid = lax.axis_index("c")
    sid = lax.axis_index("s")
    base_row = jnp.where(cid == 0, sid * 560, 8960 + sid * 1040)
    n_stages = jnp.where(cid == 0, 7, 13)

    def start_g(k, gbuf, sem):
        pltpu.async_copy(h_h.at[isrc.at[k]], gbuf, sem)

    def wait_g(gbuf, sem):
        pltpu.make_async_copy(h_h.at[pl.ds(0, 32)], gbuf, sem).wait()

    def start_s(k, mbuf, sem):
        pltpu.async_copy(mbuf, acc.at[idst.at[k]], sem, add=True)

    def wait_s(mbuf, sem):
        pltpu.make_async_copy(mbuf, acc.at[pl.ds(0, 32)], sem).wait()

    def scale(k, gbuf, mbuf, p):
        def sc16(q2, _):
            so = pl.multiple_of(16 * q2, 16)
            vseg = vvt[k, pl.ds(so, 16)]
            for l in range(16):
                s16 = _splat(vseg, l)
                i = 16 * q2 + l
                for h in range(2):
                    go = pl.multiple_of(32 * p + 16 * h, 16)
                    mbuf[i, pl.ds(16 * h, 16)] = gbuf[i, pl.ds(go, 16)] * s16
            return 0

        lax.fori_loop(0, 2, sc16, 0)

    def zpass(j, _):
        zf[j >> 1, pl.ds(16 * (j & 1), 16)] = jnp.zeros((16,), f32)
        return 0

    def one_pass(p, _):
        lax.fori_loop(0, FCH * 2, zpass, 0)

        def zq(q, _):
            off = pl.multiple_of(STRIPE * sid + FCH * q, 8)
            pltpu.sync_copy(zf, acc.at[pl.ds(off, FCH)])
            return 0

        lax.fori_loop(0, 28, zq, 0)
        plsc.subcore_barrier()

        def stage(s, _):
            r = pl.multiple_of(base_row + SROWS * s, 8)
            pltpu.sync_copy(src_h.at[pl.ds(r, SROWS)], isrc)
            pltpu.sync_copy(dst_h.at[pl.ds(r, SROWS)], idst)
            pltpu.sync_copy(v_h.at[pl.ds(r, SROWS)], vvt)
            start_g(0, g0, sg0)
            start_g(1, g1, sg1)

            def pair(kk, _):
                e = 2 * kk
                o = e + 1
                wait_g(g0, sg0)

                @pl.when(kk > 0)
                def _():
                    wait_s(m0, ss0)

                scale(e, g0, m0, p)
                start_s(e, m0, ss0)

                @pl.when(e + 2 < NCH)
                def _():
                    start_g(e + 2, g0, sg0)

                wait_g(g1, sg1)

                @pl.when(kk > 0)
                def _():
                    wait_s(m1, ss1)

                scale(o, g1, m1, p)
                start_s(o, m1, ss1)

                @pl.when(o + 2 < NCH)
                def _():
                    start_g(o + 2, g1, sg1)

                return 0

            lax.fori_loop(0, NCH // 2, pair, 0)
            wait_s(m0, ss0)
            wait_s(m1, ss1)
            return 0

        lax.fori_loop(0, n_stages, stage, 0)
        plsc.subcore_barrier()
        obase = (cid * 4 + p) * NP

        def fq(q, _):
            off = pl.multiple_of(STRIPE * sid + FCH * q, 8)
            pltpu.sync_copy(acc.at[pl.ds(off, FCH)], zf)
            oo = pl.multiple_of(obase + off, 8)
            pltpu.sync_copy(zf, a2p_h.at[pl.ds(oo, FCH)])
            return 0

        lax.fori_loop(0, 28, fq, 0)
        plsc.subcore_barrier()
        return 0

    lax.fori_loop(0, 4, one_pass, 0)


def _tc_dis_body(degp_ref, dis_ref, dis2_ref):
    x = degp_ref[0] + degp_ref[1] + 1.0
    d = lax.rsqrt(x)
    d = d * (1.5 - 0.5 * x * d * d)
    dis_ref[...] = d
    dis2_ref[...] = d * d


def _tc_dis(degp):
    degp3 = degp.reshape(2, 392, 128)
    dis, dis2 = pl.pallas_call(
        _tc_dis_body,
        grid=(7,),
        in_specs=[pl.BlockSpec((2, 56, 128), lambda i: (0, i, 0))],
        out_specs=[pl.BlockSpec((56, 128), lambda i: (i, 0)),
                   pl.BlockSpec((56, 128), lambda i: (i, 0))],
        out_shape=[jax.ShapeDtypeStruct((392, 128), f32),
                   jax.ShapeDtypeStruct((392, 128), f32)],
    )(degp3)
    return dis.reshape(NP), dis2.reshape(NP)


def _tc_h1_body(a0_ref, a1_ref, a2_ref, dis_ref, dis2_ref,
                x0_ref, x1_ref, x2_ref, w1_ref, b1_ref, o_ref):
    dis = dis_ref[...]
    dis2 = dis2_ref[...]
    h = jnp.broadcast_to(b1_ref[...], (1024, 128))
    for a_ref, x_ref, fidx in ((a0_ref, x0_ref, 0), (a1_ref, x1_ref, 1),
                               (a2_ref, x2_ref, 2)):
        agg = dis * (a_ref[0] + a_ref[1]) + dis2 * x_ref[...]
        h = h + agg * w1_ref[fidx:fidx + 1, :]
    o_ref[...] = h * _sigmoid(h)


def _tc_h1(a0, a1, a2, dis, dis2, x0, x1, x2, w1p, b1p):
    col = pl.BlockSpec((1024, 1), lambda i: (i, 0))
    par = pl.BlockSpec((2, 1024, 1), lambda i: (0, i, 0))
    return pl.pallas_call(
        _tc_h1_body,
        grid=(49,),
        in_specs=[par, par, par, col, col, col, col, col,
                  pl.BlockSpec((3, 128), lambda i: (0, 0)),
                  pl.BlockSpec((1, 128), lambda i: (0, 0))],
        out_specs=pl.BlockSpec((1024, 128), lambda i: (i, 0)),
        out_shape=jax.ShapeDtypeStruct((NP, 128), f32),
    )(a0.reshape(2, NP, 1), a1.reshape(2, NP, 1), a2.reshape(2, NP, 1),
      dis.reshape(NP, 1), dis2.reshape(NP, 1),
      x0.reshape(NP, 1), x1.reshape(NP, 1), x2.reshape(NP, 1), w1p, b1p)


def _tc_final_body(a2p_ref, h_ref,
                   dis_ref, dis2_ref, batch_ref, w2_ref, b2_ref,
                   lw1_ref, lb1_ref, lw2_ref, lb2_ref,
                   out_ref, sums, comp, cnt):
    pid = pl.program_id(0)

    @pl.when(pid == 0)
    def _():
        sums[...] = jnp.zeros((16, 256), f32)
        comp[...] = jnp.zeros((16, 256), f32)
        cnt[...] = jnp.zeros((16, 128), f32)

    dis = dis_ref[...]
    dis2 = dis2_ref[...]
    acc = jnp.broadcast_to(b2_ref[...], (1024, 256))
    for p in range(4):
        aggp = (dis * (a2p_ref[0, p] + a2p_ref[1, p])
                + dis2 * h_ref[:, 32 * p:32 * p + 32])
        acc = acc + jnp.dot(aggp, w2_ref[32 * p:32 * p + 32, :],
                            precision=_HI, preferred_element_type=f32)
    h2 = acc * _sigmoid(acc)
    bb = batch_ref[...]
    io = lax.broadcasted_iota(i32, (1024, 16), 1)
    oh = jnp.where(bb == io, 1.0, 0.0).astype(f32)
    dn = (((0,), (0,)), ((), ()))
    blk = lax.dot_general(oh, h2, dn, precision=_HI,
                          preferred_element_type=f32)
    y = blk - comp[...]
    s0 = sums[...]
    t = s0 + y
    comp[...] = (t - s0) - y
    sums[...] = t
    ones = jnp.ones((1024, 128), f32)
    cnt[...] += lax.dot_general(oh, ones, dn, precision=_HI,
                                preferred_element_type=f32)

    @pl.when(pid == 48)
    def _():
        pooled = sums[...] / jnp.maximum(cnt[...][:, 0:1], 1.0)
        ph = jnp.dot(pooled, lw1_ref[...], precision=_HI,
                     preferred_element_type=f32)
        ph = ph + lb1_ref[...]
        ph = ph * _sigmoid(ph)
        res = jnp.dot(ph, lw2_ref[...], precision=_HI,
                      preferred_element_type=f32)
        out_ref[...] = res + lb2_ref[...]


def _tc_final(a2p, h1p, dis, dis2, batchp, w2p, b2p, lw1p, lb1p, lw2p, lb2p):
    col = pl.BlockSpec((1024, 1), lambda i: (i, 0))
    whole = lambda *shape: pl.BlockSpec(shape, lambda i: tuple(0 for _ in shape))
    return pl.pallas_call(
        _tc_final_body,
        grid=(49,),
        in_specs=[pl.BlockSpec((2, 4, 1024, 32), lambda i: (0, 0, i, 0)),
                  pl.BlockSpec((1024, 128), lambda i: (i, 0)), col, col, col,
                  whole(128, 256), whole(1, 256),
                  whole(256, 128), whole(1, 128),
                  whole(128, 128), whole(1, 128)],
        out_specs=pl.BlockSpec((16, 128), lambda i: (0, 0)),
        out_shape=jax.ShapeDtypeStruct((16, 128), f32),
        scratch_shapes=[pltpu.VMEM((16, 256), f32),
                        pltpu.VMEM((16, 256), f32),
                        pltpu.VMEM((16, 128), f32)],
    )(a2p, h1p, dis.reshape(NP, 1), dis2.reshape(NP, 1), batchp,
      w2p, b2p, lw1p, lb1p, lw2p, lb2p)


def kernel(x, edge_index, edge_attr, batch, W1, b1, W2, b2,
           LW1, Lb1, LW2, Lb2):
    src = edge_index[0].astype(i32)
    dst = edge_index[1].astype(i32)
    w = edge_attr.astype(f32)
    pad = EP - E
    src2 = jnp.concatenate([src, jnp.zeros((pad,), i32)]).reshape(ER, 128)
    dst2 = jnp.concatenate([dst, jnp.zeros((pad,), i32)]).reshape(ER, 128)
    w2e = jnp.concatenate([w, jnp.zeros((pad,), f32)]).reshape(ER, 128)

    degp = _sc_deg(dst2, w2e)
    dis, dis2 = _tc_dis(degp)

    xp = jnp.pad(x, ((0, NP - N), (0, 0)))
    x0, x1, x2 = xp[:, 0], xp[:, 1], xp[:, 2]
    v2, a0, a1, a2 = _sc_l1(src2, dst2, w2e, dis, x0, x1, x2)

    w1p = jnp.pad(W1, ((0, 0), (0, 28)))
    b1p = jnp.pad(b1, (0, 28)).reshape(1, 128)
    h1p = _tc_h1(a0, a1, a2, dis, dis2, x0, x1, x2, w1p, b1p)

    a2p = _sc_l2(src2.reshape(EP // 32, 32), dst2.reshape(EP // 32, 32),
                 v2.reshape(EP // 32, 32), h1p).reshape(2, 4, NP, 32)

    batchp = jnp.concatenate(
        [batch.astype(i32), jnp.full((NP - N,), G, i32)]).reshape(NP, 1)
    w2p = jnp.pad(W2, ((0, 28), (0, 56)))
    b2p = jnp.pad(b2, (0, 56)).reshape(1, 256)
    lw1p = jnp.pad(LW1, ((0, 56), (0, 28)))
    lb1p = jnp.pad(Lb1, (0, 28)).reshape(1, 128)
    lw2p = jnp.pad(LW2, ((0, 28), (0, 127)))
    lb2p = jnp.pad(Lb2, (0, 127)).reshape(1, 128)

    outf = _tc_final(a2p, h1p, dis, dis2, batchp,
                     w2p, b2p, lw1p, lb1p, lw2p, lb2p)
    return outf[:, 0]

# --- scband reference (transcript-rebuilt; emitter-appended) ---
"""Pipeline reference for scband-gnnmodel-28329604285048 (READ-ONLY COPY).

The authoritative reference and input builder live on the scoring server;
editing this copy changes nothing except your own understanding.
"""

import jax, jax.numpy as jnp
import numpy as np

N = 50000
E = 800000
G = 16

def setup_inputs(seed: int = 0) -> dict:
    key = jax.random.key(seed)
    ks = [jax.random.fold_in(key, i) for i in range(16)]
    x = jax.random.normal(ks[0], (N, 3), dtype=jnp.float32)
    edge_index = jax.random.randint(ks[1], (2, E), 0, N, dtype=jnp.int64 if jax.config.jax_enable_x64 else jnp.int32)
    edge_attr = jax.random.uniform(ks[2], (E,), dtype=jnp.float32)
    batch = jnp.sort(jax.random.randint(ks[3], (N,), 0, G))
    W1 = jax.random.normal(ks[4], (3, 100), dtype=jnp.float32) * 0.1
    b1 = jnp.zeros((100,), dtype=jnp.float32)
    W2 = jax.random.normal(ks[5], (100, 200), dtype=jnp.float32) * 0.1
    b2 = jnp.zeros((200,), dtype=jnp.float32)
    LW1 = jax.random.normal(ks[6], (200, 100), dtype=jnp.float32) * 0.1
    Lb1 = jnp.zeros((100,), dtype=jnp.float32)
    LW2 = jax.random.normal(ks[7], (100, 1), dtype=jnp.float32) * 0.1
    Lb2 = jnp.zeros((1,), dtype=jnp.float32)
    return {"x": x, "edge_index": edge_index, "edge_attr": edge_attr, "batch": batch,
            "W1": W1, "b1": b1, "W2": W2, "b2": b2,
            "LW1": LW1, "Lb1": Lb1, "LW2": LW2, "Lb2": Lb2}

def _gcn_conv(x, edge_index, edge_weight, W, b):
    # PyG GCNConv with add_self_loops=True and symmetric normalization
    n = x.shape[0]
    loop = jnp.arange(n, dtype=edge_index.dtype)
    src = jnp.concatenate([edge_index[0], loop])
    dst = jnp.concatenate([edge_index[1], loop])
    w = jnp.concatenate([edge_weight, jnp.ones((n,), dtype=edge_weight.dtype)])
    deg = jax.ops.segment_sum(w, dst, num_segments=n)
    dis = jnp.where(deg > 0, jax.lax.rsqrt(jnp.maximum(deg, 1e-12)), 0.0)
    norm = dis[src] * w * dis[dst]
    xw = x @ W
    msg = xw[src] * norm[:, None]
    out = jax.ops.segment_sum(msg, dst, num_segments=n)
    return out + b

def reference(x, edge_index, edge_attr, batch, W1, b1, W2, b2, LW1, Lb1, LW2, Lb2):
    n = x.shape[0]
    h = jax.nn.silu(_gcn_conv(x, edge_index, edge_attr, W1, b1))
    h = jax.nn.silu(_gcn_conv(h, edge_index, edge_attr, W2, b2))
    sums = jax.ops.segment_sum(h, batch, num_segments=G)
    cnt = jax.ops.segment_sum(jnp.ones((n,), dtype=h.dtype), batch, num_segments=G)
    pooled = sums / jnp.maximum(cnt, 1.0)[:, None]
    h = jax.nn.silu(pooled @ LW1 + Lb1)
    out = h @ LW2 + Lb2
    return jnp.squeeze(out)

if __name__ == "__main__":
    import jax
    _d = setup_inputs()
    print(jax.jit(kernel)(*tuple(_d.values())))

</pallas_src>

<mosaic_0001>
#map = affine_map<(d0, d1) -> (0, 0)>
#map1 = affine_map<(d0, d1) -> (0)>
module attributes {stable_mosaic.version = 14 : i64} {
  func.func @_sc_deg(%arg0: i32, %arg1: i32, %arg2: memref<6400x128xi32, #tpu.memory_space<hbm>>, %arg3: memref<6400x128xf32, #tpu.memory_space<hbm>>, %arg4: memref<100352xf32, #tpu.memory_space<hbm>>, %arg5: memref<50176xf32, #tpu.memory_space<vmem_shared>>, %arg6: memref<8x128xi32, #tpu.memory_space<vmem>>, %arg7: memref<8x128xf32, #tpu.memory_space<vmem>>, %arg8: memref<3136xf32, #tpu.memory_space<vmem>>, %arg9: memref<!tpu.dma_semaphore, #tpu.memory_space<semaphore_mem>>) attributes {dimension_semantics = [#tpu.dimension_semantics<core_parallel>, #tpu.dimension_semantics<subcore_parallel>], iteration_bounds = array<i64: 2, 16>, scalar_prefetch = 0 : i64, scratch_operands = 5 : i64, tpu.core_type = #tpu.core_type<sc_vector_subcore>, window_params = [{transform_indices = #map}, {transform_indices = #map}, {transform_indices = #map1}]} {
    %scan3A = arith.constant 0 : i32
    %scan3A_0 = arith.constant 0 : i32
    %scan3A_1 = arith.constant 196 : i32
    %scan3A_2 = arith.addi %scan3A_0, %scan3A_1 : i32
    %scan3A_3 = arith.constant 1 : i32
    %scan3A_4 = scf.for %scan3A_26 = %scan3A_0 to %scan3A_2 step %scan3A_3 iter_args(%scan3A_27 = %scan3A) -> (i32)  : i32 {
      %broadcast_in_dim3A = arith.constant 0.000000e+00 : f32
      %broadcast_in_dim3A_28 = vector.broadcast %broadcast_in_dim3A : f32 to vector<16xf32>
      %mul3A_29 = arith.constant 16 : i32
      %mul3A_30 = arith.muli %mul3A_29, %scan3A_26 : i32
      %swap3A = arith.index_cast %mul3A_30 : i32 to index
      %swap3A_31 = tpu.vector_load %arg8[%swap3A] {strides = array<i32>} : memref<3136xf32, #tpu.memory_space<vmem>>, vector<16xf32>,
      %swap3A_32 = vector.shape_cast %swap3A_31 : vector<16xf32> to vector<16xf32>
      %swap3A_33 = vector.shape_cast %broadcast_in_dim3A_28 : vector<16xf32> to vector<16xf32>
      tpu.vector_store %arg8[%swap3A], %swap3A_33 {strides = array<i32>} : memref<3136xf32, #tpu.memory_space<vmem>>, vector<16xf32>,
      %scan3A_34 = arith.constant 0 : i32
      scf.yield %scan3A_34 : i32
    }
    %scan3A_5 = arith.constant 196 : i32
    %mul3A = arith.constant 3136 : i32
    %mul3A_6 = arith.muli %mul3A, %arg1 : i32
    "tpu.region"() ({
      %run_scoped3A = tpu.sem_alloc : memref<!tpu.dma_semaphore, #tpu.memory_space<semaphore_mem>>
      %dma_start3A = tpu.memref_slice %arg5[%mul3A_6] : memref<50176xf32, #tpu.memory_space<vmem_shared>> -> memref<3136xf32, #tpu.memory_space<vmem_shared>>
      %dma_start3A_26 = tpu.memref_slice %arg5[%mul3A_6] : memref<50176xf32, #tpu.memory_space<vmem_shared>> -> memref<3136xf32, #tpu.memory_space<vmem_shared>>
      tpu.enqueue_dma source(%arg8 : memref<3136xf32, #tpu.memory_space<vmem>>) target(%dma_start3A_26 : memref<3136xf32, #tpu.memory_space<vmem_shared>>) target_semaphore(%run_scoped3A : memref<!tpu.dma_semaphore, #tpu.memory_space<semaphore_mem>>)
      %dma_wait3A = tpu.memref_slice %arg5[%mul3A_6] : memref<50176xf32, #tpu.memory_space<vmem_shared>> -> memref<3136xf32, #tpu.memory_space<vmem_shared>>
      %dma_wait3A_27 = tpu.memref_slice %arg5[%mul3A_6] : memref<50176xf32, #tpu.memory_space<vmem_shared>> -> memref<3136xf32, #tpu.memory_space<vmem_shared>>
      tpu.wait_dma2 semaphore(%run_scoped3A : memref<!tpu.dma_semaphore, #tpu.memory_space<semaphore_mem>>) src(%arg8 : memref<3136xf32, #tpu.memory_space<vmem>>) dst(%dma_wait3A_27 : memref<3136xf32, #tpu.memory_space<vmem_shared>>)
      tpu.yield
    }) : () -> ()
    %barrier3A = arith.constant 0 : index
    tpu.barrier barrier_id(%barrier3A)
    %mul3A_7 = arith.constant 16 : i32
    %mul3A_8 = arith.muli %arg0, %mul3A_7 : i32
    %add3A = arith.addi %mul3A_8, %arg1 : i32
    %mul3A_9 = arith.constant 200 : i32
    %mul3A_10 = arith.muli %add3A, %mul3A_9 : i32
    %scan3A_11 = arith.constant 0 : i32
    %scan3A_12 = arith.constant 0 : i32
    %scan3A_13 = arith.constant 25 : i32
    %scan3A_14 = arith.addi %scan3A_12, %scan3A_13 : i32
    %scan3A_15 = arith.constant 1 : i32
    %scan3A_16 = scf.for %scan3A_26 = %scan3A_12 to %scan3A_14 step %scan3A_15 iter_args(%scan3A_27 = %scan3A_11) -> (i32)  : i32 {
      %mul3A_28 = arith.constant 8 : i32
      %mul3A_29 = arith.muli %scan3A_26, %mul3A_28 : i32
      %add3A_30 = arith.addi %mul3A_10, %mul3A_29 : i32
      "tpu.region"() ({
        %run_scoped3A = tpu.sem_alloc : memref<!tpu.dma_semaphore, #tpu.memory_space<semaphore_mem>>
        %dma_start3A = arith.constant 0 : i32
        %dma_start3A_46 = tpu.memref_slice %arg2[%add3A_30, %dma_start3A] : memref<6400x128xi32, #tpu.memory_space<hbm>> -> memref<8x128xi32, #tpu.memory_space<hbm>>
        %dma_start3A_47 = arith.constant 0 : i32
        %dma_start3A_48 = tpu.memref_slice %arg2[%add3A_30, %dma_start3A_47] : memref<6400x128xi32, #tpu.memory_space<hbm>> -> memref<8x128xi32, #tpu.memory_space<hbm>>
        tpu.enqueue_dma source(%dma_start3A_48 : memref<8x128xi32, #tpu.memory_space<hbm>>) target(%arg6 : memref<8x128xi32, #tpu.memory_space<vmem>>) target_semaphore(%run_scoped3A : memref<!tpu.dma_semaphore, #tpu.memory_space<semaphore_mem>>)
        %dma_wait3A = arith.constant 0 : i32
        %dma_wait3A_49 = tpu.memref_slice %arg2[%add3A_30, %dma_wait3A] : memref<6400x128xi32, #tpu.memory_space<hbm>> -> memref<8x128xi32, #tpu.memory_space<hbm>>
        %dma_wait3A_50 = arith.constant 0 : i32
        %dma_wait3A_51 = tpu.memref_slice %arg2[%add3A_30, %dma_wait3A_50] : memref<6400x128xi32, #tpu.memory_space<hbm>> -> memref<8x128xi32, #tpu.memory_space<hbm>>
        tpu.wait_dma2 semaphore(%run_scoped3A : memref<!tpu.dma_semaphore, #tpu.memory_space<semaphore_mem>>) src(%dma_wait3A_51 : memref<8x128xi32, #tpu.memory_space<hbm>>) dst(%arg6 : memref<8x128xi32, #tpu.memory_space<vmem>>)
        tpu.yield
      }) : () -> ()
      "tpu.region"() ({
        %run_scoped3A = tpu.sem_alloc : memref<!tpu.dma_semaphore, #tpu.memory_space<semaphore_mem>>
        %dma_start3A = arith.constant 0 : i32
        %dma_start3A_46 = tpu.memref_slice %arg3[%add3A_30, %dma_start3A] : memref<6400x128xf32, #tpu.memory_space<hbm>> -> memref<8x128xf32, #tpu.memory_space<hbm>>
        %dma_start3A_47 = arith.constant 0 : i32
        %dma_start3A_48 = tpu.memref_slice %arg3[%add3A_30, %dma_start3A_47] : memref<6400x128xf32, #tpu.memory_space<hbm>> -> memref<8x128xf32, #tpu.memory_space<hbm>>
        tpu.enqueue_dma source(%dma_start3A_48 : memref<8x128xf32, #tpu.memory_space<hbm>>) target(%arg7 : memref<8x128xf32, #tpu.memory_space<vmem>>) target_semaphore(%run_scoped3A : memref<!tpu.dma_semaphore, #tpu.memory_space<semaphore_mem>>)
        %dma_wait3A = arith.constant 0 : i32
        %dma_wait3A_49 = tpu.memref_slice %arg3[%add3A_30, %dma_wait3A] : memref<6400x128xf32, #tpu.memory_space<hbm>> -> memref<8x128xf32, #tpu.memory_space<hbm>>
        %dma_wait3A_50 = arith.constant 0 : i32
        %dma_wait3A_51 = tpu.memref_slice %arg3[%add3A_30, %dma_wait3A_50] : memref<6400x128xf32, #tpu.memory_space<hbm>> -> memref<8x128xf32, #tpu.memory_space<hbm>>
        tpu.wait_dma2 semaphore(%run_scoped3A : memref<!tpu.dma_semaphore, #tpu.memory_space<semaphore_mem>>) src(%dma_wait3A_51 : memref<8x128xf32, #tpu.memory_space<hbm>>) dst(%arg7 : memref<8x128xf32, #tpu.memory_space<vmem>>)
        tpu.yield
      }) : () -> ()
      %scan3A_31 = arith.constant 0 : i32
      %scan3A_32 = arith.constant 0 : i32
      %scan3A_33 = arith.constant 8 : i32
      %scan3A_34 = arith.addi %scan3A_32, %scan3A_33 : i32
      %scan3A_35 = arith.constant 1 : i32
      %scan3A_36 = scf.for %scan3A_46 = %scan3A_32 to %scan3A_34 step %scan3A_35 iter_args(%scan3A_47 = %scan3A_31) -> (i32)  : i32 {
        %dma_start3A = arith.constant 0 : i32
        %dma_start3A_48 = tpu.memref_slice %arg7[%scan3A_46, %dma_start3A] : memref<8x128xf32, #tpu.memory_space<vmem>> -> memref<1x128xf32, #tpu.memory_space<vmem>>
        %dma_start3A_49 = tpu.memref_squeeze %dma_start3A_48 : memref<1x128xf32, #tpu.memory_space<vmem>> -> memref<128xf32, #tpu.memory_space<vmem>>
        %dma_start3A_50 = arith.constant 0 : i32
        %dma_start3A_51 = tpu.memref_slice %arg6[%scan3A_46, %dma_start3A_50] : memref<8x128xi32, #tpu.memory_space<vmem>> -> memref<1x128xi32, #tpu.memory_space<vmem>>
        %dma_start3A_52 = tpu.memref_squeeze %dma_start3A_51 : memref<1x128xi32, #tpu.memory_space<vmem>> -> memref<128xi32, #tpu.memory_space<vmem>>
        %dma_start3A_53 = arith.constant 0 : i32
        %dma_start3A_54 = tpu.memref_slice %arg5[%dma_start3A_53] : memref<50176xf32, #tpu.memory_space<vmem_shared>> -> memref<50176xf32, #tpu.memory_space<vmem_shared>>
        tpu.enqueue_indirect_dma source(%dma_start3A_49 : memref<128xf32, #tpu.memory_space<vmem>>) target(%dma_start3A_54 : memref<50176xf32, #tpu.memory_space<vmem_shared>>) offsets(%dma_start3A_52 : memref<128xi32, #tpu.memory_space<vmem>>) semaphore(%arg9 : memref<!tpu.dma_semaphore, #tpu.memory_space<semaphore_mem>>) {add = true}
        %scan3A_55 = arith.constant 0 : i32
        scf.yield %scan3A_55 : i32
      }
      %scan3A_37 = arith.constant 8 : i32
      %scan3A_38 = arith.constant 0 : i32
      %scan3A_39 = arith.constant 0 : i32
      %scan3A_40 = arith.constant 8 : i32
      %scan3A_41 = arith.addi %scan3A_39, %scan3A_40 : i32
      %scan3A_42 = arith.constant 1 : i32
      %scan3A_43 = scf.for %scan3A_46 = %scan3A_39 to %scan3A_41 step %scan3A_42 iter_args(%scan3A_47 = %scan3A_38) -> (i32)  : i32 {
        %dma_wait3A = arith.constant 0 : i32
        %dma_wait3A_48 = arith.constant 0 : i32
        %dma_wait3A_49 = tpu.memref_slice %arg7[%dma_wait3A, %dma_wait3A_48] : memref<8x128xf32, #tpu.memory_space<vmem>> -> memref<1x128xf32, #tpu.memory_space<vmem>>
        %dma_wait3A_50 = tpu.memref_squeeze %dma_wait3A_49 : memref<1x128xf32, #tpu.memory_space<vmem>> -> memref<128xf32, #tpu.memory_space<vmem>>
        %dma_wait3A_51 = arith.constant 0 : i32
        %dma_wait3A_52 = tpu.memref_slice %arg5[%dma_wait3A_51] : memref<50176xf32, #tpu.memory_space<vmem_shared>> -> memref<128xf32, #tpu.memory_space<vmem_shared>>
        %dma_wait3A_53 = arith.constant 0 : i32
        %dma_wait3A_54 = tpu.memref_slice %arg5[%dma_wait3A_53] : memref<50176xf32, #tpu.memory_space<vmem_shared>> -> memref<128xf32, #tpu.memory_space<vmem_shared>>
        %dma_wait3A_55 = arith.constant 0 : i32
        %dma_wait3A_56 = tpu.memref_slice %arg7[%dma_wait3A, %dma_wait3A_55] : memref<8x128xf32, #tpu.memory_space<vmem>> -> memref<1x128xf32, #tpu.memory_space<vmem>>
        %dma_wait3A_57 = tpu.memref_squeeze %dma_wait3A_56 : memref<1x128xf32, #tpu.memory_space<vmem>> -> memref<128xf32, #tpu.memory_space<vmem>>
        tpu.wait_dma2 semaphore(%arg9 : memref<!tpu.dma_semaphore, #tpu.memory_space<semaphore_mem>>) src(%dma_wait3A_57 : memref<128xf32, #tpu.memory_space<vmem>>) dst(%dma_wait3A_54 : memref<128xf32, #tpu.memory_space<vmem_shared>>)
        %scan3A_58 = arith.constant 0 : i32
        scf.yield %scan3A_58 : i32
      }
      %scan3A_44 = arith.constant 8 : i32
      %scan3A_45 = arith.constant 0 : i32
      scf.yield %scan3A_45 : i32
    }
    %scan3A_17 = arith.constant 25 : i32
    %barrier3A_18 = arith.constant 0 : index
    tpu.barrier barrier_id(%barrier3A_18)
    %mul3A_19 = arith.constant 3136 : i32
    %mul3A_20 = arith.muli %mul3A_19, %arg1 : i32
    "tpu.region"() ({
      %run_scoped3A = tpu.sem_alloc : memref<!tpu.dma_semaphore, #tpu.memory_space<semaphore_mem>>
      %dma_start3A = tpu.memref_slice %arg5[%mul3A_20] : memref<50176xf32, #tpu.memory_space<vmem_shared>> -> memref<3136xf32, #tpu.memory_space<vmem_shared>>
      %dma_start3A_26 = tpu.memref_slice %arg5[%mul3A_20] : memref<50176xf32, #tpu.memory_space<vmem_shared>> -> memref<3136xf32, #tpu.memory_space<vmem_shared>>
      tpu.enqueue_dma source(%dma_start3A_26 : memref<3136xf32, #tpu.memory_space<vmem_shared>>) target(%arg8 : memref<3136xf32, #tpu.memory_space<vmem>>) target_semaphore(%run_scoped3A : memref<!tpu.dma_semaphore, #tpu.memory_space<semaphore_mem>>)
      %dma_wait3A = tpu.memref_slice %arg5[%mul3A_20] : memref<50176xf32, #tpu.memory_space<vmem_shared>> -> memref<3136xf32, #tpu.memory_space<vmem_shared>>
      %dma_wait3A_27 = tpu.memref_slice %arg5[%mul3A_20] : memref<50176xf32, #tpu.memory_space<vmem_shared>> -> memref<3136xf32, #tpu.memory_space<vmem_shared>>
      tpu.wait_dma2 semaphore(%run_scoped3A : memref<!tpu.dma_semaphore, #tpu.memory_space<semaphore_mem>>) src(%dma_wait3A_27 : memref<3136xf32, #tpu.memory_space<vmem_shared>>) dst(%arg8 : memref<3136xf32, #tpu.memory_space<vmem>>)
      tpu.yield
    }) : () -> ()
    %mul3A_21 = arith.constant 50176 : i32
    %mul3A_22 = arith.muli %mul3A_21, %arg0 : i32
    %mul3A_23 = arith.constant 3136 : i32
    %mul3A_24 = arith.muli %mul3A_23, %arg1 : i32
    %add3A_25 = arith.addi %mul3A_22, %mul3A_24 : i32
    "tpu.region"() ({
      %run_scoped3A = tpu.sem_alloc : memref<!tpu.dma_semaphore, #tpu.memory_space<semaphore_mem>>
      %dma_start3A = tpu.memref_slice %arg4[%add3A_25] : memref<100352xf32, #tpu.memory_space<hbm>> -> memref<3136xf32, #tpu.memory_space<hbm>>
      %dma_start3A_26 = tpu.memref_slice %arg4[%add3A_25] : memref<100352xf32, #tpu.memory_space<hbm>> -> memref<3136xf32, #tpu.memory_space<hbm>>
      tpu.enqueue_dma source(%arg8 : memref<3136xf32, #tpu.memory_space<vmem>>) target(%dma_start3A_26 : memref<3136xf32, #tpu.memory_space<hbm>>) target_semaphore(%run_scoped3A : memref<!tpu.dma_semaphore, #tpu.memory_space<semaphore_mem>>)
      %dma_wait3A = tpu.memref_slice %arg4[%add3A_25] : memref<100352xf32, #tpu.memory_space<hbm>> -> memref<3136xf32, #tpu.memory_space<hbm>>
      %dma_wait3A_27 = tpu.memref_slice %arg4[%add3A_25] : memref<100352xf32, #tpu.memory_space<hbm>> -> memref<3136xf32, #tpu.memory_space<hbm>>
      tpu.wait_dma2 semaphore(%run_scoped3A : memref<!tpu.dma_semaphore, #tpu.memory_space<semaphore_mem>>) src(%arg8 : memref<3136xf32, #tpu.memory_space<vmem>>) dst(%dma_wait3A_27 : memref<3136xf32, #tpu.memory_space<hbm>>)
      tpu.yield
    }) : () -> ()
    return
  }
}

#map = affine_map<(d0, d1) -> (0, 0)>
module attributes {stable_mosaic.version = 14 : i64} {
  func.func @_sc_l2(%arg0: i32, %arg1: i32, %arg2: memref<25600x32xi32, #tpu.memory_space<hbm>>, %arg3: memref<25600x32xi32, #tpu.memory_space<hbm>>, %arg4: memref<25600x32xf32, #tpu.memory_space<hbm>>, %arg5: memref<50176x128xf32, #tpu.memory_space<hbm>>, %arg6: memref<401408x32xf32, #tpu.memory_space<hbm>>, %arg7: memref<50176x32xf32, #tpu.memory_space<vmem_shared>>, %arg8: memref<80x32xi32, #tpu.memory_space<vmem>>, %arg9: memref<80x32xi32, #tpu.memory_space<vmem>>, %arg10: memref<80x32xf32, #tpu.memory_space<vmem>>, %arg11: memref<32x128xf32, #tpu.memory_space<vmem>>, %arg12: memref<32x128xf32, #tpu.memory_space<vmem>>, %arg13: memref<32x32xf32, #tpu.memory_space<vmem>>, %arg14: memref<32x32xf32, #tpu.memory_space<vmem>>, %arg15: memref<112x32xf32, #tpu.memory_space<vmem>>, %arg16: memref<!tpu.dma_semaphore, #tpu.memory_space<semaphore_mem>>, %arg17: memref<!tpu.dma_semaphore, #tpu.memory_space<semaphore_mem>>, %arg18: memref<!tpu.dma_semaphore, #tpu.memory_space<semaphore_mem>>, %arg19: memref<!tpu.dma_semaphore, #tpu.memory_space<semaphore_mem>>) attributes {dimension_semantics = [#tpu.dimension_semantics<core_parallel>, #tpu.dimension_semantics<subcore_parallel>], iteration_bounds = array<i64: 2, 16>, scalar_prefetch = 0 : i64, scratch_operands = 13 : i64, tpu.core_type = #tpu.core_type<sc_vector_subcore>, window_params = [{transform_indices = #map}, {transform_indices = #map}, {transform_indices = #map}, {transform_indices = #map}, {transform_indices = #map}]} {
    %eq3A = arith.constant 0 : i32
    %eq3A_0 = arith.cmpi eq, %arg0, %eq3A : i32
    %mul3A = arith.constant 560 : i32
    %mul3A_1 = arith.muli %arg1, %mul3A : i32
    %mul3A_2 = arith.constant 1040 : i32
    %mul3A_3 = arith.muli %arg1, %mul3A_2 : i32
    %add3A = arith.constant 8960 : i32
    %add3A_4 = arith.addi %add3A, %mul3A_3 : i32
    %select_n3A = arith.select %eq3A_0, %mul3A_1, %add3A_4 : i32
    %eq3A_5 = arith.constant 0 : i32
    %eq3A_6 = arith.cmpi eq, %arg0, %eq3A_5 : i32
    %jit3A = arith.constant 7 : i32
    %jit3A_7 = arith.constant 13 : i32
    %select_n3A_8 = arith.select %eq3A_6, %jit3A, %jit3A_7 : i32
    %scan3A = arith.constant 0 : i32
    %scan3A_9 = arith.constant 0 : i32
    %scan3A_10 = arith.constant 4 : i32
    %scan3A_11 = arith.addi %scan3A_9, %scan3A_10 : i32
    %scan3A_12 = arith.constant 1 : i32
    %scan3A_13 = scf.for %scan3A_15 = %scan3A_9 to %scan3A_11 step %scan3A_12 iter_args(%scan3A_16 = %scan3A) -> (i32)  : i32 {
      %scan3A_17 = arith.constant 0 : i32
      %scan3A_18 = arith.constant 0 : i32
      %scan3A_19 = arith.constant 224 : i32
      %scan3A_20 = arith.addi %scan3A_18, %scan3A_19 : i32
      %scan3A_21 = arith.constant 1 : i32
      %scan3A_22 = scf.for %scan3A_57 = %scan3A_18 to %scan3A_20 step %scan3A_21 iter_args(%scan3A_58 = %scan3A_17) -> (i32)  : i32 {
        %broadcast_in_dim3A = arith.constant 0.000000e+00 : f32
        %broadcast_in_dim3A_59 = vector.broadcast %broadcast_in_dim3A : f32 to vector<16xf32>
        %shift_right_arithmetic3A = arith.constant 1 : i32
        %shift_right_arithmetic3A_60 = arith.shrsi %scan3A_57, %shift_right_arithmetic3A : i32
        %and3A = arith.constant 1 : i32
        %and3A_61 = arith.andi %scan3A_57, %and3A : i32
        %mul3A_62 = arith.constant 16 : i32
        %mul3A_63 = arith.muli %mul3A_62, %and3A_61 : i32
        %swap3A = arith.index_cast %shift_right_arithmetic3A_60 : i32 to index
        %swap3A_64 = arith.index_cast %mul3A_63 : i32 to index
        %swap3A_65 = tpu.vector_load %arg15[%swap3A, %swap3A_64] {strides = array<i32>} : memref<112x32xf32, #tpu.memory_space<vmem>>, vector<1x16xf32>,
        %swap3A_66 = vector.shape_cast %swap3A_65 : vector<1x16xf32> to vector<16xf32>
        %swap3A_67 = vector.shape_cast %broadcast_in_dim3A_59 : vector<16xf32> to vector<1x16xf32>
        tpu.vector_store %arg15[%swap3A, %swap3A_64], %swap3A_67 {strides = array<i32>} : memref<112x32xf32, #tpu.memory_space<vmem>>, vector<1x16xf32>,
        %scan3A_68 = arith.constant 0 : i32
        scf.yield %scan3A_68 : i32
      }
      %scan3A_23 = arith.constant 224 : i32
      %scan3A_24 = arith.constant 0 : i32
      %scan3A_25 = arith.constant 0 : i32
      %scan3A_26 = arith.constant 28 : i32
      %scan3A_27 = arith.addi %scan3A_25, %scan3A_26 : i32
      %scan3A_28 = arith.constant 1 : i32
      %scan3A_29 = scf.for %scan3A_57 = %scan3A_25 to %scan3A_27 step %scan3A_28 iter_args(%scan3A_58 = %scan3A_24) -> (i32)  : i32 {
        %mul3A_59 = arith.constant 3136 : i32
        %mul3A_60 = arith.muli %mul3A_59, %arg1 : i32
        %mul3A_61 = arith.constant 112 : i32
        %mul3A_62 = arith.muli %mul3A_61, %scan3A_57 : i32
        %add3A_63 = arith.addi %mul3A_60, %mul3A_62 : i32
        %multiple_of3A = tpu.assume_multiple %add3A_63, 8 : i32
        "tpu.region"() ({
          %run_scoped3A = tpu.sem_alloc : memref<!tpu.dma_semaphore, #tpu.memory_space<semaphore_mem>>
          %dma_start3A = arith.constant 0 : i32
          %dma_start3A_65 = tpu.memref_slice %arg7[%multiple_of3A, %dma_start3A] : memref<50176x32xf32, #tpu.memory_space<vmem_shared>> -> memref<112x32xf32, #tpu.memory_space<vmem_shared>>
          %dma_start3A_66 = arith.constant 0 : i32
          %dma_start3A_67 = tpu.memref_slice %arg7[%multiple_of3A, %dma_start3A_66] : memref<50176x32xf32, #tpu.memory_space<vmem_shared>> -> memref<112x32xf32, #tpu.memory_space<vmem_shared>>
          tpu.enqueue_dma source(%arg15 : memref<112x32xf32, #tpu.memory_space<vmem>>) target(%dma_start3A_67 : memref<112x32xf32, #tpu.memory_space<vmem_shared>>) target_semaphore(%run_scoped3A : memref<!tpu.dma_semaphore, #tpu.memory_space<semaphore_mem>>)
          %dma_wait3A = arith.constant 0 : i32
          %dma_wait3A_68 = tpu.memref_slice %arg7[%multiple_of3A, %dma_wait3A] : memref<50176x32xf32, #tpu.memory_space<vmem_shared>> -> memref<112x32xf32, #tpu.memory_space<vmem_shared>>
          %dma_wait3A_69 = arith.constant 0 : i32
          %dma_wait3A_70 = tpu.memref_slice %arg7[%multiple_of3A, %dma_wait3A_69] : memref<50176x32xf32, #tpu.memory_space<vmem_shared>> -> memref<112x32xf32, #tpu.memory_space<vmem_shared>>
          tpu.wait_dma2 semaphore(%run_scoped3A : memref<!tpu.dma_semaphore, #tpu.memory_space<semaphore_mem>>) src(%arg15 : memref<112x32xf32, #tpu.memory_space<vmem>>) dst(%dma_wait3A_70 : memref<112x32xf32, #tpu.memory_space<vmem_shared>>)
          tpu.yield
        }) : () -> ()
        %scan3A_64 = arith.constant 0 : i32
        scf.yield %scan3A_64 : i32
      }
      %scan3A_30 = arith.constant 28 : i32
      %barrier3A = arith.constant 0 : index
      tpu.barrier barrier_id(%barrier3A)
      %while3A = arith.constant 0 : i32
      %while3A_31 = arith.constant 0 : i32
      %while3A_32 = arith.subi %select_n3A_8, %while3A : i32
      %while3A_33 = arith.addi %while3A, %while3A_32 : i32
      %while3A_34 = arith.constant 1 : i32
      %while3A_35 = arith.divsi %while3A_32, %while3A_34 : i32
      %while3A_36 = arith.muli %while3A_35, %while3A_34 : i32
      %while3A_37 = arith.addi %while3A, %while3A_36 : i32
      %while3A_38 = arith.constant 1 : i32
      %while3A_39 = scf.for %while3A_57 = %while3A to %while3A_37 step %while3A_38 iter_args(%while3A_58 = %while3A_31) -> (i32)  : i32 {
        %mul3A_59 = arith.constant 80 : i32
        %mul3A_60 = arith.muli %mul3A_59, %while3A_57 : i32
        %add3A_61 = arith.addi %select_n3A, %mul3A_60 : i32
        %multiple_of3A = tpu.assume_multiple %add3A_61, 8 : i32
        "tpu.region"() ({
          %run_scoped3A = tpu.sem_alloc : memref<!tpu.dma_semaphore, #tpu.memory_space<semaphore_mem>>
          %dma_start3A_94 = arith.constant 0 : i32
          %dma_start3A_95 = tpu.memref_slice %arg2[%multiple_of3A, %dma_start3A_94] : memref<25600x32xi32, #tpu.memory_space<hbm>> -> memref<80x32xi32, #tpu.memory_space<hbm>>
          %dma_start3A_96 = arith.constant 0 : i32
          %dma_start3A_97 = tpu.memref_slice %arg2[%multiple_of3A, %dma_start3A_96] : memref<25600x32xi32, #tpu.memory_space<hbm>> -> memref<80x32xi32, #tpu.memory_space<hbm>>
          tpu.enqueue_dma source(%dma_start3A_97 : memref<80x32xi32, #tpu.memory_space<hbm>>) target(%arg8 : memref<80x32xi32, #tpu.memory_space<vmem>>) target_semaphore(%run_scoped3A : memref<!tpu.dma_semaphore, #tpu.memory_space<semaphore_mem>>)
          %dma_wait3A_98 = arith.constant 0 : i32
          %dma_wait3A_99 = tpu.memref_slice %arg2[%multiple_of3A, %dma_wait3A_98] : memref<25600x32xi32, #tpu.memory_space<hbm>> -> memref<80x32xi32, #tpu.memory_space<hbm>>
          %dma_wait3A_100 = arith.constant 0 : i32
          %dma_wait3A_101 = tpu.memref_slice %arg2[%multiple_of3A, %dma_wait3A_100] : memref<25600x32xi32, #tpu.memory_space<hbm>> -> memref<80x32xi32, #tpu.memory_space<hbm>>
          tpu.wait_dma2 semaphore(%run_scoped3A : memref<!tpu.dma_semaphore, #tpu.memory_space<semaphore_mem>>) src(%dma_wait3A_101 : memref<80x32xi32, #tpu.memory_space<hbm>>) dst(%arg8 : memref<80x32xi32, #tpu.memory_space<vmem>>)
          tpu.yield
        }) : () -> ()
        "tpu.region"() ({
          %run_scoped3A = tpu.sem_alloc : memref<!tpu.dma_semaphore, #tpu.memory_space<semaphore_mem>>
          %dma_start3A_94 = arith.constant 0 : i32
          %dma_start3A_95 = tpu.memref_slice %arg3[%multiple_of3A, %dma_start3A_94] : memref<25600x32xi32, #tpu.memory_space<hbm>> -> memref<80x32xi32, #tpu.memory_space<hbm>>
          %dma_start3A_96 = arith.constant 0 : i32
          %dma_start3A_97 = tpu.memref_slice %arg3[%multiple_of3A, %dma_start3A_96] : memref<25600x32xi32, #tpu.memory_space<hbm>> -> memref<80x32xi32, #tpu.memory_space<hbm>>
          tpu.enqueue_dma source(%dma_start3A_97 : memref<80x32xi32, #tpu.memory_space<hbm>>) target(%arg9 : memref<80x32xi32, #tpu.memory_space<vmem>>) target_semaphore(%run_scoped3A : memref<!tpu.dma_semaphore, #tpu.memory_space<semaphore_mem>>)
          %dma_wait3A_98 = arith.constant 0 : i32
          %dma_wait3A_99 = tpu.memref_slice %arg3[%multiple_of3A, %dma_wait3A_98] : memref<25600x32xi32, #tpu.memory_space<hbm>> -> memref<80x32xi32, #tpu.memory_space<hbm>>
          %dma_wait3A_100 = arith.constant 0 : i32
          %dma_wait3A_101 = tpu.memref_slice %arg3[%multiple_of3A, %dma_wait3A_100] : memref<25600x32xi32, #tpu.memory_space<hbm>> -> memref<80x32xi32, #tpu.memory_space<hbm>>
          tpu.wait_dma2 semaphore(%run_scoped3A : memref<!tpu.dma_semaphore, #tpu.memory_space<semaphore_mem>>) src(%dma_wait3A_101 : memref<80x32xi32, #tpu.memory_space<hbm>>) dst(%arg9 : memref<80x32xi32, #tpu.memory_space<vmem>>)
          tpu.yield
        }) : () -> ()
        "tpu.region"() ({
          %run_scoped3A = tpu.sem_alloc : memref<!tpu.dma_semaphore, #tpu.memory_space<semaphore_mem>>
          %dma_start3A_94 = arith.constant 0 : i32
          %dma_start3A_95 = tpu.memref_slice %arg4[%multiple_of3A, %dma_start3A_94] : memref<25600x32xf32, #tpu.memory_space<hbm>> -> memref<80x32xf32, #tpu.memory_space<hbm>>
          %dma_start3A_96 = arith.constant 0 : i32
          %dma_start3A_97 = tpu.memref_slice %arg4[%multiple_of3A, %dma_start3A_96] : memref<25600x32xf32, #tpu.memory_space<hbm>> -> memref<80x32xf32, #tpu.memory_space<hbm>>
          tpu.enqueue_dma source(%dma_start3A_97 : memref<80x32xf32, #tpu.memory_space<hbm>>) target(%arg10 : memref<80x32xf32, #tpu.memory_space<vmem>>) target_semaphore(%run_scoped3A : memref<!tpu.dma_semaphore, #tpu.memory_space<semaphore_mem>>)
          %dma_wait3A_98 = arith.constant 0 : i32
          %dma_wait3A_99 = tpu.memref_slice %arg4[%multiple_of3A, %dma_wait3A_98] : memref<25600x32xf32, #tpu.memory_space<hbm>> -> memref<80x32xf32, #tpu.memory_space<hbm>>
          %dma_wait3A_100 = arith.constant 0 : i32
          %dma_wait3A_101 = tpu.memref_slice %arg4[%multiple_of3A, %dma_wait3A_100] : memref<25600x32xf32, #tpu.memory_space<hbm>> -> memref<80x32xf32, #tpu.memory_space<hbm>>
          tpu.wait_dma2 semaphore(%run_scoped3A : memref<!tpu.dma_semaphore, #tpu.memory_space<semaphore_mem>>) src(%dma_wait3A_101 : memref<80x32xf32, #tpu.memory_space<hbm>>) dst(%arg10 : memref<80x32xf32, #tpu.memory_space<vmem>>)
          tpu.yield
        }) : () -> ()
        %dma_start3A = arith.constant 0 : i32
        %dma_start3A_62 = arith.constant 0 : i32
        %dma_start3A_63 = tpu.memref_slice %arg8[%dma_start3A, %dma_start3A_62] : memref<80x32xi32, #tpu.memory_space<vmem>> -> memref<1x32xi32, #tpu.memory_space<vmem>>
        %dma_start3A_64 = tpu.memref_squeeze %dma_start3A_63 : memref<1x32xi32, #tpu.memory_space<vmem>> -> memref<32xi32, #tpu.memory_space<vmem>>
        %dma_start3A_65 = arith.constant 0 : i32
        %dma_start3A_66 = arith.constant 0 : i32
        %dma_start3A_67 = tpu.memref_slice %arg5[%dma_start3A_65, %dma_start3A_66] : memref<50176x128xf32, #tpu.memory_space<hbm>> -> memref<50176x128xf32, #tpu.memory_space<hbm>>
        tpu.enqueue_indirect_dma source(%dma_start3A_67 : memref<50176x128xf32, #tpu.memory_space<hbm>>) target(%arg11 : memref<32x128xf32, #tpu.memory_space<vmem>>) offsets(%dma_start3A_64 : memref<32xi32, #tpu.memory_space<vmem>>) semaphore(%arg16 : memref<!tpu.dma_semaphore, #tpu.memory_space<semaphore_mem>>)
        %dma_start3A_68 = arith.constant 1 : i32
        %dma_start3A_69 = arith.constant 0 : i32
        %dma_start3A_70 = tpu.memref_slice %arg8[%dma_start3A_68, %dma_start3A_69] : memref<80x32xi32, #tpu.memory_space<vmem>> -> memref<1x32xi32, #tpu.memory_space<vmem>>
        %dma_start3A_71 = tpu.memref_squeeze %dma_start3A_70 : memref<1x32xi32, #tpu.memory_space<vmem>> -> memref<32xi32, #tpu.memory_space<vmem>>
        %dma_start3A_72 = arith.constant 0 : i32
        %dma_start3A_73 = arith.constant 0 : i32
        %dma_start3A_74 = tpu.memref_slice %arg5[%dma_start3A_72, %dma_start3A_73] : memref<50176x128xf32, #tpu.memory_space<hbm>> -> memref<50176x128xf32, #tpu.memory_space<hbm>>
        tpu.enqueue_indirect_dma source(%dma_start3A_74 : memref<50176x128xf32, #tpu.memory_space<hbm>>) target(%arg12 : memref<32x128xf32, #tpu.memory_space<vmem>>) offsets(%dma_start3A_71 : memref<32xi32, #tpu.memory_space<vmem>>) semaphore(%arg17 : memref<!tpu.dma_semaphore, #tpu.memory_space<semaphore_mem>>)
        %scan3A_75 = arith.constant 0 : i32
        %scan3A_76 = arith.constant 0 : i32
        %scan3A_77 = arith.constant 40 : i32
        %scan3A_78 = arith.addi %scan3A_76, %scan3A_77 : i32
        %scan3A_79 = arith.constant 1 : i32
        %scan3A_80 = scf.for %scan3A_94 = %scan3A_76 to %scan3A_78 step %scan3A_79 iter_args(%scan3A_95 = %scan3A_75) -> (i32)  : i32 {
          %mul3A_96 = arith.constant 2 : i32
          %mul3A_97 = arith.muli %mul3A_96, %scan3A_94 : i32
          %add3A_98 = arith.constant 1 : i32
          %add3A_99 = arith.addi %mul3A_97, %add3A_98 : i32
          %dma_wait3A_100 = arith.constant 0 : i32
          %dma_wait3A_101 = arith.constant 0 : i32
          %dma_wait3A_102 = tpu.memref_slice %arg5[%dma_wait3A_100, %dma_wait3A_101] : memref<50176x128xf32, #tpu.memory_space<hbm>> -> memref<32x128xf32, #tpu.memory_space<hbm>>
          %dma_wait3A_103 = arith.constant 0 : i32
          %dma_wait3A_104 = arith.constant 0 : i32
          %dma_wait3A_105 = tpu.memref_slice %arg5[%dma_wait3A_103, %dma_wait3A_104] : memref<50176x128xf32, #tpu.memory_space<hbm>> -> memref<32x128xf32, #tpu.memory_space<hbm>>
          tpu.wait_dma2 semaphore(%arg16 : memref<!tpu.dma_semaphore, #tpu.memory_space<semaphore_mem>>) src(%dma_wait3A_105 : memref<32x128xf32, #tpu.memory_space<hbm>>) dst(%arg11 : memref<32x128xf32, #tpu.memory_space<vmem>>)
          %gt3A = arith.constant 0 : i32
          %gt3A_106 = arith.cmpi sgt, %scan3A_94, %gt3A : i32
          %convert_element_type3A = arith.extui %gt3A_106 : i1 to i32
          %cond3A = arith.constant 0 : i32
          %cond3A_107 = arith.cmpi ne, %convert_element_type3A, %cond3A : i32
          scf.if %cond3A_107 {
            %dma_wait3A_159 = arith.constant 0 : i32
            %dma_wait3A_160 = arith.constant 0 : i32
            %dma_wait3A_161 = tpu.memref_slice %arg7[%dma_wait3A_159, %dma_wait3A_160] : memref<50176x32xf32, #tpu.memory_space<vmem_shared>> -> memref<32x32xf32, #tpu.memory_space<vmem_shared>>
            %dma_wait3A_162 = arith.constant 0 : i32
            %dma_wait3A_163 = arith.constant 0 : i32
            %dma_wait3A_164 = tpu.memref_slice %arg7[%dma_wait3A_162, %dma_wait3A_163] : memref<50176x32xf32, #tpu.memory_space<vmem_shared>> -> memref<32x32xf32, #tpu.memory_space<vmem_shared>>
            tpu.wait_dma2 semaphore(%arg18 : memref<!tpu.dma_semaphore, #tpu.memory_space<semaphore_mem>>) src(%arg13 : memref<32x32xf32, #tpu.memory_space<vmem>>) dst(%dma_wait3A_164 : memref<32x32xf32, #tpu.memory_space<vmem_shared>>)
          } else {
          }
          %scan3A_108 = arith.constant 0 : i32
          %scan3A_109 = arith.constant 0 : i32
          %scan3A_110 = arith.constant 2 : i32
          %scan3A_111 = arith.addi %scan3A_109, %scan3A_110 : i32
          %scan3A_112 = arith.constant 1 : i32
          %scan3A_113 = scf.for %scan3A_159 = %scan3A_109 to %scan3A_111 step %scan3A_112 iter_args(%scan3A_160 = %scan3A_108) -> (i32)  : i32 {
            %mul3A_161 = arith.constant 16 : i32
            %mul3A_162 = arith.muli %mul3A_161, %scan3A_159 : i32
            %multiple_of3A_163 = tpu.assume_multiple %mul3A_162, 16 : i32
            %get3A = arith.index_cast %mul3A_97 : i32 to index
            %get3A_164 = arith.index_cast %multiple_of3A_163 : i32 to index
            %get3A_165 = tpu.vector_load %arg10[%get3A, %get3A_164] {strides = array<i32>} : memref<80x32xf32, #tpu.memory_space<vmem>>, vector<1x16xf32>,
            %get3A_166 = vector.shape_cast %get3A_165 : vector<1x16xf32> to vector<16xf32>
            %broadcast_in_dim3A = arith.constant 0 : i32
            %broadcast_in_dim3A_167 = vector.broadcast %broadcast_in_dim3A : i32 to vector<16x1xi32>
            %gather3A = vector.shape_cast %broadcast_in_dim3A_167 : vector<16x1xi32> to vector<16xi32>
            %gather3A_168 = tpu.dynamic_gather %get3A_166[%gather3A] in [0] : vector<16xf32>, vector<16xi32> -> vector<16xf32>
            %mul3A_169 = arith.constant 16 : i32
            %mul3A_170 = arith.muli %mul3A_169, %scan3A_159 : i32
            %add3A_171 = arith.constant 0 : i32
            %add3A_172 = arith.addi %mul3A_170, %add3A_171 : i32
            %mul3A_173 = arith.constant 32 : i32
            %mul3A_174 = arith.muli %mul3A_173, %scan3A_15 : i32
            %add3A_175 = arith.constant 0 : i32
            %add3A_176 = arith.addi %mul3A_174, %add3A_175 : i32
            %multiple_of3A_177 = tpu.assume_multiple %add3A_176, 16 : i32
            %get3A_178 = arith.index_cast %add3A_172 : i32 to index
            %get3A_179 = arith.index_cast %multiple_of3A_177 : i32 to index
            %get3A_180 = tpu.vector_load %arg11[%get3A_178, %get3A_179] {strides = array<i32>} : memref<32x128xf32, #tpu.memory_space<vmem>>, vector<1x16xf32>,
            %get3A_181 = vector.shape_cast %get3A_180 : vector<1x16xf32> to vector<16xf32>
            %mul3A_182 = arith.mulf %get3A_181, %gather3A_168 : vector<16xf32>
            %swap3A = arith.index_cast %add3A_172 : i32 to index
            %swap3A_183 = arith.constant 0 : index
            %swap3A_184 = tpu.vector_load %arg13[%swap3A, %swap3A_183] {strides = array<i32>} : memref<32x32xf32, #tpu.memory_space<vmem>>, vector<1x16xf32>,
            %swap3A_185 = vector.shape_cast %swap3A_184 : vector<1x16xf32> to vector<16xf32>
            %swap3A_186 = vector.shape_cast %mul3A_182 : vector<16xf32> to vector<1x16xf32>
            tpu.vector_store %arg13[%swap3A, %swap3A_183], %swap3A_186 {strides = array<i32>} : memref<32x32xf32, #tpu.memory_space<vmem>>, vector<1x16xf32>,
            %mul3A_187 = arith.constant 32 : i32
            %mul3A_188 = arith.muli %mul3A_187, %scan3A_15 : i32
            %add3A_189 = arith.constant 16 : i32
            %add3A_190 = arith.addi %mul3A_188, %add3A_189 : i32
            %multiple_of3A_191 = tpu.assume_multiple %add3A_190, 16 : i32
            %get3A_192 = arith.index_cast %add3A_172 : i32 to index
            %get3A_193 = arith.index_cast %multiple_of3A_191 : i32 to index
            %get3A_194 = tpu.vector_load %arg11[%get3A_192, %get3A_193] {strides = array<i32>} : memref<32x128xf32, #tpu.memory_space<vmem>>, vector<1x16xf32>,
            %get3A_195 = vector.shape_cast %get3A_194 : vector<1x16xf32> to vector<16xf32>
            %mul3A_196 = arith.mulf %get3A_195, %gather3A_168 : vector<16xf32>
            %swap3A_197 = arith.index_cast %add3A_172 : i32 to index
            %swap3A_198 = arith.constant 16 : index
            %swap3A_199 = tpu.vector_load %arg13[%swap3A_197, %swap3A_198] {strides = array<i32>} : memref<32x32xf32, #tpu.memory_space<vmem>>, vector<1x16xf32>,
            %swap3A_200 = vector.shape_cast %swap3A_199 : vector<1x16xf32> to vector<16xf32>
            %swap3A_201 = vector.shape_cast %mul3A_196 : vector<16xf32> to vector<1x16xf32>
            tpu.vector_store %arg13[%swap3A_197, %swap3A_198], %swap3A_201 {strides = array<i32>} : memref<32x32xf32, #tpu.memory_space<vmem>>, vector<1x16xf32>,
            %broadcast_in_dim3A_202 = arith.constant 1 : i32
            %broadcast_in_dim3A_203 = vector.broadcast %broadcast_in_dim3A_202 : i32 to vector<16x1xi32>
            %gather3A_204 = vector.shape_cast %broadcast_in_dim3A_203 : vector<16x1xi32> to vector<16xi32>
            %gather3A_205 = tpu.dynamic_gather %get3A_166[%gather3A_204] in [0] : vector<16xf32>, vector<16xi32> -> vector<16xf32>
            %mul3A_206 = arith.constant 16 : i32
            %mul3A_207 = arith.muli %mul3A_206, %scan3A_159 : i32
            %add3A_208 = arith.constant 1 : i32
            %add3A_209 = arith.addi %mul3A_207, %add3A_208 : i32
            %mul3A_210 = arith.constant 32 : i32
            %mul3A_211 = arith.muli %mul3A_210, %scan3A_15 : i32
            %add3A_212 = arith.constant 0 : i32
            %add3A_213 = arith.addi %mul3A_211, %add3A_212 : i32
            %multiple_of3A_214 = tpu.assume_multiple %add3A_213, 16 : i32
            %get3A_215 = arith.index_cast %add3A_209 : i32 to index
            %get3A_216 = arith.index_cast %multiple_of3A_214 : i32 to index
            %get3A_217 = tpu.vector_load %arg11[%get3A_215, %get3A_216] {strides = array<i32>} : memref<32x128xf32, #tpu.memory_space<vmem>>, vector<1x16xf32>,
            %get3A_218 = vector.shape_cast %get3A_217 : vector<1x16xf32> to vector<16xf32>
            %mul3A_219 = arith.mulf %get3A_218, %gather3A_205 : vector<16xf32>
            %swap3A_220 = arith.index_cast %add3A_209 : i32 to index
            %swap3A_221 = arith.constant 0 : index
            %swap3A_222 = tpu.vector_load %arg13[%swap3A_220, %swap3A_221] {strides = array<i32>} : memref<32x32xf32, #tpu.memory_space<vmem>>, vector<1x16xf32>,
            %swap3A_223 = vector.shape_cast %swap3A_222 : vector<1x16xf32> to vector<16xf32>
            %swap3A_224 = vector.shape_cast %mul3A_219 : vector<16xf32> to vector<1x16xf32>
            tpu.vector_store %arg13[%swap3A_220, %swap3A_221], %swap3A_224 {strides = array<i32>} : memref<32x32xf32, #tpu.memory_space<vmem>>, vector<1x16xf32>,
            %mul3A_225 = arith.constant 32 : i32
            %mul3A_226 = arith.muli %mul3A_225, %scan3A_15 : i32
            %add3A_227 = arith.constant 16 : i32
            %add3A_228 = arith.addi %mul3A_226, %add3A_227 : i32
            %multiple_of3A_229 = tpu.assume_multiple %add3A_228, 16 : i32
            %get3A_230 = arith.index_cast %add3A_209 : i32 to index
            %get3A_231 = arith.index_cast %multiple_of3A_229 : i32 to index
            %get3A_232 = tpu.vector_load %arg11[%get3A_230, %get3A_231] {strides = array<i32>} : memref<32x128xf32, #tpu.memory_space<vmem>>, vector<1x16xf32>,
            %get3A_233 = vector.shape_cast %get3A_232 : vector<1x16xf32> to vector<16xf32>
            %mul3A_234 = arith.mulf %get3A_233, %gather3A_205 : vector<16xf32>
            %swap3A_235 = arith.index_cast %add3A_209 : i32 to index
            %swap3A_236 = arith.constant 16 : index
            %swap3A_237 = tpu.vector_load %arg13[%swap3A_235, %swap3A_236] {strides = array<i32>} : memref<32x32xf32, #tpu.memory_space<vmem>>, vector<1x16xf32>,
            %swap3A_238 = vector.shape_cast %swap3A_237 : vector<1x16xf32> to vector<16xf32>
            %swap3A_239 = vector.shape_cast %mul3A_234 : vector<16xf32> to vector<1x16xf32>
            tpu.vector_store %arg13[%swap3A_235, %swap3A_236], %swap3A_239 {strides = array<i32>} : memref<32x32xf32, #tpu.memory_space<vmem>>, vector<1x16xf32>,
            %broadcast_in_dim3A_240 = arith.constant 2 : i32
            %broadcast_in_dim3A_241 = vector.broadcast %broadcast_in_dim3A_240 : i32 to vector<16x1xi32>
            %gather3A_242 = vector.shape_cast %broadcast_in_dim3A_241 : vector<16x1xi32> to vector<16xi32>
            %gather3A_243 = tpu.dynamic_gather %get3A_166[%gather3A_242] in [0] : vector<16xf32>, vector<16xi32> -> vector<16xf32>
            %mul3A_244 = arith.constant 16 : i32
            %mul3A_245 = arith.muli %mul3A_244, %scan3A_159 : i32
            %add3A_246 = arith.constant 2 : i32
            %add3A_247 = arith.addi %mul3A_245, %add3A_246 : i32
            %mul3A_248 = arith.constant 32 : i32
            %mul3A_249 = arith.muli %mul3A_248, %scan3A_15 : i32
            %add3A_250 = arith.constant 0 : i32
            %add3A_251 = arith.addi %mul3A_249, %add3A_250 : i32
            %multiple_of3A_252 = tpu.assume_multiple %add3A_251, 16 : i32
            %get3A_253 = arith.index_cast %add3A_247 : i32 to index
            %get3A_254 = arith.index_cast %multiple_of3A_252 : i32 to index
            %get3A_255 = tpu.vector_load %arg11[%get3A_253, %get3A_254] {strides = array<i32>} : memref<32x128xf32, #tpu.memory_space<vmem>>, vector<1x16xf32>,
            %get3A_256 = vector.shape_cast %get3A_255 : vector<1x16xf32> to vector<16xf32>
            %mul3A_257 = arith.mulf %get3A_256, %gather3A_243 : vector<16xf32>
            %swap3A_258 = arith.index_cast %add3A_247 : i32 to index
            %swap3A_259 = arith.constant 0 : index
            %swap3A_260 = tpu.vector_load %arg13[%swap3A_258, %swap3A_259] {strides = array<i32>} : memref<32x32xf32, #tpu.memory_space<vmem>>, vector<1x16xf32>,
            %swap3A_261 = vector.shape_cast %swap3A_260 : vector<1x16xf32> to vector<16xf32>
            %swap3A_262 = vector.shape_cast %mul3A_257 : vector<16xf32> to vector<1x16xf32>
            tpu.vector_store %arg13[%swap3A_258, %swap3A_259], %swap3A_262 {strides = array<i32>} : memref<32x32xf32, #tpu.memory_space<vmem>>, vector<1x16xf32>,
            %mul3A_263 = arith.constant 32 : i32
            %mul3A_264 = arith.muli %mul3A_263, %scan3A_15 : i32
            %add3A_265 = arith.constant 16 : i32
            %add3A_266 = arith.addi %mul3A_264, %add3A_265 : i32
            %multiple_of3A_267 = tpu.assume_multiple %add3A_266, 16 : i32
            %get3A_268 = arith.index_cast %add3A_247 : i32 to index
            %get3A_269 = arith.index_cast %multiple_of3A_267 : i32 to index
            %get3A_270 = tpu.vector_load %arg11[%get3A_268, %get3A_269] {strides = array<i32>} : memref<32x128xf32, #tpu.memory_space<vmem>>, vector<1x16xf32>,
            %get3A_271 = vector.shape_cast %get3A_270 : vector<1x16xf32> to vector<16xf32>
            %mul3A_272 = arith.mulf %get3A_271, %gather3A_243 : vector<16xf32>
            %swap3A_273 = arith.index_cast %add3A_247 : i32 to index
            %swap3A_274 = arith.constant 16 : index
            %swap3A_275 = tpu.vector_load %arg13[%swap3A_273, %swap3A_274] {strides = array<i32>} : memref<32x32xf32, #tpu.memory_space<vmem>>, vector<1x16xf32>,
            %swap3A_276 = vector.shape_cast %swap3A_275 : vector<1x16xf32> to vector<16xf32>
            %swap3A_277 = vector.shape_cast %mul3A_272 : vector<16xf32> to vector<1x16xf32>
            tpu.vector_store %arg13[%swap3A_273, %swap3A_274], %swap3A_277 {strides = array<i32>} : memref<32x32xf32, #tpu.memory_space<vmem>>, vector<1x16xf32>,
            %broadcast_in_dim3A_278 = arith.constant 3 : i32
            %broadcast_in_dim3A_279 = vector.broadcast %broadcast_in_dim3A_278 : i32 to vector<16x1xi32>
            %gather3A_280 = vector.shape_cast %broadcast_in_dim3A_279 : vector<16x1xi32> to vector<16xi32>
            %gather3A_281 = tpu.dynamic_gather %get3A_166[%gather3A_280] in [0] : vector<16xf32>, vector<16xi32> -> vector<16xf32>
            %mul3A_282 = arith.constant 16 : i32
            %mul3A_283 = arith.muli %mul3A_282, %scan3A_159 : i32
            %add3A_284 = arith.constant 3 : i32
            %add3A_285 = arith.addi %mul3A_283, %add3A_284 : i32
            %mul3A_286 = arith.constant 32 : i32
            %mul3A_287 = arith.muli %mul3A_286, %scan3A_15 : i32
            %add3A_288 = arith.constant 0 : i32
            %add3A_289 = arith.addi %mul3A_287, %add3A_288 : i32
            %multiple_of3A_290 = tpu.assume_multiple %add3A_289, 16 : i32
            %get3A_291 = arith.index_cast %add3A_285 : i32 to index
            %get3A_292 = arith.index_cast %multiple_of3A_290 : i32 to index
            %get3A_293 = tpu.vector_load %arg11[%get3A_291, %get3A_292] {strides = array<i32>} : memref<32x128xf32, #tpu.memory_space<vmem>>, vector<1x16xf32>,
            %get3A_294 = vector.shape_cast %get3A_293 : vector<1x16xf32> to vector<16xf32>
            %mul3A_295 = arith.mulf %get3A_294, %gather3A_281 : vector<16xf32>
            %swap3A_296 = arith.index_cast %add3A_285 : i32 to index
            %swap3A_297 = arith.constant 0 : index
            %swap3A_298 = tpu.vector_load %arg13[%swap3A_296, %swap3A_297] {strides = array<i32>} : memref<32x32xf32, #tpu.memory_space<vmem>>, vector<1x16xf32>,
            %swap3A_299 = vector.shape_cast %swap3A_298 : vector<1x16xf32> to vector<16xf32>
            %swap3A_300 = vector.shape_cast %mul3A_295 : vector<16xf32> to vector<1x16xf32>
            tpu.vector_store %arg13[%swap3A_296, %swap3A_297], %swap3A_300 {strides = array<i32>} : memref<32x32xf32, #tpu.memory_space<vmem>>, vector<1x16xf32>,
            %mul3A_301 = arith.constant 32 : i32
            %mul3A_302 = arith.muli %mul3A_301, %scan3A_15 : i32
            %add3A_303 = arith.constant 16 : i32
            %add3A_304 = arith.addi %mul3A_302, %add3A_303 : i32
            %multiple_of3A_305 = tpu.assume_multiple %add3A_304, 16 : i32
            %get3A_306 = arith.index_cast %add3A_285 : i32 to index
            %get3A_307 = arith.index_cast %multiple_of3A_305 : i32 to index
            %get3A_308 = tpu.vector_load %arg11[%get3A_306, %get3A_307] {strides = array<i32>} : memref<32x128xf32, #tpu.memory_space<vmem>>, vector<1x16xf32>,
            %get3A_309 = vector.shape_cast %get3A_308 : vector<1x16xf32> to vector<16xf32>
            %mul3A_310 = arith.mulf %get3A_309, %gather3A_281 : vector<16xf32>
            %swap3A_311 = arith.index_cast %add3A_285 : i32 to index
            %swap3A_312 = arith.constant 16 : index
            %swap3A_313 = tpu.vector_load %arg13[%swap3A_311, %swap3A_312] {strides = array<i32>} : memref<32x32xf32, #tpu.memory_space<vmem>>, vector<1x16xf32>,
            %swap3A_314 = vector.shape_cast %swap3A_313 : vector<1x16xf32> to vector<16xf32>
            %swap3A_315 = vector.shape_cast %mul3A_310 : vector<16xf32> to vector<1x16xf32>
            tpu.vector_store %arg13[%swap3A_311, %swap3A_312], %swap3A_315 {strides = array<i32>} : memref<32x32xf32, #tpu.memory_space<vmem>>, vector<1x16xf32>,
            %broadcast_in_dim3A_316 = arith.constant 4 : i32
            %broadcast_in_dim3A_317 = vector.broadcast %broadcast_in_dim3A_316 : i32 to vector<16x1xi32>
            %gather3A_318 = vector.shape_cast %broadcast_in_dim3A_317 : vector<16x1xi32> to vector<16xi32>
            %gather3A_319 = tpu.dynamic_gather %get3A_166[%gather3A_318] in [0] : vector<16xf32>, vector<16xi32> -> vector<16xf32>
            %mul3A_320 = arith.constant 16 : i32
            %mul3A_321 = arith.muli %mul3A_320, %scan3A_159 : i32
            %add3A_322 = arith.constant 4 : i32
            %add3A_323 = arith.addi %mul3A_321, %add3A_322 : i32
            %mul3A_324 = arith.constant 32 : i32
            %mul3A_325 = arith.muli %mul3A_324, %scan3A_15 : i32
            %add3A_326 = arith.constant 0 : i32
            %add3A_327 = arith.addi %mul3A_325, %add3A_326 : i32
            %multiple_of3A_328 = tpu.assume_multiple %add3A_327, 16 : i32
            %get3A_329 = arith.index_cast %add3A_323 : i32 to index
            %get3A_330 = arith.index_cast %multiple_of3A_328 : i32 to index
            %get3A_331 = tpu.vector_load %arg11[%get3A_329, %get3A_330] {strides = array<i32>} : memref<32x128xf32, #tpu.memory_space<vmem>>, vector<1x16xf32>,
            %get3A_332 = vector.shape_cast %get3A_331 : vector<1x16xf32> to vector<16xf32>
            %mul3A_333 = arith.mulf %get3A_332, %gather3A_319 : vector<16xf32>
            %swap3A_334 = arith.index_cast %add3A_323 : i32 to index
            %swap3A_335 = arith.constant 0 : index
            %swap3A_336 = tpu.vector_load %arg13[%swap3A_334, %swap3A_335] {strides = array<i32>} : memref<32x32xf32, #tpu.memory_space<vmem>>, vector<1x16xf32>,
            %swap3A_337 = vector.shape_cast %swap3A_336 : vector<1x16xf32> to vector<16xf32>
            %swap3A_338 = vector.shape_cast %mul3A_333 : vector<16xf32> to vector<1x16xf32>
            tpu.vector_store %arg13[%swap3A_334, %swap3A_335], %swap3A_338 {strides = array<i32>} : memref<32x32xf32, #tpu.memory_space<vmem>>, vector<1x16xf32>,
            %mul3A_339 = arith.constant 32 : i32
            %mul3A_340 = arith.muli %mul3A_339, %scan3A_15 : i32
            %add3A_341 = arith.constant 16 : i32
            %add3A_342 = arith.addi %mul3A_340, %add3A_341 : i32
            %multiple_of3A_343 = tpu.assume_multiple %add3A_342, 16 : i32
            %get3A_344 = arith.index_cast %add3A_323 : i32 to index
            %get3A_345 = arith.index_cast %multiple_of3A_343 : i32 to index
            %get3A_346 = tpu.vector_load %arg11[%get3A_344, %get3A_345] {strides = array<i32>} : memref<32x128xf32, #tpu.memory_space<vmem>>, vector<1x16xf32>,
            %get3A_347 = vector.shape_cast %get3A_346 : vector<1x16xf32> to vector<16xf32>
            %mul3A_348 = arith.mulf %get3A_347, %gather3A_319 : vector<16xf32>
            %swap3A_349 = arith.index_cast %add3A_323 : i32 to index
            %swap3A_350 = arith.constant 16 : index
            %swap3A_351 = tpu.vector_load %arg13[%swap3A_349, %swap3A_350] {strides = array<i32>} : memref<32x32xf32, #tpu.memory_space<vmem>>, vector<1x16xf32>,
            %swap3A_352 = vector.shape_cast %swap3A_351 : vector<1x16xf32> to vector<16xf32>
            %swap3A_353 = vector.shape_cast %mul3A_348 : vector<16xf32> to vector<1x16xf32>
            tpu.vector_store %arg13[%swap3A_349, %swap3A_350], %swap3A_353 {strides = array<i32>} : memref<32x32xf32, #tpu.memory_space<vmem>>, vector<1x16xf32>,
            %broadcast_in_dim3A_354 = arith.constant 5 : i32
            %broadcast_in_dim3A_355 = vector.broadcast %broadcast_in_dim3A_354 : i32 to vector<16x1xi32>
            %gather3A_356 = vector.shape_cast %broadcast_in_dim3A_355 : vector<16x1xi32> to vector<16xi32>
            %gather3A_357 = tpu.dynamic_gather %get3A_166[%gather3A_356] in [0] : vector<16xf32>, vector<16xi32> -> vector<16xf32>
            %mul3A_358 = arith.constant 16 : i32
            %mul3A_359 = arith.muli %mul3A_358, %scan3A_159 : i32
            %add3A_360 = arith.constant 5 : i32
            %add3A_361 = arith.addi %mul3A_359, %add3A_360 : i32
            %mul3A_362 = arith.constant 32 : i32
            %mul3A_363 = arith.muli %mul3A_362, %scan3A_15 : i32
            %add3A_364 = arith.constant 0 : i32
            %add3A_365 = arith.addi %mul3A_363, %add3A_364 : i32
            %multiple_of3A_366 = tpu.assume_multiple %add3A_365, 16 : i32
            %get3A_367 = arith.index_cast %add3A_361 : i32 to index
            %get3A_368 = arith.index_cast %multiple_of3A_366 : i32 to index
            %get3A_369 = tpu.vector_load %arg11[%get3A_367, %get3A_368] {strides = array<i32>} : memref<32x128xf32, #tpu.memory_space<vmem>>, vector<1x16xf32>,
            %get3A_370 = vector.shape_cast %get3A_369 : vector<1x16xf32> to vector<16xf32>
            %mul3A_371 = arith.mulf %get3A_370, %gather3A_357 : vector<16xf32>
            %swap3A_372 = arith.index_cast %add3A_361 : i32 to index
            %swap3A_373 = arith.constant 0 : index
            %swap3A_374 = tpu.vector_load %arg13[%swap3A_372, %swap3A_373] {strides = array<i32>} : memref<32x32xf32, #tpu.memory_space<vmem>>, vector<1x16xf32>,
            %swap3A_375 = vector.shape_cast %swap3A_374 : vector<1x16xf32> to vector<16xf32>
            %swap3A_376 = vector.shape_cast %mul3A_371 : vector<16xf32> to vector<1x16xf32>
            tpu.vector_store %arg13[%swap3A_372, %swap3A_373], %swap3A_376 {strides = array<i32>} : memref<32x32xf32, #tpu.memory_space<vmem>>, vector<1x16xf32>,
            %mul3A_377 = arith.constant 32 : i32
            %mul3A_378 = arith.muli %mul3A_377, %scan3A_15 : i32
            %add3A_379 = arith.constant 16 : i32
            %add3A_380 = arith.addi %mul3A_378, %add3A_379 : i32
            %multiple_of3A_381 = tpu.assume_multiple %add3A_380, 16 : i32
            %get3A_382 = arith.index_cast %add3A_361 : i32 to index
            %get3A_383 = arith.index_cast %multiple_of3A_381 : i32 to index
            %get3A_384 = tpu.vector_load %arg11[%get3A_382, %get3A_383] {strides = array<i32>} : memref<32x128xf32, #tpu.memory_space<vmem>>, vector<1x16xf32>,
            %get3A_385 = vector.shape_cast %get3A_384 : vector<1x16xf32> to vector<16xf32>
            %mul3A_386 = arith.mulf %get3A_385, %gather3A_357 : vector<16xf32>
            %swap3A_387 = arith.index_cast %add3A_361 : i32 to index
            %swap3A_388 = arith.constant 16 : index
            %swap3A_389 = tpu.vector_load %arg13[%swap3A_387, %swap3A_388] {strides = array<i32>} : memref<32x32xf32, #tpu.memory_space<vmem>>, vector<1x16xf32>,
            %swap3A_390 = vector.shape_cast %swap3A_389 : vector<1x16xf32> to vector<16xf32>
            %swap3A_391 = vector.shape_cast %mul3A_386 : vector<16xf32> to vector<1x16xf32>
            tpu.vector_store %arg13[%swap3A_387, %swap3A_388], %swap3A_391 {strides = array<i32>} : memref<32x32xf32, #tpu.memory_space<vmem>>, vector<1x16xf32>,
            %broadcast_in_dim3A_392 = arith.constant 6 : i32
            %broadcast_in_dim3A_393 = vector.broadcast %broadcast_in_dim3A_392 : i32 to vector<16x1xi32>
            %gather3A_394 = vector.shape_cast %broadcast_in_dim3A_393 : vector<16x1xi32> to vector<16xi32>
            %gather3A_395 = tpu.dynamic_gather %get3A_166[%gather3A_394] in [0] : vector<16xf32>, vector<16xi32> -> vector<16xf32>
            %mul3A_396 = arith.constant 16 : i32
            %mul3A_397 = arith.muli %mul3A_396, %scan3A_159 : i32
            %add3A_398 = arith.constant 6 : i32
            %add3A_399 = arith.addi %mul3A_397, %add3A_398 : i32
            %mul3A_400 = arith.constant 32 : i32
            %mul3A_401 = arith.muli %mul3A_400, %scan3A_15 : i32
            %add3A_402 = arith.constant 0 : i32
            %add3A_403 = arith.addi %mul3A_401, %add3A_402 : i32
            %multiple_of3A_404 = tpu.assume_multiple %add3A_403, 16 : i32
            %get3A_405 = arith.index_cast %add3A_399 : i32 to index
            %get3A_406 = arith.index_cast %multiple_of3A_404 : i32 to index
            %get3A_407 = tpu.vector_load %arg11[%get3A_405, %get3A_406] {strides = array<i32>} : memref<32x128xf32, #tpu.memory_space<vmem>>, vector<1x16xf32>,
            %get3A_408 = vector.shape_cast %get3A_407 : vector<1x16xf32> to vector<16xf32>
            %mul3A_409 = arith.mulf %get3A_408, %gather3A_395 : vector<16xf32>
            %swap3A_410 = arith.index_cast %add3A_399 : i32 to index
            %swap3A_411 = arith.constant 0 : index
            %swap3A_412 = tpu.vector_load %arg13[%swap3A_410, %swap3A_411] {strides = array<i32>} : memref<32x32xf32, #tpu.memory_space<vmem>>, vector<1x16xf32>,
            %swap3A_413 = vector.shape_cast %swap3A_412 : vector<1x16xf32> to vector<16xf32>
            %swap3A_414 = vector.shape_cast %mul3A_409 : vector<16xf32> to vector<1x16xf32>
            tpu.vector_store %arg13[%swap3A_410, %swap3A_411], %swap3A_414 {strides = array<i32>} : memref<32x32xf32, #tpu.memory_space<vmem>>, vector<1x16xf32>,
            %mul3A_415 = arith.constant 32 : i32
            %mul3A_416 = arith.muli %mul3A_415, %scan3A_15 : i32
            %add3A_417 = arith.constant 16 : i32
            %add3A_418 = arith.addi %mul3A_416, %add3A_417 : i32
            %multiple_of3A_419 = tpu.assume_multiple %add3A_418, 16 : i32
            %get3A_420 = arith.index_cast %add3A_399 : i32 to index
            %get3A_421 = arith.index_cast %multiple_of3A_419 : i32 to index
            %get3A_422 = tpu.vector_load %arg11[%get3A_420, %get3A_421] {strides = array<i32>} : memref<32x128xf32, #tpu.memory_space<vmem>>, vector<1x16xf32>,
            %get3A_423 = vector.shape_cast %get3A_422 : vector<1x16xf32> to vector<16xf32>
            %mul3A_424 = arith.mulf %get3A_423, %gather3A_395 : vector<16xf32>
            %swap3A_425 = arith.index_cast %add3A_399 : i32 to index
            %swap3A_426 = arith.constant 16 : index
            %swap3A_427 = tpu.vector_load %arg13[%swap3A_425, %swap3A_426] {strides = array<i32>} : memref<32x32xf32, #tpu.memory_space<vmem>>, vector<1x16xf32>,
            %swap3A_428 = vector.shape_cast %swap3A_427 : vector<1x16xf32> to vector<16xf32>
            %swap3A_429 = vector.shape_cast %mul3A_424 : vector<16xf32> to vector<1x16xf32>
            tpu.vector_store %arg13[%swap3A_425, %swap3A_426], %swap3A_429 {strides = array<i32>} : memref<32x32xf32, #tpu.memory_space<vmem>>, vector<1x16xf32>,
            %broadcast_in_dim3A_430 = arith.constant 7 : i32
            %broadcast_in_dim3A_431 = vector.broadcast %broadcast_in_dim3A_430 : i32 to vector<16x1xi32>
            %gather3A_432 = vector.shape_cast %broadcast_in_dim3A_431 : vector<16x1xi32> to vector<16xi32>
            %gather3A_433 = tpu.dynamic_gather %get3A_166[%gather3A_432] in [0] : vector<16xf32>, vector<16xi32> -> vector<16xf32>
            %mul3A_434 = arith.constant 16 : i32
            %mul3A_435 = arith.muli %mul3A_434, %scan3A_159 : i32
            %add3A_436 = arith.constant 7 : i32
            %add3A_437 = arith.addi %mul3A_435, %add3A_436 : i32
            %mul3A_438 = arith.constant 32 : i32
            %mul3A_439 = arith.muli %mul3A_438, %scan3A_15 : i32
            %add3A_440 = arith.constant 0 : i32
            %add3A_441 = arith.addi %mul3A_439, %add3A_440 : i32
            %multiple_of3A_442 = tpu.assume_multiple %add3A_441, 16 : i32
            %get3A_443 = arith.index_cast %add3A_437 : i32 to index
            %get3A_444 = arith.index_cast %multiple_of3A_442 : i32 to index
            %get3A_445 = tpu.vector_load %arg11[%get3A_443, %get3A_444] {strides = array<i32>} : memref<32x128xf32, #tpu.memory_space<vmem>>, vector<1x16xf32>,
            %get3A_446 = vector.shape_cast %get3A_445 : vector<1x16xf32> to vector<16xf32>
            %mul3A_447 = arith.mulf %get3A_446, %gather3A_433 : vector<16xf32>
            %swap3A_448 = arith.index_cast %add3A_437 : i32 to index
            %swap3A_449 = arith.constant 0 : index
            %swap3A_450 = tpu.vector_load %arg13[%swap3A_448, %swap3A_449] {strides = array<i32>} : memref<32x32xf32, #tpu.memory_space<vmem>>, vector<1x16xf32>,
            %swap3A_451 = vector.shape_cast %swap3A_450 : vector<1x16xf32> to vector<16xf32>
            %swap3A_452 = vector.shape_cast %mul3A_447 : vector<16xf32> to vector<1x16xf32>
            tpu.vector_store %arg13[%swap3A_448, %swap3A_449], %swap3A_452 {strides = array<i32>} : memref<32x32xf32, #tpu.memory_space<vmem>>, vector<1x16xf32>,
            %mul3A_453 = arith.constant 32 : i32
            %mul3A_454 = arith.muli %mul3A_453, %scan3A_15 : i32
            %add3A_455 = arith.constant 16 : i32
            %add3A_456 = arith.addi %mul3A_454, %add3A_455 : i32
            %multiple_of3A_457 = tpu.assume_multiple %add3A_456, 16 : i32
            %get3A_458 = arith.index_cast %add3A_437 : i32 to index
            %get3A_459 = arith.index_cast %multiple_of3A_457 : i32 to index
            %get3A_460 = tpu.vector_load %arg11[%get3A_458, %get3A_459] {strides = array<i32>} : memref<32x128xf32, #tpu.memory_space<vmem>>, vector<1x16xf32>,
            %get3A_461 = vector.shape_cast %get3A_460 : vector<1x16xf32> to vector<16xf32>
            %mul3A_462 = arith.mulf %get3A_461, %gather3A_433 : vector<16xf32>
            %swap3A_463 = arith.index_cast %add3A_437 : i32 to index
            %swap3A_464 = arith.constant 16 : index
            %swap3A_465 = tpu.vector_load %arg13[%swap3A_463, %swap3A_464] {strides = array<i32>} : memref<32x32xf32, #tpu.memory_space<vmem>>, vector<1x16xf32>,
            %swap3A_466 = vector.shape_cast %swap3A_465 : vector<1x16xf32> to vector<16xf32>
            %swap3A_467 = vector.shape_cast %mul3A_462 : vector<16xf32> to vector<1x16xf32>
            tpu.vector_store %arg13[%swap3A_463, %swap3A_464], %swap3A_467 {strides = array<i32>} : memref<32x32xf32, #tpu.memory_space<vmem>>, vector<1x16xf32>,
            %broadcast_in_dim3A_468 = arith.constant 8 : i32
            %broadcast_in_dim3A_469 = vector.broadcast %broadcast_in_dim3A_468 : i32 to vector<16x1xi32>
            %gather3A_470 = vector.shape_cast %broadcast_in_dim3A_469 : vector<16x1xi32> to vector<16xi32>
            %gather3A_471 = tpu.dynamic_gather %get3A_166[%gather3A_470] in [0] : vector<16xf32>, vector<16xi32> -> vector<16xf32>
            %mul3A_472 = arith.constant 16 : i32
            %mul3A_473 = arith.muli %mul3A_472, %scan3A_159 : i32
            %add3A_474 = arith.constant 8 : i32
            %add3A_475 = arith.addi %mul3A_473, %add3A_474 : i32
            %mul3A_476 = arith.constant 32 : i32
            %mul3A_477 = arith.muli %mul3A_476, %scan3A_15 : i32
            %add3A_478 = arith.constant 0 : i32
            %add3A_479 = arith.addi %mul3A_477, %add3A_478 : i32
            %multiple_of3A_480 = tpu.assume_multiple %add3A_479, 16 : i32
            %get3A_481 = arith.index_cast %add3A_475 : i32 to index
            %get3A_482 = arith.index_cast %multiple_of3A_480 : i32 to index
            %get3A_483 = tpu.vector_load %arg11[%get3A_481, %get3A_482] {strides = array<i32>} : memref<32x128xf32, #tpu.memory_space<vmem>>, vector<1x16xf32>,
            %get3A_484 = vector.shape_cast %get3A_483 : vector<1x16xf32> to vector<16xf32>
            %mul3A_485 = arith.mulf %get3A_484, %gather3A_471 : vector<16xf32>
            %swap3A_486 = arith.index_cast %add3A_475 : i32 to index
            %swap3A_487 = arith.constant 0 : index
            %swap3A_488 = tpu.vector_load %arg13[%swap3A_486, %swap3A_487] {strides = array<i32>} : memref<32x32xf32, #tpu.memory_space<vmem>>, vector<1x16xf32>,
            %swap3A_489 = vector.shape_cast %swap3A_488 : vector<1x16xf32> to vector<16xf32>
            %swap3A_490 = vector.shape_cast %mul3A_485 : vector<16xf32> to vector<1x16xf32>
            tpu.vector_store %arg13[%swap3A_486, %swap3A_487], %swap3A_490 {strides = array<i32>} : memref<32x32xf32, #tpu.memory_space<vmem>>, vector<1x16xf32>,
            %mul3A_491 = arith.constant 32 : i32
            %mul3A_492 = arith.muli %mul3A_491, %scan3A_15 : i32
            %add3A_493 = arith.constant 16 : i32
            %add3A_494 = arith.addi %mul3A_492, %add3A_493 : i32
            %multiple_of3A_495 = tpu.assume_multiple %add3A_494, 16 : i32
            %get3A_496 = arith.index_cast %add3A_475 : i32 to index
            %get3A_497 = arith.index_cast %multiple_of3A_495 : i32 to index
            %get3A_498 = tpu.vector_load %arg11[%get3A_496, %get3A_497] {strides = array<i32>} : memref<32x128xf32, #tpu.memory_space<vmem>>, vector<1x16xf32>,
            %get3A_499 = vector.shape_cast %get3A_498 : vector<1x16xf32> to vector<16xf32>
            %mul3A_500 = arith.mulf %get3A_499, %gather3A_471 : vector<16xf32>
            %swap3A_501 = arith.index_cast %add3A_475 : i32 to index
            %swap3A_502 = arith.constant 16 : index
            %swap3A_503 = tpu.vector_load %arg13[%swap3A_501, %swap3A_502] {strides = array<i32>} : memref<32x32xf32, #tpu.memory_space<vmem>>, vector<1x16xf32>,
            %swap3A_504 = vector.shape_cast %swap3A_503 : vector<1x16xf32> to vector<16xf32>
            %swap3A_505 = vector.shape_cast %mul3A_500 : vector<16xf32> to vector<1x16xf32>
            tpu.vector_store %arg13[%swap3A_501, %swap3A_502], %swap3A_505 {strides = array<i32>} : memref<32x32xf32, #tpu.memory_space<vmem>>, vector<1x16xf32>,
            %broadcast_in_dim3A_506 = arith.constant 9 : i32
            %broadcast_in_dim3A_507 = vector.broadcast %broadcast_in_dim3A_506 : i32 to vector<16x1xi32>
            %gather3A_508 = vector.shape_cast %broadcast_in_dim3A_507 : vector<16x1xi32> to vector<16xi32>
            %gather3A_509 = tpu.dynamic_gather %get3A_166[%gather3A_508] in [0] : vector<16xf32>, vector<16xi32> -> vector<16xf32>
            %mul3A_510 = arith.constant 16 : i32
            %mul3A_511 = arith.muli %mul3A_510, %scan3A_159 : i32
            %add3A_512 = arith.constant 9 : i32
            %add3A_513 = arith.addi %mul3A_511, %add3A_512 : i32
            %mul3A_514 = arith.constant 32 : i32
            %mul3A_515 = arith.muli %mul3A_514, %scan3A_15 : i32
            %add3A_516 = arith.constant 0 : i32
            %add3A_517 = arith.addi %mul3A_515, %add3A_516 : i32
            %multiple_of3A_518 = tpu.assume_multiple %add3A_517, 16 : i32
            %get3A_519 = arith.index_cast %add3A_513 : i32 to index
            %get3A_520 = arith.index_cast %multiple_of3A_518 : i32 to index
            %get3A_521 = tpu.vector_load %arg11[%get3A_519, %get3A_520] {strides = array<i32>} : memref<32x128xf32, #tpu.memory_space<vmem>>, vector<1x16xf32>,
            %get3A_522 = vector.shape_cast %get3A_521 : vector<1x16xf32> to vector<16xf32>
            %mul3A_523 = arith.mulf %get3A_522, %gather3A_509 : vector<16xf32>
            %swap3A_524 = arith.index_cast %add3A_513 : i32 to index
            %swap3A_525 = arith.constant 0 : index
            %swap3A_526 = tpu.vector_load %arg13[%swap3A_524, %swap3A_525] {strides = array<i32>} : memref<32x32xf32, #tpu.memory_space<vmem>>, vector<1x16xf32>,
            %swap3A_527 = vector.shape_cast %swap3A_526 : vector<1x16xf32> to vector<16xf32>
            %swap3A_528 = vector.shape_cast %mul3A_523 : vector<16xf32> to vector<1x16xf32>
            tpu.vector_store %arg13[%swap3A_524, %swap3A_525], %swap3A_528 {strides = array<i32>} : memref<32x32xf32, #tpu.memory_space<vmem>>, vector<1x16xf32>,
            %mul3A_529 = arith.constant 32 : i32
            %mul3A_530 = arith.muli %mul3A_529, %scan3A_15 : i32
            %add3A_531 = arith.constant 16 : i32
            %add3A_532 = arith.addi %mul3A_530, %add3A_531 : i32
            %multiple_of3A_533 = tpu.assume_multiple %add3A_532, 16 : i32
            %get3A_534 = arith.index_cast %add3A_513 : i32 to index
            %get3A_535 = arith.index_cast %multiple_of3A_533 : i32 to index
            %get3A_536 = tpu.vector_load %arg11[%get3A_534, %get3A_535] {strides = array<i32>} : memref<32x128xf32, #tpu.memory_space<vmem>>, vector<1x16xf32>,
            %get3A_537 = vector.shape_cast %get3A_536 : vector<1x16xf32> to vector<16xf32>
            %mul3A_538 = arith.mulf %get3A_537, %gather3A_509 : vector<16xf32>
            %swap3A_539 = arith.index_cast %add3A_513 : i32 to index
            %swap3A_540 = arith.constant 16 : index
            %swap3A_541 = tpu.vector_load %arg13[%swap3A_539, %swap3A_540] {strides = array<i32>} : memref<32x32xf32, #tpu.memory_space<vmem>>, vector<1x16xf32>,
            %swap3A_542 = vector.shape_cast %swap3A_541 : vector<1x16xf32> to vector<16xf32>
            %swap3A_543 = vector.shape_cast %mul3A_538 : vector<16xf32> to vector<1x16xf32>
            tpu.vector_store %arg13[%swap3A_539, %swap3A_540], %swap3A_543 {strides = array<i32>} : memref<32x32xf32, #tpu.memory_space<vmem>>, vector<1x16xf32>,
            %broadcast_in_dim3A_544 = arith.constant 10 : i32
            %broadcast_in_dim3A_545 = vector.broadcast %broadcast_in_dim3A_544 : i32 to vector<16x1xi32>
            %gather3A_546 = vector.shape_cast %broadcast_in_dim3A_545 : vector<16x1xi32> to vector<16xi32>
            %gather3A_547 = tpu.dynamic_gather %get3A_166[%gather3A_546] in [0] : vector<16xf32>, vector<16xi32> -> vector<16xf32>
            %mul3A_548 = arith.constant 16 : i32
            %mul3A_549 = arith.muli %mul3A_548, %scan3A_159 : i32
            %add3A_550 = arith.constant 10 : i32
            %add3A_551 = arith.addi %mul3A_549, %add3A_550 : i32
            %mul3A_552 = arith.constant 32 : i32
            %mul3A_553 = arith.muli %mul3A_552, %scan3A_15 : i32
            %add3A_554 = arith.constant 0 : i32
            %add3A_555 = arith.addi %mul3A_553, %add3A_554 : i32
            %multiple_of3A_556 = tpu.assume_multiple %add3A_555, 16 : i32
            %get3A_557 = arith.index_cast %add3A_551 : i32 to index
            %get3A_558 = arith.index_cast %multiple_of3A_556 : i32 to index
            %get3A_559 = tpu.vector_load %arg11[%get3A_557, %get3A_558] {strides = array<i32>} : memref<32x128xf32, #tpu.memory_space<vmem>>, vector<1x16xf32>,
            %get3A_560 = vector.shape_cast %get3A_559 : vector<1x16xf32> to vector<16xf32>
            %mul3A_561 = arith.mulf %get3A_560, %gather3A_547 : vector<16xf32>
            %swap3A_562 = arith.index_cast %add3A_551 : i32 to index
            %swap3A_563 = arith.constant 0 : index
            %swap3A_564 = tpu.vector_load %arg13[%swap3A_562, %swap3A_563] {strides = array<i32>} : memref<32x32xf32, #tpu.memory_space<vmem>>, vector<1x16xf32>,
            %swap3A_565 = vector.shape_cast %swap3A_564 : vector<1x16xf32> to vector<16xf32>
            %swap3A_566 = vector.shape_cast %mul3A_561 : vector<16xf32> to vector<1x16xf32>
            tpu.vector_store %arg13[%swap3A_562, %swap3A_563], %swap3A_566 {strides = array<i32>} : memref<32x32xf32, #tpu.memory_space<vmem>>, vector<1x16xf32>,
            %mul3A_567 = arith.constant 32 : i32
            %mul3A_568 = arith.muli %mul3A_567, %scan3A_15 : i32
            %add3A_569 = arith.constant 16 : i32
            %add3A_570 = arith.addi %mul3A_568, %add3A_569 : i32
            %multiple_of3A_571 = tpu.assume_multiple %add3A_570, 16 : i32
            %get3A_572 = arith.index_cast %add3A_551 : i32 to index
            %get3A_573 = arith.index_cast %multiple_of3A_571 : i32 to index
            %get3A_574 = tpu.vector_load %arg11[%get3A_572, %get3A_573] {strides = array<i32>} : memref<32x128xf32, #tpu.memory_space<vmem>>, vector<1x16xf32>,
            %get3A_575 = vector.shape_cast %get3A_574 : vector<1x16xf32> to vector<16xf32>
            %mul3A_576 = arith.mulf %get3A_575, %gather3A_547 : vector<16xf32>
            %swap3A_577 = arith.index_cast %add3A_551 : i32 to index
            %swap3A_578 = arith.constant 16 : index
            %swap3A_579 = tpu.vector_load %arg13[%swap3A_577, %swap3A_578] {strides = array<i32>} : memref<32x32xf32, #tpu.memory_space<vmem>>, vector<1x16xf32>,
            %swap3A_580 = vector.shape_cast %swap3A_579 : vector<1x16xf32> to vector<16xf32>
            %swap3A_581 = vector.shape_cast %mul3A_576 : vector<16xf32> to vector<1x16xf32>
            tpu.vector_store %arg13[%swap3A_577, %swap3A_578], %swap3A_581 {strides = array<i32>} : memref<32x32xf32, #tpu.memory_space<vmem>>, vector<1x16xf32>,
            %broadcast_in_dim3A_582 = arith.constant 11 : i32
            %broadcast_in_dim3A_583 = vector.broadcast %broadcast_in_dim3A_582 : i32 to vector<16x1xi32>
            %gather3A_584 = vector.shape_cast %broadcast_in_dim3A_583 : vector<16x1xi32> to vector<16xi32>
            %gather3A_585 = tpu.dynamic_gather %get3A_166[%gather3A_584] in [0] : vector<16xf32>, vector<16xi32> -> vector<16xf32>
            %mul3A_586 = arith.constant 16 : i32
            %mul3A_587 = arith.muli %mul3A_586, %scan3A_159 : i32
            %add3A_588 = arith.constant 11 : i32
            %add3A_589 = arith.addi %mul3A_587, %add3A_588 : i32
            %mul3A_590 = arith.constant 32 : i32
            %mul3A_591 = arith.muli %mul3A_590, %scan3A_15 : i32
            %add3A_592 = arith.constant 0 : i32
            %add3A_593 = arith.addi %mul3A_591, %add3A_592 : i32
            %multiple_of3A_594 = tpu.assume_multiple %add3A_593, 16 : i32
            %get3A_595 = arith.index_cast %add3A_589 : i32 to index
            %get3A_596 = arith.index_cast %multiple_of3A_594 : i32 to index
            %get3A_597 = tpu.vector_load %arg11[%get3A_595, %get3A_596] {strides = array<i32>} : memref<32x128xf32, #tpu.memory_space<vmem>>, vector<1x16xf32>,
            %get3A_598 = vector.shape_cast %get3A_597 : vector<1x16xf32> to vector<16xf32>
            %mul3A_599 = arith.mulf %get3A_598, %gather3A_585 : vector<16xf32>
            %swap3A_600 = arith.index_cast %add3A_589 : i32 to index
            %swap3A_601 = arith.constant 0 : index
            %swap3A_602 = tpu.vector_load %arg13[%swap3A_600, %swap3A_601] {strides = array<i32>} : memref<32x32xf32, #tpu.memory_space<vmem>>, vector<1x16xf32>,
            %swap3A_603 = vector.shape_cast %swap3A_602 : vector<1x16xf32> to vector<16xf32>
            %swap3A_604 = vector.shape_cast %mul3A_599 : vector<16xf32> to vector<1x16xf32>
            tpu.vector_store %arg13[%swap3A_600, %swap3A_601], %swap3A_604 {strides = array<i32>} : memref<32x32xf32, #tpu.memory_space<vmem>>, vector<1x16xf32>,
            %mul3A_605 = arith.constant 32 : i32
            %mul3A_606 = arith.muli %mul3A_605, %scan3A_15 : i32
            %add3A_607 = arith.constant 16 : i32
            %add3A_608 = arith.addi %mul3A_606, %add3A_607 : i32
            %multiple_of3A_609 = tpu.assume_multiple %add3A_608, 16 : i32
            %get3A_610 = arith.index_cast %add3A_589 : i32 to index
            %get3A_611 = arith.index_cast %multiple_of3A_609 : i32 to index
            %get3A_612 = tpu.vector_load %arg11[%get3A_610, %get3A_611] {strides = array<i32>} : memref<32x128xf32, #tpu.memory_space<vmem>>, vector<1x16xf32>,
            %get3A_613 = vector.shape_cast %get3A_612 : vector<1x16xf32> to vector<16xf32>
            %mul3A_614 = arith.mulf %get3A_613, %gather3A_585 : vector<16xf32>
            %swap3A_615 = arith.index_cast %add3A_589 : i32 to index
            %swap3A_616 = arith.constant 16 : index
            %swap3A_617 = tpu.vector_load %arg13[%swap3A_615, %swap3A_616] {strides = array<i32>} : memref<32x32xf32, #tpu.memory_space<vmem>>, vector<1x16xf32>,
            %swap3A_618 = vector.shape_cast %swap3A_617 : vector<1x16xf32> to vector<16xf32>
            %swap3A_619 = vector.shape_cast %mul3A_614 : vector<16xf32> to vector<1x16xf32>
            tpu.vector_store %arg13[%swap3A_615, %swap3A_616], %swap3A_619 {strides = array<i32>} : memref<32x32xf32, #tpu.memory_space<vmem>>, vector<1x16xf32>,
            %broadcast_in_dim3A_620 = arith.constant 12 : i32
            %broadcast_in_dim3A_621 = vector.broadcast %broadcast_in_dim3A_620 : i32 to vector<16x1xi32>
            %gather3A_622 = vector.shape_cast %broadcast_in_dim3A_621 : vector<16x1xi32> to vector<16xi32>
            %gather3A_623 = tpu.dynamic_gather %get3A_166[%gather3A_622] in [0] : vector<16xf32>, vector<16xi32> -> vector<16xf32>
            %mul3A_624 = arith.constant 16 : i32
            %mul3A_625 = arith.muli %mul3A_624, %scan3A_159 : i32
            %add3A_626 = arith.constant 12 : i32
            %add3A_627 = arith.addi %mul3A_625, %add3A_626 : i32
            %mul3A_628 = arith.constant 32 : i32
            %mul3A_629 = arith.muli %mul3A_628, %scan3A_15 : i32
            %add3A_630 = arith.constant 0 : i32
            %add3A_631 = arith.addi %mul3A_629, %add3A_630 : i32
            %multiple_of3A_632 = tpu.assume_multiple %add3A_631, 16 : i32
            %get3A_633 = arith.index_cast %add3A_627 : i32 to index
            %get3A_634 = arith.index_cast %multiple_of3A_632 : i32 to index
            %get3A_635 = tpu.vector_load %arg11[%get3A_633, %get3A_634] {strides = array<i32>} : memref<32x128xf32, #tpu.memory_space<vmem>>, vector<1x16xf32>,
            %get3A_636 = vector.shape_cast %get3A_635 : vector<1x16xf32> to vector<16xf32>
            %mul3A_637 = arith.mulf %get3A_636, %gather3A_623 : vector<16xf32>
            %swap3A_638 = arith.index_cast %add3A_627 : i32 to index
            %swap3A_639 = arith.constant 0 : index
            %swap3A_640 = tpu.vector_load %arg13[%swap3A_638, %swap3A_639] {strides = array<i32>} : memref<32x32xf32, #tpu.memory_space<vmem>>, vector<1x16xf32>,
            %swap3A_641 = vector.shape_cast %swap3A_640 : vector<1x16xf32> to vector<16xf32>
            %swap3A_642 = vector.shape_cast %mul3A_637 : vector<16xf32> to vector<1x16xf32>
            tpu.vector_store %arg13[%swap3A_638, %swap3A_639], %swap3A_642 {strides = array<i32>} : memref<32x32xf32, #tpu.memory_space<vmem>>, vector<1x16xf32>,
            %mul3A_643 = arith.constant 32 : i32
            %mul3A_644 = arith.muli %mul3A_643, %scan3A_15 : i32
            %add3A_645 = arith.constant 16 : i32
            %add3A_646 = arith.addi %mul3A_644, %add3A_645 : i32
            %multiple_of3A_647 = tpu.assume_multiple %add3A_646, 16 : i32
            %get3A_648 = arith.index_cast %add3A_627 : i32 to index
            %get3A_649 = arith.index_cast %multiple_of3A_647 : i32 to index
            %get3A_650 = tpu.vector_load %arg11[%get3A_648, %get3A_649] {strides = array<i32>} : memref<32x128xf32, #tpu.memory_space<vmem>>, vector<1x16xf32>,
            %get3A_651 = vector.shape_cast %get3A_650 : vector<1x16xf32> to vector<16xf32>
            %mul3A_652 = arith.mulf %get3A_651, %gather3A_623 : vector<16xf32>
            %swap3A_653 = arith.index_cast %add3A_627 : i32 to index
            %swap3A_654 = arith.constant 16 : index
            %swap3A_655 = tpu.vector_load %arg13[%swap3A_653, %swap3A_654] {strides = array<i32>} : memref<32x32xf32, #tpu.memory_space<vmem>>, vector<1x16xf32>,
            %swap3A_656 = vector.shape_cast %swap3A_655 : vector<1x16xf32> to vector<16xf32>
            %swap3A_657 = vector.shape_cast %mul3A_652 : vector<16xf32> to vector<1x16xf32>
            tpu.vector_store %arg13[%swap3A_653, %swap3A_654], %swap3A_657 {strides = array<i32>} : memref<32x32xf32, #tpu.memory_space<vmem>>, vector<1x16xf32>,
            %broadcast_in_dim3A_658 = arith.constant 13 : i32
            %broadcast_in_dim3A_659 = vector.broadcast %broadcast_in_dim3A_658 : i32 to vector<16x1xi32>
            %gather3A_660 = vector.shape_cast %broadcast_in_dim3A_659 : vector<16x1xi32> to vector<16xi32>
            %gather3A_661 = tpu.dynamic_gather %get3A_166[%gather3A_660] in [0] : vector<16xf32>, vector<16xi32> -> vector<16xf32>
            %mul3A_662 = arith.constant 16 : i32
            %mul3A_663 = arith.muli %mul3A_662, %scan3A_159 : i32
            %add3A_664 = arith.constant 13 : i32
            %add3A_665 = arith.addi %mul3A_663, %add3A_664 : i32
            %mul3A_666 = arith.constant 32 : i32
            %mul3A_667 = arith.muli %mul3A_666, %scan3A_15 : i32
            %add3A_668 = arith.constant 0 : i32
            %add3A_669 = arith.addi %mul3A_667, %add3A_668 : i32
            %multiple_of3A_670 = tpu.assume_multiple %add3A_669, 16 : i32
            %get3A_671 = arith.index_cast %add3A_665 : i32 to index
            %get3A_672 = arith.index_cast %multiple_of3A_670 : i32 to index
            %get3A_673 = tpu.vector_load %arg11[%get3A_671, %get3A_672] {strides = array<i32>} : memref<32x128xf32, #tpu.memory_space<vmem>>, vector<1x16xf32>,
            %get3A_674 = vector.shape_cast %get3A_673 : vector<1x16xf32> to vector<16xf32>
            %mul3A_675 = arith.mulf %get3A_674, %gather3A_661 : vector<16xf32>
            %swap3A_676 = arith.index_cast %add3A_665 : i32 to index
            %swap3A_677 = arith.constant 0 : index
            %swap3A_678 = tpu.vector_load %arg13[%swap3A_676, %swap3A_677] {strides = array<i32>} : memref<32x32xf32, #tpu.memory_space<vmem>>, vector<1x16xf32>,
            %swap3A_679 = vector.shape_cast %swap3A_678 : vector<1x16xf32> to vector<16xf32>
            %swap3A_680 = vector.shape_cast %mul3A_675 : vector<16xf32> to vector<1x16xf32>
            tpu.vector_store %arg13[%swap3A_676, %swap3A_677], %swap3A_680 {strides = array<i32>} : memref<32x32xf32, #tpu.memory_space<vmem>>, vector<1x16xf32>,
            %mul3A_681 = arith.constant 32 : i32
            %mul3A_682 = arith.muli %mul3A_681, %scan3A_15 : i32
            %add3A_683 = arith.constant 16 : i32
            %add3A_684 = arith.addi %mul3A_682, %add3A_683 : i32
            %multiple_of3A_685 = tpu.assume_multiple %add3A_684, 16 : i32
            %get3A_686 = arith.index_cast %add3A_665 : i32 to index
            %get3A_687 = arith.index_cast %multiple_of3A_685 : i32 to index
            %get3A_688 = tpu.vector_load %arg11[%get3A_686, %get3A_687] {strides = array<i32>} : memref<32x128xf32, #tpu.memory_space<vmem>>, vector<1x16xf32>,
            %get3A_689 = vector.shape_cast %get3A_688 : vector<1x16xf32> to vector<16xf32>
            %mul3A_690 = arith.mulf %get3A_689, %gather3A_661 : vector<16xf32>
            %swap3A_691 = arith.index_cast %add3A_665 : i32 to index
            %swap3A_692 = arith.constant 16 : index
            %swap3A_693 = tpu.vector_load %arg13[%swap3A_691, %swap3A_692] {strides = array<i32>} : memref<32x32xf32, #tpu.memory_space<vmem>>, vector<1x16xf32>,
            %swap3A_694 = vector.shape_cast %swap3A_693 : vector<1x16xf32> to vector<16xf32>
            %swap3A_695 = vector.shape_cast %mul3A_690 : vector<16xf32> to vector<1x16xf32>
            tpu.vector_store %arg13[%swap3A_691, %swap3A_692], %swap3A_695 {strides = array<i32>} : memref<32x32xf32, #tpu.memory_space<vmem>>, vector<1x16xf32>,
            %broadcast_in_dim3A_696 = arith.constant 14 : i32
            %broadcast_in_dim3A_697 = vector.broadcast %broadcast_in_dim3A_696 : i32 to vector<16x1xi32>
            %gather3A_698 = vector.shape_cast %broadcast_in_dim3A_697 : vector<16x1xi32> to vector<16xi32>
            %gather3A_699 = tpu.dynamic_gather %get3A_166[%gather3A_698] in [0] : vector<16xf32>, vector<16xi32> -> vector<16xf32>
            %mul3A_700 = arith.constant 16 : i32
            %mul3A_701 = arith.muli %mul3A_700, %scan3A_159 : i32
            %add3A_702 = arith.constant 14 : i32
            %add3A_703 = arith.addi %mul3A_701, %add3A_702 : i32
            %mul3A_704 = arith.constant 32 : i32
            %mul3A_705 = arith.muli %mul3A_704, %scan3A_15 : i32
            %add3A_706 = arith.constant 0 : i32
            %add3A_707 = arith.addi %mul3A_705, %add3A_706 : i32
            %multiple_of3A_708 = tpu.assume_multiple %add3A_707, 16 : i32
            %get3A_709 = arith.index_cast %add3A_703 : i32 to index
            %get3A_710 = arith.index_cast %multiple_of3A_708 : i32 to index
            %get3A_711 = tpu.vector_load %arg11[%get3A_709, %get3A_710] {strides = array<i32>} : memref<32x128xf32, #tpu.memory_space<vmem>>, vector<1x16xf32>,
            %get3A_712 = vector.shape_cast %get3A_711 : vector<1x16xf32> to vector<16xf32>
            %mul3A_713 = arith.mulf %get3A_712, %gather3A_699 : vector<16xf32>
            %swap3A_714 = arith.index_cast %add3A_703 : i32 to index
            %swap3A_715 = arith.constant 0 : index
            %swap3A_716 = tpu.vector_load %arg13[%swap3A_714, %swap3A_715] {strides = array<i32>} : memref<32x32xf32, #tpu.memory_space<vmem>>, vector<1x16xf32>,
            %swap3A_717 = vector.shape_cast %swap3A_716 : vector<1x16xf32> to vector<16xf32>
            %swap3A_718 = vector.shape_cast %mul3A_713 : vector<16xf32> to vector<1x16xf32>
            tpu.vector_store %arg13[%swap3A_714, %swap3A_715], %swap3A_718 {strides = array<i32>} : memref<32x32xf32, #tpu.memory_space<vmem>>, vector<1x16xf32>,
            %mul3A_719 = arith.constant 32 : i32
            %mul3A_720 = arith.muli %mul3A_719, %scan3A_15 : i32
            %add3A_721 = arith.constant 16 : i32
            %add3A_722 = arith.addi %mul3A_720, %add3A_721 : i32
            %multiple_of3A_723 = tpu.assume_multiple %add3A_722, 16 : i32
            %get3A_724 = arith.index_cast %add3A_703 : i32 to index
            %get3A_725 = arith.index_cast %multiple_of3A_723 : i32 to index
            %get3A_726 = tpu.vector_load %arg11[%get3A_724, %get3A_725] {strides = array<i32>} : memref<32x128xf32, #tpu.memory_space<vmem>>, vector<1x16xf32>,
            %get3A_727 = vector.shape_cast %get3A_726 : vector<1x16xf32> to vector<16xf32>
            %mul3A_728 = arith.mulf %get3A_727, %gather3A_699 : vector<16xf32>
            %swap3A_729 = arith.index_cast %add3A_703 : i32 to index
            %swap3A_730 = arith.constant 16 : index
            %swap3A_731 = tpu.vector_load %arg13[%swap3A_729, %swap3A_730] {strides = array<i32>} : memref<32x32xf32, #tpu.memory_space<vmem>>, vector<1x16xf32>,
            %swap3A_732 = vector.shape_cast %swap3A_731 : vector<1x16xf32> to vector<16xf32>
            %swap3A_733 = vector.shape_cast %mul3A_728 : vector<16xf32> to vector<1x16xf32>
            tpu.vector_store %arg13[%swap3A_729, %swap3A_730], %swap3A_733 {strides = array<i32>} : memref<32x32xf32, #tpu.memory_space<vmem>>, vector<1x16xf32>,
            %broadcast_in_dim3A_734 = arith.constant 15 : i32
            %broadcast_in_dim3A_735 = vector.broadcast %broadcast_in_dim3A_734 : i32 to vector<16x1xi32>
            %gather3A_736 = vector.shape_cast %broadcast_in_dim3A_735 : vector<16x1xi32> to vector<16xi32>
            %gather3A_737 = tpu.dynamic_gather %get3A_166[%gather3A_736] in [0] : vector<16xf32>, vector<16xi32> -> vector<16xf32>
            %mul3A_738 = arith.constant 16 : i32
            %mul3A_739 = arith.muli %mul3A_738, %scan3A_159 : i32
            %add3A_740 = arith.constant 15 : i32
            %add3A_741 = arith.addi %mul3A_739, %add3A_740 : i32
            %mul3A_742 = arith.constant 32 : i32
            %mul3A_743 = arith.muli %mul3A_742, %scan3A_15 : i32
            %add3A_744 = arith.constant 0 : i32
            %add3A_745 = arith.addi %mul3A_743, %add3A_744 : i32
            %multiple_of3A_746 = tpu.assume_multiple %add3A_745, 16 : i32
            %get3A_747 = arith.index_cast %add3A_741 : i32 to index
            %get3A_748 = arith.index_cast %multiple_of3A_746 : i32 to index
            %get3A_749 = tpu.vector_load %arg11[%get3A_747, %get3A_748] {strides = array<i32>} : memref<32x128xf32, #tpu.memory_space<vmem>>, vector<1x16xf32>,
            %get3A_750 = vector.shape_cast %get3A_749 : vector<1x16xf32> to vector<16xf32>
            %mul3A_751 = arith.mulf %get3A_750, %gather3A_737 : vector<16xf32>
            %swap3A_752 = arith.index_cast %add3A_741 : i32 to index
            %swap3A_753 = arith.constant 0 : index
            %swap3A_754 = tpu.vector_load %arg13[%swap3A_752, %swap3A_753] {strides = array<i32>} : memref<32x32xf32, #tpu.memory_space<vmem>>, vector<1x16xf32>,
            %swap3A_755 = vector.shape_cast %swap3A_754 : vector<1x16xf32> to vector<16xf32>
            %swap3A_756 = vector.shape_cast %mul3A_751 : vector<16xf32> to vector<1x16xf32>
            tpu.vector_store %arg13[%swap3A_752, %swap3A_753], %swap3A_756 {strides = array<i32>} : memref<32x32xf32, #tpu.memory_space<vmem>>, vector<1x16xf32>,
            %mul3A_757 = arith.constant 32 : i32
            %mul3A_758 = arith.muli %mul3A_757, %scan3A_15 : i32
            %add3A_759 = arith.constant 16 : i32
            %add3A_760 = arith.addi %mul3A_758, %add3A_759 : i32
            %multiple_of3A_761 = tpu.assume_multiple %add3A_760, 16 : i32
            %get3A_762 = arith.index_cast %add3A_741 : i32 to index
            %get3A_763 = arith.index_cast %multiple_of3A_761 : i32 to index
            %get3A_764 = tpu.vector_load %arg11[%get3A_762, %get3A_763] {strides = array<i32>} : memref<32x128xf32, #tpu.memory_space<vmem>>, vector<1x16xf32>,
            %get3A_765 = vector.shape_cast %get3A_764 : vector<1x16xf32> to vector<16xf32>
            %mul3A_766 = arith.mulf %get3A_765, %gather3A_737 : vector<16xf32>
            %swap3A_767 = arith.index_cast %add3A_741 : i32 to index
            %swap3A_768 = arith.constant 16 : index
            %swap3A_769 = tpu.vector_load %arg13[%swap3A_767, %swap3A_768] {strides = array<i32>} : memref<32x32xf32, #tpu.memory_space<vmem>>, vector<1x16xf32>,
            %swap3A_770 = vector.shape_cast %swap3A_769 : vector<1x16xf32> to vector<16xf32>
            %swap3A_771 = vector.shape_cast %mul3A_766 : vector<16xf32> to vector<1x16xf32>
            tpu.vector_store %arg13[%swap3A_767, %swap3A_768], %swap3A_771 {strides = array<i32>} : memref<32x32xf32, #tpu.memory_space<vmem>>, vector<1x16xf32>,
            %scan3A_772 = arith.constant 0 : i32
            scf.yield %scan3A_772 : i32
          }
          %scan3A_114 = arith.constant 2 : i32
          %dma_start3A_115 = arith.constant 0 : i32
          %dma_start3A_116 = tpu.memref_slice %arg9[%mul3A_97, %dma_start3A_115] : memref<80x32xi32, #tpu.memory_space<vmem>> -> memref<1x32xi32, #tpu.memory_space<vmem>>
          %dma_start3A_117 = tpu.memref_squeeze %dma_start3A_116 : memref<1x32xi32, #tpu.memory_space<vmem>> -> memref<32xi32, #tpu.memory_space<vmem>>
          %dma_start3A_118 = arith.constant 0 : i32
          %dma_start3A_119 = arith.constant 0 : i32
          %dma_start3A_120 = tpu.memref_slice %arg7[%dma_start3A_118, %dma_start3A_119] : memref<50176x32xf32, #tpu.memory_space<vmem_shared>> -> memref<50176x32xf32, #tpu.memory_space<vmem_shared>>
          tpu.enqueue_indirect_dma source(%arg13 : memref<32x32xf32, #tpu.memory_space<vmem>>) target(%dma_start3A_120 : memref<50176x32xf32, #tpu.memory_space<vmem_shared>>) offsets(%dma_start3A_117 : memref<32xi32, #tpu.memory_space<vmem>>) semaphore(%arg18 : memref<!tpu.dma_semaphore, #tpu.memory_space<semaphore_mem>>) {add = true}
          %add3A_121 = arith.constant 2 : i32
          %add3A_122 = arith.addi %mul3A_97, %add3A_121 : i32
          %lt3A = arith.constant 80 : i32
          %lt3A_123 = arith.cmpi slt, %add3A_122, %lt3A : i32
          %convert_element_type3A_124 = arith.extui %lt3A_123 : i1 to i32
          %cond3A_125 = arith.constant 0 : i32
          %cond3A_126 = arith.cmpi ne, %convert_element_type3A_124, %cond3A_125 : i32
          scf.if %cond3A_126 {
            %add3A_159 = arith.constant 2 : i32
            %add3A_160 = arith.addi %mul3A_97, %add3A_159 : i32
            %dma_start3A_161 = arith.constant 0 : i32
            %dma_start3A_162 = tpu.memref_slice %arg8[%add3A_160, %dma_start3A_161] : memref<80x32xi32, #tpu.memory_space<vmem>> -> memref<1x32xi32, #tpu.memory_space<vmem>>
            %dma_start3A_163 = tpu.memref_squeeze %dma_start3A_162 : memref<1x32xi32, #tpu.memory_space<vmem>> -> memref<32xi32, #tpu.memory_space<vmem>>
            %dma_start3A_164 = arith.constant 0 : i32
            %dma_start3A_165 = arith.constant 0 : i32
            %dma_start3A_166 = tpu.memref_slice %arg5[%dma_start3A_164, %dma_start3A_165] : memref<50176x128xf32, #tpu.memory_space<hbm>> -> memref<50176x128xf32, #tpu.memory_space<hbm>>
            tpu.enqueue_indirect_dma source(%dma_start3A_166 : memref<50176x128xf32, #tpu.memory_space<hbm>>) target(%arg11 : memref<32x128xf32, #tpu.memory_space<vmem>>) offsets(%dma_start3A_163 : memref<32xi32, #tpu.memory_space<vmem>>) semaphore(%arg16 : memref<!tpu.dma_semaphore, #tpu.memory_space<semaphore_mem>>)
          } else {
          }
          %dma_wait3A_127 = arith.constant 0 : i32
          %dma_wait3A_128 = arith.constant 0 : i32
          %dma_wait3A_129 = tpu.memref_slice %arg5[%dma_wait3A_127, %dma_wait3A_128] : memref<50176x128xf32, #tpu.memory_space<hbm>> -> memref<32x128xf32, #tpu.memory_space<hbm>>
          %dma_wait3A_130 = arith.constant 0 : i32
          %dma_wait3A_131 = arith.constant 0 : i32
          %dma_wait3A_132 = tpu.memref_slice %arg5[%dma_wait3A_130, %dma_wait3A_131] : memref<50176x128xf32, #tpu.memory_space<hbm>> -> memref<32x128xf32, #tpu.memory_space<hbm>>
          tpu.wait_dma2 semaphore(%arg17 : memref<!tpu.dma_semaphore, #tpu.memory_space<semaphore_mem>>) src(%dma_wait3A_132 : memref<32x128xf32, #tpu.memory_space<hbm>>) dst(%arg12 : memref<32x128xf32, #tpu.memory_space<vmem>>)
          %gt3A_133 = arith.constant 0 : i32
          %gt3A_134 = arith.cmpi sgt, %scan3A_94, %gt3A_133 : i32
          %convert_element_type3A_135 = arith.extui %gt3A_134 : i1 to i32
          %cond3A_136 = arith.constant 0 : i32
          %cond3A_137 = arith.cmpi ne, %convert_element_type3A_135, %cond3A_136 : i32
          scf.if %cond3A_137 {
            %dma_wait3A_159 = arith.constant 0 : i32
            %dma_wait3A_160 = arith.constant 0 : i32
            %dma_wait3A_161 = tpu.memref_slice %arg7[%dma_wait3A_159, %dma_wait3A_160] : memref<50176x32xf32, #tpu.memory_space<vmem_shared>> -> memref<32x32xf32, #tpu.memory_space<vmem_shared>>
            %dma_wait3A_162 = arith.constant 0 : i32
            %dma_wait3A_163 = arith.constant 0 : i32
            %dma_wait3A_164 = tpu.memref_slice %arg7[%dma_wait3A_162, %dma_wait3A_163] : memref<50176x32xf32, #tpu.memory_space<vmem_shared>> -> memref<32x32xf32, #tpu.memory_space<vmem_shared>>
            tpu.wait_dma2 semaphore(%arg19 : memref<!tpu.dma_semaphore, #tpu.memory_space<semaphore_mem>>) src(%arg14 : memref<32x32xf32, #tpu.memory_space<vmem>>) dst(%dma_wait3A_164 : memref<32x32xf32, #tpu.memory_space<vmem_shared>>)
          } else {
          }
          %scan3A_138 = arith.constant 0 : i32
          %scan3A_139 = arith.constant 0 : i32
          %scan3A_140 = arith.constant 2 : i32
          %scan3A_141 = arith.addi %scan3A_139, %scan3A_140 : i32
          %scan3A_142 = arith.constant 1 : i32
          %scan3A_143 = scf.for %scan3A_159 = %scan3A_139 to %scan3A_141 step %scan3A_142 iter_args(%scan3A_160 = %scan3A_138) -> (i32)  : i32 {
            %mul3A_161 = arith.constant 16 : i32
            %mul3A_162 = arith.muli %mul3A_161, %scan3A_159 : i32
            %multiple_of3A_163 = tpu.assume_multiple %mul3A_162, 16 : i32
            %get3A = arith.index_cast %add3A_99 : i32 to index
            %get3A_164 = arith.index_cast %multiple_of3A_163 : i32 to index
            %get3A_165 = tpu.vector_load %arg10[%get3A, %get3A_164] {strides = array<i32>} : memref<80x32xf32, #tpu.memory_space<vmem>>, vector<1x16xf32>,
            %get3A_166 = vector.shape_cast %get3A_165 : vector<1x16xf32> to vector<16xf32>
            %broadcast_in_dim3A = arith.constant 0 : i32
            %broadcast_in_dim3A_167 = vector.broadcast %broadcast_in_dim3A : i32 to vector<16x1xi32>
            %gather3A = vector.shape_cast %broadcast_in_dim3A_167 : vector<16x1xi32> to vector<16xi32>
            %gather3A_168 = tpu.dynamic_gather %get3A_166[%gather3A] in [0] : vector<16xf32>, vector<16xi32> -> vector<16xf32>
            %mul3A_169 = arith.constant 16 : i32
            %mul3A_170 = arith.muli %mul3A_169, %scan3A_159 : i32
            %add3A_171 = arith.constant 0 : i32
            %add3A_172 = arith.addi %mul3A_170, %add3A_171 : i32
            %mul3A_173 = arith.constant 32 : i32
            %mul3A_174 = arith.muli %mul3A_173, %scan3A_15 : i32
            %add3A_175 = arith.constant 0 : i32
            %add3A_176 = arith.addi %mul3A_174, %add3A_175 : i32
            %multiple_of3A_177 = tpu.assume_multiple %add3A_176, 16 : i32
            %get3A_178 = arith.index_cast %add3A_172 : i32 to index
            %get3A_179 = arith.index_cast %multiple_of3A_177 : i32 to index
            %get3A_180 = tpu.vector_load %arg12[%get3A_178, %get3A_179] {strides = array<i32>} : memref<32x128xf32, #tpu.memory_space<vmem>>, vector<1x16xf32>,
            %get3A_181 = vector.shape_cast %get3A_180 : vector<1x16xf32> to vector<16xf32>
            %mul3A_182 = arith.mulf %get3A_181, %gather3A_168 : vector<16xf32>
            %swap3A = arith.index_cast %add3A_172 : i32 to index
            %swap3A_183 = arith.constant 0 : index
            %swap3A_184 = tpu.vector_load %arg14[%swap3A, %swap3A_183] {strides = array<i32>} : memref<32x32xf32, #tpu.memory_space<vmem>>, vector<1x16xf32>,
            %swap3A_185 = vector.shape_cast %swap3A_184 : vector<1x16xf32> to vector<16xf32>
            %swap3A_186 = vector.shape_cast %mul3A_182 : vector<16xf32> to vector<1x16xf32>
            tpu.vector_store %arg14[%swap3A, %swap3A_183], %swap3A_186 {strides = array<i32>} : memref<32x32xf32, #tpu.memory_space<vmem>>, vector<1x16xf32>,
            %mul3A_187 = arith.constant 32 : i32
            %mul3A_188 = arith.muli %mul3A_187, %scan3A_15 : i32
            %add3A_189 = arith.constant 16 : i32
            %add3A_190 = arith.addi %mul3A_188, %add3A_189 : i32
            %multiple_of3A_191 = tpu.assume_multiple %add3A_190, 16 : i32
            %get3A_192 = arith.index_cast %add3A_172 : i32 to index
            %get3A_193 = arith.index_cast %multiple_of3A_191 : i32 to index
            %get3A_194 = tpu.vector_load %arg12[%get3A_192, %get3A_193] {strides = array<i32>} : memref<32x128xf32, #tpu.memory_space<vmem>>, vector<1x16xf32>,
            %get3A_195 = vector.shape_cast %get3A_194 : vector<1x16xf32> to vector<16xf32>
            %mul3A_196 = arith.mulf %get3A_195, %gather3A_168 : vector<16xf32>
            %swap3A_197 = arith.index_cast %add3A_172 : i32 to index
            %swap3A_198 = arith.constant 16 : index
            %swap3A_199 = tpu.vector_load %arg14[%swap3A_197, %swap3A_198] {strides = array<i32>} : memref<32x32xf32, #tpu.memory_space<vmem>>, vector<1x16xf32>,
            %swap3A_200 = vector.shape_cast %swap3A_199 : vector<1x16xf32> to vector<16xf32>
            %swap3A_201 = vector.shape_cast %mul3A_196 : vector<16xf32> to vector<1x16xf32>
            tpu.vector_store %arg14[%swap3A_197, %swap3A_198], %swap3A_201 {strides = array<i32>} : memref<32x32xf32, #tpu.memory_space<vmem>>, vector<1x16xf32>,
            %broadcast_in_dim3A_202 = arith.constant 1 : i32
            %broadcast_in_dim3A_203 = vector.broadcast %broadcast_in_dim3A_202 : i32 to vector<16x1xi32>
            %gather3A_204 = vector.shape_cast %broadcast_in_dim3A_203 : vector<16x1xi32> to vector<16xi32>
            %gather3A_205 = tpu.dynamic_gather %get3A_166[%gather3A_204] in [0] : vector<16xf32>, vector<16xi32> -> vector<16xf32>
            %mul3A_206 = arith.constant 16 : i32
            %mul3A_207 = arith.muli %mul3A_206, %scan3A_159 : i32
            %add3A_208 = arith.constant 1 : i32
            %add3A_209 = arith.addi %mul3A_207, %add3A_208 : i32
            %mul3A_210 = arith.constant 32 : i32
            %mul3A_211 = arith.muli %mul3A_210, %scan3A_15 : i32
            %add3A_212 = arith.constant 0 : i32
            %add3A_213 = arith.addi %mul3A_211, %add3A_212 : i32
            %multiple_of3A_214 = tpu.assume_multiple %add3A_213, 16 : i32
            %get3A_215 = arith.index_cast %add3A_209 : i32 to index
            %get3A_216 = arith.index_cast %multiple_of3A_214 : i32 to index
            %get3A_217 = tpu.vector_load %arg12[%get3A_215, %get3A_216] {strides = array<i32>} : memref<32x128xf32, #tpu.memory_space<vmem>>, vector<1x16xf32>,
            %get3A_218 = vector.shape_cast %get3A_217 : vector<1x16xf32> to vector<16xf32>
            %mul3A_219 = arith.mulf %get3A_218, %gather3A_205 : vector<16xf32>
            %swap3A_220 = arith.index_cast %add3A_209 : i32 to index
            %swap3A_221 = arith.constant 0 : index
            %swap3A_222 = tpu.vector_load %arg14[%swap3A_220, %swap3A_221] {strides = array<i32>} : memref<32x32xf32, #tpu.memory_space<vmem>>, vector<1x16xf32>,
            %swap3A_223 = vector.shape_cast %swap3A_222 : vector<1x16xf32> to vector<16xf32>
            %swap3A_224 = vector.shape_cast %mul3A_219 : vector<16xf32> to vector<1x16xf32>
            tpu.vector_store %arg14[%swap3A_220, %swap3A_221], %swap3A_224 {strides = array<i32>} : memref<32x32xf32, #tpu.memory_space<vmem>>, vector<1x16xf32>,
            %mul3A_225 = arith.constant 32 : i32
            %mul3A_226 = arith.muli %mul3A_225, %scan3A_15 : i32
            %add3A_227 = arith.constant 16 : i32
            %add3A_228 = arith.addi %mul3A_226, %add3A_227 : i32
            %multiple_of3A_229 = tpu.assume_multiple %add3A_228, 16 : i32
            %get3A_230 = arith.index_cast %add3A_209 : i32 to index
            %get3A_231 = arith.index_cast %multiple_of3A_229 : i32 to index
            %get3A_232 = tpu.vector_load %arg12[%get3A_230, %get3A_231] {strides = array<i32>} : memref<32x128xf32, #tpu.memory_space<vmem>>, vector<1x16xf32>,
            %get3A_233 = vector.shape_cast %get3A_232 : vector<1x16xf32> to vector<16xf32>
            %mul3A_234 = arith.mulf %get3A_233, %gather3A_205 : vector<16xf32>
            %swap3A_235 = arith.index_cast %add3A_209 : i32 to index
            %swap3A_236 = arith.constant 16 : index
            %swap3A_237 = tpu.vector_load %arg14[%swap3A_235, %swap3A_236] {strides = array<i32>} : memref<32x32xf32, #tpu.memory_space<vmem>>, vector<1x16xf32>,
            %swap3A_238 = vector.shape_cast %swap3A_237 : vector<1x16xf32> to vector<16xf32>
            %swap3A_239 = vector.shape_cast %mul3A_234 : vector<16xf32> to vector<1x16xf32>
            tpu.vector_store %arg14[%swap3A_235, %swap3A_236], %swap3A_239 {strides = array<i32>} : memref<32x32xf32, #tpu.memory_space<vmem>>, vector<1x16xf32>,
            %broadcast_in_dim3A_240 = arith.constant 2 : i32
            %broadcast_in_dim3A_241 = vector.broadcast %broadcast_in_dim3A_240 : i32 to vector<16x1xi32>
            %gather3A_242 = vector.shape_cast %broadcast_in_dim3A_241 : vector<16x1xi32> to vector<16xi32>
            %gather3A_243 = tpu.dynamic_gather %get3A_166[%gather3A_242] in [0] : vector<16xf32>, vector<16xi32> -> vector<16xf32>
            %mul3A_244 = arith.constant 16 : i32
            %mul3A_245 = arith.muli %mul3A_244, %scan3A_159 : i32
            %add3A_246 = arith.constant 2 : i32
            %add3A_247 = arith.addi %mul3A_245, %add3A_246 : i32
            %mul3A_248 = arith.constant 32 : i32
            %mul3A_249 = arith.muli %mul3A_248, %scan3A_15 : i32
            %add3A_250 = arith.constant 0 : i32
            %add3A_251 = arith.addi %mul3A_249, %add3A_250 : i32
            %multiple_of3A_252 = tpu.assume_multiple %add3A_251, 16 : i32
            %get3A_253 = arith.index_cast %add3A_247 : i32 to index
            %get3A_254 = arith.index_cast %multiple_of3A_252 : i32 to index
            %get3A_255 = tpu.vector_load %arg12[%get3A_253, %get3A_254] {strides = array<i32>} : memref<32x128xf32, #tpu.memory_space<vmem>>, vector<1x16xf32>,
            %get3A_256 = vector.shape_cast %get3A_255 : vector<1x16xf32> to vector<16xf32>
            %mul3A_257 = arith.mulf %get3A_256, %gather3A_243 : vector<16xf32>
            %swap3A_258 = arith.index_cast %add3A_247 : i32 to index
            %swap3A_259 = arith.constant 0 : index
            %swap3A_260 = tpu.vector_load %arg14[%swap3A_258, %swap3A_259] {strides = array<i32>} : memref<32x32xf32, #tpu.memory_space<vmem>>, vector<1x16xf32>,
            %swap3A_261 = vector.shape_cast %swap3A_260 : vector<1x16xf32> to vector<16xf32>
            %swap3A_262 = vector.shape_cast %mul3A_257 : vector<16xf32> to vector<1x16xf32>
            tpu.vector_store %arg14[%swap3A_258, %swap3A_259], %swap3A_262 {strides = array<i32>} : memref<32x32xf32, #tpu.memory_space<vmem>>, vector<1x16xf32>,
            %mul3A_263 = arith.constant 32 : i32
            %mul3A_264 = arith.muli %mul3A_263, %scan3A_15 : i32
            %add3A_265 = arith.constant 16 : i32
            %add3A_266 = arith.addi %mul3A_264, %add3A_265 : i32
            %multiple_of3A_267 = tpu.assume_multiple %add3A_266, 16 : i32
            %get3A_268 = arith.index_cast %add3A_247 : i32 to index
            %get3A_269 = arith.index_cast %multiple_of3A_267 : i32 to index
            %get3A_270 = tpu.vector_load %arg12[%get3A_268, %get3A_269] {strides = array<i32>} : memref<32x128xf32, #tpu.memory_space<vmem>>, vector<1x16xf32>,
            %get3A_271 = vector.shape_cast %get3A_270 : vector<1x16xf32> to vector<16xf32>
            %mul3A_272 = arith.mulf %get3A_271, %gather3A_243 : vector<16xf32>
            %swap3A_273 = arith.index_cast %add3A_247 : i32 to index
            %swap3A_274 = arith.constant 16 : index
            %swap3A_275 = tpu.vector_load %arg14[%swap3A_273, %swap3A_274] {strides = array<i32>} : memref<32x32xf32, #tpu.memory_space<vmem>>, vector<1x16xf32>,
            %swap3A_276 = vector.shape_cast %swap3A_275 : vector<1x16xf32> to vector<16xf32>
            %swap3A_277 = vector.shape_cast %mul3A_272 : vector<16xf32> to vector<1x16xf32>
            tpu.vector_store %arg14[%swap3A_273, %swap3A_274], %swap3A_277 {strides = array<i32>} : memref<32x32xf32, #tpu.memory_space<vmem>>, vector<1x16xf32>,
            %broadcast_in_dim3A_278 = arith.constant 3 : i32
            %broadcast_in_dim3A_279 = vector.broadcast %broadcast_in_dim3A_278 : i32 to vector<16x1xi32>
            %gather3A_280 = vector.shape_cast %broadcast_in_dim3A_279 : vector<16x1xi32> to vector<16xi32>
            %gather3A_281 = tpu.dynamic_gather %get3A_166[%gather3A_280] in [0] : vector<16xf32>, vector<16xi32> -> vector<16xf32>
            %mul3A_282 = arith.constant 16 : i32
            %mul3A_283 = arith.muli %mul3A_282, %scan3A_159 : i32
            %add3A_284 = arith.constant 3 : i32
            %add3A_285 = arith.addi %mul3A_283, %add3A_284 : i32
            %mul3A_286 = arith.constant 32 : i32
            %mul3A_287 = arith.muli %mul3A_286, %scan3A_15 : i32
            %add3A_288 = arith.constant 0 : i32
            %add3A_289 = arith.addi %mul3A_287, %add3A_288 : i32
            %multiple_of3A_290 = tpu.assume_multiple %add3A_289, 16 : i32
            %get3A_291 = arith.index_cast %add3A_285 : i32 to index
            %get3A_292 = arith.index_cast %multiple_of3A_290 : i32 to index
            %get3A_293 = tpu.vector_load %arg12[%get3A_291, %get3A_292] {strides = array<i32>} : memref<32x128xf32, #tpu.memory_space<vmem>>, vector<1x16xf32>,
            %get3A_294 = vector.shape_cast %get3A_293 : vector<1x16xf32> to vector<16xf32>
            %mul3A_295 = arith.mulf %get3A_294, %gather3A_281 : vector<16xf32>
            %swap3A_296 = arith.index_cast %add3A_285 : i32 to index
            %swap3A_297 = arith.constant 0 : index
            %swap3A_298 = tpu.vector_load %arg14[%swap3A_296, %swap3A_297] {strides = array<i32>} : memref<32x32xf32, #tpu.memory_space<vmem>>, vector<1x16xf32>,
            %swap3A_299 = vector.shape_cast %swap3A_298 : vector<1x16xf32> to vector<16xf32>
            %swap3A_300 = vector.shape_cast %mul3A_295 : vector<16xf32> to vector<1x16xf32>
            tpu.vector_store %arg14[%swap3A_296, %swap3A_297], %swap3A_300 {strides = array<i32>} : memref<32x32xf32, #tpu.memory_space<vmem>>, vector<1x16xf32>,
            %mul3A_301 = arith.constant 32 : i32
            %mul3A_302 = arith.muli %mul3A_301, %scan3A_15 : i32
            %add3A_303 = arith.constant 16 : i32
            %add3A_304 = arith.addi %mul3A_302, %add3A_303 : i32
            %multiple_of3A_305 = tpu.assume_multiple %add3A_304, 16 : i32
            %get3A_306 = arith.index_cast %add3A_285 : i32 to index
            %get3A_307 = arith.index_cast %multiple_of3A_305 : i32 to index
            %get3A_308 = tpu.vector_load %arg12[%get3A_306, %get3A_307] {strides = array<i32>} : memref<32x128xf32, #tpu.memory_space<vmem>>, vector<1x16xf32>,
            %get3A_309 = vector.shape_cast %get3A_308 : vector<1x16xf32> to vector<16xf32>
            %mul3A_310 = arith.mulf %get3A_309, %gather3A_281 : vector<16xf32>
            %swap3A_311 = arith.index_cast %add3A_285 : i32 to index
            %swap3A_312 = arith.constant 16 : index
            %swap3A_313 = tpu.vector_load %arg14[%swap3A_311, %swap3A_312] {strides = array<i32>} : memref<32x32xf32, #tpu.memory_space<vmem>>, vector<1x16xf32>,
            %swap3A_314 = vector.shape_cast %swap3A_313 : vector<1x16xf32> to vector<16xf32>
            %swap3A_315 = vector.shape_cast %mul3A_310 : vector<16xf32> to vector<1x16xf32>
            tpu.vector_store %arg14[%swap3A_311, %swap3A_312], %swap3A_315 {strides = array<i32>} : memref<32x32xf32, #tpu.memory_space<vmem>>, vector<1x16xf32>,
            %broadcast_in_dim3A_316 = arith.constant 4 : i32
            %broadcast_in_dim3A_317 = vector.broadcast %broadcast_in_dim3A_316 : i32 to vector<16x1xi32>
            %gather3A_318 = vector.shape_cast %broadcast_in_dim3A_317 : vector<16x1xi32> to vector<16xi32>
            %gather3A_319 = tpu.dynamic_gather %get3A_166[%gather3A_318] in [0] : vector<16xf32>, vector<16xi32> -> vector<16xf32>
            %mul3A_320 = arith.constant 16 : i32
            %mul3A_321 = arith.muli %mul3A_320, %scan3A_159 : i32
            %add3A_322 = arith.constant 4 : i32
            %add3A_323 = arith.addi %mul3A_321, %add3A_322 : i32
            %mul3A_324 = arith.constant 32 : i32
            %mul3A_325 = arith.muli %mul3A_324, %scan3A_15 : i32
            %add3A_326 = arith.constant 0 : i32
            %add3A_327 = arith.addi %mul3A_325, %add3A_326 : i32
            %multiple_of3A_328 = tpu.assume_multiple %add3A_327, 16 : i32
            %get3A_329 = arith.index_cast %add3A_323 : i32 to index
            %get3A_330 = arith.index_cast %multiple_of3A_328 : i32 to index
            %get3A_331 = tpu.vector_load %arg12[%get3A_329, %get3A_330] {strides = array<i32>} : memref<32x128xf32, #tpu.memory_space<vmem>>, vector<1x16xf32>,
            %get3A_332 = vector.shape_cast %get3A_331 : vector<1x16xf32> to vector<16xf32>
            %mul3A_333 = arith.mulf %get3A_332, %gather3A_319 : vector<16xf32>
            %swap3A_334 = arith.index_cast %add3A_323 : i32 to index
            %swap3A_335 = arith.constant 0 : index
            %swap3A_336 = tpu.vector_load %arg14[%swap3A_334, %swap3A_335] {strides = array<i32>} : memref<32x32xf32, #tpu.memory_space<vmem>>, vector<1x16xf32>,
            %swap3A_337 = vector.shape_cast %swap3A_336 : vector<1x16xf32> to vector<16xf32>
            %swap3A_338 = vector.shape_cast %mul3A_333 : vector<16xf32> to vector<1x16xf32>
            tpu.vector_store %arg14[%swap3A_334, %swap3A_335], %swap3A_338 {strides = array<i32>} : memref<32x32xf32, #tpu.memory_space<vmem>>, vector<1x16xf32>,
            %mul3A_339 = arith.constant 32 : i32
            %mul3A_340 = arith.muli %mul3A_339, %scan3A_15 : i32
            %add3A_341 = arith.constant 16 : i32
            %add3A_342 = arith.addi %mul3A_340, %add3A_341 : i32
            %multiple_of3A_343 = tpu.assume_multiple %add3A_342, 16 : i32
            %get3A_344 = arith.index_cast %add3A_323 : i32 to index
            %get3A_345 = arith.index_cast %multiple_of3A_343 : i32 to index
            %get3A_346 = tpu.vector_load %arg12[%get3A_344, %get3A_345] {strides = array<i32>} : memref<32x128xf32, #tpu.memory_space<vmem>>, vector<1x16xf32>,
            %get3A_347 = vector.shape_cast %get3A_346 : vector<1x16xf32> to vector<16xf32>
            %mul3A_348 = arith.mulf %get3A_347, %gather3A_319 : vector<16xf32>
            %swap3A_349 = arith.index_cast %add3A_323 : i32 to index
            %swap3A_350 = arith.constant 16 : index
            %swap3A_351 = tpu.vector_load %arg14[%swap3A_349, %swap3A_350] {strides = array<i32>} : memref<32x32xf32, #tpu.memory_space<vmem>>, vector<1x16xf32>,
            %swap3A_352 = vector.shape_cast %swap3A_351 : vector<1x16xf32> to vector<16xf32>
            %swap3A_353 = vector.shape_cast %mul3A_348 : vector<16xf32> to vector<1x16xf32>
            tpu.vector_store %arg14[%swap3A_349, %swap3A_350], %swap3A_353 {strides = array<i32>} : memref<32x32xf32, #tpu.memory_space<vmem>>, vector<1x16xf32>,
            %broadcast_in_dim3A_354 = arith.constant 5 : i32
            %broadcast_in_dim3A_355 = vector.broadcast %broadcast_in_dim3A_354 : i32 to vector<16x1xi32>
            %gather3A_356 = vector.shape_cast %broadcast_in_dim3A_355 : vector<16x1xi32> to vector<16xi32>
            %gather3A_357 = tpu.dynamic_gather %get3A_166[%gather3A_356] in [0] : vector<16xf32>, vector<16xi32> -> vector<16xf32>
            %mul3A_358 = arith.constant 16 : i32
            %mul3A_359 = arith.muli %mul3A_358, %scan3A_159 : i32
            %add3A_360 = arith.constant 5 : i32
            %add3A_361 = arith.addi %mul3A_359, %add3A_360 : i32
            %mul3A_362 = arith.constant 32 : i32
            %mul3A_363 = arith.muli %mul3A_362, %scan3A_15 : i32
            %add3A_364 = arith.constant 0 : i32
            %add3A_365 = arith.addi %mul3A_363, %add3A_364 : i32
            %multiple_of3A_366 = tpu.assume_multiple %add3A_365, 16 : i32
            %get3A_367 = arith.index_cast %add3A_361 : i32 to index
            %get3A_368 = arith.index_cast %multiple_of3A_366 : i32 to index
            %get3A_369 = tpu.vector_load %arg12[%get3A_367, %get3A_368] {strides = array<i32>} : memref<32x128xf32, #tpu.memory_space<vmem>>, vector<1x16xf32>,
            %get3A_370 = vector.shape_cast %get3A_369 : vector<1x16xf32> to vector<16xf32>
            %mul3A_371 = arith.mulf %get3A_370, %gather3A_357 : vector<16xf32>
            %swap3A_372 = arith.index_cast %add3A_361 : i32 to index
            %swap3A_373 = arith.constant 0 : index
            %swap3A_374 = tpu.vector_load %arg14[%swap3A_372, %swap3A_373] {strides = array<i32>} : memref<32x32xf32, #tpu.memory_space<vmem>>, vector<1x16xf32>,
            %swap3A_375 = vector.shape_cast %swap3A_374 : vector<1x16xf32> to vector<16xf32>
            %swap3A_376 = vector.shape_cast %mul3A_371 : vector<16xf32> to vector<1x16xf32>
            tpu.vector_store %arg14[%swap3A_372, %swap3A_373], %swap3A_376 {strides = array<i32>} : memref<32x32xf32, #tpu.memory_space<vmem>>, vector<1x16xf32>,
            %mul3A_377 = arith.constant 32 : i32
            %mul3A_378 = arith.muli %mul3A_377, %scan3A_15 : i32
            %add3A_379 = arith.constant 16 : i32
            %add3A_380 = arith.addi %mul3A_378, %add3A_379 : i32
            %multiple_of3A_381 = tpu.assume_multiple %add3A_380, 16 : i32
            %get3A_382 = arith.index_cast %add3A_361 : i32 to index
            %get3A_383 = arith.index_cast %multiple_of3A_381 : i32 to index
            %get3A_384 = tpu.vector_load %arg12[%get3A_382, %get3A_383] {strides = array<i32>} : memref<32x128xf32, #tpu.memory_space<vmem>>, vector<1x16xf32>,
            %get3A_385 = vector.shape_cast %get3A_384 : vector<1x16xf32> to vector<16xf32>
            %mul3A_386 = arith.mulf %get3A_385, %gather3A_357 : vector<16xf32>
            %swap3A_387 = arith.index_cast %add3A_361 : i32 to index
            %swap3A_388 = arith.constant 16 : index
            %swap3A_389 = tpu.vector_load %arg14[%swap3A_387, %swap3A_388] {strides = array<i32>} : memref<32x32xf32, #tpu.memory_space<vmem>>, vector<1x16xf32>,
            %swap3A_390 = vector.shape_cast %swap3A_389 : vector<1x16xf32> to vector<16xf32>
            %swap3A_391 = vector.shape_cast %mul3A_386 : vector<16xf32> to vector<1x16xf32>
            tpu.vector_store %arg14[%swap3A_387, %swap3A_388], %swap3A_391 {strides = array<i32>} : memref<32x32xf32, #tpu.memory_space<vmem>>, vector<1x16xf32>,
            %broadcast_in_dim3A_392 = arith.constant 6 : i32
            %broadcast_in_dim3A_393 = vector.broadcast %broadcast_in_dim3A_392 : i32 to vector<16x1xi32>
            %gather3A_394 = vector.shape_cast %broadcast_in_dim3A_393 : vector<16x1xi32> to vector<16xi32>
            %gather3A_395 = tpu.dynamic_gather %get3A_166[%gather3A_394] in [0] : vector<16xf32>, vector<16xi32> -> vector<16xf32>
            %mul3A_396 = arith.constant 16 : i32
            %mul3A_397 = arith.muli %mul3A_396, %scan3A_159 : i32
            %add3A_398 = arith.constant 6 : i32
            %add3A_399 = arith.addi %mul3A_397, %add3A_398 : i32
            %mul3A_400 = arith.constant 32 : i32
            %mul3A_401 = arith.muli %mul3A_400, %scan3A_15 : i32
            %add3A_402 = arith.constant 0 : i32
            %add3A_403 = arith.addi %mul3A_401, %add3A_402 : i32
            %multiple_of3A_404 = tpu.assume_multiple %add3A_403, 16 : i32
            %get3A_405 = arith.index_cast %add3A_399 : i32 to index
            %get3A_406 = arith.index_cast %multiple_of3A_404 : i32 to index
            %get3A_407 = tpu.vector_load %arg12[%get3A_405, %get3A_406] {strides = array<i32>} : memref<32x128xf32, #tpu.memory_space<vmem>>, vector<1x16xf32>,
            %get3A_408 = vector.shape_cast %get3A_407 : vector<1x16xf32> to vector<16xf32>
            %mul3A_409 = arith.mulf %get3A_408, %gather3A_395 : vector<16xf32>
            %swap3A_410 = arith.index_cast %add3A_399 : i32 to index
            %swap3A_411 = arith.constant 0 : index
            %swap3A_412 = tpu.vector_load %arg14[%swap3A_410, %swap3A_411] {strides = array<i32>} : memref<32x32xf32, #tpu.memory_space<vmem>>, vector<1x16xf32>,
            %swap3A_413 = vector.shape_cast %swap3A_412 : vector<1x16xf32> to vector<16xf32>
            %swap3A_414 = vector.shape_cast %mul3A_409 : vector<16xf32> to vector<1x16xf32>
            tpu.vector_store %arg14[%swap3A_410, %swap3A_411], %swap3A_414 {strides = array<i32>} : memref<32x32xf32, #tpu.memory_space<vmem>>, vector<1x16xf32>,
            %mul3A_415 = arith.constant 32 : i32
            %mul3A_416 = arith.muli %mul3A_415, %scan3A_15 : i32
            %add3A_417 = arith.constant 16 : i32
            %add3A_418 = arith.addi %mul3A_416, %add3A_417 : i32
            %multiple_of3A_419 = tpu.assume_multiple %add3A_418, 16 : i32
            %get3A_420 = arith.index_cast %add3A_399 : i32 to index
            %get3A_421 = arith.index_cast %multiple_of3A_419 : i32 to index
            %get3A_422 = tpu.vector_load %arg12[%get3A_420, %get3A_421] {strides = array<i32>} : memref<32x128xf32, #tpu.memory_space<vmem>>, vector<1x16xf32>,
            %get3A_423 = vector.shape_cast %get3A_422 : vector<1x16xf32> to vector<16xf32>
            %mul3A_424 = arith.mulf %get3A_423, %gather3A_395 : vector<16xf32>
            %swap3A_425 = arith.index_cast %add3A_399 : i32 to index
            %swap3A_426 = arith.constant 16 : index
            %swap3A_427 = tpu.vector_load %arg14[%swap3A_425, %swap3A_426] {strides = array<i32>} : memref<32x32xf32, #tpu.memory_space<vmem>>, vector<1x16xf32>,
            %swap3A_428 = vector.shape_cast %swap3A_427 : vector<1x16xf32> to vector<16xf32>
            %swap3A_429 = vector.shape_cast %mul3A_424 : vector<16xf32> to vector<1x16xf32>
            tpu.vector_store %arg14[%swap3A_425, %swap3A_426], %swap3A_429 {strides = array<i32>} : memref<32x32xf32, #tpu.memory_space<vmem>>, vector<1x16xf32>,
            %broadcast_in_dim3A_430 = arith.constant 7 : i32
            %broadcast_in_dim3A_431 = vector.broadcast %broadcast_in_dim3A_430 : i32 to vector<16x1xi32>
            %gather3A_432 = vector.shape_cast %broadcast_in_dim3A_431 : vector<16x1xi32> to vector<16xi32>
            %gather3A_433 = tpu.dynamic_gather %get3A_166[%gather3A_432] in [0] : vector<16xf32>, vector<16xi32> -> vector<16xf32>
            %mul3A_434 = arith.constant 16 : i32
            %mul3A_435 = arith.muli %mul3A_434, %scan3A_159 : i32
            %add3A_436 = arith.constant 7 : i32
            %add3A_437 = arith.addi %mul3A_435, %add3A_436 : i32
            %mul3A_438 = arith.constant 32 : i32
            %mul3A_439 = arith.muli %mul3A_438, %scan3A_15 : i32
            %add3A_440 = arith.constant 0 : i32
            %add3A_441 = arith.addi %mul3A_439, %add3A_440 : i32
            %multiple_of3A_442 = tpu.assume_multiple %add3A_441, 16 : i32
            %get3A_443 = arith.index_cast %add3A_437 : i32 to index
            %get3A_444 = arith.index_cast %multiple_of3A_442 : i32 to index
            %get3A_445 = tpu.vector_load %arg12[%get3A_443, %get3A_444] {strides = array<i32>} : memref<32x128xf32, #tpu.memory_space<vmem>>, vector<1x16xf32>,
            %get3A_446 = vector.shape_cast %get3A_445 : vector<1x16xf32> to vector<16xf32>
            %mul3A_447 = arith.mulf %get3A_446, %gather3A_433 : vector<16xf32>
            %swap3A_448 = arith.index_cast %add3A_437 : i32 to index
            %swap3A_449 = arith.constant 0 : index
            %swap3A_450 = tpu.vector_load %arg14[%swap3A_448, %swap3A_449] {strides = array<i32>} : memref<32x32xf32, #tpu.memory_space<vmem>>, vector<1x16xf32>,
            %swap3A_451 = vector.shape_cast %swap3A_450 : vector<1x16xf32> to vector<16xf32>
            %swap3A_452 = vector.shape_cast %mul3A_447 : vector<16xf32> to vector<1x16xf32>
            tpu.vector_store %arg14[%swap3A_448, %swap3A_449], %swap3A_452 {strides = array<i32>} : memref<32x32xf32, #tpu.memory_space<vmem>>, vector<1x16xf32>,
            %mul3A_453 = arith.constant 32 : i32
            %mul3A_454 = arith.muli %mul3A_453, %scan3A_15 : i32
            %add3A_455 = arith.constant 16 : i32
            %add3A_456 = arith.addi %mul3A_454, %add3A_455 : i32
            %multiple_of3A_457 = tpu.assume_multiple %add3A_456, 16 : i32
            %get3A_458 = arith.index_cast %add3A_437 : i32 to index
            %get3A_459 = arith.index_cast %multiple_of3A_457 : i32 to index
            %get3A_460 = tpu.vector_load %arg12[%get3A_458, %get3A_459] {strides = array<i32>} : memref<32x128xf32, #tpu.memory_space<vmem>>, vector<1x16xf32>,
            %get3A_461 = vector.shape_cast %get3A_460 : vector<1x16xf32> to vector<16xf32>
            %mul3A_462 = arith.mulf %get3A_461, %gather3A_433 : vector<16xf32>
            %swap3A_463 = arith.index_cast %add3A_437 : i32 to index
            %swap3A_464 = arith.constant 16 : index
            %swap3A_465 = tpu.vector_load %arg14[%swap3A_463, %swap3A_464] {strides = array<i32>} : memref<32x32xf32, #tpu.memory_space<vmem>>, vector<1x16xf32>,
            %swap3A_466 = vector.shape_cast %swap3A_465 : vector<1x16xf32> to vector<16xf32>
            %swap3A_467 = vector.shape_cast %mul3A_462 : vector<16xf32> to vector<1x16xf32>
            tpu.vector_store %arg14[%swap3A_463, %swap3A_464], %swap3A_467 {strides = array<i32>} : memref<32x32xf32, #tpu.memory_space<vmem>>, vector<1x16xf32>,
            %broadcast_in_dim3A_468 = arith.constant 8 : i32
            %broadcast_in_dim3A_469 = vector.broadcast %broadcast_in_dim3A_468 : i32 to vector<16x1xi32>
            %gather3A_470 = vector.shape_cast %broadcast_in_dim3A_469 : vector<16x1xi32> to vector<16xi32>
            %gather3A_471 = tpu.dynamic_gather %get3A_166[%gather3A_470] in [0] : vector<16xf32>, vector<16xi32> -> vector<16xf32>
            %mul3A_472 = arith.constant 16 : i32
            %mul3A_473 = arith.muli %mul3A_472, %scan3A_159 : i32
            %add3A_474 = arith.constant 8 : i32
            %add3A_475 = arith.addi %mul3A_473, %add3A_474 : i32
            %mul3A_476 = arith.constant 32 : i32
            %mul3A_477 = arith.muli %mul3A_476, %scan3A_15 : i32
            %add3A_478 = arith.constant 0 : i32
            %add3A_479 = arith.addi %mul3A_477, %add3A_478 : i32
            %multiple_of3A_480 = tpu.assume_multiple %add3A_479, 16 : i32
            %get3A_481 = arith.index_cast %add3A_475 : i32 to index
            %get3A_482 = arith.index_cast %multiple_of3A_480 : i32 to index
            %get3A_483 = tpu.vector_load %arg12[%get3A_481, %get3A_482] {strides = array<i32>} : memref<32x128xf32, #tpu.memory_space<vmem>>, vector<1x16xf32>,
            %get3A_484 = vector.shape_cast %get3A_483 : vector<1x16xf32> to vector<16xf32>
            %mul3A_485 = arith.mulf %get3A_484, %gather3A_471 : vector<16xf32>
            %swap3A_486 = arith.index_cast %add3A_475 : i32 to index
            %swap3A_487 = arith.constant 0 : index
            %swap3A_488 = tpu.vector_load %arg14[%swap3A_486, %swap3A_487] {strides = array<i32>} : memref<32x32xf32, #tpu.memory_space<vmem>>, vector<1x16xf32>,
            %swap3A_489 = vector.shape_cast %swap3A_488 : vector<1x16xf32> to vector<16xf32>
            %swap3A_490 = vector.shape_cast %mul3A_485 : vector<16xf32> to vector<1x16xf32>
            tpu.vector_store %arg14[%swap3A_486, %swap3A_487], %swap3A_490 {strides = array<i32>} : memref<32x32xf32, #tpu.memory_space<vmem>>, vector<1x16xf32>,
            %mul3A_491 = arith.constant 32 : i32
            %mul3A_492 = arith.muli %mul3A_491, %scan3A_15 : i32
            %add3A_493 = arith.constant 16 : i32
            %add3A_494 = arith.addi %mul3A_492, %add3A_493 : i32
            %multiple_of3A_495 = tpu.assume_multiple %add3A_494, 16 : i32
            %get3A_496 = arith.index_cast %add3A_475 : i32 to index
            %get3A_497 = arith.index_cast %multiple_of3A_495 : i32 to index
            %get3A_498 = tpu.vector_load %arg12[%get3A_496, %get3A_497] {strides = array<i32>} : memref<32x128xf32, #tpu.memory_space<vmem>>, vector<1x16xf32>,
            %get3A_499 = vector.shape_cast %get3A_498 : vector<1x16xf32> to vector<16xf32>
            %mul3A_500 = arith.mulf %get3A_499, %gather3A_471 : vector<16xf32>
            %swap3A_501 = arith.index_cast %add3A_475 : i32 to index
            %swap3A_502 = arith.constant 16 : index
            %swap3A_503 = tpu.vector_load %arg14[%swap3A_501, %swap3A_502] {strides = array<i32>} : memref<32x32xf32, #tpu.memory_space<vmem>>, vector<1x16xf32>,
            %swap3A_504 = vector.shape_cast %swap3A_503 : vector<1x16xf32> to vector<16xf32>
            %swap3A_505 = vector.shape_cast %mul3A_500 : vector<16xf32> to vector<1x16xf32>
            tpu.vector_store %arg14[%swap3A_501, %swap3A_502], %swap3A_505 {strides = array<i32>} : memref<32x32xf32, #tpu.memory_space<vmem>>, vector<1x16xf32>,
            %broadcast_in_dim3A_506 = arith.constant 9 : i32
            %broadcast_in_dim3A_507 = vector.broadcast %broadcast_in_dim3A_506 : i32 to vector<16x1xi32>
            %gather3A_508 = vector.shape_cast %broadcast_in_dim3A_507 : vector<16x1xi32> to vector<16xi32>
            %gather3A_509 = tpu.dynamic_gather %get3A_166[%gather3A_508] in [0] : vector<16xf32>, vector<16xi32> -> vector<16xf32>
            %mul3A_510 = arith.constant 16 : i32
            %mul3A_511 = arith.muli %mul3A_510, %scan3A_159 : i32
            %add3A_512 = arith.constant 9 : i32
            %add3A_513 = arith.addi %mul3A_511, %add3A_512 : i32
            %mul3A_514 = arith.constant 32 : i32
            %mul3A_515 = arith.muli %mul3A_514, %scan3A_15 : i32
            %add3A_516 = arith.constant 0 : i32
            %add3A_517 = arith.addi %mul3A_515, %add3A_516 : i32
            %multiple_of3A_518 = tpu.assume_multiple %add3A_517, 16 : i32
            %get3A_519 = arith.index_cast %add3A_513 : i32 to index
            %get3A_520 = arith.index_cast %multiple_of3A_518 : i32 to index
            %get3A_521 = tpu.vector_load %arg12[%get3A_519, %get3A_520] {strides = array<i32>} : memref<32x128xf32, #tpu.memory_space<vmem>>, vector<1x16xf32>,
            %get3A_522 = vector.shape_cast %get3A_521 : vector<1x16xf32> to vector<16xf32>
            %mul3A_523 = arith.mulf %get3A_522, %gather3A_509 : vector<16xf32>
            %swap3A_524 = arith.index_cast %add3A_513 : i32 to index
            %swap3A_525 = arith.constant 0 : index
            %swap3A_526 = tpu.vector_load %arg14[%swap3A_524, %swap3A_525] {strides = array<i32>} : memref<32x32xf32, #tpu.memory_space<vmem>>, vector<1x16xf32>,
            %swap3A_527 = vector.shape_cast %swap3A_526 : vector<1x16xf32> to vector<16xf32>
            %swap3A_528 = vector.shape_cast %mul3A_523 : vector<16xf32> to vector<1x16xf32>
            tpu.vector_store %arg14[%swap3A_524, %swap3A_525], %swap3A_528 {strides = array<i32>} : memref<32x32xf32, #tpu.memory_space<vmem>>, vector<1x16xf32>,
            %mul3A_529 = arith.constant 32 : i32
            %mul3A_530 = arith.muli %mul3A_529, %scan3A_15 : i32
            %add3A_531 = arith.constant 16 : i32
            %add3A_532 = arith.addi %mul3A_530, %add3A_531 : i32
            %multiple_of3A_533 = tpu.assume_multiple %add3A_532, 16 : i32
            %get3A_534 = arith.index_cast %add3A_513 : i32 to index
            %get3A_535 = arith.index_cast %multiple_of3A_533 : i32 to index
            %get3A_536 = tpu.vector_load %arg12[%get3A_534, %get3A_535] {strides = array<i32>} : memref<32x128xf32, #tpu.memory_space<vmem>>, vector<1x16xf32>,
            %get3A_537 = vector.shape_cast %get3A_536 : vector<1x16xf32> to vector<16xf32>
            %mul3A_538 = arith.mulf %get3A_537, %gather3A_509 : vector<16xf32>
            %swap3A_539 = arith.index_cast %add3A_513 : i32 to index
            %swap3A_540 = arith.constant 16 : index
            %swap3A_541 = tpu.vector_load %arg14[%swap3A_539, %swap3A_540] {strides = array<i32>} : memref<32x32xf32, #tpu.memory_space<vmem>>, vector<1x16xf32>,
            %swap3A_542 = vector.shape_cast %swap3A_541 : vector<1x16xf32> to vector<16xf32>
            %swap3A_543 = vector.shape_cast %mul3A_538 : vector<16xf32> to vector<1x16xf32>
            tpu.vector_store %arg14[%swap3A_539, %swap3A_540], %swap3A_543 {strides = array<i32>} : memref<32x32xf32, #tpu.memory_space<vmem>>, vector<1x16xf32>,
            %broadcast_in_dim3A_544 = arith.constant 10 : i32
            %broadcast_in_dim3A_545 = vector.broadcast %broadcast_in_dim3A_544 : i32 to vector<16x1xi32>
            %gather3A_546 = vector.shape_cast %broadcast_in_dim3A_545 : vector<16x1xi32> to vector<16xi32>
            %gather3A_547 = tpu.dynamic_gather %get3A_166[%gather3A_546] in [0] : vector<16xf32>, vector<16xi32> -> vector<16xf32>
            %mul3A_548 = arith.constant 16 : i32
            %mul3A_549 = arith.muli %mul3A_548, %scan3A_159 : i32
            %add3A_550 = arith.constant 10 : i32
            %add3A_551 = arith.addi %mul3A_549, %add3A_550 : i32
            %mul3A_552 = arith.constant 32 : i32
            %mul3A_553 = arith.muli %mul3A_552, %scan3A_15 : i32
            %add3A_554 = arith.constant 0 : i32
            %add3A_555 = arith.addi %mul3A_553, %add3A_554 : i32
            %multiple_of3A_556 = tpu.assume_multiple %add3A_555, 16 : i32
            %get3A_557 = arith.index_cast %add3A_551 : i32 to index
            %get3A_558 = arith.index_cast %multiple_of3A_556 : i32 to index
            %get3A_559 = tpu.vector_load %arg12[%get3A_557, %get3A_558] {strides = array<i32>} : memref<32x128xf32, #tpu.memory_space<vmem>>, vector<1x16xf32>,
            %get3A_560 = vector.shape_cast %get3A_559 : vector<1x16xf32> to vector<16xf32>
            %mul3A_561 = arith.mulf %get3A_560, %gather3A_547 : vector<16xf32>
            %swap3A_562 = arith.index_cast %add3A_551 : i32 to index
            %swap3A_563 = arith.constant 0 : index
            %swap3A_564 = tpu.vector_load %arg14[%swap3A_562, %swap3A_563] {strides = array<i32>} : memref<32x32xf32, #tpu.memory_space<vmem>>, vector<1x16xf32>,
            %swap3A_565 = vector.shape_cast %swap3A_564 : vector<1x16xf32> to vector<16xf32>
            %swap3A_566 = vector.shape_cast %mul3A_561 : vector<16xf32> to vector<1x16xf32>
            tpu.vector_store %arg14[%swap3A_562, %swap3A_563], %swap3A_566 {strides = array<i32>} : memref<32x32xf32, #tpu.memory_space<vmem>>, vector<1x16xf32>,
            %mul3A_567 = arith.constant 32 : i32
            %mul3A_568 = arith.muli %mul3A_567, %scan3A_15 : i32
            %add3A_569 = arith.constant 16 : i32
            %add3A_570 = arith.addi %mul3A_568, %add3A_569 : i32
            %multiple_of3A_571 = tpu.assume_multiple %add3A_570, 16 : i32
            %get3A_572 = arith.index_cast %add3A_551 : i32 to index
            %get3A_573 = arith.index_cast %multiple_of3A_571 : i32 to index
            %get3A_574 = tpu.vector_load %arg12[%get3A_572, %get3A_573] {strides = array<i32>} : memref<32x128xf32, #tpu.memory_space<vmem>>, vector<1x16xf32>,
            %get3A_575 = vector.shape_cast %get3A_574 : vector<1x16xf32> to vector<16xf32>
            %mul3A_576 = arith.mulf %get3A_575, %gather3A_547 : vector<16xf32>
            %swap3A_577 = arith.index_cast %add3A_551 : i32 to index
            %swap3A_578 = arith.constant 16 : index
            %swap3A_579 = tpu.vector_load %arg14[%swap3A_577, %swap3A_578] {strides = array<i32>} : memref<32x32xf32, #tpu.memory_space<vmem>>, vector<1x16xf32>,
            %swap3A_580 = vector.shape_cast %swap3A_579 : vector<1x16xf32> to vector<16xf32>
            %swap3A_581 = vector.shape_cast %mul3A_576 : vector<16xf32> to vector<1x16xf32>
            tpu.vector_store %arg14[%swap3A_577, %swap3A_578], %swap3A_581 {strides = array<i32>} : memref<32x32xf32, #tpu.memory_space<vmem>>, vector<1x16xf32>,
            %broadcast_in_dim3A_582 = arith.constant 11 : i32
            %broadcast_in_dim3A_583 = vector.broadcast %broadcast_in_dim3A_582 : i32 to vector<16x1xi32>
            %gather3A_584 = vector.shape_cast %broadcast_in_dim3A_583 : vector<16x1xi32> to vector<16xi32>
            %gather3A_585 = tpu.dynamic_gather %get3A_166[%gather3A_584] in [0] : vector<16xf32>, vector<16xi32> -> vector<16xf32>
            %mul3A_586 = arith.constant 16 : i32
            %mul3A_587 = arith.muli %mul3A_586, %scan3A_159 : i32
            %add3A_588 = arith.constant 11 : i32
            %add3A_589 = arith.addi %mul3A_587, %add3A_588 : i32
            %mul3A_590 = arith.constant 32 : i32
            %mul3A_591 = arith.muli %mul3A_590, %scan3A_15 : i32
            %add3A_592 = arith.constant 0 : i32
            %add3A_593 = arith.addi %mul3A_591, %add3A_592 : i32
            %multiple_of3A_594 = tpu.assume_multiple %add3A_593, 16 : i32
            %get3A_595 = arith.index_cast %add3A_589 : i32 to index
            %get3A_596 = arith.index_cast %multiple_of3A_594 : i32 to index
            %get3A_597 = tpu.vector_load %arg12[%get3A_595, %get3A_596] {strides = array<i32>} : memref<32x128xf32, #tpu.memory_space<vmem>>, vector<1x16xf32>,
            %get3A_598 = vector.shape_cast %get3A_597 : vector<1x16xf32> to vector<16xf32>
            %mul3A_599 = arith.mulf %get3A_598, %gather3A_585 : vector<16xf32>
            %swap3A_600 = arith.index_cast %add3A_589 : i32 to index
            %swap3A_601 = arith.constant 0 : index
            %swap3A_602 = tpu.vector_load %arg14[%swap3A_600, %swap3A_601] {strides = array<i32>} : memref<32x32xf32, #tpu.memory_space<vmem>>, vector<1x16xf32>,
            %swap3A_603 = vector.shape_cast %swap3A_602 : vector<1x16xf32> to vector<16xf32>
            %swap3A_604 = vector.shape_cast %mul3A_599 : vector<16xf32> to vector<1x16xf32>
            tpu.vector_store %arg14[%swap3A_600, %swap3A_601], %swap3A_604 {strides = array<i32>} : memref<32x32xf32, #tpu.memory_space<vmem>>, vector<1x16xf32>,
            %mul3A_605 = arith.constant 32 : i32
            %mul3A_606 = arith.muli %mul3A_605, %scan3A_15 : i32
            %add3A_607 = arith.constant 16 : i32
            %add3A_608 = arith.addi %mul3A_606, %add3A_607 : i32
            %multiple_of3A_609 = tpu.assume_multiple %add3A_608, 16 : i32
            %get3A_610 = arith.index_cast %add3A_589 : i32 to index
            %get3A_611 = arith.index_cast %multiple_of3A_609 : i32 to index
            %get3A_612 = tpu.vector_load %arg12[%get3A_610, %get3A_611] {strides = array<i32>} : memref<32x128xf32, #tpu.memory_space<vmem>>, vector<1x16xf32>,
            %get3A_613 = vector.shape_cast %get3A_612 : vector<1x16xf32> to vector<16xf32>
            %mul3A_614 = arith.mulf %get3A_613, %gather3A_585 : vector<16xf32>
            %swap3A_615 = arith.index_cast %add3A_589 : i32 to index
            %swap3A_616 = arith.constant 16 : index
            %swap3A_617 = tpu.vector_load %arg14[%swap3A_615, %swap3A_616] {strides = array<i32>} : memref<32x32xf32, #tpu.memory_space<vmem>>, vector<1x16xf32>,
            %swap3A_618 = vector.shape_cast %swap3A_617 : vector<1x16xf32> to vector<16xf32>
            %swap3A_619 = vector.shape_cast %mul3A_614 : vector<16xf32> to vector<1x16xf32>
            tpu.vector_store %arg14[%swap3A_615, %swap3A_616], %swap3A_619 {strides = array<i32>} : memref<32x32xf32, #tpu.memory_space<vmem>>, vector<1x16xf32>,
            %broadcast_in_dim3A_620 = arith.constant 12 : i32
            %broadcast_in_dim3A_621 = vector.broadcast %broadcast_in_dim3A_620 : i32 to vector<16x1xi32>
            %gather3A_622 = vector.shape_cast %broadcast_in_dim3A_621 : vector<16x1xi32> to vector<16xi32>
            %gather3A_623 = tpu.dynamic_gather %get3A_166[%gather3A_622] in [0] : vector<16xf32>, vector<16xi32> -> vector<16xf32>
            %mul3A_624 = arith.constant 16 : i32
            %mul3A_625 = arith.muli %mul3A_624, %scan3A_159 : i32
            %add3A_626 = arith.constant 12 : i32
            %add3A_627 = arith.addi %mul3A_625, %add3A_626 : i32
            %mul3A_628 = arith.constant 32 : i32
            %mul3A_629 = arith.muli %mul3A_628, %scan3A_15 : i32
            %add3A_630 = arith.constant 0 : i32
            %add3A_631 = arith.addi %mul3A_629, %add3A_630 : i32
            %multiple_of3A_632 = tpu.assume_multiple %add3A_631, 16 : i32
            %get3A_633 = arith.index_cast %add3A_627 : i32 to index
            %get3A_634 = arith.index_cast %multiple_of3A_632 : i32 to index
            %get3A_635 = tpu.vector_load %arg12[%get3A_633, %get3A_634] {strides = array<i32>} : memref<32x128xf32, #tpu.memory_space<vmem>>, vector<1x16xf32>,
            %get3A_636 = vector.shape_cast %get3A_635 : vector<1x16xf32> to vector<16xf32>
            %mul3A_637 = arith.mulf %get3A_636, %gather3A_623 : vector<16xf32>
            %swap3A_638 = arith.index_cast %add3A_627 : i32 to index
            %swap3A_639 = arith.constant 0 : index
            %swap3A_640 = tpu.vector_load %arg14[%swap3A_638, %swap3A_639] {strides = array<i32>} : memref<32x32xf32, #tpu.memory_space<vmem>>, vector<1x16xf32>,
            %swap3A_641 = vector.shape_cast %swap3A_640 : vector<1x16xf32> to vector<16xf32>
            %swap3A_642 = vector.shape_cast %mul3A_637 : vector<16xf32> to vector<1x16xf32>
            tpu.vector_store %arg14[%swap3A_638, %swap3A_639], %swap3A_642 {strides = array<i32>} : memref<32x32xf32, #tpu.memory_space<vmem>>, vector<1x16xf32>,
            %mul3A_643 = arith.constant 32 : i32
            %mul3A_644 = arith.muli %mul3A_643, %scan3A_15 : i32
            %add3A_645 = arith.constant 16 : i32
            %add3A_646 = arith.addi %mul3A_644, %add3A_645 : i32
            %multiple_of3A_647 = tpu.assume_multiple %add3A_646, 16 : i32
            %get3A_648 = arith.index_cast %add3A_627 : i32 to index
            %get3A_649 = arith.index_cast %multiple_of3A_647 : i32 to index
            %get3A_650 = tpu.vector_load %arg12[%get3A_648, %get3A_649] {strides = array<i32>} : memref<32x128xf32, #tpu.memory_space<vmem>>, vector<1x16xf32>,
            %get3A_651 = vector.shape_cast %get3A_650 : vector<1x16xf32> to vector<16xf32>
            %mul3A_652 = arith.mulf %get3A_651, %gather3A_623 : vector<16xf32>
            %swap3A_653 = arith.index_cast %add3A_627 : i32 to index
            %swap3A_654 = arith.constant 16 : index
            %swap3A_655 = tpu.vector_load %arg14[%swap3A_653, %swap3A_654] {strides = array<i32>} : memref<32x32xf32, #tpu.memory_space<vmem>>, vector<1x16xf32>,
            %swap3A_656 = vector.shape_cast %swap3A_655 : vector<1x16xf32> to vector<16xf32>
            %swap3A_657 = vector.shape_cast %mul3A_652 : vector<16xf32> to vector<1x16xf32>
            tpu.vector_store %arg14[%swap3A_653, %swap3A_654], %swap3A_657 {strides = array<i32>} : memref<32x32xf32, #tpu.memory_space<vmem>>, vector<1x16xf32>,
            %broadcast_in_dim3A_658 = arith.constant 13 : i32
            %broadcast_in_dim3A_659 = vector.broadcast %broadcast_in_dim3A_658 : i32 to vector<16x1xi32>
            %gather3A_660 = vector.shape_cast %broadcast_in_dim3A_659 : vector<16x1xi32> to vector<16xi32>
            %gather3A_661 = tpu.dynamic_gather %get3A_166[%gather3A_660] in [0] : vector<16xf32>, vector<16xi32> -> vector<16xf32>
            %mul3A_662 = arith.constant 16 : i32
            %mul3A_663 = arith.muli %mul3A_662, %scan3A_159 : i32
            %add3A_664 = arith.constant 13 : i32
            %add3A_665 = arith.addi %mul3A_663, %add3A_664 : i32
            %mul3A_666 = arith.constant 32 : i32
            %mul3A_667 = arith.muli %mul3A_666, %scan3A_15 : i32
            %add3A_668 = arith.constant 0 : i32
            %add3A_669 = arith.addi %mul3A_667, %add3A_668 : i32
            %multiple_of3A_670 = tpu.assume_multiple %add3A_669, 16 : i32
            %get3A_671 = arith.index_cast %add3A_665 : i32 to index
            %get3A_672 = arith.index_cast %multiple_of3A_670 : i32 to index
            %get3A_673 = tpu.vector_load %arg12[%get3A_671, %get3A_672] {strides = array<i32>} : memref<32x128xf32, #tpu.memory_space<vmem>>, vector<1x16xf32>,
            %get3A_674 = vector.shape_cast %get3A_673 : vector<1x16xf32> to vector<16xf32>
            %mul3A_675 = arith.mulf %get3A_674, %gather3A_661 : vector<16xf32>
            %swap3A_676 = arith.index_cast %add3A_665 : i32 to index
            %swap3A_677 = arith.constant 0 : index
            %swap3A_678 = tpu.vector_load %arg14[%swap3A_676, %swap3A_677] {strides = array<i32>} : memref<32x32xf32, #tpu.memory_space<vmem>>, vector<1x16xf32>,
            %swap3A_679 = vector.shape_cast %swap3A_678 : vector<1x16xf32> to vector<16xf32>
            %swap3A_680 = vector.shape_cast %mul3A_675 : vector<16xf32> to vector<1x16xf32>
            tpu.vector_store %arg14[%swap3A_676, %swap3A_677], %swap3A_680 {strides = array<i32>} : memref<32x32xf32, #tpu.memory_space<vmem>>, vector<1x16xf32>,
            %mul3A_681 = arith.constant 32 : i32
            %mul3A_682 = arith.muli %mul3A_681, %scan3A_15 : i32
            %add3A_683 = arith.constant 16 : i32
            %add3A_684 = arith.addi %mul3A_682, %add3A_683 : i32
            %multiple_of3A_685 = tpu.assume_multiple %add3A_684, 16 : i32
            %get3A_686 = arith.index_cast %add3A_665 : i32 to index
            %get3A_687 = arith.index_cast %multiple_of3A_685 : i32 to index
            %get3A_688 = tpu.vector_load %arg12[%get3A_686, %get3A_687] {strides = array<i32>} : memref<32x128xf32, #tpu.memory_space<vmem>>, vector<1x16xf32>,
            %get3A_689 = vector.shape_cast %get3A_688 : vector<1x16xf32> to vector<16xf32>
            %mul3A_690 = arith.mulf %get3A_689, %gather3A_661 : vector<16xf32>
            %swap3A_691 = arith.index_cast %add3A_665 : i32 to index
            %swap3A_692 = arith.constant 16 : index
            %swap3A_693 = tpu.vector_load %arg14[%swap3A_691, %swap3A_692] {strides = array<i32>} : memref<32x32xf32, #tpu.memory_space<vmem>>, vector<1x16xf32>,
            %swap3A_694 = vector.shape_cast %swap3A_693 : vector<1x16xf32> to vector<16xf32>
            %swap3A_695 = vector.shape_cast %mul3A_690 : vector<16xf32> to vector<1x16xf32>
            tpu.vector_store %arg14[%swap3A_691, %swap3A_692], %swap3A_695 {strides = array<i32>} : memref<32x32xf32, #tpu.memory_space<vmem>>, vector<1x16xf32>,
            %broadcast_in_dim3A_696 = arith.constant 14 : i32
            %broadcast_in_dim3A_697 = vector.broadcast %broadcast_in_dim3A_696 : i32 to vector<16x1xi32>
            %gather3A_698 = vector.shape_cast %broadcast_in_dim3A_697 : vector<16x1xi32> to vector<16xi32>
            %gather3A_699 = tpu.dynamic_gather %get3A_166[%gather3A_698] in [0] : vector<16xf32>, vector<16xi32> -> vector<16xf32>
            %mul3A_700 = arith.constant 16 : i32
            %mul3A_701 = arith.muli %mul3A_700, %scan3A_159 : i32
            %add3A_702 = arith.constant 14 : i32
            %add3A_703 = arith.addi %mul3A_701, %add3A_702 : i32
            %mul3A_704 = arith.constant 32 : i32
            %mul3A_705 = arith.muli %mul3A_704, %scan3A_15 : i32
            %add3A_706 = arith.constant 0 : i32
            %add3A_707 = arith.addi %mul3A_705, %add3A_706 : i32
            %multiple_of3A_708 = tpu.assume_multiple %add3A_707, 16 : i32
            %get3A_709 = arith.index_cast %add3A_703 : i32 to index
            %get3A_710 = arith.index_cast %multiple_of3A_708 : i32 to index
            %get3A_711 = tpu.vector_load %arg12[%get3A_709, %get3A_710] {strides = array<i32>} : memref<32x128xf32, #tpu.memory_space<vmem>>, vector<1x16xf32>,
            %get3A_712 = vector.shape_cast %get3A_711 : vector<1x16xf32> to vector<16xf32>
            %mul3A_713 = arith.mulf %get3A_712, %gather3A_699 : vector<16xf32>
            %swap3A_714 = arith.index_cast %add3A_703 : i32 to index
            %swap3A_715 = arith.constant 0 : index
            %swap3A_716 = tpu.vector_load %arg14[%swap3A_714, %swap3A_715] {strides = array<i32>} : memref<32x32xf32, #tpu.memory_space<vmem>>, vector<1x16xf32>,
            %swap3A_717 = vector.shape_cast %swap3A_716 : vector<1x16xf32> to vector<16xf32>
            %swap3A_718 = vector.shape_cast %mul3A_713 : vector<16xf32> to vector<1x16xf32>
            tpu.vector_store %arg14[%swap3A_714, %swap3A_715], %swap3A_718 {strides = array<i32>} : memref<32x32xf32, #tpu.memory_space<vmem>>, vector<1x16xf32>,
            %mul3A_719 = arith.constant 32 : i32
            %mul3A_720 = arith.muli %mul3A_719, %scan3A_15 : i32
            %add3A_721 = arith.constant 16 : i32
            %add3A_722 = arith.addi %mul3A_720, %add3A_721 : i32
            %multiple_of3A_723 = tpu.assume_multiple %add3A_722, 16 : i32
            %get3A_724 = arith.index_cast %add3A_703 : i32 to index
            %get3A_725 = arith.index_cast %multiple_of3A_723 : i32 to index
            %get3A_726 = tpu.vector_load %arg12[%get3A_724, %get3A_725] {strides = array<i32>} : memref<32x128xf32, #tpu.memory_space<vmem>>, vector<1x16xf32>,
            %get3A_727 = vector.shape_cast %get3A_726 : vector<1x16xf32> to vector<16xf32>
            %mul3A_728 = arith.mulf %get3A_727, %gather3A_699 : vector<16xf32>
            %swap3A_729 = arith.index_cast %add3A_703 : i32 to index
            %swap3A_730 = arith.constant 16 : index
            %swap3A_731 = tpu.vector_load %arg14[%swap3A_729, %swap3A_730] {strides = array<i32>} : memref<32x32xf32, #tpu.memory_space<vmem>>, vector<1x16xf32>,
            %swap3A_732 = vector.shape_cast %swap3A_731 : vector<1x16xf32> to vector<16xf32>
            %swap3A_733 = vector.shape_cast %mul3A_728 : vector<16xf32> to vector<1x16xf32>
            tpu.vector_store %arg14[%swap3A_729, %swap3A_730], %swap3A_733 {strides = array<i32>} : memref<32x32xf32, #tpu.memory_space<vmem>>, vector<1x16xf32>,
            %broadcast_in_dim3A_734 = arith.constant 15 : i32
            %broadcast_in_dim3A_735 = vector.broadcast %broadcast_in_dim3A_734 : i32 to vector<16x1xi32>
            %gather3A_736 = vector.shape_cast %broadcast_in_dim3A_735 : vector<16x1xi32> to vector<16xi32>
            %gather3A_737 = tpu.dynamic_gather %get3A_166[%gather3A_736] in [0] : vector<16xf32>, vector<16xi32> -> vector<16xf32>
            %mul3A_738 = arith.constant 16 : i32
            %mul3A_739 = arith.muli %mul3A_738, %scan3A_159 : i32
            %add3A_740 = arith.constant 15 : i32
            %add3A_741 = arith.addi %mul3A_739, %add3A_740 : i32
            %mul3A_742 = arith.constant 32 : i32
            %mul3A_743 = arith.muli %mul3A_742, %scan3A_15 : i32
            %add3A_744 = arith.constant 0 : i32
            %add3A_745 = arith.addi %mul3A_743, %add3A_744 : i32
            %multiple_of3A_746 = tpu.assume_multiple %add3A_745, 16 : i32
            %get3A_747 = arith.index_cast %add3A_741 : i32 to index
            %get3A_748 = arith.index_cast %multiple_of3A_746 : i32 to index
            %get3A_749 = tpu.vector_load %arg12[%get3A_747, %get3A_748] {strides = array<i32>} : memref<32x128xf32, #tpu.memory_space<vmem>>, vector<1x16xf32>,
            %get3A_750 = vector.shape_cast %get3A_749 : vector<1x16xf32> to vector<16xf32>
            %mul3A_751 = arith.mulf %get3A_750, %gather3A_737 : vector<16xf32>
            %swap3A_752 = arith.index_cast %add3A_741 : i32 to index
            %swap3A_753 = arith.constant 0 : index
            %swap3A_754 = tpu.vector_load %arg14[%swap3A_752, %swap3A_753] {strides = array<i32>} : memref<32x32xf32, #tpu.memory_space<vmem>>, vector<1x16xf32>,
            %swap3A_755 = vector.shape_cast %swap3A_754 : vector<1x16xf32> to vector<16xf32>
            %swap3A_756 = vector.shape_cast %mul3A_751 : vector<16xf32> to vector<1x16xf32>
            tpu.vector_store %arg14[%swap3A_752, %swap3A_753], %swap3A_756 {strides = array<i32>} : memref<32x32xf32, #tpu.memory_space<vmem>>, vector<1x16xf32>,
            %mul3A_757 = arith.constant 32 : i32
            %mul3A_758 = arith.muli %mul3A_757, %scan3A_15 : i32
            %add3A_759 = arith.constant 16 : i32
            %add3A_760 = arith.addi %mul3A_758, %add3A_759 : i32
            %multiple_of3A_761 = tpu.assume_multiple %add3A_760, 16 : i32
            %get3A_762 = arith.index_cast %add3A_741 : i32 to index
            %get3A_763 = arith.index_cast %multiple_of3A_761 : i32 to index
            %get3A_764 = tpu.vector_load %arg12[%get3A_762, %get3A_763] {strides = array<i32>} : memref<32x128xf32, #tpu.memory_space<vmem>>, vector<1x16xf32>,
            %get3A_765 = vector.shape_cast %get3A_764 : vector<1x16xf32> to vector<16xf32>
            %mul3A_766 = arith.mulf %get3A_765, %gather3A_737 : vector<16xf32>
            %swap3A_767 = arith.index_cast %add3A_741 : i32 to index
            %swap3A_768 = arith.constant 16 : index
            %swap3A_769 = tpu.vector_load %arg14[%swap3A_767, %swap3A_768] {strides = array<i32>} : memref<32x32xf32, #tpu.memory_space<vmem>>, vector<1x16xf32>,
            %swap3A_770 = vector.shape_cast %swap3A_769 : vector<1x16xf32> to vector<16xf32>
            %swap3A_771 = vector.shape_cast %mul3A_766 : vector<16xf32> to vector<1x16xf32>
            tpu.vector_store %arg14[%swap3A_767, %swap3A_768], %swap3A_771 {strides = array<i32>} : memref<32x32xf32, #tpu.memory_space<vmem>>, vector<1x16xf32>,
            %scan3A_772 = arith.constant 0 : i32
            scf.yield %scan3A_772 : i32
          }
          %scan3A_144 = arith.constant 2 : i32
          %dma_start3A_145 = arith.constant 0 : i32
          %dma_start3A_146 = tpu.memref_slice %arg9[%add3A_99, %dma_start3A_145] : memref<80x32xi32, #tpu.memory_space<vmem>> -> memref<1x32xi32, #tpu.memory_space<vmem>>
          %dma_start3A_147 = tpu.memref_squeeze %dma_start3A_146 : memref<1x32xi32, #tpu.memory_space<vmem>> -> memref<32xi32, #tpu.memory_space<vmem>>
          %dma_start3A_148 = arith.constant 0 : i32
          %dma_start3A_149 = arith.constant 0 : i32
          %dma_start3A_150 = tpu.memref_slice %arg7[%dma_start3A_148, %dma_start3A_149] : memref<50176x32xf32, #tpu.memory_space<vmem_shared>> -> memref<50176x32xf32, #tpu.memory_space<vmem_shared>>
          tpu.enqueue_indirect_dma source(%arg14 : memref<32x32xf32, #tpu.memory_space<vmem>>) target(%dma_start3A_150 : memref<50176x32xf32, #tpu.memory_space<vmem_shared>>) offsets(%dma_start3A_147 : memref<32xi32, #tpu.memory_space<vmem>>) semaphore(%arg19 : memref<!tpu.dma_semaphore, #tpu.memory_space<semaphore_mem>>) {add = true}
          %add3A_151 = arith.constant 2 : i32
          %add3A_152 = arith.addi %add3A_99, %add3A_151 : i32
          %lt3A_153 = arith.constant 80 : i32
          %lt3A_154 = arith.cmpi slt, %add3A_152, %lt3A_153 : i32
          %convert_element_type3A_155 = arith.extui %lt3A_154 : i1 to i32
          %cond3A_156 = arith.constant 0 : i32
          %cond3A_157 = arith.cmpi ne, %convert_element_type3A_155, %cond3A_156 : i32
          scf.if %cond3A_157 {
            %add3A_159 = arith.constant 2 : i32
            %add3A_160 = arith.addi %add3A_99, %add3A_159 : i32
            %dma_start3A_161 = arith.constant 0 : i32
            %dma_start3A_162 = tpu.memref_slice %arg8[%add3A_160, %dma_start3A_161] : memref<80x32xi32, #tpu.memory_space<vmem>> -> memref<1x32xi32, #tpu.memory_space<vmem>>
            %dma_start3A_163 = tpu.memref_squeeze %dma_start3A_162 : memref<1x32xi32, #tpu.memory_space<vmem>> -> memref<32xi32, #tpu.memory_space<vmem>>
            %dma_start3A_164 = arith.constant 0 : i32
            %dma_start3A_165 = arith.constant 0 : i32
            %dma_start3A_166 = tpu.memref_slice %arg5[%dma_start3A_164, %dma_start3A_165] : memref<50176x128xf32, #tpu.memory_space<hbm>> -> memref<50176x128xf32, #tpu.memory_space<hbm>>
            tpu.enqueue_indirect_dma source(%dma_start3A_166 : memref<50176x128xf32, #tpu.memory_space<hbm>>) target(%arg12 : memref<32x128xf32, #tpu.memory_space<vmem>>) offsets(%dma_start3A_163 : memref<32xi32, #tpu.memory_space<vmem>>) semaphore(%arg17 : memref<!tpu.dma_semaphore, #tpu.memory_space<semaphore_mem>>)
          } else {
          }
          %scan3A_158 = arith.constant 0 : i32
          scf.yield %scan3A_158 : i32
        }
        %scan3A_81 = arith.constant 40 : i32
        %dma_wait3A = arith.constant 0 : i32
        %dma_wait3A_82 = arith.constant 0 : i32
        %dma_wait3A_83 = tpu.memref_slice %arg7[%dma_wait3A, %dma_wait3A_82] : memref<50176x32xf32, #tpu.memory_space<vmem_shared>> -> memref<32x32xf32, #tpu.memory_space<vmem_shared>>
        %dma_wait3A_84 = arith.constant 0 : i32
        %dma_wait3A_85 = arith.constant 0 : i32
        %dma_wait3A_86 = tpu.memref_slice %arg7[%dma_wait3A_84, %dma_wait3A_85] : memref<50176x32xf32, #tpu.memory_space<vmem_shared>> -> memref<32x32xf32, #tpu.memory_space<vmem_shared>>
        tpu.wait_dma2 semaphore(%arg18 : memref<!tpu.dma_semaphore, #tpu.memory_space<semaphore_mem>>) src(%arg13 : memref<32x32xf32, #tpu.memory_space<vmem>>) dst(%dma_wait3A_86 : memref<32x32xf32, #tpu.memory_space<vmem_shared>>)
        %dma_wait3A_87 = arith.constant 0 : i32
        %dma_wait3A_88 = arith.constant 0 : i32
        %dma_wait3A_89 = tpu.memref_slice %arg7[%dma_wait3A_87, %dma_wait3A_88] : memref<50176x32xf32, #tpu.memory_space<vmem_shared>> -> memref<32x32xf32, #tpu.memory_space<vmem_shared>>
        %dma_wait3A_90 = arith.constant 0 : i32
        %dma_wait3A_91 = arith.constant 0 : i32
        %dma_wait3A_92 = tpu.memref_slice %arg7[%dma_wait3A_90, %dma_wait3A_91] : memref<50176x32xf32, #tpu.memory_space<vmem_shared>> -> memref<32x32xf32, #tpu.memory_space<vmem_shared>>
        tpu.wait_dma2 semaphore(%arg19 : memref<!tpu.dma_semaphore, #tpu.memory_space<semaphore_mem>>) src(%arg14 : memref<32x32xf32, #tpu.memory_space<vmem>>) dst(%dma_wait3A_92 : memref<32x32xf32, #tpu.memory_space<vmem_shared>>)
        %while3A_93 = arith.constant 0 : i32
        scf.yield %while3A_93 : i32
      }
      %while3A_40 = arith.constant 1 : i32
      %while3A_41 = scf.for %while3A_57 = %while3A_37 to %while3A_33 step %while3A_40 iter_args(%while3A_58 = %while3A_39) -> (i32)  : i32 {
        %mul3A_59 = arith.constant 80 : i32
        %mul3A_60 = arith.muli %mul3A_59, %while3A_57 : i32
        %add3A_61 = arith.addi %select_n3A, %mul3A_60 : i32
        %multiple_of3A = tpu.assume_multiple %add3A_61, 8 : i32
        "tpu.region"() ({
          %run_scoped3A = tpu.sem_alloc : memref<!tpu.dma_semaphore, #tpu.memory_space<semaphore_mem>>
          %dma_start3A_94 = arith.constant 0 : i32
          %dma_start3A_95 = tpu.memref_slice %arg2[%multiple_of3A, %dma_start3A_94] : memref<25600x32xi32, #tpu.memory_space<hbm>> -> memref<80x32xi32, #tpu.memory_space<hbm>>
          %dma_start3A_96 = arith.constant 0 : i32
          %dma_start3A_97 = tpu.memref_slice %arg2[%multiple_of3A, %dma_start3A_96] : memref<25600x32xi32, #tpu.memory_space<hbm>> -> memref<80x32xi32, #tpu.memory_space<hbm>>
          tpu.enqueue_dma source(%dma_start3A_97 : memref<80x32xi32, #tpu.memory_space<hbm>>) target(%arg8 : memref<80x32xi32, #tpu.memory_space<vmem>>) target_semaphore(%run_scoped3A : memref<!tpu.dma_semaphore, #tpu.memory_space<semaphore_mem>>)
          %dma_wait3A_98 = arith.constant 0 : i32
          %dma_wait3A_99 = tpu.memref_slice %arg2[%multiple_of3A, %dma_wait3A_98] : memref<25600x32xi32, #tpu.memory_space<hbm>> -> memref<80x32xi32, #tpu.memory_space<hbm>>
          %dma_wait3A_100 = arith.constant 0 : i32
          %dma_wait3A_101 = tpu.memref_slice %arg2[%multiple_of3A, %dma_wait3A_100] : memref<25600x32xi32, #tpu.memory_space<hbm>> -> memref<80x32xi32, #tpu.memory_space<hbm>>
          tpu.wait_dma2 semaphore(%run_scoped3A : memref<!tpu.dma_semaphore, #tpu.memory_space<semaphore_mem>>) src(%dma_wait3A_101 : memref<80x32xi32, #tpu.memory_space<hbm>>) dst(%arg8 : memref<80x32xi32, #tpu.memory_space<vmem>>)
          tpu.yield
        }) : () -> ()
        "tpu.region"() ({
          %run_scoped3A = tpu.sem_alloc : memref<!tpu.dma_semaphore, #tpu.memory_space<semaphore_mem>>
          %dma_start3A_94 = arith.constant 0 : i32
          %dma_start3A_95 = tpu.memref_slice %arg3[%multiple_of3A, %dma_start3A_94] : memref<25600x32xi32, #tpu.memory_space<hbm>> -> memref<80x32xi32, #tpu.memory_space<hbm>>
          %dma_start3A_96 = arith.constant 0 : i32
          %dma_start3A_97 = tpu.memref_slice %arg3[%multiple_of3A, %dma_start3A_96] : memref<25600x32xi32, #tpu.memory_space<hbm>> -> memref<80x32xi32, #tpu.memory_space<hbm>>
          tpu.enqueue_dma source(%dma_start3A_97 : memref<80x32xi32, #tpu.memory_space<hbm>>) target(%arg9 : memref<80x32xi32, #tpu.memory_space<vmem>>) target_semaphore(%run_scoped3A : memref<!tpu.dma_semaphore, #tpu.memory_space<semaphore_mem>>)
          %dma_wait3A_98 = arith.constant 0 : i32
          %dma_wait3A_99 = tpu.memref_slice %arg3[%multiple_of3A, %dma_wait3A_98] : memref<25600x32xi32, #tpu.memory_space<hbm>> -> memref<80x32xi32, #tpu.memory_space<hbm>>
          %dma_wait3A_100 = arith.constant 0 : i32
          %dma_wait3A_101 = tpu.memref_slice %arg3[%multiple_of3A, %dma_wait3A_100] : memref<25600x32xi32, #tpu.memory_space<hbm>> -> memref<80x32xi32, #tpu.memory_space<hbm>>
          tpu.wait_dma2 semaphore(%run_scoped3A : memref<!tpu.dma_semaphore, #tpu.memory_space<semaphore_mem>>) src(%dma_wait3A_101 : memref<80x32xi32, #tpu.memory_space<hbm>>) dst(%arg9 : memref<80x32xi32, #tpu.memory_space<vmem>>)
          tpu.yield
        }) : () -> ()
        "tpu.region"() ({
          %run_scoped3A = tpu.sem_alloc : memref<!tpu.dma_semaphore, #tpu.memory_space<semaphore_mem>>
          %dma_start3A_94 = arith.constant 0 : i32
          %dma_start3A_95 = tpu.memref_slice %arg4[%multiple_of3A, %dma_start3A_94] : memref<25600x32xf32, #tpu.memory_space<hbm>> -> memref<80x32xf32, #tpu.memory_space<hbm>>
          %dma_start3A_96 = arith.constant 0 : i32
          %dma_start3A_97 = tpu.memref_slice %arg4[%multiple_of3A, %dma_start3A_96] : memref<25600x32xf32, #tpu.memory_space<hbm>> -> memref<80x32xf32, #tpu.memory_space<hbm>>
          tpu.enqueue_dma source(%dma_start3A_97 : memref<80x32xf32, #tpu.memory_space<hbm>>) target(%arg10 : memref<80x32xf32, #tpu.memory_space<vmem>>) target_semaphore(%run_scoped3A : memref<!tpu.dma_semaphore, #tpu.memory_space<semaphore_mem>>)
          %dma_wait3A_98 = arith.constant 0 : i32
          %dma_wait3A_99 = tpu.memref_slice %arg4[%multiple_of3A, %dma_wait3A_98] : memref<25600x32xf32, #tpu.memory_space<hbm>> -> memref<80x32xf32, #tpu.memory_space<hbm>>
          %dma_wait3A_100 = arith.constant 0 : i32
          %dma_wait3A_101 = tpu.memref_slice %arg4[%multiple_of3A, %dma_wait3A_100] : memref<25600x32xf32, #tpu.memory_space<hbm>> -> memref<80x32xf32, #tpu.memory_space<hbm>>
          tpu.wait_dma2 semaphore(%run_scoped3A : memref<!tpu.dma_semaphore, #tpu.memory_space<semaphore_mem>>) src(%dma_wait3A_101 : memref<80x32xf32, #tpu.memory_space<hbm>>) dst(%arg10 : memref<80x32xf32, #tpu.memory_space<vmem>>)
          tpu.yield
        }) : () -> ()
        %dma_start3A = arith.constant 0 : i32
        %dma_start3A_62 = arith.constant 0 : i32
        %dma_start3A_63 = tpu.memref_slice %arg8[%dma_start3A, %dma_start3A_62] : memref<80x32xi32, #tpu.memory_space<vmem>> -> memref<1x32xi32, #tpu.memory_space<vmem>>
        %dma_start3A_64 = tpu.memref_squeeze %dma_start3A_63 : memref<1x32xi32, #tpu.memory_space<vmem>> -> memref<32xi32, #tpu.memory_space<vmem>>
        %dma_start3A_65 = arith.constant 0 : i32
        %dma_start3A_66 = arith.constant 0 : i32
        %dma_start3A_67 = tpu.memref_slice %arg5[%dma_start3A_65, %dma_start3A_66] : memref<50176x128xf32, #tpu.memory_space<hbm>> -> memref<50176x128xf32, #tpu.memory_space<hbm>>
        tpu.enqueue_indirect_dma source(%dma_start3A_67 : memref<50176x128xf32, #tpu.memory_space<hbm>>) target(%arg11 : memref<32x128xf32, #tpu.memory_space<vmem>>) offsets(%dma_start3A_64 : memref<32xi32, #tpu.memory_space<vmem>>) semaphore(%arg16 : memref<!tpu.dma_semaphore, #tpu.memory_space<semaphore_mem>>)
        %dma_start3A_68 = arith.constant 1 : i32
        %dma_start3A_69 = arith.constant 0 : i32
        %dma_start3A_70 = tpu.memref_slice %arg8[%dma_start3A_68, %dma_start3A_69] : memref<80x32xi32, #tpu.memory_space<vmem>> -> memref<1x32xi32, #tpu.memory_space<vmem>>
        %dma_start3A_71 = tpu.memref_squeeze %dma_start3A_70 : memref<1x32xi32, #tpu.memory_space<vmem>> -> memref<32xi32, #tpu.memory_space<vmem>>
        %dma_start3A_72 = arith.constant 0 : i32
        %dma_start3A_73 = arith.constant 0 : i32
        %dma_start3A_74 = tpu.memref_slice %arg5[%dma_start3A_72, %dma_start3A_73] : memref<50176x128xf32, #tpu.memory_space<hbm>> -> memref<50176x128xf32, #tpu.memory_space<hbm>>
        tpu.enqueue_indirect_dma source(%dma_start3A_74 : memref<50176x128xf32, #tpu.memory_space<hbm>>) target(%arg12 : memref<32x128xf32, #tpu.memory_space<vmem>>) offsets(%dma_start3A_71 : memref<32xi32, #tpu.memory_space<vmem>>) semaphore(%arg17 : memref<!tpu.dma_semaphore, #tpu.memory_space<semaphore_mem>>)
        %scan3A_75 = arith.constant 0 : i32
        %scan3A_76 = arith.constant 0 : i32
        %scan3A_77 = arith.constant 40 : i32
        %scan3A_78 = arith.addi %scan3A_76, %scan3A_77 : i32
        %scan3A_79 = arith.constant 1 : i32
        %scan3A_80 = scf.for %scan3A_94 = %scan3A_76 to %scan3A_78 step %scan3A_79 iter_args(%scan3A_95 = %scan3A_75) -> (i32)  : i32 {
          %mul3A_96 = arith.constant 2 : i32
          %mul3A_97 = arith.muli %mul3A_96, %scan3A_94 : i32
          %add3A_98 = arith.constant 1 : i32
          %add3A_99 = arith.addi %mul3A_97, %add3A_98 : i32
          %dma_wait3A_100 = arith.constant 0 : i32
          %dma_wait3A_101 = arith.constant 0 : i32
          %dma_wait3A_102 = tpu.memref_slice %arg5[%dma_wait3A_100, %dma_wait3A_101] : memref<50176x128xf32, #tpu.memory_space<hbm>> -> memref<32x128xf32, #tpu.memory_space<hbm>>
          %dma_wait3A_103 = arith.constant 0 : i32
          %dma_wait3A_104 = arith.constant 0 : i32
          %dma_wait3A_105 = tpu.memref_slice %arg5[%dma_wait3A_103, %dma_wait3A_104] : memref<50176x128xf32, #tpu.memory_space<hbm>> -> memref<32x128xf32, #tpu.memory_space<hbm>>
          tpu.wait_dma2 semaphore(%arg16 : memref<!tpu.dma_semaphore, #tpu.memory_space<semaphore_mem>>) src(%dma_wait3A_105 : memref<32x128xf32, #tpu.memory_space<hbm>>) dst(%arg11 : memref<32x128xf32, #tpu.memory_space<vmem>>)
          %gt3A = arith.constant 0 : i32
          %gt3A_106 = arith.cmpi sgt, %scan3A_94, %gt3A : i32
          %convert_element_type3A = arith.extui %gt3A_106 : i1 to i32
          %cond3A = arith.constant 0 : i32
          %cond3A_107 = arith.cmpi ne, %convert_element_type3A, %cond3A : i32
          scf.if %cond3A_107 {
            %dma_wait3A_159 = arith.constant 0 : i32
            %dma_wait3A_160 = arith.constant 0 : i32
            %dma_wait3A_161 = tpu.memref_slice %arg7[%dma_wait3A_159, %dma_wait3A_160] : memref<50176x32xf32, #tpu.memory_space<vmem_shared>> -> memref<32x32xf32, #tpu.memory_space<vmem_shared>>
            %dma_wait3A_162 = arith.constant 0 : i32
            %dma_wait3A_163 = arith.constant 0 : i32
            %dma_wait3A_164 = tpu.memref_slice %arg7[%dma_wait3A_162, %dma_wait3A_163] : memref<50176x32xf32, #tpu.memory_space<vmem_shared>> -> memref<32x32xf32, #tpu.memory_space<vmem_shared>>
            tpu.wait_dma2 semaphore(%arg18 : memref<!tpu.dma_semaphore, #tpu.memory_space<semaphore_mem>>) src(%arg13 : memref<32x32xf32, #tpu.memory_space<vmem>>) dst(%dma_wait3A_164 : memref<32x32xf32, #tpu.memory_space<vmem_shared>>)
          } else {
          }
          %scan3A_108 = arith.constant 0 : i32
          %scan3A_109 = arith.constant 0 : i32
          %scan3A_110 = arith.constant 2 : i32
          %scan3A_111 = arith.addi %scan3A_109, %scan3A_110 : i32
          %scan3A_112 = arith.constant 1 : i32
          %scan3A_113 = scf.for %scan3A_159 = %scan3A_109 to %scan3A_111 step %scan3A_112 iter_args(%scan3A_160 = %scan3A_108) -> (i32)  : i32 {
            %mul3A_161 = arith.constant 16 : i32
            %mul3A_162 = arith.muli %mul3A_161, %scan3A_159 : i32
            %multiple_of3A_163 = tpu.assume_multiple %mul3A_162, 16 : i32
            %get3A = arith.index_cast %mul3A_97 : i32 to index
            %get3A_164 = arith.index_cast %multiple_of3A_163 : i32 to index
            %get3A_165 = tpu.vector_load %arg10[%get3A, %get3A_164] {strides = array<i32>} : memref<80x32xf32, #tpu.memory_space<vmem>>, vector<1x16xf32>,
            %get3A_166 = vector.shape_cast %get3A_165 : vector<1x16xf32> to vector<16xf32>
            %broadcast_in_dim3A = arith.constant 0 : i32
            %broadcast_in_dim3A_167 = vector.broadcast %broadcast_in_dim3A : i32 to vector<16x1xi32>
            %gather3A = vector.shape_cast %broadcast_in_dim3A_167 : vector<16x1xi32> to vector<16xi32>
            %gather3A_168 = tpu.dynamic_gather %get3A_166[%gather3A] in [0] : vector<16xf32>, vector<16xi32> -> vector<16xf32>
            %mul3A_169 = arith.constant 16 : i32
            %mul3A_170 = arith.muli %mul3A_169, %scan3A_159 : i32
            %add3A_171 = arith.constant 0 : i32
            %add3A_172 = arith.addi %mul3A_170, %add3A_171 : i32
            %mul3A_173 = arith.constant 32 : i32
            %mul3A_174 = arith.muli %mul3A_173, %scan3A_15 : i32
            %add3A_175 = arith.constant 0 : i32
            %add3A_176 = arith.addi %mul3A_174, %add3A_175 : i32
            %multiple_of3A_177 = tpu.assume_multiple %add3A_176, 16 : i32
            %get3A_178 = arith.index_cast %add3A_172 : i32 to index
            %get3A_179 = arith.index_cast %multiple_of3A_177 : i32 to index
            %get3A_180 = tpu.vector_load %arg11[%get3A_178, %get3A_179] {strides = array<i32>} : memref<32x128xf32, #tpu.memory_space<vmem>>, vector<1x16xf32>,
            %get3A_181 = vector.shape_cast %get3A_180 : vector<1x16xf32> to vector<16xf32>
            %mul3A_182 = arith.mulf %get3A_181, %gather3A_168 : vector<16xf32>
            %swap3A = arith.index_cast %add3A_172 : i32 to index
            %swap3A_183 = arith.constant 0 : index
            %swap3A_184 = tpu.vector_load %arg13[%swap3A, %swap3A_183] {strides = array<i32>} : memref<32x32xf32, #tpu.memory_space<vmem>>, vector<1x16xf32>,
            %swap3A_185 = vector.shape_cast %swap3A_184 : vector<1x16xf32> to vector<16xf32>
            %swap3A_186 = vector.shape_cast %mul3A_182 : vector<16xf32> to vector<1x16xf32>
            tpu.vector_store %arg13[%swap3A, %swap3A_183], %swap3A_186 {strides = array<i32>} : memref<32x32xf32, #tpu.memory_space<vmem>>, vector<1x16xf32>,
            %mul3A_187 = arith.constant 32 : i32
            %mul3A_188 = arith.muli %mul3A_187, %scan3A_15 : i32
            %add3A_189 = arith.constant 16 : i32
            %add3A_190 = arith.addi %mul3A_188, %add3A_189 : i32
            %multiple_of3A_191 = tpu.assume_multiple %add3A_190, 16 : i32
            %get3A_192 = arith.index_cast %add3A_172 : i32 to index
            %get3A_193 = arith.index_cast %multiple_of3A_191 : i32 to index
            %get3A_194 = tpu.vector_load %arg11[%get3A_192, %get3A_193] {strides = array<i32>} : memref<32x128xf32, #tpu.memory_space<vmem>>, vector<1x16xf32>,
            %get3A_195 = vector.shape_cast %get3A_194 : vector<1x16xf32> to vector<16xf32>
            %mul3A_196 = arith.mulf %get3A_195, %gather3A_168 : vector<16xf32>
            %swap3A_197 = arith.index_cast %add3A_172 : i32 to index
            %swap3A_198 = arith.constant 16 : index
            %swap3A_199 = tpu.vector_load %arg13[%swap3A_197, %swap3A_198] {strides = array<i32>} : memref<32x32xf32, #tpu.memory_space<vmem>>, vector<1x16xf32>,
            %swap3A_200 = vector.shape_cast %swap3A_199 : vector<1x16xf32> to vector<16xf32>
            %swap3A_201 = vector.shape_cast %mul3A_196 : vector<16xf32> to vector<1x16xf32>
            tpu.vector_store %arg13[%swap3A_197, %swap3A_198], %swap3A_201 {strides = array<i32>} : memref<32x32xf32, #tpu.memory_space<vmem>>, vector<1x16xf32>,
            %broadcast_in_dim3A_202 = arith.constant 1 : i32
            %broadcast_in_dim3A_203 = vector.broadcast %broadcast_in_dim3A_202 : i32 to vector<16x1xi32>
            %gather3A_204 = vector.shape_cast %broadcast_in_dim3A_203 : vector<16x1xi32> to vector<16xi32>
            %gather3A_205 = tpu.dynamic_gather %get3A_166[%gather3A_204] in [0] : vector<16xf32>, vector<16xi32> -> vector<16xf32>
            %mul3A_206 = arith.constant 16 : i32
            %mul3A_207 = arith.muli %mul3A_206, %scan3A_159 : i32
            %add3A_208 = arith.constant 1 : i32
            %add3A_209 = arith.addi %mul3A_207, %add3A_208 : i32
            %mul3A_210 = arith.constant 32 : i32
            %mul3A_211 = arith.muli %mul3A_210, %scan3A_15 : i32
            %add3A_212 = arith.constant 0 : i32
            %add3A_213 = arith.addi %mul3A_211, %add3A_212 : i32
            %multiple_of3A_214 = tpu.assume_multiple %add3A_213, 16 : i32
            %get3A_215 = arith.index_cast %add3A_209 : i32 to index
            %get3A_216 = arith.index_cast %multiple_of3A_214 : i32 to index
            %get3A_217 = tpu.vector_load %arg11[%get3A_215, %get3A_216] {strides = array<i32>} : memref<32x128xf32, #tpu.memory_space<vmem>>, vector<1x16xf32>,
            %get3A_218 = vector.shape_cast %get3A_217 : vector<1x16xf32> to vector<16xf32>
            %mul3A_219 = arith.mulf %get3A_218, %gather3A_205 : vector<16xf32>
            %swap3A_220 = arith.index_cast %add3A_209 : i32 to index
            %swap3A_221 = arith.constant 0 : index
            %swap3A_222 = tpu.vector_load %arg13[%swap3A_220, %swap3A_221] {strides = array<i32>} : memref<32x32xf32, #tpu.memory_space<vmem>>, vector<1x16xf32>,
            %swap3A_223 = vector.shape_cast %swap3A_222 : vector<1x16xf32> to vector<16xf32>
            %swap3A_224 = vector.shape_cast %mul3A_219 : vector<16xf32> to vector<1x16xf32>
            tpu.vector_store %arg13[%swap3A_220, %swap3A_221], %swap3A_224 {strides = array<i32>} : memref<32x32xf32, #tpu.memory_space<vmem>>, vector<1x16xf32>,
            %mul3A_225 = arith.constant 32 : i32
            %mul3A_226 = arith.muli %mul3A_225, %scan3A_15 : i32
            %add3A_227 = arith.constant 16 : i32
            %add3A_228 = arith.addi %mul3A_226, %add3A_227 : i32
            %multiple_of3A_229 = tpu.assume_multiple %add3A_228, 16 : i32
            %get3A_230 = arith.index_cast %add3A_209 : i32 to index
            %get3A_231 = arith.index_cast %multiple_of3A_229 : i32 to index
            %get3A_232 = tpu.vector_load %arg11[%get3A_230, %get3A_231] {strides = array<i32>} : memref<32x128xf32, #tpu.memory_space<vmem>>, vector<1x16xf32>,
            %get3A_233 = vector.shape_cast %get3A_232 : vector<1x16xf32> to vector<16xf32>
            %mul3A_234 = arith.mulf %get3A_233, %gather3A_205 : vector<16xf32>
            %swap3A_235 = arith.index_cast %add3A_209 : i32 to index
            %swap3A_236 = arith.constant 16 : index
            %swap3A_237 = tpu.vector_load %arg13[%swap3A_235, %swap3A_236] {strides = array<i32>} : memref<32x32xf32, #tpu.memory_space<vmem>>, vector<1x16xf32>,
            %swap3A_238 = vector.shape_cast %swap3A_237 : vector<1x16xf32> to vector<16xf32>
            %swap3A_239 = vector.shape_cast %mul3A_234 : vector<16xf32> to vector<1x16xf32>
            tpu.vector_store %arg13[%swap3A_235, %swap3A_236], %swap3A_239 {strides = array<i32>} : memref<32x32xf32, #tpu.memory_space<vmem>>, vector<1x16xf32>,
            %broadcast_in_dim3A_240 = arith.constant 2 : i32
            %broadcast_in_dim3A_241 = vector.broadcast %broadcast_in_dim3A_240 : i32 to vector<16x1xi32>
            %gather3A_242 = vector.shape_cast %broadcast_in_dim3A_241 : vector<16x1xi32> to vector<16xi32>
            %gather3A_243 = tpu.dynamic_gather %get3A_166[%gather3A_242] in [0] : vector<16xf32>, vector<16xi32> -> vector<16xf32>
            %mul3A_244 = arith.constant 16 : i32
            %mul3A_245 = arith.muli %mul3A_244, %scan3A_159 : i32
            %add3A_246 = arith.constant 2 : i32
            %add3A_247 = arith.addi %mul3A_245, %add3A_246 : i32
            %mul3A_248 = arith.constant 32 : i32
            %mul3A_249 = arith.muli %mul3A_248, %scan3A_15 : i32
            %add3A_250 = arith.constant 0 : i32
            %add3A_251 = arith.addi %mul3A_249, %add3A_250 : i32
            %multiple_of3A_252 = tpu.assume_multiple %add3A_251, 16 : i32
            %get3A_253 = arith.index_cast %add3A_247 : i32 to index
            %get3A_254 = arith.index_cast %multiple_of3A_252 : i32 to index
            %get3A_255 = tpu.vector_load %arg11[%get3A_253, %get3A_254] {strides = array<i32>} : memref<32x128xf32, #tpu.memory_space<vmem>>, vector<1x16xf32>,
            %get3A_256 = vector.shape_cast %get3A_255 : vector<1x16xf32> to vector<16xf32>
            %mul3A_257 = arith.mulf %get3A_256, %gather3A_243 : vector<16xf32>
            %swap3A_258 = arith.index_cast %add3A_247 : i32 to index
            %swap3A_259 = arith.constant 0 : index
            %swap3A_260 = tpu.vector_load %arg13[%swap3A_258, %swap3A_259] {strides = array<i32>} : memref<32x32xf32, #tpu.memory_space<vmem>>, vector<1x16xf32>,
            %swap3A_261 = vector.shape_cast %swap3A_260 : vector<1x16xf32> to vector<16xf32>
            %swap3A_262 = vector.shape_cast %mul3A_257 : vector<16xf32> to vector<1x16xf32>
            tpu.vector_store %arg13[%swap3A_258, %swap3A_259], %swap3A_262 {strides = array<i32>} : memref<32x32xf32, #tpu.memory_space<vmem>>, vector<1x16xf32>,
            %mul3A_263 = arith.constant 32 : i32
            %mul3A_264 = arith.muli %mul3A_263, %scan3A_15 : i32
            %add3A_265 = arith.constant 16 : i32
            %add3A_266 = arith.addi %mul3A_264, %add3A_265 : i32
            %multiple_of3A_267 = tpu.assume_multiple %add3A_266, 16 : i32
            %get3A_268 = arith.index_cast %add3A_247 : i32 to index
            %get3A_269 = arith.index_cast %multiple_of3A_267 : i32 to index
            %get3A_270 = tpu.vector_load %arg11[%get3A_268, %get3A_269] {strides = array<i32>} : memref<32x128xf32, #tpu.memory_space<vmem>>, vector<1x16xf32>,
            %get3A_271 = vector.shape_cast %get3A_270 : vector<1x16xf32> to vector<16xf32>
            %mul3A_272 = arith.mulf %get3A_271, %gather3A_243 : vector<16xf32>
            %swap3A_273 = arith.index_cast %add3A_247 : i32 to index
            %swap3A_274 = arith.constant 16 : index
            %swap3A_275 = tpu.vector_load %arg13[%swap3A_273, %swap3A_274] {strides = array<i32>} : memref<32x32xf32, #tpu.memory_space<vmem>>, vector<1x16xf32>,
            %swap3A_276 = vector.shape_cast %swap3A_275 : vector<1x16xf32> to vector<16xf32>
            %swap3A_277 = vector.shape_cast %mul3A_272 : vector<16xf32> to vector<1x16xf32>
            tpu.vector_store %arg13[%swap3A_273, %swap3A_274], %swap3A_277 {strides = array<i32>} : memref<32x32xf32, #tpu.memory_space<vmem>>, vector<1x16xf32>,
            %broadcast_in_dim3A_278 = arith.constant 3 : i32
            %broadcast_in_dim3A_279 = vector.broadcast %broadcast_in_dim3A_278 : i32 to vector<16x1xi32>
            %gather3A_280 = vector.shape_cast %broadcast_in_dim3A_279 : vector<16x1xi32> to vector<16xi32>
            %gather3A_281 = tpu.dynamic_gather %get3A_166[%gather3A_280] in [0] : vector<16xf32>, vector<16xi32> -> vector<16xf32>
            %mul3A_282 = arith.constant 16 : i32
            %mul3A_283 = arith.muli %mul3A_282, %scan3A_159 : i32
            %add3A_284 = arith.constant 3 : i32
            %add3A_285 = arith.addi %mul3A_283, %add3A_284 : i32
            %mul3A_286 = arith.constant 32 : i32
            %mul3A_287 = arith.muli %mul3A_286, %scan3A_15 : i32
            %add3A_288 = arith.constant 0 : i32
            %add3A_289 = arith.addi %mul3A_287, %add3A_288 : i32
            %multiple_of3A_290 = tpu.assume_multiple %add3A_289, 16 : i32
            %get3A_291 = arith.index_cast %add3A_285 : i32 to index
            %get3A_292 = arith.index_cast %multiple_of3A_290 : i32 to index
            %get3A_293 = tpu.vector_load %arg11[%get3A_291, %get3A_292] {strides = array<i32>} : memref<32x128xf32, #tpu.memory_space<vmem>>, vector<1x16xf32>,
            %get3A_294 = vector.shape_cast %get3A_293 : vector<1x16xf32> to vector<16xf32>
            %mul3A_295 = arith.mulf %get3A_294, %gather3A_281 : vector<16xf32>
            %swap3A_296 = arith.index_cast %add3A_285 : i32 to index
            %swap3A_297 = arith.constant 0 : index
            %swap3A_298 = tpu.vector_load %arg13[%swap3A_296, %swap3A_297] {strides = array<i32>} : memref<32x32xf32, #tpu.memory_space<vmem>>, vector<1x16xf32>,
            %swap3A_299 = vector.shape_cast %swap3A_298 : vector<1x16xf32> to vector<16xf32>
            %swap3A_300 = vector.shape_cast %mul3A_295 : vector<16xf32> to vector<1x16xf32>
            tpu.vector_store %arg13[%swap3A_296, %swap3A_297], %swap3A_300 {strides = array<i32>} : memref<32x32xf32, #tpu.memory_space<vmem>>, vector<1x16xf32>,
            %mul3A_301 = arith.constant 32 : i32
            %mul3A_302 = arith.muli %mul3A_301, %scan3A_15 : i32
            %add3A_303 = arith.constant 16 : i32
            %add3A_304 = arith.addi %mul3A_302, %add3A_303 : i32
            %multiple_of3A_305 = tpu.assume_multiple %add3A_304, 16 : i32
            %get3A_306 = arith.index_cast %add3A_285 : i32 to index
            %get3A_307 = arith.index_cast %multiple_of3A_305 : i32 to index
            %get3A_308 = tpu.vector_load %arg11[%get3A_306, %get3A_307] {strides = array<i32>} : memref<32x128xf32, #tpu.memory_space<vmem>>, vector<1x16xf32>,
            %get3A_309 = vector.shape_cast %get3A_308 : vector<1x16xf32> to vector<16xf32>
            %mul3A_310 = arith.mulf %get3A_309, %gather3A_281 : vector<16xf32>
            %swap3A_311 = arith.index_cast %add3A_285 : i32 to index
            %swap3A_312 = arith.constant 16 : index
            %swap3A_313 = tpu.vector_load %arg13[%swap3A_311, %swap3A_312] {strides = array<i32>} : memref<32x32xf32, #tpu.memory_space<vmem>>, vector<1x16xf32>,
            %swap3A_314 = vector.shape_cast %swap3A_313 : vector<1x16xf32> to vector<16xf32>
            %swap3A_315 = vector.shape_cast %mul3A_310 : vector<16xf32> to vector<1x16xf32>
            tpu.vector_store %arg13[%swap3A_311, %swap3A_312], %swap3A_315 {strides = array<i32>} : memref<32x32xf32, #tpu.memory_space<vmem>>, vector<1x16xf32>,
            %broadcast_in_dim3A_316 = arith.constant 4 : i32
            %broadcast_in_dim3A_317 = vector.broadcast %broadcast_in_dim3A_316 : i32 to vector<16x1xi32>
            %gather3A_318 = vector.shape_cast %broadcast_in_dim3A_317 : vector<16x1xi32> to vector<16xi32>
            %gather3A_319 = tpu.dynamic_gather %get3A_166[%gather3A_318] in [0] : vector<16xf32>, vector<16xi32> -> vector<16xf32>
            %mul3A_320 = arith.constant 16 : i32
            %mul3A_321 = arith.muli %mul3A_320, %scan3A_159 : i32
            %add3A_322 = arith.constant 4 : i32
            %add3A_323 = arith.addi %mul3A_321, %add3A_322 : i32
            %mul3A_324 = arith.constant 32 : i32
            %mul3A_325 = arith.muli %mul3A_324, %scan3A_15 : i32
            %add3A_326 = arith.constant 0 : i32
            %add3A_327 = arith.addi %mul3A_325, %add3A_326 : i32
            %multiple_of3A_328 = tpu.assume_multiple %add3A_327, 16 : i32
            %get3A_329 = arith.index_cast %add3A_323 : i32 to index
            %get3A_330 = arith.index_cast %multiple_of3A_328 : i32 to index
            %get3A_331 = tpu.vector_load %arg11[%get3A_329, %get3A_330] {strides = array<i32>} : memref<32x128xf32, #tpu.memory_space<vmem>>, vector<1x16xf32>,
            %get3A_332 = vector.shape_cast %get3A_331 : vector<1x16xf32> to vector<16xf32>
            %mul3A_333 = arith.mulf %get3A_332, %gather3A_319 : vector<16xf32>
            %swap3A_334 = arith.index_cast %add3A_323 : i32 to index
            %swap3A_335 = arith.constant 0 : index
            %swap3A_336 = tpu.vector_load %arg13[%swap3A_334, %swap3A_335] {strides = array<i32>} : memref<32x32xf32, #tpu.memory_space<vmem>>, vector<1x16xf32>,
            %swap3A_337 = vector.shape_cast %swap3A_336 : vector<1x16xf32> to vector<16xf32>
            %swap3A_338 = vector.shape_cast %mul3A_333 : vector<16xf32> to vector<1x16xf32>
            tpu.vector_store %arg13[%swap3A_334, %swap3A_335], %swap3A_338 {strides = array<i32>} : memref<32x32xf32, #tpu.memory_space<vmem>>, vector<1x16xf32>,
            %mul3A_339 = arith.constant 32 : i32
            %mul3A_340 = arith.muli %mul3A_339, %scan3A_15 : i32
            %add3A_341 = arith.constant 16 : i32
            %add3A_342 = arith.addi %mul3A_340, %add3A_341 : i32
            %multiple_of3A_343 = tpu.assume_multiple %add3A_342, 16 : i32
            %get3A_344 = arith.index_cast %add3A_323 : i32 to index
            %get3A_345 = arith.index_cast %multiple_of3A_343 : i32 to index
            %get3A_346 = tpu.vector_load %arg11[%get3A_344, %get3A_345] {strides = array<i32>} : memref<32x128xf32, #tpu.memory_space<vmem>>, vector<1x16xf32>,
            %get3A_347 = vector.shape_cast %get3A_346 : vector<1x16xf32> to vector<16xf32>
            %mul3A_348 = arith.mulf %get3A_347, %gather3A_319 : vector<16xf32>
            %swap3A_349 = arith.index_cast %add3A_323 : i32 to index
            %swap3A_350 = arith.constant 16 : index
            %swap3A_351 = tpu.vector_load %arg13[%swap3A_349, %swap3A_350] {strides = array<i32>} : memref<32x32xf32, #tpu.memory_space<vmem>>, vector<1x16xf32>,
            %swap3A_352 = vector.shape_cast %swap3A_351 : vector<1x16xf32> to vector<16xf32>
            %swap3A_353 = vector.shape_cast %mul3A_348 : vector<16xf32> to vector<1x16xf32>
            tpu.vector_store %arg13[%swap3A_349, %swap3A_350], %swap3A_353 {strides = array<i32>} : memref<32x32xf32, #tpu.memory_space<vmem>>, vector<1x16xf32>,
            %broadcast_in_dim3A_354 = arith.constant 5 : i32
            %broadcast_in_dim3A_355 = vector.broadcast %broadcast_in_dim3A_354 : i32 to vector<16x1xi32>
            %gather3A_356 = vector.shape_cast %broadcast_in_dim3A_355 : vector<16x1xi32> to vector<16xi32>
            %gather3A_357 = tpu.dynamic_gather %get3A_166[%gather3A_356] in [0] : vector<16xf32>, vector<16xi32> -> vector<16xf32>
            %mul3A_358 = arith.constant 16 : i32
            %mul3A_359 = arith.muli %mul3A_358, %scan3A_159 : i32
            %add3A_360 = arith.constant 5 : i32
            %add3A_361 = arith.addi %mul3A_359, %add3A_360 : i32
            %mul3A_362 = arith.constant 32 : i32
            %mul3A_363 = arith.muli %mul3A_362, %scan3A_15 : i32
            %add3A_364 = arith.constant 0 : i32
            %add3A_365 = arith.addi %mul3A_363, %add3A_364 : i32
            %multiple_of3A_366 = tpu.assume_multiple %add3A_365, 16 : i32
            %get3A_367 = arith.index_cast %add3A_361 : i32 to index
            %get3A_368 = arith.index_cast %multiple_of3A_366 : i32 to index
            %get3A_369 = tpu.vector_load %arg11[%get3A_367, %get3A_368] {strides = array<i32>} : memref<32x128xf32, #tpu.memory_space<vmem>>, vector<1x16xf32>,
            %get3A_370 = vector.shape_cast %get3A_369 : vector<1x16xf32> to vector<16xf32>
            %mul3A_371 = arith.mulf %get3A_370, %gather3A_357 : vector<16xf32>
            %swap3A_372 = arith.index_cast %add3A_361 : i32 to index
            %swap3A_373 = arith.constant 0 : index
            %swap3A_374 = tpu.vector_load %arg13[%swap3A_372, %swap3A_373] {strides = array<i32>} : memref<32x32xf32, #tpu.memory_space<vmem>>, vector<1x16xf32>,
            %swap3A_375 = vector.shape_cast %swap3A_374 : vector<1x16xf32> to vector<16xf32>
            %swap3A_376 = vector.shape_cast %mul3A_371 : vector<16xf32> to vector<1x16xf32>
            tpu.vector_store %arg13[%swap3A_372, %swap3A_373], %swap3A_376 {strides = array<i32>} : memref<32x32xf32, #tpu.memory_space<vmem>>, vector<1x16xf32>,
            %mul3A_377 = arith.constant 32 : i32
            %mul3A_378 = arith.muli %mul3A_377, %scan3A_15 : i32
            %add3A_379 = arith.constant 16 : i32
            %add3A_380 = arith.addi %mul3A_378, %add3A_379 : i32
            %multiple_of3A_381 = tpu.assume_multiple %add3A_380, 16 : i32
            %get3A_382 = arith.index_cast %add3A_361 : i32 to index
            %get3A_383 = arith.index_cast %multiple_of3A_381 : i32 to index
            %get3A_384 = tpu.vector_load %arg11[%get3A_382, %get3A_383] {strides = array<i32>} : memref<32x128xf32, #tpu.memory_space<vmem>>, vector<1x16xf32>,
            %get3A_385 = vector.shape_cast %get3A_384 : vector<1x16xf32> to vector<16xf32>
            %mul3A_386 = arith.mulf %get3A_385, %gather3A_357 : vector<16xf32>
            %swap3A_387 = arith.index_cast %add3A_361 : i32 to index
            %swap3A_388 = arith.constant 16 : index
            %swap3A_389 = tpu.vector_load %arg13[%swap3A_387, %swap3A_388] {strides = array<i32>} : memref<32x32xf32, #tpu.memory_space<vmem>>, vector<1x16xf32>,
            %swap3A_390 = vector.shape_cast %swap3A_389 : vector<1x16xf32> to vector<16xf32>
            %swap3A_391 = vector.shape_cast %mul3A_386 : vector<16xf32> to vector<1x16xf32>
            tpu.vector_store %arg13[%swap3A_387, %swap3A_388], %swap3A_391 {strides = array<i32>} : memref<32x32xf32, #tpu.memory_space<vmem>>, vector<1x16xf32>,
            %broadcast_in_dim3A_392 = arith.constant 6 : i32
            %broadcast_in_dim3A_393 = vector.broadcast %broadcast_in_dim3A_392 : i32 to vector<16x1xi32>
            %gather3A_394 = vector.shape_cast %broadcast_in_dim3A_393 : vector<16x1xi32> to vector<16xi32>
            %gather3A_395 = tpu.dynamic_gather %get3A_166[%gather3A_394] in [0] : vector<16xf32>, vector<16xi32> -> vector<16xf32>
            %mul3A_396 = arith.constant 16 : i32
            %mul3A_397 = arith.muli %mul3A_396, %scan3A_159 : i32
            %add3A_398 = arith.constant 6 : i32
            %add3A_399 = arith.addi %mul3A_397, %add3A_398 : i32
            %mul3A_400 = arith.constant 32 : i32
            %mul3A_401 = arith.muli %mul3A_400, %scan3A_15 : i32
            %add3A_402 = arith.constant 0 : i32
            %add3A_403 = arith.addi %mul3A_401, %add3A_402 : i32
            %multiple_of3A_404 = tpu.assume_multiple %add3A_403, 16 : i32
            %get3A_405 = arith.index_cast %add3A_399 : i32 to index
            %get3A_406 = arith.index_cast %multiple_of3A_404 : i32 to index
            %get3A_407 = tpu.vector_load %arg11[%get3A_405, %get3A_406] {strides = array<i32>} : memref<32x128xf32, #tpu.memory_space<vmem>>, vector<1x16xf32>,
            %get3A_408 = vector.shape_cast %get3A_407 : vector<1x16xf32> to vector<16xf32>
            %mul3A_409 = arith.mulf %get3A_408, %gather3A_395 : vector<16xf32>
            %swap3A_410 = arith.index_cast %add3A_399 : i32 to index
            %swap3A_411 = arith.constant 0 : index
            %swap3A_412 = tpu.vector_load %arg13[%swap3A_410, %swap3A_411] {strides = array<i32>} : memref<32x32xf32, #tpu.memory_space<vmem>>, vector<1x16xf32>,
            %swap3A_413 = vector.shape_cast %swap3A_412 : vector<1x16xf32> to vector<16xf32>
            %swap3A_414 = vector.shape_cast %mul3A_409 : vector<16xf32> to vector<1x16xf32>
            tpu.vector_store %arg13[%swap3A_410, %swap3A_411], %swap3A_414 {strides = array<i32>} : memref<32x32xf32, #tpu.memory_space<vmem>>, vector<1x16xf32>,
            %mul3A_415 = arith.constant 32 : i32
            %mul3A_416 = arith.muli %mul3A_415, %scan3A_15 : i32
            %add3A_417 = arith.constant 16 : i32
            %add3A_418 = arith.addi %mul3A_416, %add3A_417 : i32
            %multiple_of3A_419 = tpu.assume_multiple %add3A_418, 16 : i32
            %get3A_420 = arith.index_cast %add3A_399 : i32 to index
            %get3A_421 = arith.index_cast %multiple_of3A_419 : i32 to index
            %get3A_422 = tpu.vector_load %arg11[%get3A_420, %get3A_421] {strides = array<i32>} : memref<32x128xf32, #tpu.memory_space<vmem>>, vector<1x16xf32>,
            %get3A_423 = vector.shape_cast %get3A_422 : vector<1x16xf32> to vector<16xf32>
            %mul3A_424 = arith.mulf %get3A_423, %gather3A_395 : vector<16xf32>
            %swap3A_425 = arith.index_cast %add3A_399 : i32 to index
            %swap3A_426 = arith.constant 16 : index
            %swap3A_427 = tpu.vector_load %arg13[%swap3A_425, %swap3A_426] {strides = array<i32>} : memref<32x32xf32, #tpu.memory_space<vmem>>, vector<1x16xf32>,
            %swap3A_428 = vector.shape_cast %swap3A_427 : vector<1x16xf32> to vector<16xf32>
            %swap3A_429 = vector.shape_cast %mul3A_424 : vector<16xf32> to vector<1x16xf32>
            tpu.vector_store %arg13[%swap3A_425, %swap3A_426], %swap3A_429 {strides = array<i32>} : memref<32x32xf32, #tpu.memory_space<vmem>>, vector<1x16xf32>,
            %broadcast_in_dim3A_430 = arith.constant 7 : i32
            %broadcast_in_dim3A_431 = vector.broadcast %broadcast_in_dim3A_430 : i32 to vector<16x1xi32>
            %gather3A_432 = vector.shape_cast %broadcast_in_dim3A_431 : vector<16x1xi32> to vector<16xi32>
            %gather3A_433 = tpu.dynamic_gather %get3A_166[%gather3A_432] in [0] : vector<16xf32>, vector<16xi32> -> vector<16xf32>
            %mul3A_434 = arith.constant 16 : i32
            %mul3A_435 = arith.muli %mul3A_434, %scan3A_159 : i32
            %add3A_436 = arith.constant 7 : i32
            %add3A_437 = arith.addi %mul3A_435, %add3A_436 : i32
            %mul3A_438 = arith.constant 32 : i32
            %mul3A_439 = arith.muli %mul3A_438, %scan3A_15 : i32
            %add3A_440 = arith.constant 0 : i32
            %add3A_441 = arith.addi %mul3A_439, %add3A_440 : i32
            %multiple_of3A_442 = tpu.assume_multiple %add3A_441, 16 : i32
            %get3A_443 = arith.index_cast %add3A_437 : i32 to index
            %get3A_444 = arith.index_cast %multiple_of3A_442 : i32 to index
            %get3A_445 = tpu.vector_load %arg11[%get3A_443, %get3A_444] {strides = array<i32>} : memref<32x128xf32, #tpu.memory_space<vmem>>, vector<1x16xf32>,
            %get3A_446 = vector.shape_cast %get3A_445 : vector<1x16xf32> to vector<16xf32>
            %mul3A_447 = arith.mulf %get3A_446, %gather3A_433 : vector<16xf32>
            %swap3A_448 = arith.index_cast %add3A_437 : i32 to index
            %swap3A_449 = arith.constant 0 : index
            %swap3A_450 = tpu.vector_load %arg13[%swap3A_448, %swap3A_449] {strides = array<i32>} : memref<32x32xf32, #tpu.memory_space<vmem>>, vector<1x16xf32>,
            %swap3A_451 = vector.shape_cast %swap3A_450 : vector<1x16xf32> to vector<16xf32>
            %swap3A_452 = vector.shape_cast %mul3A_447 : vector<16xf32> to vector<1x16xf32>
            tpu.vector_store %arg13[%swap3A_448, %swap3A_449], %swap3A_452 {strides = array<i32>} : memref<32x32xf32, #tpu.memory_space<vmem>>, vector<1x16xf32>,
            %mul3A_453 = arith.constant 32 : i32
            %mul3A_454 = arith.muli %mul3A_453, %scan3A_15 : i32
            %add3A_455 = arith.constant 16 : i32
            %add3A_456 = arith.addi %mul3A_454, %add3A_455 : i32
            %multiple_of3A_457 = tpu.assume_multiple %add3A_456, 16 : i32
            %get3A_458 = arith.index_cast %add3A_437 : i32 to index
            %get3A_459 = arith.index_cast %multiple_of3A_457 : i32 to index
            %get3A_460 = tpu.vector_load %arg11[%get3A_458, %get3A_459] {strides = array<i32>} : memref<32x128xf32, #tpu.memory_space<vmem>>, vector<1x16xf32>,
            %get3A_461 = vector.shape_cast %get3A_460 : vector<1x16xf32> to vector<16xf32>
            %mul3A_462 = arith.mulf %get3A_461, %gather3A_433 : vector<16xf32>
            %swap3A_463 = arith.index_cast %add3A_437 : i32 to index
            %swap3A_464 = arith.constant 16 : index
            %swap3A_465 = tpu.vector_load %arg13[%swap3A_463, %swap3A_464] {strides = array<i32>} : memref<32x32xf32, #tpu.memory_space<vmem>>, vector<1x16xf32>,
            %swap3A_466 = vector.shape_cast %swap3A_465 : vector<1x16xf32> to vector<16xf32>
            %swap3A_467 = vector.shape_cast %mul3A_462 : vector<16xf32> to vector<1x16xf32>
            tpu.vector_store %arg13[%swap3A_463, %swap3A_464], %swap3A_467 {strides = array<i32>} : memref<32x32xf32, #tpu.memory_space<vmem>>, vector<1x16xf32>,
            %broadcast_in_dim3A_468 = arith.constant 8 : i32
            %broadcast_in_dim3A_469 = vector.broadcast %broadcast_in_dim3A_468 : i32 to vector<16x1xi32>
            %gather3A_470 = vector.shape_cast %broadcast_in_dim3A_469 : vector<16x1xi32> to vector<16xi32>
            %gather3A_471 = tpu.dynamic_gather %get3A_166[%gather3A_470] in [0] : vector<16xf32>, vector<16xi32> -> vector<16xf32>
            %mul3A_472 = arith.constant 16 : i32
            %mul3A_473 = arith.muli %mul3A_472, %scan3A_159 : i32
            %add3A_474 = arith.constant 8 : i32
            %add3A_475 = arith.addi %mul3A_473, %add3A_474 : i32
            %mul3A_476 = arith.constant 32 : i32
            %mul3A_477 = arith.muli %mul3A_476, %scan3A_15 : i32
            %add3A_478 = arith.constant 0 : i32
            %add3A_479 = arith.addi %mul3A_477, %add3A_478 : i32
            %multiple_of3A_480 = tpu.assume_multiple %add3A_479, 16 : i32
            %get3A_481 = arith.index_cast %add3A_475 : i32 to index
            %get3A_482 = arith.index_cast %multiple_of3A_480 : i32 to index
            %get3A_483 = tpu.vector_load %arg11[%get3A_481, %get3A_482] {strides = array<i32>} : memref<32x128xf32, #tpu.memory_space<vmem>>, vector<1x16xf32>,
            %get3A_484 = vector.shape_cast %get3A_483 : vector<1x16xf32> to vector<16xf32>
            %mul3A_485 = arith.mulf %get3A_484, %gather3A_471 : vector<16xf32>
            %swap3A_486 = arith.index_cast %add3A_475 : i32 to index
            %swap3A_487 = arith.constant 0 : index
            %swap3A_488 = tpu.vector_load %arg13[%swap3A_486, %swap3A_487] {strides = array<i32>} : memref<32x32xf32, #tpu.memory_space<vmem>>, vector<1x16xf32>,
            %swap3A_489 = vector.shape_cast %swap3A_488 : vector<1x16xf32> to vector<16xf32>
            %swap3A_490 = vector.shape_cast %mul3A_485 : vector<16xf32> to vector<1x16xf32>
            tpu.vector_store %arg13[%swap3A_486, %swap3A_487], %swap3A_490 {strides = array<i32>} : memref<32x32xf32, #tpu.memory_space<vmem>>, vector<1x16xf32>,
            %mul3A_491 = arith.constant 32 : i32
            %mul3A_492 = arith.muli %mul3A_491, %scan3A_15 : i32
            %add3A_493 = arith.constant 16 : i32
            %add3A_494 = arith.addi %mul3A_492, %add3A_493 : i32
            %multiple_of3A_495 = tpu.assume_multiple %add3A_494, 16 : i32
            %get3A_496 = arith.index_cast %add3A_475 : i32 to index
            %get3A_497 = arith.index_cast %multiple_of3A_495 : i32 to index
            %get3A_498 = tpu.vector_load %arg11[%get3A_496, %get3A_497] {strides = array<i32>} : memref<32x128xf32, #tpu.memory_space<vmem>>, vector<1x16xf32>,
            %get3A_499 = vector.shape_cast %get3A_498 : vector<1x16xf32> to vector<16xf32>
            %mul3A_500 = arith.mulf %get3A_499, %gather3A_471 : vector<16xf32>
            %swap3A_501 = arith.index_cast %add3A_475 : i32 to index
            %swap3A_502 = arith.constant 16 : index
            %swap3A_503 = tpu.vector_load %arg13[%swap3A_501, %swap3A_502] {strides = array<i32>} : memref<32x32xf32, #tpu.memory_space<vmem>>, vector<1x16xf32>,
            %swap3A_504 = vector.shape_cast %swap3A_503 : vector<1x16xf32> to vector<16xf32>
            %swap3A_505 = vector.shape_cast %mul3A_500 : vector<16xf32> to vector<1x16xf32>
            tpu.vector_store %arg13[%swap3A_501, %swap3A_502], %swap3A_505 {strides = array<i32>} : memref<32x32xf32, #tpu.memory_space<vmem>>, vector<1x16xf32>,
            %broadcast_in_dim3A_506 = arith.constant 9 : i32
            %broadcast_in_dim3A_507 = vector.broadcast %broadcast_in_dim3A_506 : i32 to vector<16x1xi32>
            %gather3A_508 = vector.shape_cast %broadcast_in_dim3A_507 : vector<16x1xi32> to vector<16xi32>
            %gather3A_509 = tpu.dynamic_gather %get3A_166[%gather3A_508] in [0] : vector<16xf32>, vector<16xi32> -> vector<16xf32>
            %mul3A_510 = arith.constant 16 : i32
            %mul3A_511 = arith.muli %mul3A_510, %scan3A_159 : i32
            %add3A_512 = arith.constant 9 : i32
            %add3A_513 = arith.addi %mul3A_511, %add3A_512 : i32
            %mul3A_514 = arith.constant 32 : i32
            %mul3A_515 = arith.muli %mul3A_514, %scan3A_15 : i32
            %add3A_516 = arith.constant 0 : i32
            %add3A_517 = arith.addi %mul3A_515, %add3A_516 : i32
            %multiple_of3A_518 = tpu.assume_multiple %add3A_517, 16 : i32
            %get3A_519 = arith.index_cast %add3A_513 : i32 to index
            %get3A_520 = arith.index_cast %multiple_of3A_518 : i32 to index
            %get3A_521 = tpu.vector_load %arg11[%get3A_519, %get3A_520] {strides = array<i32>} : memref<32x128xf32, #tpu.memory_space<vmem>>, vector<1x16xf32>,
            %get3A_522 = vector.shape_cast %get3A_521 : vector<1x16xf32> to vector<16xf32>
            %mul3A_523 = arith.mulf %get3A_522, %gather3A_509 : vector<16xf32>
            %swap3A_524 = arith.index_cast %add3A_513 : i32 to index
            %swap3A_525 = arith.constant 0 : index
            %swap3A_526 = tpu.vector_load %arg13[%swap3A_524, %swap3A_525] {strides = array<i32>} : memref<32x32xf32, #tpu.memory_space<vmem>>, vector<1x16xf32>,
            %swap3A_527 = vector.shape_cast %swap3A_526 : vector<1x16xf32> to vector<16xf32>
            %swap3A_528 = vector.shape_cast %mul3A_523 : vector<16xf32> to vector<1x16xf32>
            tpu.vector_store %arg13[%swap3A_524, %swap3A_525], %swap3A_528 {strides = array<i32>} : memref<32x32xf32, #tpu.memory_space<vmem>>, vector<1x16xf32>,
            %mul3A_529 = arith.constant 32 : i32
            %mul3A_530 = arith.muli %mul3A_529, %scan3A_15 : i32
            %add3A_531 = arith.constant 16 : i32
            %add3A_532 = arith.addi %mul3A_530, %add3A_531 : i32
            %multiple_of3A_533 = tpu.assume_multiple %add3A_532, 16 : i32
            %get3A_534 = arith.index_cast %add3A_513 : i32 to index
            %get3A_535 = arith.index_cast %multiple_of3A_533 : i32 to index
            %get3A_536 = tpu.vector_load %arg11[%get3A_534, %get3A_535] {strides = array<i32>} : memref<32x128xf32, #tpu.memory_space<vmem>>, vector<1x16xf32>,
            %get3A_537 = vector.shape_cast %get3A_536 : vector<1x16xf32> to vector<16xf32>
            %mul3A_538 = arith.mulf %get3A_537, %gather3A_509 : vector<16xf32>
            %swap3A_539 = arith.index_cast %add3A_513 : i32 to index
            %swap3A_540 = arith.constant 16 : index
            %swap3A_541 = tpu.vector_load %arg13[%swap3A_539, %swap3A_540] {strides = array<i32>} : memref<32x32xf32, #tpu.memory_space<vmem>>, vector<1x16xf32>,
            %swap3A_542 = vector.shape_cast %swap3A_541 : vector<1x16xf32> to vector<16xf32>
            %swap3A_543 = vector.shape_cast %mul3A_538 : vector<16xf32> to vector<1x16xf32>
            tpu.vector_store %arg13[%swap3A_539, %swap3A_540], %swap3A_543 {strides = array<i32>} : memref<32x32xf32, #tpu.memory_space<vmem>>, vector<1x16xf32>,
            %broadcast_in_dim3A_544 = arith.constant 10 : i32
            %broadcast_in_dim3A_545 = vector.broadcast %broadcast_in_dim3A_544 : i32 to vector<16x1xi32>
            %gather3A_546 = vector.shape_cast %broadcast_in_dim3A_545 : vector<16x1xi32> to vector<16xi32>
            %gather3A_547 = tpu.dynamic_gather %get3A_166[%gather3A_546] in [0] : vector<16xf32>, vector<16xi32> -> vector<16xf32>
            %mul3A_548 = arith.constant 16 : i32
            %mul3A_549 = arith.muli %mul3A_548, %scan3A_159 : i32
            %add3A_550 = arith.constant 10 : i32
            %add3A_551 = arith.addi %mul3A_549, %add3A_550 : i32
            %mul3A_552 = arith.constant 32 : i32
            %mul3A_553 = arith.muli %mul3A_552, %scan3A_15 : i32
            %add3A_554 = arith.constant 0 : i32
            %add3A_555 = arith.addi %mul3A_553, %add3A_554 : i32
            %multiple_of3A_556 = tpu.assume_multiple %add3A_555, 16 : i32
            %get3A_557 = arith.index_cast %add3A_551 : i32 to index
            %get3A_558 = arith.index_cast %multiple_of3A_556 : i32 to index
            %get3A_559 = tpu.vector_load %arg11[%get3A_557, %get3A_558] {strides = array<i32>} : memref<32x128xf32, #tpu.memory_space<vmem>>, vector<1x16xf32>,
            %get3A_560 = vector.shape_cast %get3A_559 : vector<1x16xf32> to vector<16xf32>
            %mul3A_561 = arith.mulf %get3A_560, %gather3A_547 : vector<16xf32>
            %swap3A_562 = arith.index_cast %add3A_551 : i32 to index
            %swap3A_563 = arith.constant 0 : index
            %swap3A_564 = tpu.vector_load %arg13[%swap3A_562, %swap3A_563] {strides = array<i32>} : memref<32x32xf32, #tpu.memory_space<vmem>>, vector<1x16xf32>,
            %swap3A_565 = vector.shape_cast %swap3A_564 : vector<1x16xf32> to vector<16xf32>
            %swap3A_566 = vector.shape_cast %mul3A_561 : vector<16xf32> to vector<1x16xf32>
            tpu.vector_store %arg13[%swap3A_562, %swap3A_563], %swap3A_566 {strides = array<i32>} : memref<32x32xf32, #tpu.memory_space<vmem>>, vector<1x16xf32>,
            %mul3A_567 = arith.constant 32 : i32
            %mul3A_568 = arith.muli %mul3A_567, %scan3A_15 : i32
            %add3A_569 = arith.constant 16 : i32
            %add3A_570 = arith.addi %mul3A_568, %add3A_569 : i32
            %multiple_of3A_571 = tpu.assume_multiple %add3A_570, 16 : i32
            %get3A_572 = arith.index_cast %add3A_551 : i32 to index
            %get3A_573 = arith.index_cast %multiple_of3A_571 : i32 to index
            %get3A_574 = tpu.vector_load %arg11[%get3A_572, %get3A_573] {strides = array<i32>} : memref<32x128xf32, #tpu.memory_space<vmem>>, vector<1x16xf32>,
            %get3A_575 = vector.shape_cast %get3A_574 : vector<1x16xf32> to vector<16xf32>
            %mul3A_576 = arith.mulf %get3A_575, %gather3A_547 : vector<16xf32>
            %swap3A_577 = arith.index_cast %add3A_551 : i32 to index
            %swap3A_578 = arith.constant 16 : index
            %swap3A_579 = tpu.vector_load %arg13[%swap3A_577, %swap3A_578] {strides = array<i32>} : memref<32x32xf32, #tpu.memory_space<vmem>>, vector<1x16xf32>,
            %swap3A_580 = vector.shape_cast %swap3A_579 : vector<1x16xf32> to vector<16xf32>
            %swap3A_581 = vector.shape_cast %mul3A_576 : vector<16xf32> to vector<1x16xf32>
            tpu.vector_store %arg13[%swap3A_577, %swap3A_578], %swap3A_581 {strides = array<i32>} : memref<32x32xf32, #tpu.memory_space<vmem>>, vector<1x16xf32>,
            %broadcast_in_dim3A_582 = arith.constant 11 : i32
            %broadcast_in_dim3A_583 = vector.broadcast %broadcast_in_dim3A_582 : i32 to vector<16x1xi32>
            %gather3A_584 = vector.shape_cast %broadcast_in_dim3A_583 : vector<16x1xi32> to vector<16xi32>
            %gather3A_585 = tpu.dynamic_gather %get3A_166[%gather3A_584] in [0] : vector<16xf32>, vector<16xi32> -> vector<16xf32>
            %mul3A_586 = arith.constant 16 : i32
            %mul3A_587 = arith.muli %mul3A_586, %scan3A_159 : i32
            %add3A_588 = arith.constant 11 : i32
            %add3A_589 = arith.addi %mul3A_587, %add3A_588 : i32
            %mul3A_590 = arith.constant 32 : i32
            %mul3A_591 = arith.muli %mul3A_590, %scan3A_15 : i32
            %add3A_592 = arith.constant 0 : i32
            %add3A_593 = arith.addi %mul3A_591, %add3A_592 : i32
            %multiple_of3A_594 = tpu.assume_multiple %add3A_593, 16 : i32
            %get3A_595 = arith.index_cast %add3A_589 : i32 to index
            %get3A_596 = arith.index_cast %multiple_of3A_594 : i32 to index
            %get3A_597 = tpu.vector_load %arg11[%get3A_595, %get3A_596] {strides = array<i32>} : memref<32x128xf32, #tpu.memory_space<vmem>>, vector<1x16xf32>,
            %get3A_598 = vector.shape_cast %get3A_597 : vector<1x16xf32> to vector<16xf32>
            %mul3A_599 = arith.mulf %get3A_598, %gather3A_585 : vector<16xf32>
            %swap3A_600 = arith.index_cast %add3A_589 : i32 to index
            %swap3A_601 = arith.constant 0 : index
            %swap3A_602 = tpu.vector_load %arg13[%swap3A_600, %swap3A_601] {strides = array<i32>} : memref<32x32xf32, #tpu.memory_space<vmem>>, vector<1x16xf32>,
            %swap3A_603 = vector.shape_cast %swap3A_602 : vector<1x16xf32> to vector<16xf32>
            %swap3A_604 = vector.shape_cast %mul3A_599 : vector<16xf32> to vector<1x16xf32>
            tpu.vector_store %arg13[%swap3A_600, %swap3A_601], %swap3A_604 {strides = array<i32>} : memref<32x32xf32, #tpu.memory_space<vmem>>, vector<1x16xf32>,
            %mul3A_605 = arith.constant 32 : i32
            %mul3A_606 = arith.muli %mul3A_605, %scan3A_15 : i32
            %add3A_607 = arith.constant 16 : i32
            %add3A_608 = arith.addi %mul3A_606, %add3A_607 : i32
            %multiple_of3A_609 = tpu.assume_multiple %add3A_608, 16 : i32
            %get3A_610 = arith.index_cast %add3A_589 : i32 to index
            %get3A_611 = arith.index_cast %multiple_of3A_609 : i32 to index
            %get3A_612 = tpu.vector_load %arg11[%get3A_610, %get3A_611] {strides = array<i32>} : memref<32x128xf32, #tpu.memory_space<vmem>>, vector<1x16xf32>,
            %get3A_613 = vector.shape_cast %get3A_612 : vector<1x16xf32> to vector<16xf32>
            %mul3A_614 = arith.mulf %get3A_613, %gather3A_585 : vector<16xf32>
            %swap3A_615 = arith.index_cast %add3A_589 : i32 to index
            %swap3A_616 = arith.constant 16 : index
            %swap3A_617 = tpu.vector_load %arg13[%swap3A_615, %swap3A_616] {strides = array<i32>} : memref<32x32xf32, #tpu.memory_space<vmem>>, vector<1x16xf32>,
            %swap3A_618 = vector.shape_cast %swap3A_617 : vector<1x16xf32> to vector<16xf32>
            %swap3A_619 = vector.shape_cast %mul3A_614 : vector<16xf32> to vector<1x16xf32>
            tpu.vector_store %arg13[%swap3A_615, %swap3A_616], %swap3A_619 {strides = array<i32>} : memref<32x32xf32, #tpu.memory_space<vmem>>, vector<1x16xf32>,
            %broadcast_in_dim3A_620 = arith.constant 12 : i32
            %broadcast_in_dim3A_621 = vector.broadcast %broadcast_in_dim3A_620 : i32 to vector<16x1xi32>
            %gather3A_622 = vector.shape_cast %broadcast_in_dim3A_621 : vector<16x1xi32> to vector<16xi32>
            %gather3A_623 = tpu.dynamic_gather %get3A_166[%gather3A_622] in [0] : vector<16xf32>, vector<16xi32> -> vector<16xf32>
            %mul3A_624 = arith.constant 16 : i32
            %mul3A_625 = arith.muli %mul3A_624, %scan3A_159 : i32
            %add3A_626 = arith.constant 12 : i32
            %add3A_627 = arith.addi %mul3A_625, %add3A_626 : i32
            %mul3A_628 = arith.constant 32 : i32
            %mul3A_629 = arith.muli %mul3A_628, %scan3A_15 : i32
            %add3A_630 = arith.constant 0 : i32
            %add3A_631 = arith.addi %mul3A_629, %add3A_630 : i32
            %multiple_of3A_632 = tpu.assume_multiple %add3A_631, 16 : i32
            %get3A_633 = arith.index_cast %add3A_627 : i32 to index
            %get3A_634 = arith.index_cast %multiple_of3A_632 : i32 to index
            %get3A_635 = tpu.vector_load %arg11[%get3A_633, %get3A_634] {strides = array<i32>} : memref<32x128xf32, #tpu.memory_space<vmem>>, vector<1x16xf32>,
            %get3A_636 = vector.shape_cast %get3A_635 : vector<1x16xf32> to vector<16xf32>
            %mul3A_637 = arith.mulf %get3A_636, %gather3A_623 : vector<16xf32>
            %swap3A_638 = arith.index_cast %add3A_627 : i32 to index
            %swap3A_639 = arith.constant 0 : index
            %swap3A_640 = tpu.vector_load %arg13[%swap3A_638, %swap3A_639] {strides = array<i32>} : memref<32x32xf32, #tpu.memory_space<vmem>>, vector<1x16xf32>,
            %swap3A_641 = vector.shape_cast %swap3A_640 : vector<1x16xf32> to vector<16xf32>
            %swap3A_642 = vector.shape_cast %mul3A_637 : vector<16xf32> to vector<1x16xf32>
            tpu.vector_store %arg13[%swap3A_638, %swap3A_639], %swap3A_642 {strides = array<i32>} : memref<32x32xf32, #tpu.memory_space<vmem>>, vector<1x16xf32>,
            %mul3A_643 = arith.constant 32 : i32
            %mul3A_644 = arith.muli %mul3A_643, %scan3A_15 : i32
            %add3A_645 = arith.constant 16 : i32
            %add3A_646 = arith.addi %mul3A_644, %add3A_645 : i32
            %multiple_of3A_647 = tpu.assume_multiple %add3A_646, 16 : i32
            %get3A_648 = arith.index_cast %add3A_627 : i32 to index
            %get3A_649 = arith.index_cast %multiple_of3A_647 : i32 to index
            %get3A_650 = tpu.vector_load %arg11[%get3A_648, %get3A_649] {strides = array<i32>} : memref<32x128xf32, #tpu.memory_space<vmem>>, vector<1x16xf32>,
            %get3A_651 = vector.shape_cast %get3A_650 : vector<1x16xf32> to vector<16xf32>
            %mul3A_652 = arith.mulf %get3A_651, %gather3A_623 : vector<16xf32>
            %swap3A_653 = arith.index_cast %add3A_627 : i32 to index
            %swap3A_654 = arith.constant 16 : index
            %swap3A_655 = tpu.vector_load %arg13[%swap3A_653, %swap3A_654] {strides = array<i32>} : memref<32x32xf32, #tpu.memory_space<vmem>>, vector<1x16xf32>,
            %swap3A_656 = vector.shape_cast %swap3A_655 : vector<1x16xf32> to vector<16xf32>
            %swap3A_657 = vector.shape_cast %mul3A_652 : vector<16xf32> to vector<1x16xf32>
            tpu.vector_store %arg13[%swap3A_653, %swap3A_654], %swap3A_657 {strides = array<i32>} : memref<32x32xf32, #tpu.memory_space<vmem>>, vector<1x16xf32>,
            %broadcast_in_dim3A_658 = arith.constant 13 : i32
            %broadcast_in_dim3A_659 = vector.broadcast %broadcast_in_dim3A_658 : i32 to vector<16x1xi32>
            %gather3A_660 = vector.shape_cast %broadcast_in_dim3A_659 : vector<16x1xi32> to vector<16xi32>
            %gather3A_661 = tpu.dynamic_gather %get3A_166[%gather3A_660] in [0] : vector<16xf32>, vector<16xi32> -> vector<16xf32>
            %mul3A_662 = arith.constant 16 : i32
            %mul3A_663 = arith.muli %mul3A_662, %scan3A_159 : i32
            %add3A_664 = arith.constant 13 : i32
            %add3A_665 = arith.addi %mul3A_663, %add3A_664 : i32
            %mul3A_666 = arith.constant 32 : i32
            %mul3A_667 = arith.muli %mul3A_666, %scan3A_15 : i32
            %add3A_668 = arith.constant 0 : i32
            %add3A_669 = arith.addi %mul3A_667, %add3A_668 : i32
            %multiple_of3A_670 = tpu.assume_multiple %add3A_669, 16 : i32
            %get3A_671 = arith.index_cast %add3A_665 : i32 to index
            %get3A_672 = arith.index_cast %multiple_of3A_670 : i32 to index
            %get3A_673 = tpu.vector_load %arg11[%get3A_671, %get3A_672] {strides = array<i32>} : memref<32x128xf32, #tpu.memory_space<vmem>>, vector<1x16xf32>,
            %get3A_674 = vector.shape_cast %get3A_673 : vector<1x16xf32> to vector<16xf32>
            %mul3A_675 = arith.mulf %get3A_674, %gather3A_661 : vector<16xf32>
            %swap3A_676 = arith.index_cast %add3A_665 : i32 to index
            %swap3A_677 = arith.constant 0 : index
            %swap3A_678 = tpu.vector_load %arg13[%swap3A_676, %swap3A_677] {strides = array<i32>} : memref<32x32xf32, #tpu.memory_space<vmem>>, vector<1x16xf32>,
            %swap3A_679 = vector.shape_cast %swap3A_678 : vector<1x16xf32> to vector<16xf32>
            %swap3A_680 = vector.shape_cast %mul3A_675 : vector<16xf32> to vector<1x16xf32>
            tpu.vector_store %arg13[%swap3A_676, %swap3A_677], %swap3A_680 {strides = array<i32>} : memref<32x32xf32, #tpu.memory_space<vmem>>, vector<1x16xf32>,
            %mul3A_681 = arith.constant 32 : i32
            %mul3A_682 = arith.muli %mul3A_681, %scan3A_15 : i32
            %add3A_683 = arith.constant 16 : i32
            %add3A_684 = arith.addi %mul3A_682, %add3A_683 : i32
            %multiple_of3A_685 = tpu.assume_multiple %add3A_684, 16 : i32
            %get3A_686 = arith.index_cast %add3A_665 : i32 to index
            %get3A_687 = arith.index_cast %multiple_of3A_685 : i32 to index
            %get3A_688 = tpu.vector_load %arg11[%get3A_686, %get3A_687] {strides = array<i32>} : memref<32x128xf32, #tpu.memory_space<vmem>>, vector<1x16xf32>,
            %get3A_689 = vector.shape_cast %get3A_688 : vector<1x16xf32> to vector<16xf32>
            %mul3A_690 = arith.mulf %get3A_689, %gather3A_661 : vector<16xf32>
            %swap3A_691 = arith.index_cast %add3A_665 : i32 to index
            %swap3A_692 = arith.constant 16 : index
            %swap3A_693 = tpu.vector_load %arg13[%swap3A_691, %swap3A_692] {strides = array<i32>} : memref<32x32xf32, #tpu.memory_space<vmem>>, vector<1x16xf32>,
            %swap3A_694 = vector.shape_cast %swap3A_693 : vector<1x16xf32> to vector<16xf32>
            %swap3A_695 = vector.shape_cast %mul3A_690 : vector<16xf32> to vector<1x16xf32>
            tpu.vector_store %arg13[%swap3A_691, %swap3A_692], %swap3A_695 {strides = array<i32>} : memref<32x32xf32, #tpu.memory_space<vmem>>, vector<1x16xf32>,
            %broadcast_in_dim3A_696 = arith.constant 14 : i32
            %broadcast_in_dim3A_697 = vector.broadcast %broadcast_in_dim3A_696 : i32 to vector<16x1xi32>
            %gather3A_698 = vector.shape_cast %broadcast_in_dim3A_697 : vector<16x1xi32> to vector<16xi32>
            %gather3A_699 = tpu.dynamic_gather %get3A_166[%gather3A_698] in [0] : vector<16xf32>, vector<16xi32> -> vector<16xf32>
            %mul3A_700 = arith.constant 16 : i32
            %mul3A_701 = arith.muli %mul3A_700, %scan3A_159 : i32
            %add3A_702 = arith.constant 14 : i32
            %add3A_703 = arith.addi %mul3A_701, %add3A_702 : i32
            %mul3A_704 = arith.constant 32 : i32
            %mul3A_705 = arith.muli %mul3A_704, %scan3A_15 : i32
            %add3A_706 = arith.constant 0 : i32
            %add3A_707 = arith.addi %mul3A_705, %add3A_706 : i32
            %multiple_of3A_708 = tpu.assume_multiple %add3A_707, 16 : i32
            %get3A_709 = arith.index_cast %add3A_703 : i32 to index
            %get3A_710 = arith.index_cast %multiple_of3A_708 : i32 to index
            %get3A_711 = tpu.vector_load %arg11[%get3A_709, %get3A_710] {strides = array<i32>} : memref<32x128xf32, #tpu.memory_space<vmem>>, vector<1x16xf32>,
            %get3A_712 = vector.shape_cast %get3A_711 : vector<1x16xf32> to vector<16xf32>
            %mul3A_713 = arith.mulf %get3A_712, %gather3A_699 : vector<16xf32>
            %swap3A_714 = arith.index_cast %add3A_703 : i32 to index
            %swap3A_715 = arith.constant 0 : index
            %swap3A_716 = tpu.vector_load %arg13[%swap3A_714, %swap3A_715] {strides = array<i32>} : memref<32x32xf32, #tpu.memory_space<vmem>>, vector<1x16xf32>,
            %swap3A_717 = vector.shape_cast %swap3A_716 : vector<1x16xf32> to vector<16xf32>
            %swap3A_718 = vector.shape_cast %mul3A_713 : vector<16xf32> to vector<1x16xf32>
            tpu.vector_store %arg13[%swap3A_714, %swap3A_715], %swap3A_718 {strides = array<i32>} : memref<32x32xf32, #tpu.memory_space<vmem>>, vector<1x16xf32>,
            %mul3A_719 = arith.constant 32 : i32
            %mul3A_720 = arith.muli %mul3A_719, %scan3A_15 : i32
            %add3A_721 = arith.constant 16 : i32
            %add3A_722 = arith.addi %mul3A_720, %add3A_721 : i32
            %multiple_of3A_723 = tpu.assume_multiple %add3A_722, 16 : i32
            %get3A_724 = arith.index_cast %add3A_703 : i32 to index
            %get3A_725 = arith.index_cast %multiple_of3A_723 : i32 to index
            %get3A_726 = tpu.vector_load %arg11[%get3A_724, %get3A_725] {strides = array<i32>} : memref<32x128xf32, #tpu.memory_space<vmem>>, vector<1x16xf32>,
            %get3A_727 = vector.shape_cast %get3A_726 : vector<1x16xf32> to vector<16xf32>
            %mul3A_728 = arith.mulf %get3A_727, %gather3A_699 : vector<16xf32>
            %swap3A_729 = arith.index_cast %add3A_703 : i32 to index
            %swap3A_730 = arith.constant 16 : index
            %swap3A_731 = tpu.vector_load %arg13[%swap3A_729, %swap3A_730] {strides = array<i32>} : memref<32x32xf32, #tpu.memory_space<vmem>>, vector<1x16xf32>,
            %swap3A_732 = vector.shape_cast %swap3A_731 : vector<1x16xf32> to vector<16xf32>
            %swap3A_733 = vector.shape_cast %mul3A_728 : vector<16xf32> to vector<1x16xf32>
            tpu.vector_store %arg13[%swap3A_729, %swap3A_730], %swap3A_733 {strides = array<i32>} : memref<32x32xf32, #tpu.memory_space<vmem>>, vector<1x16xf32>,
            %broadcast_in_dim3A_734 = arith.constant 15 : i32
            %broadcast_in_dim3A_735 = vector.broadcast %broadcast_in_dim3A_734 : i32 to vector<16x1xi32>
            %gather3A_736 = vector.shape_cast %broadcast_in_dim3A_735 : vector<16x1xi32> to vector<16xi32>
            %gather3A_737 = tpu.dynamic_gather %get3A_166[%gather3A_736] in [0] : vector<16xf32>, vector<16xi32> -> vector<16xf32>
            %mul3A_738 = arith.constant 16 : i32
            %mul3A_739 = arith.muli %mul3A_738, %scan3A_159 : i32
            %add3A_740 = arith.constant 15 : i32
            %add3A_741 = arith.addi %mul3A_739, %add3A_740 : i32
            %mul3A_742 = arith.constant 32 : i32
            %mul3A_743 = arith.muli %mul3A_742, %scan3A_15 : i32
            %add3A_744 = arith.constant 0 : i32
            %add3A_745 = arith.addi %mul3A_743, %add3A_744 : i32
            %multiple_of3A_746 = tpu.assume_multiple %add3A_745, 16 : i32
            %get3A_747 = arith.index_cast %add3A_741 : i32 to index
            %get3A_748 = arith.index_cast %multiple_of3A_746 : i32 to index
            %get3A_749 = tpu.vector_load %arg11[%get3A_747, %get3A_748] {strides = array<i32>} : memref<32x128xf32, #tpu.memory_space<vmem>>, vector<1x16xf32>,
            %get3A_750 = vector.shape_cast %get3A_749 : vector<1x16xf32> to vector<16xf32>
            %mul3A_751 = arith.mulf %get3A_750, %gather3A_737 : vector<16xf32>
            %swap3A_752 = arith.index_cast %add3A_741 : i32 to index
            %swap3A_753 = arith.constant 0 : index
            %swap3A_754 = tpu.vector_load %arg13[%swap3A_752, %swap3A_753] {strides = array<i32>} : memref<32x32xf32, #tpu.memory_space<vmem>>, vector<1x16xf32>,
            %swap3A_755 = vector.shape_cast %swap3A_754 : vector<1x16xf32> to vector<16xf32>
            %swap3A_756 = vector.shape_cast %mul3A_751 : vector<16xf32> to vector<1x16xf32>
            tpu.vector_store %arg13[%swap3A_752, %swap3A_753], %swap3A_756 {strides = array<i32>} : memref<32x32xf32, #tpu.memory_space<vmem>>, vector<1x16xf32>,
            %mul3A_757 = arith.constant 32 : i32
            %mul3A_758 = arith.muli %mul3A_757, %scan3A_15 : i32
            %add3A_759 = arith.constant 16 : i32
            %add3A_760 = arith.addi %mul3A_758, %add3A_759 : i32
            %multiple_of3A_761 = tpu.assume_multiple %add3A_760, 16 : i32
            %get3A_762 = arith.index_cast %add3A_741 : i32 to index
            %get3A_763 = arith.index_cast %multiple_of3A_761 : i32 to index
            %get3A_764 = tpu.vector_load %arg11[%get3A_762, %get3A_763] {strides = array<i32>} : memref<32x128xf32, #tpu.memory_space<vmem>>, vector<1x16xf32>,
            %get3A_765 = vector.shape_cast %get3A_764 : vector<1x16xf32> to vector<16xf32>
            %mul3A_766 = arith.mulf %get3A_765, %gather3A_737 : vector<16xf32>
            %swap3A_767 = arith.index_cast %add3A_741 : i32 to index
            %swap3A_768 = arith.constant 16 : index
            %swap3A_769 = tpu.vector_load %arg13[%swap3A_767, %swap3A_768] {strides = array<i32>} : memref<32x32xf32, #tpu.memory_space<vmem>>, vector<1x16xf32>,
            %swap3A_770 = vector.shape_cast %swap3A_769 : vector<1x16xf32> to vector<16xf32>
            %swap3A_771 = vector.shape_cast %mul3A_766 : vector<16xf32> to vector<1x16xf32>
            tpu.vector_store %arg13[%swap3A_767, %swap3A_768], %swap3A_771 {strides = array<i32>} : memref<32x32xf32, #tpu.memory_space<vmem>>, vector<1x16xf32>,
            %scan3A_772 = arith.constant 0 : i32
            scf.yield %scan3A_772 : i32
          }
          %scan3A_114 = arith.constant 2 : i32
          %dma_start3A_115 = arith.constant 0 : i32
          %dma_start3A_116 = tpu.memref_slice %arg9[%mul3A_97, %dma_start3A_115] : memref<80x32xi32, #tpu.memory_space<vmem>> -> memref<1x32xi32, #tpu.memory_space<vmem>>
          %dma_start3A_117 = tpu.memref_squeeze %dma_start3A_116 : memref<1x32xi32, #tpu.memory_space<vmem>> -> memref<32xi32, #tpu.memory_space<vmem>>
          %dma_start3A_118 = arith.constant 0 : i32
          %dma_start3A_119 = arith.constant 0 : i32
          %dma_start3A_120 = tpu.memref_slice %arg7[%dma_start3A_118, %dma_start3A_119] : memref<50176x32xf32, #tpu.memory_space<vmem_shared>> -> memref<50176x32xf32, #tpu.memory_space<vmem_shared>>
          tpu.enqueue_indirect_dma source(%arg13 : memref<32x32xf32, #tpu.memory_space<vmem>>) target(%dma_start3A_120 : memref<50176x32xf32, #tpu.memory_space<vmem_shared>>) offsets(%dma_start3A_117 : memref<32xi32, #tpu.memory_space<vmem>>) semaphore(%arg18 : memref<!tpu.dma_semaphore, #tpu.memory_space<semaphore_mem>>) {add = true}
          %add3A_121 = arith.constant 2 : i32
          %add3A_122 = arith.addi %mul3A_97, %add3A_121 : i32
          %lt3A = arith.constant 80 : i32
          %lt3A_123 = arith.cmpi slt, %add3A_122, %lt3A : i32
          %convert_element_type3A_124 = arith.extui %lt3A_123 : i1 to i32
          %cond3A_125 = arith.constant 0 : i32
          %cond3A_126 = arith.cmpi ne, %convert_element_type3A_124, %cond3A_125 : i32
          scf.if %cond3A_126 {
            %add3A_159 = arith.constant 2 : i32
            %add3A_160 = arith.addi %mul3A_97, %add3A_159 : i32
            %dma_start3A_161 = arith.constant 0 : i32
            %dma_start3A_162 = tpu.memref_slice %arg8[%add3A_160, %dma_start3A_161] : memref<80x32xi32, #tpu.memory_space<vmem>> -> memref<1x32xi32, #tpu.memory_space<vmem>>
            %dma_start3A_163 = tpu.memref_squeeze %dma_start3A_162 : memref<1x32xi32, #tpu.memory_space<vmem>> -> memref<32xi32, #tpu.memory_space<vmem>>
            %dma_start3A_164 = arith.constant 0 : i32
            %dma_start3A_165 = arith.constant 0 : i32
            %dma_start3A_166 = tpu.memref_slice %arg5[%dma_start3A_164, %dma_start3A_165] : memref<50176x128xf32, #tpu.memory_space<hbm>> -> memref<50176x128xf32, #tpu.memory_space<hbm>>
            tpu.enqueue_indirect_dma source(%dma_start3A_166 : memref<50176x128xf32, #tpu.memory_space<hbm>>) target(%arg11 : memref<32x128xf32, #tpu.memory_space<vmem>>) offsets(%dma_start3A_163 : memref<32xi32, #tpu.memory_space<vmem>>) semaphore(%arg16 : memref<!tpu.dma_semaphore, #tpu.memory_space<semaphore_mem>>)
          } else {
          }
          %dma_wait3A_127 = arith.constant 0 : i32
          %dma_wait3A_128 = arith.constant 0 : i32
          %dma_wait3A_129 = tpu.memref_slice %arg5[%dma_wait3A_127, %dma_wait3A_128] : memref<50176x128xf32, #tpu.memory_space<hbm>> -> memref<32x128xf32, #tpu.memory_space<hbm>>
          %dma_wait3A_130 = arith.constant 0 : i32
          %dma_wait3A_131 = arith.constant 0 : i32
          %dma_wait3A_132 = tpu.memref_slice %arg5[%dma_wait3A_130, %dma_wait3A_131] : memref<50176x128xf32, #tpu.memory_space<hbm>> -> memref<32x128xf32, #tpu.memory_space<hbm>>
          tpu.wait_dma2 semaphore(%arg17 : memref<!tpu.dma_semaphore, #tpu.memory_space<semaphore_mem>>) src(%dma_wait3A_132 : memref<32x128xf32, #tpu.memory_space<hbm>>) dst(%arg12 : memref<32x128xf32, #tpu.memory_space<vmem>>)
          %gt3A_133 = arith.constant 0 : i32
          %gt3A_134 = arith.cmpi sgt, %scan3A_94, %gt3A_133 : i32
          %convert_element_type3A_135 = arith.extui %gt3A_134 : i1 to i32
          %cond3A_136 = arith.constant 0 : i32
          %cond3A_137 = arith.cmpi ne, %convert_element_type3A_135, %cond3A_136 : i32
          scf.if %cond3A_137 {
            %dma_wait3A_159 = arith.constant 0 : i32
            %dma_wait3A_160 = arith.constant 0 : i32
            %dma_wait3A_161 = tpu.memref_slice %arg7[%dma_wait3A_159, %dma_wait3A_160] : memref<50176x32xf32, #tpu.memory_space<vmem_shared>> -> memref<32x32xf32, #tpu.memory_space<vmem_shared>>
            %dma_wait3A_162 = arith.constant 0 : i32
            %dma_wait3A_163 = arith.constant 0 : i32
            %dma_wait3A_164 = tpu.memref_slice %arg7[%dma_wait3A_162, %dma_wait3A_163] : memref<50176x32xf32, #tpu.memory_space<vmem_shared>> -> memref<32x32xf32, #tpu.memory_space<vmem_shared>>
            tpu.wait_dma2 semaphore(%arg19 : memref<!tpu.dma_semaphore, #tpu.memory_space<semaphore_mem>>) src(%arg14 : memref<32x32xf32, #tpu.memory_space<vmem>>) dst(%dma_wait3A_164 : memref<32x32xf32, #tpu.memory_space<vmem_shared>>)
          } else {
          }
          %scan3A_138 = arith.constant 0 : i32
          %scan3A_139 = arith.constant 0 : i32
          %scan3A_140 = arith.constant 2 : i32
          %scan3A_141 = arith.addi %scan3A_139, %scan3A_140 : i32
          %scan3A_142 = arith.constant 1 : i32
          %scan3A_143 = scf.for %scan3A_159 = %scan3A_139 to %scan3A_141 step %scan3A_142 iter_args(%scan3A_160 = %scan3A_138) -> (i32)  : i32 {
            %mul3A_161 = arith.constant 16 : i32
            %mul3A_162 = arith.muli %mul3A_161, %scan3A_159 : i32
            %multiple_of3A_163 = tpu.assume_multiple %mul3A_162, 16 : i32
            %get3A = arith.index_cast %add3A_99 : i32 to index
            %get3A_164 = arith.index_cast %multiple_of3A_163 : i32 to index
            %get3A_165 = tpu.vector_load %arg10[%get3A, %get3A_164] {strides = array<i32>} : memref<80x32xf32, #tpu.memory_space<vmem>>, vector<1x16xf32>,
            %get3A_166 = vector.shape_cast %get3A_165 : vector<1x16xf32> to vector<16xf32>
            %broadcast_in_dim3A = arith.constant 0 : i32
            %broadcast_in_dim3A_167 = vector.broadcast %broadcast_in_dim3A : i32 to vector<16x1xi32>
            %gather3A = vector.shape_cast %broadcast_in_dim3A_167 : vector<16x1xi32> to vector<16xi32>
            %gather3A_168 = tpu.dynamic_gather %get3A_166[%gather3A] in [0] : vector<16xf32>, vector<16xi32> -> vector<16xf32>
            %mul3A_169 = arith.constant 16 : i32
            %mul3A_170 = arith.muli %mul3A_169, %scan3A_159 : i32
            %add3A_171 = arith.constant 0 : i32
            %add3A_172 = arith.addi %mul3A_170, %add3A_171 : i32
            %mul3A_173 = arith.constant 32 : i32
            %mul3A_174 = arith.muli %mul3A_173, %scan3A_15 : i32
            %add3A_175 = arith.constant 0 : i32
            %add3A_176 = arith.addi %mul3A_174, %add3A_175 : i32
            %multiple_of3A_177 = tpu.assume_multiple %add3A_176, 16 : i32
            %get3A_178 = arith.index_cast %add3A_172 : i32 to index
            %get3A_179 = arith.index_cast %multiple_of3A_177 : i32 to index
            %get3A_180 = tpu.vector_load %arg12[%get3A_178, %get3A_179] {strides = array<i32>} : memref<32x128xf32, #tpu.memory_space<vmem>>, vector<1x16xf32>,
            %get3A_181 = vector.shape_cast %get3A_180 : vector<1x16xf32> to vector<16xf32>
            %mul3A_182 = arith.mulf %get3A_181, %gather3A_168 : vector<16xf32>
            %swap3A = arith.index_cast %add3A_172 : i32 to index
            %swap3A_183 = arith.constant 0 : index
            %swap3A_184 = tpu.vector_load %arg14[%swap3A, %swap3A_183] {strides = array<i32>} : memref<32x32xf32, #tpu.memory_space<vmem>>, vector<1x16xf32>,
            %swap3A_185 = vector.shape_cast %swap3A_184 : vector<1x16xf32> to vector<16xf32>
            %swap3A_186 = vector.shape_cast %mul3A_182 : vector<16xf32> to vector<1x16xf32>
            tpu.vector_store %arg14[%swap3A, %swap3A_183], %swap3A_186 {strides = array<i32>} : memref<32x32xf32, #tpu.memory_space<vmem>>, vector<1x16xf32>,
            %mul3A_187 = arith.constant 32 : i32
            %mul3A_188 = arith.muli %mul3A_187, %scan3A_15 : i32
            %add3A_189 = arith.constant 16 : i32
            %add3A_190 = arith.addi %mul3A_188, %add3A_189 : i32
            %multiple_of3A_191 = tpu.assume_multiple %add3A_190, 16 : i32
            %get3A_192 = arith.index_cast %add3A_172 : i32 to index
            %get3A_193 = arith.index_cast %multiple_of3A_191 : i32 to index
            %get3A_194 = tpu.vector_load %arg12[%get3A_192, %get3A_193] {strides = array<i32>} : memref<32x128xf32, #tpu.memory_space<vmem>>, vector<1x16xf32>,
            %get3A_195 = vector.shape_cast %get3A_194 : vector<1x16xf32> to vector<16xf32>
            %mul3A_196 = arith.mulf %get3A_195, %gather3A_168 : vector<16xf32>
            %swap3A_197 = arith.index_cast %add3A_172 : i32 to index
            %swap3A_198 = arith.constant 16 : index
            %swap3A_199 = tpu.vector_load %arg14[%swap3A_197, %swap3A_198] {strides = array<i32>} : memref<32x32xf32, #tpu.memory_space<vmem>>, vector<1x16xf32>,
            %swap3A_200 = vector.shape_cast %swap3A_199 : vector<1x16xf32> to vector<16xf32>
            %swap3A_201 = vector.shape_cast %mul3A_196 : vector<16xf32> to vector<1x16xf32>
            tpu.vector_store %arg14[%swap3A_197, %swap3A_198], %swap3A_201 {strides = array<i32>} : memref<32x32xf32, #tpu.memory_space<vmem>>, vector<1x16xf32>,
            %broadcast_in_dim3A_202 = arith.constant 1 : i32
            %broadcast_in_dim3A_203 = vector.broadcast %broadcast_in_dim3A_202 : i32 to vector<16x1xi32>
            %gather3A_204 = vector.shape_cast %broadcast_in_dim3A_203 : vector<16x1xi32> to vector<16xi32>
            %gather3A_205 = tpu.dynamic_gather %get3A_166[%gather3A_204] in [0] : vector<16xf32>, vector<16xi32> -> vector<16xf32>
            %mul3A_206 = arith.constant 16 : i32
            %mul3A_207 = arith.muli %mul3A_206, %scan3A_159 : i32
            %add3A_208 = arith.constant 1 : i32
            %add3A_209 = arith.addi %mul3A_207, %add3A_208 : i32
            %mul3A_210 = arith.constant 32 : i32
            %mul3A_211 = arith.muli %mul3A_210, %scan3A_15 : i32
            %add3A_212 = arith.constant 0 : i32
            %add3A_213 = arith.addi %mul3A_211, %add3A_212 : i32
            %multiple_of3A_214 = tpu.assume_multiple %add3A_213, 16 : i32
            %get3A_215 = arith.index_cast %add3A_209 : i32 to index
            %get3A_216 = arith.index_cast %multiple_of3A_214 : i32 to index
            %get3A_217 = tpu.vector_load %arg12[%get3A_215, %get3A_216] {strides = array<i32>} : memref<32x128xf32, #tpu.memory_space<vmem>>, vector<1x16xf32>,
            %get3A_218 = vector.shape_cast %get3A_217 : vector<1x16xf32> to vector<16xf32>
            %mul3A_219 = arith.mulf %get3A_218, %gather3A_205 : vector<16xf32>
            %swap3A_220 = arith.index_cast %add3A_209 : i32 to index
            %swap3A_221 = arith.constant 0 : index
            %swap3A_222 = tpu.vector_load %arg14[%swap3A_220, %swap3A_221] {strides = array<i32>} : memref<32x32xf32, #tpu.memory_space<vmem>>, vector<1x16xf32>,
            %swap3A_223 = vector.shape_cast %swap3A_222 : vector<1x16xf32> to vector<16xf32>
            %swap3A_224 = vector.shape_cast %mul3A_219 : vector<16xf32> to vector<1x16xf32>
            tpu.vector_store %arg14[%swap3A_220, %swap3A_221], %swap3A_224 {strides = array<i32>} : memref<32x32xf32, #tpu.memory_space<vmem>>, vector<1x16xf32>,
            %mul3A_225 = arith.constant 32 : i32
            %mul3A_226 = arith.muli %mul3A_225, %scan3A_15 : i32
            %add3A_227 = arith.constant 16 : i32
            %add3A_228 = arith.addi %mul3A_226, %add3A_227 : i32
            %multiple_of3A_229 = tpu.assume_multiple %add3A_228, 16 : i32
            %get3A_230 = arith.index_cast %add3A_209 : i32 to index
            %get3A_231 = arith.index_cast %multiple_of3A_229 : i32 to index
            %get3A_232 = tpu.vector_load %arg12[%get3A_230, %get3A_231] {strides = array<i32>} : memref<32x128xf32, #tpu.memory_space<vmem>>, vector<1x16xf32>,
            %get3A_233 = vector.shape_cast %get3A_232 : vector<1x16xf32> to vector<16xf32>
            %mul3A_234 = arith.mulf %get3A_233, %gather3A_205 : vector<16xf32>
            %swap3A_235 = arith.index_cast %add3A_209 : i32 to index
            %swap3A_236 = arith.constant 16 : index
            %swap3A_237 = tpu.vector_load %arg14[%swap3A_235, %swap3A_236] {strides = array<i32>} : memref<32x32xf32, #tpu.memory_space<vmem>>, vector<1x16xf32>,
            %swap3A_238 = vector.shape_cast %swap3A_237 : vector<1x16xf32> to vector<16xf32>
            %swap3A_239 = vector.shape_cast %mul3A_234 : vector<16xf32> to vector<1x16xf32>
            tpu.vector_store %arg14[%swap3A_235, %swap3A_236], %swap3A_239 {strides = array<i32>} : memref<32x32xf32, #tpu.memory_space<vmem>>, vector<1x16xf32>,
            %broadcast_in_dim3A_240 = arith.constant 2 : i32
            %broadcast_in_dim3A_241 = vector.broadcast %broadcast_in_dim3A_240 : i32 to vector<16x1xi32>
            %gather3A_242 = vector.shape_cast %broadcast_in_dim3A_241 : vector<16x1xi32> to vector<16xi32>
            %gather3A_243 = tpu.dynamic_gather %get3A_166[%gather3A_242] in [0] : vector<16xf32>, vector<16xi32> -> vector<16xf32>
            %mul3A_244 = arith.constant 16 : i32
            %mul3A_245 = arith.muli %mul3A_244, %scan3A_159 : i32
            %add3A_246 = arith.constant 2 : i32
            %add3A_247 = arith.addi %mul3A_245, %add3A_246 : i32
            %mul3A_248 = arith.constant 32 : i32
            %mul3A_249 = arith.muli %mul3A_248, %scan3A_15 : i32
            %add3A_250 = arith.constant 0 : i32
            %add3A_251 = arith.addi %mul3A_249, %add3A_250 : i32
            %multiple_of3A_252 = tpu.assume_multiple %add3A_251, 16 : i32
            %get3A_253 = arith.index_cast %add3A_247 : i32 to index
            %get3A_254 = arith.index_cast %multiple_of3A_252 : i32 to index
            %get3A_255 = tpu.vector_load %arg12[%get3A_253, %get3A_254] {strides = array<i32>} : memref<32x128xf32, #tpu.memory_space<vmem>>, vector<1x16xf32>,
            %get3A_256 = vector.shape_cast %get3A_255 : vector<1x16xf32> to vector<16xf32>
            %mul3A_257 = arith.mulf %get3A_256, %gather3A_243 : vector<16xf32>
            %swap3A_258 = arith.index_cast %add3A_247 : i32 to index
            %swap3A_259 = arith.constant 0 : index
            %swap3A_260 = tpu.vector_load %arg14[%swap3A_258, %swap3A_259] {strides = array<i32>} : memref<32x32xf32, #tpu.memory_space<vmem>>, vector<1x16xf32>,
            %swap3A_261 = vector.shape_cast %swap3A_260 : vector<1x16xf32> to vector<16xf32>
            %swap3A_262 = vector.shape_cast %mul3A_257 : vector<16xf32> to vector<1x16xf32>
            tpu.vector_store %arg14[%swap3A_258, %swap3A_259], %swap3A_262 {strides = array<i32>} : memref<32x32xf32, #tpu.memory_space<vmem>>, vector<1x16xf32>,
            %mul3A_263 = arith.constant 32 : i32
            %mul3A_264 = arith.muli %mul3A_263, %scan3A_15 : i32
            %add3A_265 = arith.constant 16 : i32
            %add3A_266 = arith.addi %mul3A_264, %add3A_265 : i32
            %multiple_of3A_267 = tpu.assume_multiple %add3A_266, 16 : i32
            %get3A_268 = arith.index_cast %add3A_247 : i32 to index
            %get3A_269 = arith.index_cast %multiple_of3A_267 : i32 to index
            %get3A_270 = tpu.vector_load %arg12[%get3A_268, %get3A_269] {strides = array<i32>} : memref<32x128xf32, #tpu.memory_space<vmem>>, vector<1x16xf32>,
            %get3A_271 = vector.shape_cast %get3A_270 : vector<1x16xf32> to vector<16xf32>
            %mul3A_272 = arith.mulf %get3A_271, %gather3A_243 : vector<16xf32>
            %swap3A_273 = arith.index_cast %add3A_247 : i32 to index
            %swap3A_274 = arith.constant 16 : index
            %swap3A_275 = tpu.vector_load %arg14[%swap3A_273, %swap3A_274] {strides = array<i32>} : memref<32x32xf32, #tpu.memory_space<vmem>>, vector<1x16xf32>,
            %swap3A_276 = vector.shape_cast %swap3A_275 : vector<1x16xf32> to vector<16xf32>
            %swap3A_277 = vector.shape_cast %mul3A_272 : vector<16xf32> to vector<1x16xf32>
            tpu.vector_store %arg14[%swap3A_273, %swap3A_274], %swap3A_277 {strides = array<i32>} : memref<32x32xf32, #tpu.memory_space<vmem>>, vector<1x16xf32>,
            %broadcast_in_dim3A_278 = arith.constant 3 : i32
            %broadcast_in_dim3A_279 = vector.broadcast %broadcast_in_dim3A_278 : i32 to vector<16x1xi32>
            %gather3A_280 = vector.shape_cast %broadcast_in_dim3A_279 : vector<16x1xi32> to vector<16xi32>
            %gather3A_281 = tpu.dynamic_gather %get3A_166[%gather3A_280] in [0] : vector<16xf32>, vector<16xi32> -> vector<16xf32>
            %mul3A_282 = arith.constant 16 : i32
            %mul3A_283 = arith.muli %mul3A_282, %scan3A_159 : i32
            %add3A_284 = arith.constant 3 : i32
            %add3A_285 = arith.addi %mul3A_283, %add3A_284 : i32
            %mul3A_286 = arith.constant 32 : i32
            %mul3A_287 = arith.muli %mul3A_286, %scan3A_15 : i32
            %add3A_288 = arith.constant 0 : i32
            %add3A_289 = arith.addi %mul3A_287, %add3A_288 : i32
            %multiple_of3A_290 = tpu.assume_multiple %add3A_289, 16 : i32
            %get3A_291 = arith.index_cast %add3A_285 : i32 to index
            %get3A_292 = arith.index_cast %multiple_of3A_290 : i32 to index
            %get3A_293 = tpu.vector_load %arg12[%get3A_291, %get3A_292] {strides = array<i32>} : memref<32x128xf32, #tpu.memory_space<vmem>>, vector<1x16xf32>,
            %get3A_294 = vector.shape_cast %get3A_293 : vector<1x16xf32> to vector<16xf32>
            %mul3A_295 = arith.mulf %get3A_294, %gather3A_281 : vector<16xf32>
            %swap3A_296 = arith.index_cast %add3A_285 : i32 to index
            %swap3A_297 = arith.constant 0 : index
            %swap3A_298 = tpu.vector_load %arg14[%swap3A_296, %swap3A_297] {strides = array<i32>} : memref<32x32xf32, #tpu.memory_space<vmem>>, vector<1x16xf32>,
            %swap3A_299 = vector.shape_cast %swap3A_298 : vector<1x16xf32> to vector<16xf32>
            %swap3A_300 = vector.shape_cast %mul3A_295 : vector<16xf32> to vector<1x16xf32>
            tpu.vector_store %arg14[%swap3A_296, %swap3A_297], %swap3A_300 {strides = array<i32>} : memref<32x32xf32, #tpu.memory_space<vmem>>, vector<1x16xf32>,
            %mul3A_301 = arith.constant 32 : i32
            %mul3A_302 = arith.muli %mul3A_301, %scan3A_15 : i32
            %add3A_303 = arith.constant 16 : i32
            %add3A_304 = arith.addi %mul3A_302, %add3A_303 : i32
            %multiple_of3A_305 = tpu.assume_multiple %add3A_304, 16 : i32
            %get3A_306 = arith.index_cast %add3A_285 : i32 to index
            %get3A_307 = arith.index_cast %multiple_of3A_305 : i32 to index
            %get3A_308 = tpu.vector_load %arg12[%get3A_306, %get3A_307] {strides = array<i32>} : memref<32x128xf32, #tpu.memory_space<vmem>>, vector<1x16xf32>,
            %get3A_309 = vector.shape_cast %get3A_308 : vector<1x16xf32> to vector<16xf32>
            %mul3A_310 = arith.mulf %get3A_309, %gather3A_281 : vector<16xf32>
            %swap3A_311 = arith.index_cast %add3A_285 : i32 to index
            %swap3A_312 = arith.constant 16 : index
            %swap3A_313 = tpu.vector_load %arg14[%swap3A_311, %swap3A_312] {strides = array<i32>} : memref<32x32xf32, #tpu.memory_space<vmem>>, vector<1x16xf32>,
            %swap3A_314 = vector.shape_cast %swap3A_313 : vector<1x16xf32> to vector<16xf32>
            %swap3A_315 = vector.shape_cast %mul3A_310 : vector<16xf32> to vector<1x16xf32>
            tpu.vector_store %arg14[%swap3A_311, %swap3A_312], %swap3A_315 {strides = array<i32>} : memref<32x32xf32, #tpu.memory_space<vmem>>, vector<1x16xf32>,
            %broadcast_in_dim3A_316 = arith.constant 4 : i32
            %broadcast_in_dim3A_317 = vector.broadcast %broadcast_in_dim3A_316 : i32 to vector<16x1xi32>
            %gather3A_318 = vector.shape_cast %broadcast_in_dim3A_317 : vector<16x1xi32> to vector<16xi32>
            %gather3A_319 = tpu.dynamic_gather %get3A_166[%gather3A_318] in [0] : vector<16xf32>, vector<16xi32> -> vector<16xf32>
            %mul3A_320 = arith.constant 16 : i32
            %mul3A_321 = arith.muli %mul3A_320, %scan3A_159 : i32
            %add3A_322 = arith.constant 4 : i32
            %add3A_323 = arith.addi %mul3A_321, %add3A_322 : i32
            %mul3A_324 = arith.constant 32 : i32
            %mul3A_325 = arith.muli %mul3A_324, %scan3A_15 : i32
            %add3A_326 = arith.constant 0 : i32
            %add3A_327 = arith.addi %mul3A_325, %add3A_326 : i32
            %multiple_of3A_328 = tpu.assume_multiple %add3A_327, 16 : i32
            %get3A_329 = arith.index_cast %add3A_323 : i32 to index
            %get3A_330 = arith.index_cast %multiple_of3A_328 : i32 to index
            %get3A_331 = tpu.vector_load %arg12[%get3A_329, %get3A_330] {strides = array<i32>} : memref<32x128xf32, #tpu.memory_space<vmem>>, vector<1x16xf32>,
            %get3A_332 = vector.shape_cast %get3A_331 : vector<1x16xf32> to vector<16xf32>
            %mul3A_333 = arith.mulf %get3A_332, %gather3A_319 : vector<16xf32>
            %swap3A_334 = arith.index_cast %add3A_323 : i32 to index
            %swap3A_335 = arith.constant 0 : index
            %swap3A_336 = tpu.vector_load %arg14[%swap3A_334, %swap3A_335] {strides = array<i32>} : memref<32x32xf32, #tpu.memory_space<vmem>>, vector<1x16xf32>,
            %swap3A_337 = vector.shape_cast %swap3A_336 : vector<1x16xf32> to vector<16xf32>
            %swap3A_338 = vector.shape_cast %mul3A_333 : vector<16xf32> to vector<1x16xf32>
            tpu.vector_store %arg14[%swap3A_334, %swap3A_335], %swap3A_338 {strides = array<i32>} : memref<32x32xf32, #tpu.memory_space<vmem>>, vector<1x16xf32>,
            %mul3A_339 = arith.constant 32 : i32
            %mul3A_340 = arith.muli %mul3A_339, %scan3A_15 : i32
            %add3A_341 = arith.constant 16 : i32
            %add3A_342 = arith.addi %mul3A_340, %add3A_341 : i32
            %multiple_of3A_343 = tpu.assume_multiple %add3A_342, 16 : i32
            %get3A_344 = arith.index_cast %add3A_323 : i32 to index
            %get3A_345 = arith.index_cast %multiple_of3A_343 : i32 to index
            %get3A_346 = tpu.vector_load %arg12[%get3A_344, %get3A_345] {strides = array<i32>} : memref<32x128xf32, #tpu.memory_space<vmem>>, vector<1x16xf32>,
            %get3A_347 = vector.shape_cast %get3A_346 : vector<1x16xf32> to vector<16xf32>
            %mul3A_348 = arith.mulf %get3A_347, %gather3A_319 : vector<16xf32>
            %swap3A_349 = arith.index_cast %add3A_323 : i32 to index
            %swap3A_350 = arith.constant 16 : index
            %swap3A_351 = tpu.vector_load %arg14[%swap3A_349, %swap3A_350] {strides = array<i32>} : memref<32x32xf32, #tpu.memory_space<vmem>>, vector<1x16xf32>,
            %swap3A_352 = vector.shape_cast %swap3A_351 : vector<1x16xf32> to vector<16xf32>
            %swap3A_353 = vector.shape_cast %mul3A_348 : vector<16xf32> to vector<1x16xf32>
            tpu.vector_store %arg14[%swap3A_349, %swap3A_350], %swap3A_353 {strides = array<i32>} : memref<32x32xf32, #tpu.memory_space<vmem>>, vector<1x16xf32>,
            %broadcast_in_dim3A_354 = arith.constant 5 : i32
            %broadcast_in_dim3A_355 = vector.broadcast %broadcast_in_dim3A_354 : i32 to vector<16x1xi32>
            %gather3A_356 = vector.shape_cast %broadcast_in_dim3A_355 : vector<16x1xi32> to vector<16xi32>
            %gather3A_357 = tpu.dynamic_gather %get3A_166[%gather3A_356] in [0] : vector<16xf32>, vector<16xi32> -> vector<16xf32>
            %mul3A_358 = arith.constant 16 : i32
            %mul3A_359 = arith.muli %mul3A_358, %scan3A_159 : i32
            %add3A_360 = arith.constant 5 : i32
            %add3A_361 = arith.addi %mul3A_359, %add3A_360 : i32
            %mul3A_362 = arith.constant 32 : i32
            %mul3A_363 = arith.muli %mul3A_362, %scan3A_15 : i32
            %add3A_364 = arith.constant 0 : i32
            %add3A_365 = arith.addi %mul3A_363, %add3A_364 : i32
            %multiple_of3A_366 = tpu.assume_multiple %add3A_365, 16 : i32
            %get3A_367 = arith.index_cast %add3A_361 : i32 to index
            %get3A_368 = arith.index_cast %multiple_of3A_366 : i32 to index
            %get3A_369 = tpu.vector_load %arg12[%get3A_367, %get3A_368] {strides = array<i32>} : memref<32x128xf32, #tpu.memory_space<vmem>>, vector<1x16xf32>,
            %get3A_370 = vector.shape_cast %get3A_369 : vector<1x16xf32> to vector<16xf32>
            %mul3A_371 = arith.mulf %get3A_370, %gather3A_357 : vector<16xf32>
            %swap3A_372 = arith.index_cast %add3A_361 : i32 to index
            %swap3A_373 = arith.constant 0 : index
            %swap3A_374 = tpu.vector_load %arg14[%swap3A_372, %swap3A_373] {strides = array<i32>} : memref<32x32xf32, #tpu.memory_space<vmem>>, vector<1x16xf32>,
            %swap3A_375 = vector.shape_cast %swap3A_374 : vector<1x16xf32> to vector<16xf32>
            %swap3A_376 = vector.shape_cast %mul3A_371 : vector<16xf32> to vector<1x16xf32>
            tpu.vector_store %arg14[%swap3A_372, %swap3A_373], %swap3A_376 {strides = array<i32>} : memref<32x32xf32, #tpu.memory_space<vmem>>, vector<1x16xf32>,
            %mul3A_377 = arith.constant 32 : i32
            %mul3A_378 = arith.muli %mul3A_377, %scan3A_15 : i32
            %add3A_379 = arith.constant 16 : i32
            %add3A_380 = arith.addi %mul3A_378, %add3A_379 : i32
            %multiple_of3A_381 = tpu.assume_multiple %add3A_380, 16 : i32
            %get3A_382 = arith.index_cast %add3A_361 : i32 to index
            %get3A_383 = arith.index_cast %multiple_of3A_381 : i32 to index
            %get3A_384 = tpu.vector_load %arg12[%get3A_382, %get3A_383] {strides = array<i32>} : memref<32x128xf32, #tpu.memory_space<vmem>>, vector<1x16xf32>,
            %get3A_385 = vector.shape_cast %get3A_384 : vector<1x16xf32> to vector<16xf32>
            %mul3A_386 = arith.mulf %get3A_385, %gather3A_357 : vector<16xf32>
            %swap3A_387 = arith.index_cast %add3A_361 : i32 to index
            %swap3A_388 = arith.constant 16 : index
            %swap3A_389 = tpu.vector_load %arg14[%swap3A_387, %swap3A_388] {strides = array<i32>} : memref<32x32xf32, #tpu.memory_space<vmem>>, vector<1x16xf32>,
            %swap3A_390 = vector.shape_cast %swap3A_389 : vector<1x16xf32> to vector<16xf32>
            %swap3A_391 = vector.shape_cast %mul3A_386 : vector<16xf32> to vector<1x16xf32>
            tpu.vector_store %arg14[%swap3A_387, %swap3A_388], %swap3A_391 {strides = array<i32>} : memref<32x32xf32, #tpu.memory_space<vmem>>, vector<1x16xf32>,
            %broadcast_in_dim3A_392 = arith.constant 6 : i32
            %broadcast_in_dim3A_393 = vector.broadcast %broadcast_in_dim3A_392 : i32 to vector<16x1xi32>
            %gather3A_394 = vector.shape_cast %broadcast_in_dim3A_393 : vector<16x1xi32> to vector<16xi32>
            %gather3A_395 = tpu.dynamic_gather %get3A_166[%gather3A_394] in [0] : vector<16xf32>, vector<16xi32> -> vector<16xf32>
            %mul3A_396 = arith.constant 16 : i32
            %mul3A_397 = arith.muli %mul3A_396, %scan3A_159 : i32
            %add3A_398 = arith.constant 6 : i32
            %add3A_399 = arith.addi %mul3A_397, %add3A_398 : i32
            %mul3A_400 = arith.constant 32 : i32
            %mul3A_401 = arith.muli %mul3A_400, %scan3A_15 : i32
            %add3A_402 = arith.constant 0 : i32
            %add3A_403 = arith.addi %mul3A_401, %add3A_402 : i32
            %multiple_of3A_404 = tpu.assume_multiple %add3A_403, 16 : i32
            %get3A_405 = arith.index_cast %add3A_399 : i32 to index
            %get3A_406 = arith.index_cast %multiple_of3A_404 : i32 to index
            %get3A_407 = tpu.vector_load %arg12[%get3A_405, %get3A_406] {strides = array<i32>} : memref<32x128xf32, #tpu.memory_space<vmem>>, vector<1x16xf32>,
            %get3A_408 = vector.shape_cast %get3A_407 : vector<1x16xf32> to vector<16xf32>
            %mul3A_409 = arith.mulf %get3A_408, %gather3A_395 : vector<16xf32>
            %swap3A_410 = arith.index_cast %add3A_399 : i32 to index
            %swap3A_411 = arith.constant 0 : index
            %swap3A_412 = tpu.vector_load %arg14[%swap3A_410, %swap3A_411] {strides = array<i32>} : memref<32x32xf32, #tpu.memory_space<vmem>>, vector<1x16xf32>,
            %swap3A_413 = vector.shape_cast %swap3A_412 : vector<1x16xf32> to vector<16xf32>
            %swap3A_414 = vector.shape_cast %mul3A_409 : vector<16xf32> to vector<1x16xf32>
            tpu.vector_store %arg14[%swap3A_410, %swap3A_411], %swap3A_414 {strides = array<i32>} : memref<32x32xf32, #tpu.memory_space<vmem>>, vector<1x16xf32>,
            %mul3A_415 = arith.constant 32 : i32
            %mul3A_416 = arith.muli %mul3A_415, %scan3A_15 : i32
            %add3A_417 = arith.constant 16 : i32
            %add3A_418 = arith.addi %mul3A_416, %add3A_417 : i32
            %multiple_of3A_419 = tpu.assume_multiple %add3A_418, 16 : i32
            %get3A_420 = arith.index_cast %add3A_399 : i32 to index
            %get3A_421 = arith.index_cast %multiple_of3A_419 : i32 to index
            %get3A_422 = tpu.vector_load %arg12[%get3A_420, %get3A_421] {strides = array<i32>} : memref<32x128xf32, #tpu.memory_space<vmem>>, vector<1x16xf32>,
            %get3A_423 = vector.shape_cast %get3A_422 : vector<1x16xf32> to vector<16xf32>
            %mul3A_424 = arith.mulf %get3A_423, %gather3A_395 : vector<16xf32>
            %swap3A_425 = arith.index_cast %add3A_399 : i32 to index
            %swap3A_426 = arith.constant 16 : index
            %swap3A_427 = tpu.vector_load %arg14[%swap3A_425, %swap3A_426] {strides = array<i32>} : memref<32x32xf32, #tpu.memory_space<vmem>>, vector<1x16xf32>,
            %swap3A_428 = vector.shape_cast %swap3A_427 : vector<1x16xf32> to vector<16xf32>
            %swap3A_429 = vector.shape_cast %mul3A_424 : vector<16xf32> to vector<1x16xf32>
            tpu.vector_store %arg14[%swap3A_425, %swap3A_426], %swap3A_429 {strides = array<i32>} : memref<32x32xf32, #tpu.memory_space<vmem>>, vector<1x16xf32>,
            %broadcast_in_dim3A_430 = arith.constant 7 : i32
            %broadcast_in_dim3A_431 = vector.broadcast %broadcast_in_dim3A_430 : i32 to vector<16x1xi32>
            %gather3A_432 = vector.shape_cast %broadcast_in_dim3A_431 : vector<16x1xi32> to vector<16xi32>
            %gather3A_433 = tpu.dynamic_gather %get3A_166[%gather3A_432] in [0] : vector<16xf32>, vector<16xi32> -> vector<16xf32>
            %mul3A_434 = arith.constant 16 : i32
            %mul3A_435 = arith.muli %mul3A_434, %scan3A_159 : i32
            %add3A_436 = arith.constant 7 : i32
            %add3A_437 = arith.addi %mul3A_435, %add3A_436 : i32
            %mul3A_438 = arith.constant 32 : i32
            %mul3A_439 = arith.muli %mul3A_438, %scan3A_15 : i32
            %add3A_440 = arith.constant 0 : i32
            %add3A_441 = arith.addi %mul3A_439, %add3A_440 : i32
            %multiple_of3A_442 = tpu.assume_multiple %add3A_441, 16 : i32
            %get3A_443 = arith.index_cast %add3A_437 : i32 to index
            %get3A_444 = arith.index_cast %multiple_of3A_442 : i32 to index
            %get3A_445 = tpu.vector_load %arg12[%get3A_443, %get3A_444] {strides = array<i32>} : memref<32x128xf32, #tpu.memory_space<vmem>>, vector<1x16xf32>,
            %get3A_446 = vector.shape_cast %get3A_445 : vector<1x16xf32> to vector<16xf32>
            %mul3A_447 = arith.mulf %get3A_446, %gather3A_433 : vector<16xf32>
            %swap3A_448 = arith.index_cast %add3A_437 : i32 to index
            %swap3A_449 = arith.constant 0 : index
            %swap3A_450 = tpu.vector_load %arg14[%swap3A_448, %swap3A_449] {strides = array<i32>} : memref<32x32xf32, #tpu.memory_space<vmem>>, vector<1x16xf32>,
            %swap3A_451 = vector.shape_cast %swap3A_450 : vector<1x16xf32> to vector<16xf32>
            %swap3A_452 = vector.shape_cast %mul3A_447 : vector<16xf32> to vector<1x16xf32>
            tpu.vector_store %arg14[%swap3A_448, %swap3A_449], %swap3A_452 {strides = array<i32>} : memref<32x32xf32, #tpu.memory_space<vmem>>, vector<1x16xf32>,
            %mul3A_453 = arith.constant 32 : i32
            %mul3A_454 = arith.muli %mul3A_453, %scan3A_15 : i32
            %add3A_455 = arith.constant 16 : i32
            %add3A_456 = arith.addi %mul3A_454, %add3A_455 : i32
            %multiple_of3A_457 = tpu.assume_multiple %add3A_456, 16 : i32
            %get3A_458 = arith.index_cast %add3A_437 : i32 to index
            %get3A_459 = arith.index_cast %multiple_of3A_457 : i32 to index
            %get3A_460 = tpu.vector_load %arg12[%get3A_458, %get3A_459] {strides = array<i32>} : memref<32x128xf32, #tpu.memory_space<vmem>>, vector<1x16xf32>,
            %get3A_461 = vector.shape_cast %get3A_460 : vector<1x16xf32> to vector<16xf32>
            %mul3A_462 = arith.mulf %get3A_461, %gather3A_433 : vector<16xf32>
            %swap3A_463 = arith.index_cast %add3A_437 : i32 to index
            %swap3A_464 = arith.constant 16 : index
            %swap3A_465 = tpu.vector_load %arg14[%swap3A_463, %swap3A_464] {strides = array<i32>} : memref<32x32xf32, #tpu.memory_space<vmem>>, vector<1x16xf32>,
            %swap3A_466 = vector.shape_cast %swap3A_465 : vector<1x16xf32> to vector<16xf32>
            %swap3A_467 = vector.shape_cast %mul3A_462 : vector<16xf32> to vector<1x16xf32>
            tpu.vector_store %arg14[%swap3A_463, %swap3A_464], %swap3A_467 {strides = array<i32>} : memref<32x32xf32, #tpu.memory_space<vmem>>, vector<1x16xf32>,
            %broadcast_in_dim3A_468 = arith.constant 8 : i32
            %broadcast_in_dim3A_469 = vector.broadcast %broadcast_in_dim3A_468 : i32 to vector<16x1xi32>
            %gather3A_470 = vector.shape_cast %broadcast_in_dim3A_469 : vector<16x1xi32> to vector<16xi32>
            %gather3A_471 = tpu.dynamic_gather %get3A_166[%gather3A_470] in [0] : vector<16xf32>, vector<16xi32> -> vector<16xf32>
            %mul3A_472 = arith.constant 16 : i32
            %mul3A_473 = arith.muli %mul3A_472, %scan3A_159 : i32
            %add3A_474 = arith.constant 8 : i32
            %add3A_475 = arith.addi %mul3A_473, %add3A_474 : i32
            %mul3A_476 = arith.constant 32 : i32
            %mul3A_477 = arith.muli %mul3A_476, %scan3A_15 : i32
            %add3A_478 = arith.constant 0 : i32
            %add3A_479 = arith.addi %mul3A_477, %add3A_478 : i32
            %multiple_of3A_480 = tpu.assume_multiple %add3A_479, 16 : i32
            %get3A_481 = arith.index_cast %add3A_475 : i32 to index
            %get3A_482 = arith.index_cast %multiple_of3A_480 : i32 to index
            %get3A_483 = tpu.vector_load %arg12[%get3A_481, %get3A_482] {strides = array<i32>} : memref<32x128xf32, #tpu.memory_space<vmem>>, vector<1x16xf32>,
            %get3A_484 = vector.shape_cast %get3A_483 : vector<1x16xf32> to vector<16xf32>
            %mul3A_485 = arith.mulf %get3A_484, %gather3A_471 : vector<16xf32>
            %swap3A_486 = arith.index_cast %add3A_475 : i32 to index
            %swap3A_487 = arith.constant 0 : index
            %swap3A_488 = tpu.vector_load %arg14[%swap3A_486, %swap3A_487] {strides = array<i32>} : memref<32x32xf32, #tpu.memory_space<vmem>>, vector<1x16xf32>,
            %swap3A_489 = vector.shape_cast %swap3A_488 : vector<1x16xf32> to vector<16xf32>
            %swap3A_490 = vector.shape_cast %mul3A_485 : vector<16xf32> to vector<1x16xf32>
            tpu.vector_store %arg14[%swap3A_486, %swap3A_487], %swap3A_490 {strides = array<i32>} : memref<32x32xf32, #tpu.memory_space<vmem>>, vector<1x16xf32>,
            %mul3A_491 = arith.constant 32 : i32
            %mul3A_492 = arith.muli %mul3A_491, %scan3A_15 : i32
            %add3A_493 = arith.constant 16 : i32
            %add3A_494 = arith.addi %mul3A_492, %add3A_493 : i32
            %multiple_of3A_495 = tpu.assume_multiple %add3A_494, 16 : i32
            %get3A_496 = arith.index_cast %add3A_475 : i32 to index
            %get3A_497 = arith.index_cast %multiple_of3A_495 : i32 to index
            %get3A_498 = tpu.vector_load %arg12[%get3A_496, %get3A_497] {strides = array<i32>} : memref<32x128xf32, #tpu.memory_space<vmem>>, vector<1x16xf32>,
            %get3A_499 = vector.shape_cast %get3A_498 : vector<1x16xf32> to vector<16xf32>
            %mul3A_500 = arith.mulf %get3A_499, %gather3A_471 : vector<16xf32>
            %swap3A_501 = arith.index_cast %add3A_475 : i32 to index
            %swap3A_502 = arith.constant 16 : index
            %swap3A_503 = tpu.vector_load %arg14[%swap3A_501, %swap3A_502] {strides = array<i32>} : memref<32x32xf32, #tpu.memory_space<vmem>>, vector<1x16xf32>,
            %swap3A_504 = vector.shape_cast %swap3A_503 : vector<1x16xf32> to vector<16xf32>
            %swap3A_505 = vector.shape_cast %mul3A_500 : vector<16xf32> to vector<1x16xf32>
            tpu.vector_store %arg14[%swap3A_501, %swap3A_502], %swap3A_505 {strides = array<i32>} : memref<32x32xf32, #tpu.memory_space<vmem>>, vector<1x16xf32>,
            %broadcast_in_dim3A_506 = arith.constant 9 : i32
            %broadcast_in_dim3A_507 = vector.broadcast %broadcast_in_dim3A_506 : i32 to vector<16x1xi32>
            %gather3A_508 = vector.shape_cast %broadcast_in_dim3A_507 : vector<16x1xi32> to vector<16xi32>
            %gather3A_509 = tpu.dynamic_gather %get3A_166[%gather3A_508] in [0] : vector<16xf32>, vector<16xi32> -> vector<16xf32>
            %mul3A_510 = arith.constant 16 : i32
            %mul3A_511 = arith.muli %mul3A_510, %scan3A_159 : i32
            %add3A_512 = arith.constant 9 : i32
            %add3A_513 = arith.addi %mul3A_511, %add3A_512 : i32
            %mul3A_514 = arith.constant 32 : i32
            %mul3A_515 = arith.muli %mul3A_514, %scan3A_15 : i32
            %add3A_516 = arith.constant 0 : i32
            %add3A_517 = arith.addi %mul3A_515, %add3A_516 : i32
            %multiple_of3A_518 = tpu.assume_multiple %add3A_517, 16 : i32
            %get3A_519 = arith.index_cast %add3A_513 : i32 to index
            %get3A_520 = arith.index_cast %multiple_of3A_518 : i32 to index
            %get3A_521 = tpu.vector_load %arg12[%get3A_519, %get3A_520] {strides = array<i32>} : memref<32x128xf32, #tpu.memory_space<vmem>>, vector<1x16xf32>,
            %get3A_522 = vector.shape_cast %get3A_521 : vector<1x16xf32> to vector<16xf32>
            %mul3A_523 = arith.mulf %get3A_522, %gather3A_509 : vector<16xf32>
            %swap3A_524 = arith.index_cast %add3A_513 : i32 to index
            %swap3A_525 = arith.constant 0 : index
            %swap3A_526 = tpu.vector_load %arg14[%swap3A_524, %swap3A_525] {strides = array<i32>} : memref<32x32xf32, #tpu.memory_space<vmem>>, vector<1x16xf32>,
            %swap3A_527 = vector.shape_cast %swap3A_526 : vector<1x16xf32> to vector<16xf32>
            %swap3A_528 = vector.shape_cast %mul3A_523 : vector<16xf32> to vector<1x16xf32>
            tpu.vector_store %arg14[%swap3A_524, %swap3A_525], %swap3A_528 {strides = array<i32>} : memref<32x32xf32, #tpu.memory_space<vmem>>, vector<1x16xf32>,
            %mul3A_529 = arith.constant 32 : i32
            %mul3A_530 = arith.muli %mul3A_529, %scan3A_15 : i32
            %add3A_531 = arith.constant 16 : i32
            %add3A_532 = arith.addi %mul3A_530, %add3A_531 : i32
            %multiple_of3A_533 = tpu.assume_multiple %add3A_532, 16 : i32
            %get3A_534 = arith.index_cast %add3A_513 : i32 to index
            %get3A_535 = arith.index_cast %multiple_of3A_533 : i32 to index
            %get3A_536 = tpu.vector_load %arg12[%get3A_534, %get3A_535] {strides = array<i32>} : memref<32x128xf32, #tpu.memory_space<vmem>>, vector<1x16xf32>,
            %get3A_537 = vector.shape_cast %get3A_536 : vector<1x16xf32> to vector<16xf32>
            %mul3A_538 = arith.mulf %get3A_537, %gather3A_509 : vector<16xf32>
            %swap3A_539 = arith.index_cast %add3A_513 : i32 to index
            %swap3A_540 = arith.constant 16 : index
            %swap3A_541 = tpu.vector_load %arg14[%swap3A_539, %swap3A_540] {strides = array<i32>} : memref<32x32xf32, #tpu.memory_space<vmem>>, vector<1x16xf32>,
            %swap3A_542 = vector.shape_cast %swap3A_541 : vector<1x16xf32> to vector<16xf32>
            %swap3A_543 = vector.shape_cast %mul3A_538 : vector<16xf32> to vector<1x16xf32>
            tpu.vector_store %arg14[%swap3A_539, %swap3A_540], %swap3A_543 {strides = array<i32>} : memref<32x32xf32, #tpu.memory_space<vmem>>, vector<1x16xf32>,
            %broadcast_in_dim3A_544 = arith.constant 10 : i32
            %broadcast_in_dim3A_545 = vector.broadcast %broadcast_in_dim3A_544 : i32 to vector<16x1xi32>
            %gather3A_546 = vector.shape_cast %broadcast_in_dim3A_545 : vector<16x1xi32> to vector<16xi32>
            %gather3A_547 = tpu.dynamic_gather %get3A_166[%gather3A_546] in [0] : vector<16xf32>, vector<16xi32> -> vector<16xf32>
            %mul3A_548 = arith.constant 16 : i32
            %mul3A_549 = arith.muli %mul3A_548, %scan3A_159 : i32
            %add3A_550 = arith.constant 10 : i32
            %add3A_551 = arith.addi %mul3A_549, %add3A_550 : i32
            %mul3A_552 = arith.constant 32 : i32
            %mul3A_553 = arith.muli %mul3A_552, %scan3A_15 : i32
            %add3A_554 = arith.constant 0 : i32
            %add3A_555 = arith.addi %mul3A_553, %add3A_554 : i32
            %multiple_of3A_556 = tpu.assume_multiple %add3A_555, 16 : i32
            %get3A_557 = arith.index_cast %add3A_551 : i32 to index
            %get3A_558 = arith.index_cast %multiple_of3A_556 : i32 to index
            %get3A_559 = tpu.vector_load %arg12[%get3A_557, %get3A_558] {strides = array<i32>} : memref<32x128xf32, #tpu.memory_space<vmem>>, vector<1x16xf32>,
            %get3A_560 = vector.shape_cast %get3A_559 : vector<1x16xf32> to vector<16xf32>
            %mul3A_561 = arith.mulf %get3A_560, %gather3A_547 : vector<16xf32>
            %swap3A_562 = arith.index_cast %add3A_551 : i32 to index
            %swap3A_563 = arith.constant 0 : index
            %swap3A_564 = tpu.vector_load %arg14[%swap3A_562, %swap3A_563] {strides = array<i32>} : memref<32x32xf32, #tpu.memory_space<vmem>>, vector<1x16xf32>,
            %swap3A_565 = vector.shape_cast %swap3A_564 : vector<1x16xf32> to vector<16xf32>
            %swap3A_566 = vector.shape_cast %mul3A_561 : vector<16xf32> to vector<1x16xf32>
            tpu.vector_store %arg14[%swap3A_562, %swap3A_563], %swap3A_566 {strides = array<i32>} : memref<32x32xf32, #tpu.memory_space<vmem>>, vector<1x16xf32>,
            %mul3A_567 = arith.constant 32 : i32
            %mul3A_568 = arith.muli %mul3A_567, %scan3A_15 : i32
            %add3A_569 = arith.constant 16 : i32
            %add3A_570 = arith.addi %mul3A_568, %add3A_569 : i32
            %multiple_of3A_571 = tpu.assume_multiple %add3A_570, 16 : i32
            %get3A_572 = arith.index_cast %add3A_551 : i32 to index
            %get3A_573 = arith.index_cast %multiple_of3A_571 : i32 to index
            %get3A_574 = tpu.vector_load %arg12[%get3A_572, %get3A_573] {strides = array<i32>} : memref<32x128xf32, #tpu.memory_space<vmem>>, vector<1x16xf32>,
            %get3A_575 = vector.shape_cast %get3A_574 : vector<1x16xf32> to vector<16xf32>
            %mul3A_576 = arith.mulf %get3A_575, %gather3A_547 : vector<16xf32>
            %swap3A_577 = arith.index_cast %add3A_551 : i32 to index
            %swap3A_578 = arith.constant 16 : index
            %swap3A_579 = tpu.vector_load %arg14[%swap3A_577, %swap3A_578] {strides = array<i32>} : memref<32x32xf32, #tpu.memory_space<vmem>>, vector<1x16xf32>,
            %swap3A_580 = vector.shape_cast %swap3A_579 : vector<1x16xf32> to vector<16xf32>
            %swap3A_581 = vector.shape_cast %mul3A_576 : vector<16xf32> to vector<1x16xf32>
            tpu.vector_store %arg14[%swap3A_577, %swap3A_578], %swap3A_581 {strides = array<i32>} : memref<32x32xf32, #tpu.memory_space<vmem>>, vector<1x16xf32>,
            %broadcast_in_dim3A_582 = arith.constant 11 : i32
            %broadcast_in_dim3A_583 = vector.broadcast %broadcast_in_dim3A_582 : i32 to vector<16x1xi32>
            %gather3A_584 = vector.shape_cast %broadcast_in_dim3A_583 : vector<16x1xi32> to vector<16xi32>
            %gather3A_585 = tpu.dynamic_gather %get3A_166[%gather3A_584] in [0] : vector<16xf32>, vector<16xi32> -> vector<16xf32>
            %mul3A_586 = arith.constant 16 : i32
            %mul3A_587 = arith.muli %mul3A_586, %scan3A_159 : i32
            %add3A_588 = arith.constant 11 : i32
            %add3A_589 = arith.addi %mul3A_587, %add3A_588 : i32
            %mul3A_590 = arith.constant 32 : i32
            %mul3A_591 = arith.muli %mul3A_590, %scan3A_15 : i32
            %add3A_592 = arith.constant 0 : i32
            %add3A_593 = arith.addi %mul3A_591, %add3A_592 : i32
            %multiple_of3A_594 = tpu.assume_multiple %add3A_593, 16 : i32
            %get3A_595 = arith.index_cast %add3A_589 : i32 to index
            %get3A_596 = arith.index_cast %multiple_of3A_594 : i32 to index
            %get3A_597 = tpu.vector_load %arg12[%get3A_595, %get3A_596] {strides = array<i32>} : memref<32x128xf32, #tpu.memory_space<vmem>>, vector<1x16xf32>,
            %get3A_598 = vector.shape_cast %get3A_597 : vector<1x16xf32> to vector<16xf32>
            %mul3A_599 = arith.mulf %get3A_598, %gather3A_585 : vector<16xf32>
            %swap3A_600 = arith.index_cast %add3A_589 : i32 to index
            %swap3A_601 = arith.constant 0 : index
            %swap3A_602 = tpu.vector_load %arg14[%swap3A_600, %swap3A_601] {strides = array<i32>} : memref<32x32xf32, #tpu.memory_space<vmem>>, vector<1x16xf32>,
            %swap3A_603 = vector.shape_cast %swap3A_602 : vector<1x16xf32> to vector<16xf32>
            %swap3A_604 = vector.shape_cast %mul3A_599 : vector<16xf32> to vector<1x16xf32>
            tpu.vector_store %arg14[%swap3A_600, %swap3A_601], %swap3A_604 {strides = array<i32>} : memref<32x32xf32, #tpu.memory_space<vmem>>, vector<1x16xf32>,
            %mul3A_605 = arith.constant 32 : i32
            %mul3A_606 = arith.muli %mul3A_605, %scan3A_15 : i32
            %add3A_607 = arith.constant 16 : i32
            %add3A_608 = arith.addi %mul3A_606, %add3A_607 : i32
            %multiple_of3A_609 = tpu.assume_multiple %add3A_608, 16 : i32
            %get3A_610 = arith.index_cast %add3A_589 : i32 to index
            %get3A_611 = arith.index_cast %multiple_of3A_609 : i32 to index
            %get3A_612 = tpu.vector_load %arg12[%get3A_610, %get3A_611] {strides = array<i32>} : memref<32x128xf32, #tpu.memory_space<vmem>>, vector<1x16xf32>,
            %get3A_613 = vector.shape_cast %get3A_612 : vector<1x16xf32> to vector<16xf32>
            %mul3A_614 = arith.mulf %get3A_613, %gather3A_585 : vector<16xf32>
            %swap3A_615 = arith.index_cast %add3A_589 : i32 to index
            %swap3A_616 = arith.constant 16 : index
            %swap3A_617 = tpu.vector_load %arg14[%swap3A_615, %swap3A_616] {strides = array<i32>} : memref<32x32xf32, #tpu.memory_space<vmem>>, vector<1x16xf32>,
            %swap3A_618 = vector.shape_cast %swap3A_617 : vector<1x16xf32> to vector<16xf32>
            %swap3A_619 = vector.shape_cast %mul3A_614 : vector<16xf32> to vector<1x16xf32>
            tpu.vector_store %arg14[%swap3A_615, %swap3A_616], %swap3A_619 {strides = array<i32>} : memref<32x32xf32, #tpu.memory_space<vmem>>, vector<1x16xf32>,
            %broadcast_in_dim3A_620 = arith.constant 12 : i32
            %broadcast_in_dim3A_621 = vector.broadcast %broadcast_in_dim3A_620 : i32 to vector<16x1xi32>
            %gather3A_622 = vector.shape_cast %broadcast_in_dim3A_621 : vector<16x1xi32> to vector<16xi32>
            %gather3A_623 = tpu.dynamic_gather %get3A_166[%gather3A_622] in [0] : vector<16xf32>, vector<16xi32> -> vector<16xf32>
            %mul3A_624 = arith.constant 16 : i32
            %mul3A_625 = arith.muli %mul3A_624, %scan3A_159 : i32
            %add3A_626 = arith.constant 12 : i32
            %add3A_627 = arith.addi %mul3A_625, %add3A_626 : i32
            %mul3A_628 = arith.constant 32 : i32
            %mul3A_629 = arith.muli %mul3A_628, %scan3A_15 : i32
            %add3A_630 = arith.constant 0 : i32
            %add3A_631 = arith.addi %mul3A_629, %add3A_630 : i32
            %multiple_of3A_632 = tpu.assume_multiple %add3A_631, 16 : i32
            %get3A_633 = arith.index_cast %add3A_627 : i32 to index
            %get3A_634 = arith.index_cast %multiple_of3A_632 : i32 to index
            %get3A_635 = tpu.vector_load %arg12[%get3A_633, %get3A_634] {strides = array<i32>} : memref<32x128xf32, #tpu.memory_space<vmem>>, vector<1x16xf32>,
            %get3A_636 = vector.shape_cast %get3A_635 : vector<1x16xf32> to vector<16xf32>
            %mul3A_637 = arith.mulf %get3A_636, %gather3A_623 : vector<16xf32>
            %swap3A_638 = arith.index_cast %add3A_627 : i32 to index
            %swap3A_639 = arith.constant 0 : index
            %swap3A_640 = tpu.vector_load %arg14[%swap3A_638, %swap3A_639] {strides = array<i32>} : memref<32x32xf32, #tpu.memory_space<vmem>>, vector<1x16xf32>,
            %swap3A_641 = vector.shape_cast %swap3A_640 : vector<1x16xf32> to vector<16xf32>
            %swap3A_642 = vector.shape_cast %mul3A_637 : vector<16xf32> to vector<1x16xf32>
            tpu.vector_store %arg14[%swap3A_638, %swap3A_639], %swap3A_642 {strides = array<i32>} : memref<32x32xf32, #tpu.memory_space<vmem>>, vector<1x16xf32>,
            %mul3A_643 = arith.constant 32 : i32
            %mul3A_644 = arith.muli %mul3A_643, %scan3A_15 : i32
            %add3A_645 = arith.constant 16 : i32
            %add3A_646 = arith.addi %mul3A_644, %add3A_645 : i32
            %multiple_of3A_647 = tpu.assume_multiple %add3A_646, 16 : i32
            %get3A_648 = arith.index_cast %add3A_627 : i32 to index
            %get3A_649 = arith.index_cast %multiple_of3A_647 : i32 to index
            %get3A_650 = tpu.vector_load %arg12[%get3A_648, %get3A_649] {strides = array<i32>} : memref<32x128xf32, #tpu.memory_space<vmem>>, vector<1x16xf32>,
            %get3A_651 = vector.shape_cast %get3A_650 : vector<1x16xf32> to vector<16xf32>
            %mul3A_652 = arith.mulf %get3A_651, %gather3A_623 : vector<16xf32>
            %swap3A_653 = arith.index_cast %add3A_627 : i32 to index
            %swap3A_654 = arith.constant 16 : index
            %swap3A_655 = tpu.vector_load %arg14[%swap3A_653, %swap3A_654] {strides = array<i32>} : memref<32x32xf32, #tpu.memory_space<vmem>>, vector<1x16xf32>,
            %swap3A_656 = vector.shape_cast %swap3A_655 : vector<1x16xf32> to vector<16xf32>
            %swap3A_657 = vector.shape_cast %mul3A_652 : vector<16xf32> to vector<1x16xf32>
            tpu.vector_store %arg14[%swap3A_653, %swap3A_654], %swap3A_657 {strides = array<i32>} : memref<32x32xf32, #tpu.memory_space<vmem>>, vector<1x16xf32>,
            %broadcast_in_dim3A_658 = arith.constant 13 : i32
            %broadcast_in_dim3A_659 = vector.broadcast %broadcast_in_dim3A_658 : i32 to vector<16x1xi32>
            %gather3A_660 = vector.shape_cast %broadcast_in_dim3A_659 : vector<16x1xi32> to vector<16xi32>
            %gather3A_661 = tpu.dynamic_gather %get3A_166[%gather3A_660] in [0] : vector<16xf32>, vector<16xi32> -> vector<16xf32>
            %mul3A_662 = arith.constant 16 : i32
            %mul3A_663 = arith.muli %mul3A_662, %scan3A_159 : i32
            %add3A_664 = arith.constant 13 : i32
            %add3A_665 = arith.addi %mul3A_663, %add3A_664 : i32
            %mul3A_666 = arith.constant 32 : i32
            %mul3A_667 = arith.muli %mul3A_666, %scan3A_15 : i32
            %add3A_668 = arith.constant 0 : i32
            %add3A_669 = arith.addi %mul3A_667, %add3A_668 : i32
            %multiple_of3A_670 = tpu.assume_multiple %add3A_669, 16 : i32
            %get3A_671 = arith.index_cast %add3A_665 : i32 to index
            %get3A_672 = arith.index_cast %multiple_of3A_670 : i32 to index
            %get3A_673 = tpu.vector_load %arg12[%get3A_671, %get3A_672] {strides = array<i32>} : memref<32x128xf32, #tpu.memory_space<vmem>>, vector<1x16xf32>,
            %get3A_674 = vector.shape_cast %get3A_673 : vector<1x16xf32> to vector<16xf32>
            %mul3A_675 = arith.mulf %get3A_674, %gather3A_661 : vector<16xf32>
            %swap3A_676 = arith.index_cast %add3A_665 : i32 to index
            %swap3A_677 = arith.constant 0 : index
            %swap3A_678 = tpu.vector_load %arg14[%swap3A_676, %swap3A_677] {strides = array<i32>} : memref<32x32xf32, #tpu.memory_space<vmem>>, vector<1x16xf32>,
            %swap3A_679 = vector.shape_cast %swap3A_678 : vector<1x16xf32> to vector<16xf32>
            %swap3A_680 = vector.shape_cast %mul3A_675 : vector<16xf32> to vector<1x16xf32>
            tpu.vector_store %arg14[%swap3A_676, %swap3A_677], %swap3A_680 {strides = array<i32>} : memref<32x32xf32, #tpu.memory_space<vmem>>, vector<1x16xf32>,
            %mul3A_681 = arith.constant 32 : i32
            %mul3A_682 = arith.muli %mul3A_681, %scan3A_15 : i32
            %add3A_683 = arith.constant 16 : i32
            %add3A_684 = arith.addi %mul3A_682, %add3A_683 : i32
            %multiple_of3A_685 = tpu.assume_multiple %add3A_684, 16 : i32
            %get3A_686 = arith.index_cast %add3A_665 : i32 to index
            %get3A_687 = arith.index_cast %multiple_of3A_685 : i32 to index
            %get3A_688 = tpu.vector_load %arg12[%get3A_686, %get3A_687] {strides = array<i32>} : memref<32x128xf32, #tpu.memory_space<vmem>>, vector<1x16xf32>,
            %get3A_689 = vector.shape_cast %get3A_688 : vector<1x16xf32> to vector<16xf32>
            %mul3A_690 = arith.mulf %get3A_689, %gather3A_661 : vector<16xf32>
            %swap3A_691 = arith.index_cast %add3A_665 : i32 to index
            %swap3A_692 = arith.constant 16 : index
            %swap3A_693 = tpu.vector_load %arg14[%swap3A_691, %swap3A_692] {strides = array<i32>} : memref<32x32xf32, #tpu.memory_space<vmem>>, vector<1x16xf32>,
            %swap3A_694 = vector.shape_cast %swap3A_693 : vector<1x16xf32> to vector<16xf32>
            %swap3A_695 = vector.shape_cast %mul3A_690 : vector<16xf32> to vector<1x16xf32>
            tpu.vector_store %arg14[%swap3A_691, %swap3A_692], %swap3A_695 {strides = array<i32>} : memref<32x32xf32, #tpu.memory_space<vmem>>, vector<1x16xf32>,
            %broadcast_in_dim3A_696 = arith.constant 14 : i32
            %broadcast_in_dim3A_697 = vector.broadcast %broadcast_in_dim3A_696 : i32 to vector<16x1xi32>
            %gather3A_698 = vector.shape_cast %broadcast_in_dim3A_697 : vector<16x1xi32> to vector<16xi32>
            %gather3A_699 = tpu.dynamic_gather %get3A_166[%gather3A_698] in [0] : vector<16xf32>, vector<16xi32> -> vector<16xf32>
            %mul3A_700 = arith.constant 16 : i32
            %mul3A_701 = arith.muli %mul3A_700, %scan3A_159 : i32
            %add3A_702 = arith.constant 14 : i32
            %add3A_703 = arith.addi %mul3A_701, %add3A_702 : i32
            %mul3A_704 = arith.constant 32 : i32
            %mul3A_705 = arith.muli %mul3A_704, %scan3A_15 : i32
            %add3A_706 = arith.constant 0 : i32
            %add3A_707 = arith.addi %mul3A_705, %add3A_706 : i32
            %multiple_of3A_708 = tpu.assume_multiple %add3A_707, 16 : i32
            %get3A_709 = arith.index_cast %add3A_703 : i32 to index
            %get3A_710 = arith.index_cast %multiple_of3A_708 : i32 to index
            %get3A_711 = tpu.vector_load %arg12[%get3A_709, %get3A_710] {strides = array<i32>} : memref<32x128xf32, #tpu.memory_space<vmem>>, vector<1x16xf32>,
            %get3A_712 = vector.shape_cast %get3A_711 : vector<1x16xf32> to vector<16xf32>
            %mul3A_713 = arith.mulf %get3A_712, %gather3A_699 : vector<16xf32>
            %swap3A_714 = arith.index_cast %add3A_703 : i32 to index
            %swap3A_715 = arith.constant 0 : index
            %swap3A_716 = tpu.vector_load %arg14[%swap3A_714, %swap3A_715] {strides = array<i32>} : memref<32x32xf32, #tpu.memory_space<vmem>>, vector<1x16xf32>,
            %swap3A_717 = vector.shape_cast %swap3A_716 : vector<1x16xf32> to vector<16xf32>
            %swap3A_718 = vector.shape_cast %mul3A_713 : vector<16xf32> to vector<1x16xf32>
            tpu.vector_store %arg14[%swap3A_714, %swap3A_715], %swap3A_718 {strides = array<i32>} : memref<32x32xf32, #tpu.memory_space<vmem>>, vector<1x16xf32>,
            %mul3A_719 = arith.constant 32 : i32
            %mul3A_720 = arith.muli %mul3A_719, %scan3A_15 : i32
            %add3A_721 = arith.constant 16 : i32
            %add3A_722 = arith.addi %mul3A_720, %add3A_721 : i32
            %multiple_of3A_723 = tpu.assume_multiple %add3A_722, 16 : i32
            %get3A_724 = arith.index_cast %add3A_703 : i32 to index
            %get3A_725 = arith.index_cast %multiple_of3A_723 : i32 to index
            %get3A_726 = tpu.vector_load %arg12[%get3A_724, %get3A_725] {strides = array<i32>} : memref<32x128xf32, #tpu.memory_space<vmem>>, vector<1x16xf32>,
            %get3A_727 = vector.shape_cast %get3A_726 : vector<1x16xf32> to vector<16xf32>
            %mul3A_728 = arith.mulf %get3A_727, %gather3A_699 : vector<16xf32>
            %swap3A_729 = arith.index_cast %add3A_703 : i32 to index
            %swap3A_730 = arith.constant 16 : index
            %swap3A_731 = tpu.vector_load %arg14[%swap3A_729, %swap3A_730] {strides = array<i32>} : memref<32x32xf32, #tpu.memory_space<vmem>>, vector<1x16xf32>,
            %swap3A_732 = vector.shape_cast %swap3A_731 : vector<1x16xf32> to vector<16xf32>
            %swap3A_733 = vector.shape_cast %mul3A_728 : vector<16xf32> to vector<1x16xf32>
            tpu.vector_store %arg14[%swap3A_729, %swap3A_730], %swap3A_733 {strides = array<i32>} : memref<32x32xf32, #tpu.memory_space<vmem>>, vector<1x16xf32>,
            %broadcast_in_dim3A_734 = arith.constant 15 : i32
            %broadcast_in_dim3A_735 = vector.broadcast %broadcast_in_dim3A_734 : i32 to vector<16x1xi32>
            %gather3A_736 = vector.shape_cast %broadcast_in_dim3A_735 : vector<16x1xi32> to vector<16xi32>
            %gather3A_737 = tpu.dynamic_gather %get3A_166[%gather3A_736] in [0] : vector<16xf32>, vector<16xi32> -> vector<16xf32>
            %mul3A_738 = arith.constant 16 : i32
            %mul3A_739 = arith.muli %mul3A_738, %scan3A_159 : i32
            %add3A_740 = arith.constant 15 : i32
            %add3A_741 = arith.addi %mul3A_739, %add3A_740 : i32
            %mul3A_742 = arith.constant 32 : i32
            %mul3A_743 = arith.muli %mul3A_742, %scan3A_15 : i32
            %add3A_744 = arith.constant 0 : i32
            %add3A_745 = arith.addi %mul3A_743, %add3A_744 : i32
            %multiple_of3A_746 = tpu.assume_multiple %add3A_745, 16 : i32
            %get3A_747 = arith.index_cast %add3A_741 : i32 to index
            %get3A_748 = arith.index_cast %multiple_of3A_746 : i32 to index
            %get3A_749 = tpu.vector_load %arg12[%get3A_747, %get3A_748] {strides = array<i32>} : memref<32x128xf32, #tpu.memory_space<vmem>>, vector<1x16xf32>,
            %get3A_750 = vector.shape_cast %get3A_749 : vector<1x16xf32> to vector<16xf32>
            %mul3A_751 = arith.mulf %get3A_750, %gather3A_737 : vector<16xf32>
            %swap3A_752 = arith.index_cast %add3A_741 : i32 to index
            %swap3A_753 = arith.constant 0 : index
            %swap3A_754 = tpu.vector_load %arg14[%swap3A_752, %swap3A_753] {strides = array<i32>} : memref<32x32xf32, #tpu.memory_space<vmem>>, vector<1x16xf32>,
            %swap3A_755 = vector.shape_cast %swap3A_754 : vector<1x16xf32> to vector<16xf32>
            %swap3A_756 = vector.shape_cast %mul3A_751 : vector<16xf32> to vector<1x16xf32>
            tpu.vector_store %arg14[%swap3A_752, %swap3A_753], %swap3A_756 {strides = array<i32>} : memref<32x32xf32, #tpu.memory_space<vmem>>, vector<1x16xf32>,
            %mul3A_757 = arith.constant 32 : i32
            %mul3A_758 = arith.muli %mul3A_757, %scan3A_15 : i32
            %add3A_759 = arith.constant 16 : i32
            %add3A_760 = arith.addi %mul3A_758, %add3A_759 : i32
            %multiple_of3A_761 = tpu.assume_multiple %add3A_760, 16 : i32
            %get3A_762 = arith.index_cast %add3A_741 : i32 to index
            %get3A_763 = arith.index_cast %multiple_of3A_761 : i32 to index
            %get3A_764 = tpu.vector_load %arg12[%get3A_762, %get3A_763] {strides = array<i32>} : memref<32x128xf32, #tpu.memory_space<vmem>>, vector<1x16xf32>,
            %get3A_765 = vector.shape_cast %get3A_764 : vector<1x16xf32> to vector<16xf32>
            %mul3A_766 = arith.mulf %get3A_765, %gather3A_737 : vector<16xf32>
            %swap3A_767 = arith.index_cast %add3A_741 : i32 to index
            %swap3A_768 = arith.constant 16 : index
            %swap3A_769 = tpu.vector_load %arg14[%swap3A_767, %swap3A_768] {strides = array<i32>} : memref<32x32xf32, #tpu.memory_space<vmem>>, vector<1x16xf32>,
            %swap3A_770 = vector.shape_cast %swap3A_769 : vector<1x16xf32> to vector<16xf32>
            %swap3A_771 = vector.shape_cast %mul3A_766 : vector<16xf32> to vector<1x16xf32>
            tpu.vector_store %arg14[%swap3A_767, %swap3A_768], %swap3A_771 {strides = array<i32>} : memref<32x32xf32, #tpu.memory_space<vmem>>, vector<1x16xf32>,
            %scan3A_772 = arith.constant 0 : i32
            scf.yield %scan3A_772 : i32
          }
          %scan3A_144 = arith.constant 2 : i32
          %dma_start3A_145 = arith.constant 0 : i32
          %dma_start3A_146 = tpu.memref_slice %arg9[%add3A_99, %dma_start3A_145] : memref<80x32xi32, #tpu.memory_space<vmem>> -> memref<1x32xi32, #tpu.memory_space<vmem>>
          %dma_start3A_147 = tpu.memref_squeeze %dma_start3A_146 : memref<1x32xi32, #tpu.memory_space<vmem>> -> memref<32xi32, #tpu.memory_space<vmem>>
          %dma_start3A_148 = arith.constant 0 : i32
          %dma_start3A_149 = arith.constant 0 : i32
          %dma_start3A_150 = tpu.memref_slice %arg7[%dma_start3A_148, %dma_start3A_149] : memref<50176x32xf32, #tpu.memory_space<vmem_shared>> -> memref<50176x32xf32, #tpu.memory_space<vmem_shared>>
          tpu.enqueue_indirect_dma source(%arg14 : memref<32x32xf32, #tpu.memory_space<vmem>>) target(%dma_start3A_150 : memref<50176x32xf32, #tpu.memory_space<vmem_shared>>) offsets(%dma_start3A_147 : memref<32xi32, #tpu.memory_space<vmem>>) semaphore(%arg19 : memref<!tpu.dma_semaphore, #tpu.memory_space<semaphore_mem>>) {add = true}
          %add3A_151 = arith.constant 2 : i32
          %add3A_152 = arith.addi %add3A_99, %add3A_151 : i32
          %lt3A_153 = arith.constant 80 : i32
          %lt3A_154 = arith.cmpi slt, %add3A_152, %lt3A_153 : i32
          %convert_element_type3A_155 = arith.extui %lt3A_154 : i1 to i32
          %cond3A_156 = arith.constant 0 : i32
          %cond3A_157 = arith.cmpi ne, %convert_element_type3A_155, %cond3A_156 : i32
          scf.if %cond3A_157 {
            %add3A_159 = arith.constant 2 : i32
            %add3A_160 = arith.addi %add3A_99, %add3A_159 : i32
            %dma_start3A_161 = arith.constant 0 : i32
            %dma_start3A_162 = tpu.memref_slice %arg8[%add3A_160, %dma_start3A_161] : memref<80x32xi32, #tpu.memory_space<vmem>> -> memref<1x32xi32, #tpu.memory_space<vmem>>
            %dma_start3A_163 = tpu.memref_squeeze %dma_start3A_162 : memref<1x32xi32, #tpu.memory_space<vmem>> -> memref<32xi32, #tpu.memory_space<vmem>>
            %dma_start3A_164 = arith.constant 0 : i32
            %dma_start3A_165 = arith.constant 0 : i32
            %dma_start3A_166 = tpu.memref_slice %arg5[%dma_start3A_164, %dma_start3A_165] : memref<50176x128xf32, #tpu.memory_space<hbm>> -> memref<50176x128xf32, #tpu.memory_space<hbm>>
            tpu.enqueue_indirect_dma source(%dma_start3A_166 : memref<50176x128xf32, #tpu.memory_space<hbm>>) target(%arg12 : memref<32x128xf32, #tpu.memory_space<vmem>>) offsets(%dma_start3A_163 : memref<32xi32, #tpu.memory_space<vmem>>) semaphore(%arg17 : memref<!tpu.dma_semaphore, #tpu.memory_space<semaphore_mem>>)
          } else {
          }
          %scan3A_158 = arith.constant 0 : i32
          scf.yield %scan3A_158 : i32
        }
        %scan3A_81 = arith.constant 40 : i32
        %dma_wait3A = arith.constant 0 : i32
        %dma_wait3A_82 = arith.constant 0 : i32
        %dma_wait3A_83 = tpu.memref_slice %arg7[%dma_wait3A, %dma_wait3A_82] : memref<50176x32xf32, #tpu.memory_space<vmem_shared>> -> memref<32x32xf32, #tpu.memory_space<vmem_shared>>
        %dma_wait3A_84 = arith.constant 0 : i32
        %dma_wait3A_85 = arith.constant 0 : i32
        %dma_wait3A_86 = tpu.memref_slice %arg7[%dma_wait3A_84, %dma_wait3A_85] : memref<50176x32xf32, #tpu.memory_space<vmem_shared>> -> memref<32x32xf32, #tpu.memory_space<vmem_shared>>
        tpu.wait_dma2 semaphore(%arg18 : memref<!tpu.dma_semaphore, #tpu.memory_space<semaphore_mem>>) src(%arg13 : memref<32x32xf32, #tpu.memory_space<vmem>>) dst(%dma_wait3A_86 : memref<32x32xf32, #tpu.memory_space<vmem_shared>>)
        %dma_wait3A_87 = arith.constant 0 : i32
        %dma_wait3A_88 = arith.constant 0 : i32
        %dma_wait3A_89 = tpu.memref_slice %arg7[%dma_wait3A_87, %dma_wait3A_88] : memref<50176x32xf32, #tpu.memory_space<vmem_shared>> -> memref<32x32xf32, #tpu.memory_space<vmem_shared>>
        %dma_wait3A_90 = arith.constant 0 : i32
        %dma_wait3A_91 = arith.constant 0 : i32
        %dma_wait3A_92 = tpu.memref_slice %arg7[%dma_wait3A_90, %dma_wait3A_91] : memref<50176x32xf32, #tpu.memory_space<vmem_shared>> -> memref<32x32xf32, #tpu.memory_space<vmem_shared>>
        tpu.wait_dma2 semaphore(%arg19 : memref<!tpu.dma_semaphore, #tpu.memory_space<semaphore_mem>>) src(%arg14 : memref<32x32xf32, #tpu.memory_space<vmem>>) dst(%dma_wait3A_92 : memref<32x32xf32, #tpu.memory_space<vmem_shared>>)
        %while3A_93 = arith.constant 0 : i32
        scf.yield %while3A_93 : i32
      }
      %barrier3A_42 = arith.constant 0 : index
      tpu.barrier barrier_id(%barrier3A_42)
      %mul3A_43 = arith.constant 4 : i32
      %mul3A_44 = arith.muli %arg0, %mul3A_43 : i32
      %add3A_45 = arith.addi %mul3A_44, %scan3A_15 : i32
      %mul3A_46 = arith.constant 50176 : i32
      %mul3A_47 = arith.muli %add3A_45, %mul3A_46 : i32
      %scan3A_48 = arith.constant 0 : i32
      %scan3A_49 = arith.constant 0 : i32
      %scan3A_50 = arith.constant 28 : i32
      %scan3A_51 = arith.addi %scan3A_49, %scan3A_50 : i32
      %scan3A_52 = arith.constant 1 : i32
      %scan3A_53 = scf.for %scan3A_57 = %scan3A_49 to %scan3A_51 step %scan3A_52 iter_args(%scan3A_58 = %scan3A_48) -> (i32)  : i32 {
        %mul3A_59 = arith.constant 3136 : i32
        %mul3A_60 = arith.muli %mul3A_59, %arg1 : i32
        %mul3A_61 = arith.constant 112 : i32
        %mul3A_62 = arith.muli %mul3A_61, %scan3A_57 : i32
        %add3A_63 = arith.addi %mul3A_60, %mul3A_62 : i32
        %multiple_of3A = tpu.assume_multiple %add3A_63, 8 : i32
        "tpu.region"() ({
          %run_scoped3A = tpu.sem_alloc : memref<!tpu.dma_semaphore, #tpu.memory_space<semaphore_mem>>
          %dma_start3A = arith.constant 0 : i32
          %dma_start3A_67 = tpu.memref_slice %arg7[%multiple_of3A, %dma_start3A] : memref<50176x32xf32, #tpu.memory_space<vmem_shared>> -> memref<112x32xf32, #tpu.memory_space<vmem_shared>>
          %dma_start3A_68 = arith.constant 0 : i32
          %dma_start3A_69 = tpu.memref_slice %arg7[%multiple_of3A, %dma_start3A_68] : memref<50176x32xf32, #tpu.memory_space<vmem_shared>> -> memref<112x32xf32, #tpu.memory_space<vmem_shared>>
          tpu.enqueue_dma source(%dma_start3A_69 : memref<112x32xf32, #tpu.memory_space<vmem_shared>>) target(%arg15 : memref<112x32xf32, #tpu.memory_space<vmem>>) target_semaphore(%run_scoped3A : memref<!tpu.dma_semaphore, #tpu.memory_space<semaphore_mem>>)
          %dma_wait3A = arith.constant 0 : i32
          %dma_wait3A_70 = tpu.memref_slice %arg7[%multiple_of3A, %dma_wait3A] : memref<50176x32xf32, #tpu.memory_space<vmem_shared>> -> memref<112x32xf32, #tpu.memory_space<vmem_shared>>
          %dma_wait3A_71 = arith.constant 0 : i32
          %dma_wait3A_72 = tpu.memref_slice %arg7[%multiple_of3A, %dma_wait3A_71] : memref<50176x32xf32, #tpu.memory_space<vmem_shared>> -> memref<112x32xf32, #tpu.memory_space<vmem_shared>>
          tpu.wait_dma2 semaphore(%run_scoped3A : memref<!tpu.dma_semaphore, #tpu.memory_space<semaphore_mem>>) src(%dma_wait3A_72 : memref<112x32xf32, #tpu.memory_space<vmem_shared>>) dst(%arg15 : memref<112x32xf32, #tpu.memory_space<vmem>>)
          tpu.yield
        }) : () -> ()
        %add3A_64 = arith.addi %mul3A_47, %multiple_of3A : i32
        %multiple_of3A_65 = tpu.assume_multiple %add3A_64, 8 : i32
        "tpu.region"() ({
          %run_scoped3A = tpu.sem_alloc : memref<!tpu.dma_semaphore, #tpu.memory_space<semaphore_mem>>
          %dma_start3A = arith.constant 0 : i32
          %dma_start3A_67 = tpu.memref_slice %arg6[%multiple_of3A_65, %dma_start3A] : memref<401408x32xf32, #tpu.memory_space<hbm>> -> memref<112x32xf32, #tpu.memory_space<hbm>>
          %dma_start3A_68 = arith.constant 0 : i32
          %dma_start3A_69 = tpu.memref_slice %arg6[%multiple_of3A_65, %dma_start3A_68] : memref<401408x32xf32, #tpu.memory_space<hbm>> -> memref<112x32xf32, #tpu.memory_space<hbm>>
          tpu.enqueue_dma source(%arg15 : memref<112x32xf32, #tpu.memory_space<vmem>>) target(%dma_start3A_69 : memref<112x32xf32, #tpu.memory_space<hbm>>) target_semaphore(%run_scoped3A : memref<!tpu.dma_semaphore, #tpu.memory_space<semaphore_mem>>)
          %dma_wait3A = arith.constant 0 : i32
          %dma_wait3A_70 = tpu.memref_slice %arg6[%multiple_of3A_65, %dma_wait3A] : memref<401408x32xf32, #tpu.memory_space<hbm>> -> memref<112x32xf32, #tpu.memory_space<hbm>>
          %dma_wait3A_71 = arith.constant 0 : i32
          %dma_wait3A_72 = tpu.memref_slice %arg6[%multiple_of3A_65, %dma_wait3A_71] : memref<401408x32xf32, #tpu.memory_space<hbm>> -> memref<112x32xf32, #tpu.memory_space<hbm>>
          tpu.wait_dma2 semaphore(%run_scoped3A : memref<!tpu.dma_semaphore, #tpu.memory_space<semaphore_mem>>) src(%arg15 : memref<112x32xf32, #tpu.memory_space<vmem>>) dst(%dma_wait3A_72 : memref<112x32xf32, #tpu.memory_space<hbm>>)
          tpu.yield
        }) : () -> ()
        %scan3A_66 = arith.constant 0 : i32
        scf.yield %scan3A_66 : i32
      }
      %scan3A_54 = arith.constant 28 : i32
      %barrier3A_55 = arith.constant 0 : index
      tpu.barrier barrier_id(%barrier3A_55)
      %scan3A_56 = arith.constant 0 : i32
      scf.yield %scan3A_56 : i32
    }
    %scan3A_14 = arith.constant 4 : i32
    return
  }
}

#map = affine_map<(d0, d1) -> (0, 0)>
#map1 = affine_map<(d0, d1) -> (0)>
module attributes {stable_mosaic.version = 14 : i64} {
  func.func @_sc_l1(%arg0: i32, %arg1: i32, %arg2: memref<6400x128xi32, #tpu.memory_space<hbm>>, %arg3: memref<6400x128xi32, #tpu.memory_space<hbm>>, %arg4: memref<6400x128xf32, #tpu.memory_space<hbm>>, %arg5: memref<50176xf32, #tpu.memory_space<hbm>>, %arg6: memref<50176xf32, #tpu.memory_space<hbm>>, %arg7: memref<50176xf32, #tpu.memory_space<hbm>>, %arg8: memref<50176xf32, #tpu.memory_space<hbm>>, %arg9: memref<6400x128xf32, #tpu.memory_space<hbm>>, %arg10: memref<100352xf32, #tpu.memory_space<hbm>>, %arg11: memref<100352xf32, #tpu.memory_space<hbm>>, %arg12: memref<100352xf32, #tpu.memory_space<hbm>>, %arg13: memref<50176xf32, #tpu.memory_space<vmem_shared>>, %arg14: memref<50176xf32, #tpu.memory_space<vmem_shared>>, %arg15: memref<50176xf32, #tpu.memory_space<vmem_shared>>, %arg16: memref<8x128xi32, #tpu.memory_space<vmem>>, %arg17: memref<8x128xi32, #tpu.memory_space<vmem>>, %arg18: memref<8x128xf32, #tpu.memory_space<vmem>>, %arg19: memref<8x128xf32, #tpu.memory_space<vmem>>, %arg20: memref<8x128xf32, #tpu.memory_space<vmem>>, %arg21: memref<8x128xf32, #tpu.memory_space<vmem>>, %arg22: memref<8x128xf32, #tpu.memory_space<vmem>>, %arg23: memref<8x128xf32, #tpu.memory_space<vmem>>, %arg24: memref<8x128xf32, #tpu.memory_space<vmem>>, %arg25: memref<8x128xf32, #tpu.memory_space<vmem>>, %arg26: memref<8x128xf32, #tpu.memory_space<vmem>>, %arg27: memref<3136xf32, #tpu.memory_space<vmem>>, %arg28: memref<!tpu.dma_semaphore, #tpu.memory_space<semaphore_mem>>, %arg29: memref<!tpu.dma_semaphore, #tpu.memory_space<semaphore_mem>>) attributes {dimension_semantics = [#tpu.dimension_semantics<core_parallel>, #tpu.dimension_semantics<subcore_parallel>], iteration_bounds = array<i64: 2, 16>, scalar_prefetch = 0 : i64, scratch_operands = 17 : i64, tpu.core_type = #tpu.core_type<sc_vector_subcore>, window_params = [{transform_indices = #map}, {transform_indices = #map}, {transform_indices = #map}, {transform_indices = #map1}, {transform_indices = #map1}, {transform_indices = #map1}, {transform_indices = #map1}, {transform_indices = #map}, {transform_indices = #map1}, {transform_indices = #map1}, {transform_indices = #map1}]} {
    %scan3A = arith.constant 0 : i32
    %scan3A_0 = arith.constant 0 : i32
    %scan3A_1 = arith.constant 196 : i32
    %scan3A_2 = arith.addi %scan3A_0, %scan3A_1 : i32
    %scan3A_3 = arith.constant 1 : i32
    %scan3A_4 = scf.for %scan3A_44 = %scan3A_0 to %scan3A_2 step %scan3A_3 iter_args(%scan3A_45 = %scan3A) -> (i32)  : i32 {
      %broadcast_in_dim3A = arith.constant 0.000000e+00 : f32
      %broadcast_in_dim3A_46 = vector.broadcast %broadcast_in_dim3A : f32 to vector<16xf32>
      %mul3A_47 = arith.constant 16 : i32
      %mul3A_48 = arith.muli %mul3A_47, %scan3A_44 : i32
      %swap3A = arith.index_cast %mul3A_48 : i32 to index
      %swap3A_49 = tpu.vector_load %arg27[%swap3A] {strides = array<i32>} : memref<3136xf32, #tpu.memory_space<vmem>>, vector<16xf32>,
      %swap3A_50 = vector.shape_cast %swap3A_49 : vector<16xf32> to vector<16xf32>
      %swap3A_51 = vector.shape_cast %broadcast_in_dim3A_46 : vector<16xf32> to vector<16xf32>
      tpu.vector_store %arg27[%swap3A], %swap3A_51 {strides = array<i32>} : memref<3136xf32, #tpu.memory_space<vmem>>, vector<16xf32>,
      %scan3A_52 = arith.constant 0 : i32
      scf.yield %scan3A_52 : i32
    }
    %scan3A_5 = arith.constant 196 : i32
    %mul3A = arith.constant 3136 : i32
    %mul3A_6 = arith.muli %mul3A, %arg1 : i32
    "tpu.region"() ({
      %run_scoped3A = tpu.sem_alloc : memref<!tpu.dma_semaphore, #tpu.memory_space<semaphore_mem>>
      %dma_start3A = tpu.memref_slice %arg13[%mul3A_6] : memref<50176xf32, #tpu.memory_space<vmem_shared>> -> memref<3136xf32, #tpu.memory_space<vmem_shared>>
      %dma_start3A_44 = tpu.memref_slice %arg13[%mul3A_6] : memref<50176xf32, #tpu.memory_space<vmem_shared>> -> memref<3136xf32, #tpu.memory_space<vmem_shared>>
      tpu.enqueue_dma source(%arg27 : memref<3136xf32, #tpu.memory_space<vmem>>) target(%dma_start3A_44 : memref<3136xf32, #tpu.memory_space<vmem_shared>>) target_semaphore(%run_scoped3A : memref<!tpu.dma_semaphore, #tpu.memory_space<semaphore_mem>>)
      %dma_wait3A = tpu.memref_slice %arg13[%mul3A_6] : memref<50176xf32, #tpu.memory_space<vmem_shared>> -> memref<3136xf32, #tpu.memory_space<vmem_shared>>
      %dma_wait3A_45 = tpu.memref_slice %arg13[%mul3A_6] : memref<50176xf32, #tpu.memory_space<vmem_shared>> -> memref<3136xf32, #tpu.memory_space<vmem_shared>>
      tpu.wait_dma2 semaphore(%run_scoped3A : memref<!tpu.dma_semaphore, #tpu.memory_space<semaphore_mem>>) src(%arg27 : memref<3136xf32, #tpu.memory_space<vmem>>) dst(%dma_wait3A_45 : memref<3136xf32, #tpu.memory_space<vmem_shared>>)
      tpu.yield
    }) : () -> ()
    %mul3A_7 = arith.constant 3136 : i32
    %mul3A_8 = arith.muli %mul3A_7, %arg1 : i32
    "tpu.region"() ({
      %run_scoped3A = tpu.sem_alloc : memref<!tpu.dma_semaphore, #tpu.memory_space<semaphore_mem>>
      %dma_start3A = tpu.memref_slice %arg14[%mul3A_8] : memref<50176xf32, #tpu.memory_space<vmem_shared>> -> memref<3136xf32, #tpu.memory_space<vmem_shared>>
      %dma_start3A_44 = tpu.memref_slice %arg14[%mul3A_8] : memref<50176xf32, #tpu.memory_space<vmem_shared>> -> memref<3136xf32, #tpu.memory_space<vmem_shared>>
      tpu.enqueue_dma source(%arg27 : memref<3136xf32, #tpu.memory_space<vmem>>) target(%dma_start3A_44 : memref<3136xf32, #tpu.memory_space<vmem_shared>>) target_semaphore(%run_scoped3A : memref<!tpu.dma_semaphore, #tpu.memory_space<semaphore_mem>>)
      %dma_wait3A = tpu.memref_slice %arg14[%mul3A_8] : memref<50176xf32, #tpu.memory_space<vmem_shared>> -> memref<3136xf32, #tpu.memory_space<vmem_shared>>
      %dma_wait3A_45 = tpu.memref_slice %arg14[%mul3A_8] : memref<50176xf32, #tpu.memory_space<vmem_shared>> -> memref<3136xf32, #tpu.memory_space<vmem_shared>>
      tpu.wait_dma2 semaphore(%run_scoped3A : memref<!tpu.dma_semaphore, #tpu.memory_space<semaphore_mem>>) src(%arg27 : memref<3136xf32, #tpu.memory_space<vmem>>) dst(%dma_wait3A_45 : memref<3136xf32, #tpu.memory_space<vmem_shared>>)
      tpu.yield
    }) : () -> ()
    %mul3A_9 = arith.constant 3136 : i32
    %mul3A_10 = arith.muli %mul3A_9, %arg1 : i32
    "tpu.region"() ({
      %run_scoped3A = tpu.sem_alloc : memref<!tpu.dma_semaphore, #tpu.memory_space<semaphore_mem>>
      %dma_start3A = tpu.memref_slice %arg15[%mul3A_10] : memref<50176xf32, #tpu.memory_space<vmem_shared>> -> memref<3136xf32, #tpu.memory_space<vmem_shared>>
      %dma_start3A_44 = tpu.memref_slice %arg15[%mul3A_10] : memref<50176xf32, #tpu.memory_space<vmem_shared>> -> memref<3136xf32, #tpu.memory_space<vmem_shared>>
      tpu.enqueue_dma source(%arg27 : memref<3136xf32, #tpu.memory_space<vmem>>) target(%dma_start3A_44 : memref<3136xf32, #tpu.memory_space<vmem_shared>>) target_semaphore(%run_scoped3A : memref<!tpu.dma_semaphore, #tpu.memory_space<semaphore_mem>>)
      %dma_wait3A = tpu.memref_slice %arg15[%mul3A_10] : memref<50176xf32, #tpu.memory_space<vmem_shared>> -> memref<3136xf32, #tpu.memory_space<vmem_shared>>
      %dma_wait3A_45 = tpu.memref_slice %arg15[%mul3A_10] : memref<50176xf32, #tpu.memory_space<vmem_shared>> -> memref<3136xf32, #tpu.memory_space<vmem_shared>>
      tpu.wait_dma2 semaphore(%run_scoped3A : memref<!tpu.dma_semaphore, #tpu.memory_space<semaphore_mem>>) src(%arg27 : memref<3136xf32, #tpu.memory_space<vmem>>) dst(%dma_wait3A_45 : memref<3136xf32, #tpu.memory_space<vmem_shared>>)
      tpu.yield
    }) : () -> ()
    %barrier3A = arith.constant 0 : index
    tpu.barrier barrier_id(%barrier3A)
    %mul3A_11 = arith.constant 16 : i32
    %mul3A_12 = arith.muli %arg0, %mul3A_11 : i32
    %add3A = arith.addi %mul3A_12, %arg1 : i32
    %mul3A_13 = arith.constant 200 : i32
    %mul3A_14 = arith.muli %add3A, %mul3A_13 : i32
    %scan3A_15 = arith.constant 0 : i32
    %scan3A_16 = arith.constant 0 : i32
    %scan3A_17 = arith.constant 25 : i32
    %scan3A_18 = arith.addi %scan3A_16, %scan3A_17 : i32
    %scan3A_19 = arith.constant 1 : i32
    %scan3A_20 = scf.for %scan3A_44 = %scan3A_16 to %scan3A_18 step %scan3A_19 iter_args(%scan3A_45 = %scan3A_15) -> (i32)  : i32 {
      %mul3A_46 = arith.constant 8 : i32
      %mul3A_47 = arith.muli %scan3A_44, %mul3A_46 : i32
      %add3A_48 = arith.addi %mul3A_14, %mul3A_47 : i32
      "tpu.region"() ({
        %run_scoped3A = tpu.sem_alloc : memref<!tpu.dma_semaphore, #tpu.memory_space<semaphore_mem>>
        %dma_start3A_109 = arith.constant 0 : i32
        %dma_start3A_110 = tpu.memref_slice %arg2[%add3A_48, %dma_start3A_109] : memref<6400x128xi32, #tpu.memory_space<hbm>> -> memref<8x128xi32, #tpu.memory_space<hbm>>
        %dma_start3A_111 = arith.constant 0 : i32
        %dma_start3A_112 = tpu.memref_slice %arg2[%add3A_48, %dma_start3A_111] : memref<6400x128xi32, #tpu.memory_space<hbm>> -> memref<8x128xi32, #tpu.memory_space<hbm>>
        tpu.enqueue_dma source(%dma_start3A_112 : memref<8x128xi32, #tpu.memory_space<hbm>>) target(%arg16 : memref<8x128xi32, #tpu.memory_space<vmem>>) target_semaphore(%run_scoped3A : memref<!tpu.dma_semaphore, #tpu.memory_space<semaphore_mem>>)
        %dma_wait3A = arith.constant 0 : i32
        %dma_wait3A_113 = tpu.memref_slice %arg2[%add3A_48, %dma_wait3A] : memref<6400x128xi32, #tpu.memory_space<hbm>> -> memref<8x128xi32, #tpu.memory_space<hbm>>
        %dma_wait3A_114 = arith.constant 0 : i32
        %dma_wait3A_115 = tpu.memref_slice %arg2[%add3A_48, %dma_wait3A_114] : memref<6400x128xi32, #tpu.memory_space<hbm>> -> memref<8x128xi32, #tpu.memory_space<hbm>>
        tpu.wait_dma2 semaphore(%run_scoped3A : memref<!tpu.dma_semaphore, #tpu.memory_space<semaphore_mem>>) src(%dma_wait3A_115 : memref<8x128xi32, #tpu.memory_space<hbm>>) dst(%arg16 : memref<8x128xi32, #tpu.memory_space<vmem>>)
        tpu.yield
      }) : () -> ()
      "tpu.region"() ({
        %run_scoped3A = tpu.sem_alloc : memref<!tpu.dma_semaphore, #tpu.memory_space<semaphore_mem>>
        %dma_start3A_109 = arith.constant 0 : i32
        %dma_start3A_110 = tpu.memref_slice %arg3[%add3A_48, %dma_start3A_109] : memref<6400x128xi32, #tpu.memory_space<hbm>> -> memref<8x128xi32, #tpu.memory_space<hbm>>
        %dma_start3A_111 = arith.constant 0 : i32
        %dma_start3A_112 = tpu.memref_slice %arg3[%add3A_48, %dma_start3A_111] : memref<6400x128xi32, #tpu.memory_space<hbm>> -> memref<8x128xi32, #tpu.memory_space<hbm>>
        tpu.enqueue_dma source(%dma_start3A_112 : memref<8x128xi32, #tpu.memory_space<hbm>>) target(%arg17 : memref<8x128xi32, #tpu.memory_space<vmem>>) target_semaphore(%run_scoped3A : memref<!tpu.dma_semaphore, #tpu.memory_space<semaphore_mem>>)
        %dma_wait3A = arith.constant 0 : i32
        %dma_wait3A_113 = tpu.memref_slice %arg3[%add3A_48, %dma_wait3A] : memref<6400x128xi32, #tpu.memory_space<hbm>> -> memref<8x128xi32, #tpu.memory_space<hbm>>
        %dma_wait3A_114 = arith.constant 0 : i32
        %dma_wait3A_115 = tpu.memref_slice %arg3[%add3A_48, %dma_wait3A_114] : memref<6400x128xi32, #tpu.memory_space<hbm>> -> memref<8x128xi32, #tpu.memory_space<hbm>>
        tpu.wait_dma2 semaphore(%run_scoped3A : memref<!tpu.dma_semaphore, #tpu.memory_space<semaphore_mem>>) src(%dma_wait3A_115 : memref<8x128xi32, #tpu.memory_space<hbm>>) dst(%arg17 : memref<8x128xi32, #tpu.memory_space<vmem>>)
        tpu.yield
      }) : () -> ()
      "tpu.region"() ({
        %run_scoped3A = tpu.sem_alloc : memref<!tpu.dma_semaphore, #tpu.memory_space<semaphore_mem>>
        %dma_start3A_109 = arith.constant 0 : i32
        %dma_start3A_110 = tpu.memref_slice %arg4[%add3A_48, %dma_start3A_109] : memref<6400x128xf32, #tpu.memory_space<hbm>> -> memref<8x128xf32, #tpu.memory_space<hbm>>
        %dma_start3A_111 = arith.constant 0 : i32
        %dma_start3A_112 = tpu.memref_slice %arg4[%add3A_48, %dma_start3A_111] : memref<6400x128xf32, #tpu.memory_space<hbm>> -> memref<8x128xf32, #tpu.memory_space<hbm>>
        tpu.enqueue_dma source(%dma_start3A_112 : memref<8x128xf32, #tpu.memory_space<hbm>>) target(%arg18 : memref<8x128xf32, #tpu.memory_space<vmem>>) target_semaphore(%run_scoped3A : memref<!tpu.dma_semaphore, #tpu.memory_space<semaphore_mem>>)
        %dma_wait3A = arith.constant 0 : i32
        %dma_wait3A_113 = tpu.memref_slice %arg4[%add3A_48, %dma_wait3A] : memref<6400x128xf32, #tpu.memory_space<hbm>> -> memref<8x128xf32, #tpu.memory_space<hbm>>
        %dma_wait3A_114 = arith.constant 0 : i32
        %dma_wait3A_115 = tpu.memref_slice %arg4[%add3A_48, %dma_wait3A_114] : memref<6400x128xf32, #tpu.memory_space<hbm>> -> memref<8x128xf32, #tpu.memory_space<hbm>>
        tpu.wait_dma2 semaphore(%run_scoped3A : memref<!tpu.dma_semaphore, #tpu.memory_space<semaphore_mem>>) src(%dma_wait3A_115 : memref<8x128xf32, #tpu.memory_space<hbm>>) dst(%arg18 : memref<8x128xf32, #tpu.memory_space<vmem>>)
        tpu.yield
      }) : () -> ()
      %scan3A_49 = arith.constant 0 : i32
      %scan3A_50 = arith.constant 0 : i32
      %scan3A_51 = arith.constant 8 : i32
      %scan3A_52 = arith.addi %scan3A_50, %scan3A_51 : i32
      %scan3A_53 = arith.constant 1 : i32
      %scan3A_54 = scf.for %scan3A_109 = %scan3A_50 to %scan3A_52 step %scan3A_53 iter_args(%scan3A_110 = %scan3A_49) -> (i32)  : i32 {
        %dma_start3A_111 = arith.constant 0 : i32
        %dma_start3A_112 = tpu.memref_slice %arg19[%scan3A_109, %dma_start3A_111] : memref<8x128xf32, #tpu.memory_space<vmem>> -> memref<1x128xf32, #tpu.memory_space<vmem>>
        %dma_start3A_113 = tpu.memref_squeeze %dma_start3A_112 : memref<1x128xf32, #tpu.memory_space<vmem>> -> memref<128xf32, #tpu.memory_space<vmem>>
        %dma_start3A_114 = arith.constant 0 : i32
        %dma_start3A_115 = tpu.memref_slice %arg16[%scan3A_109, %dma_start3A_114] : memref<8x128xi32, #tpu.memory_space<vmem>> -> memref<1x128xi32, #tpu.memory_space<vmem>>
        %dma_start3A_116 = tpu.memref_squeeze %dma_start3A_115 : memref<1x128xi32, #tpu.memory_space<vmem>> -> memref<128xi32, #tpu.memory_space<vmem>>
        %dma_start3A_117 = arith.constant 0 : i32
        %dma_start3A_118 = tpu.memref_slice %arg5[%dma_start3A_117] : memref<50176xf32, #tpu.memory_space<hbm>> -> memref<50176xf32, #tpu.memory_space<hbm>>
        tpu.enqueue_indirect_dma source(%dma_start3A_118 : memref<50176xf32, #tpu.memory_space<hbm>>) target(%dma_start3A_113 : memref<128xf32, #tpu.memory_space<vmem>>) offsets(%dma_start3A_116 : memref<128xi32, #tpu.memory_space<vmem>>) semaphore(%arg28 : memref<!tpu.dma_semaphore, #tpu.memory_space<semaphore_mem>>)
        %dma_start3A_119 = arith.constant 0 : i32
        %dma_start3A_120 = tpu.memref_slice %arg21[%scan3A_109, %dma_start3A_119] : memref<8x128xf32, #tpu.memory_space<vmem>> -> memref<1x128xf32, #tpu.memory_space<vmem>>
        %dma_start3A_121 = tpu.memref_squeeze %dma_start3A_120 : memref<1x128xf32, #tpu.memory_space<vmem>> -> memref<128xf32, #tpu.memory_space<vmem>>
        %dma_start3A_122 = arith.constant 0 : i32
        %dma_start3A_123 = tpu.memref_slice %arg16[%scan3A_109, %dma_start3A_122] : memref<8x128xi32, #tpu.memory_space<vmem>> -> memref<1x128xi32, #tpu.memory_space<vmem>>
        %dma_start3A_124 = tpu.memref_squeeze %dma_start3A_123 : memref<1x128xi32, #tpu.memory_space<vmem>> -> memref<128xi32, #tpu.memory_space<vmem>>
        %dma_start3A_125 = arith.constant 0 : i32
        %dma_start3A_126 = tpu.memref_slice %arg6[%dma_start3A_125] : memref<50176xf32, #tpu.memory_space<hbm>> -> memref<50176xf32, #tpu.memory_space<hbm>>
        tpu.enqueue_indirect_dma source(%dma_start3A_126 : memref<50176xf32, #tpu.memory_space<hbm>>) target(%dma_start3A_121 : memref<128xf32, #tpu.memory_space<vmem>>) offsets(%dma_start3A_124 : memref<128xi32, #tpu.memory_space<vmem>>) semaphore(%arg28 : memref<!tpu.dma_semaphore, #tpu.memory_space<semaphore_mem>>)
        %dma_start3A_127 = arith.constant 0 : i32
        %dma_start3A_128 = tpu.memref_slice %arg22[%scan3A_109, %dma_start3A_127] : memref<8x128xf32, #tpu.memory_space<vmem>> -> memref<1x128xf32, #tpu.memory_space<vmem>>
        %dma_start3A_129 = tpu.memref_squeeze %dma_start3A_128 : memref<1x128xf32, #tpu.memory_space<vmem>> -> memref<128xf32, #tpu.memory_space<vmem>>
        %dma_start3A_130 = arith.constant 0 : i32
        %dma_start3A_131 = tpu.memref_slice %arg16[%scan3A_109, %dma_start3A_130] : memref<8x128xi32, #tpu.memory_space<vmem>> -> memref<1x128xi32, #tpu.memory_space<vmem>>
        %dma_start3A_132 = tpu.memref_squeeze %dma_start3A_131 : memref<1x128xi32, #tpu.memory_space<vmem>> -> memref<128xi32, #tpu.memory_space<vmem>>
        %dma_start3A_133 = arith.constant 0 : i32
        %dma_start3A_134 = tpu.memref_slice %arg7[%dma_start3A_133] : memref<50176xf32, #tpu.memory_space<hbm>> -> memref<50176xf32, #tpu.memory_space<hbm>>
        tpu.enqueue_indirect_dma source(%dma_start3A_134 : memref<50176xf32, #tpu.memory_space<hbm>>) target(%dma_start3A_129 : memref<128xf32, #tpu.memory_space<vmem>>) offsets(%dma_start3A_132 : memref<128xi32, #tpu.memory_space<vmem>>) semaphore(%arg28 : memref<!tpu.dma_semaphore, #tpu.memory_space<semaphore_mem>>)
        %dma_start3A_135 = arith.constant 0 : i32
        %dma_start3A_136 = tpu.memref_slice %arg23[%scan3A_109, %dma_start3A_135] : memref<8x128xf32, #tpu.memory_space<vmem>> -> memref<1x128xf32, #tpu.memory_space<vmem>>
        %dma_start3A_137 = tpu.memref_squeeze %dma_start3A_136 : memref<1x128xf32, #tpu.memory_space<vmem>> -> memref<128xf32, #tpu.memory_space<vmem>>
        %dma_start3A_138 = arith.constant 0 : i32
        %dma_start3A_139 = tpu.memref_slice %arg16[%scan3A_109, %dma_start3A_138] : memref<8x128xi32, #tpu.memory_space<vmem>> -> memref<1x128xi32, #tpu.memory_space<vmem>>
        %dma_start3A_140 = tpu.memref_squeeze %dma_start3A_139 : memref<1x128xi32, #tpu.memory_space<vmem>> -> memref<128xi32, #tpu.memory_space<vmem>>
        %dma_start3A_141 = arith.constant 0 : i32
        %dma_start3A_142 = tpu.memref_slice %arg8[%dma_start3A_141] : memref<50176xf32, #tpu.memory_space<hbm>> -> memref<50176xf32, #tpu.memory_space<hbm>>
        tpu.enqueue_indirect_dma source(%dma_start3A_142 : memref<50176xf32, #tpu.memory_space<hbm>>) target(%dma_start3A_137 : memref<128xf32, #tpu.memory_space<vmem>>) offsets(%dma_start3A_140 : memref<128xi32, #tpu.memory_space<vmem>>) semaphore(%arg28 : memref<!tpu.dma_semaphore, #tpu.memory_space<semaphore_mem>>)
        %scan3A_143 = arith.constant 0 : i32
        scf.yield %scan3A_143 : i32
      }
      %scan3A_55 = arith.constant 8 : i32
      %scan3A_56 = arith.constant 0 : i32
      %scan3A_57 = arith.constant 0 : i32
      %scan3A_58 = arith.constant 32 : i32
      %scan3A_59 = arith.addi %scan3A_57, %scan3A_58 : i32
      %scan3A_60 = arith.constant 1 : i32
      %scan3A_61 = scf.for %scan3A_109 = %scan3A_57 to %scan3A_59 step %scan3A_60 iter_args(%scan3A_110 = %scan3A_56) -> (i32)  : i32 {
        %dma_wait3A = arith.constant 0 : i32
        %dma_wait3A_111 = arith.constant 0 : i32
        %dma_wait3A_112 = tpu.memref_slice %arg19[%dma_wait3A, %dma_wait3A_111] : memref<8x128xf32, #tpu.memory_space<vmem>> -> memref<1x128xf32, #tpu.memory_space<vmem>>
        %dma_wait3A_113 = tpu.memref_squeeze %dma_wait3A_112 : memref<1x128xf32, #tpu.memory_space<vmem>> -> memref<128xf32, #tpu.memory_space<vmem>>
        %dma_wait3A_114 = arith.constant 0 : i32
        %dma_wait3A_115 = tpu.memref_slice %arg5[%dma_wait3A_114] : memref<50176xf32, #tpu.memory_space<hbm>> -> memref<128xf32, #tpu.memory_space<hbm>>
        %dma_wait3A_116 = arith.constant 0 : i32
        %dma_wait3A_117 = tpu.memref_slice %arg19[%dma_wait3A, %dma_wait3A_116] : memref<8x128xf32, #tpu.memory_space<vmem>> -> memref<1x128xf32, #tpu.memory_space<vmem>>
        %dma_wait3A_118 = tpu.memref_squeeze %dma_wait3A_117 : memref<1x128xf32, #tpu.memory_space<vmem>> -> memref<128xf32, #tpu.memory_space<vmem>>
        %dma_wait3A_119 = arith.constant 0 : i32
        %dma_wait3A_120 = tpu.memref_slice %arg5[%dma_wait3A_119] : memref<50176xf32, #tpu.memory_space<hbm>> -> memref<128xf32, #tpu.memory_space<hbm>>
        tpu.wait_dma2 semaphore(%arg28 : memref<!tpu.dma_semaphore, #tpu.memory_space<semaphore_mem>>) src(%dma_wait3A_120 : memref<128xf32, #tpu.memory_space<hbm>>) dst(%dma_wait3A_118 : memref<128xf32, #tpu.memory_space<vmem>>)
        %scan3A_121 = arith.constant 0 : i32
        scf.yield %scan3A_121 : i32
      }
      %scan3A_62 = arith.constant 32 : i32
      %scan3A_63 = arith.constant 0 : i32
      %scan3A_64 = arith.constant 0 : i32
      %scan3A_65 = arith.constant 64 : i32
      %scan3A_66 = arith.addi %scan3A_64, %scan3A_65 : i32
      %scan3A_67 = arith.constant 1 : i32
      %scan3A_68 = scf.for %scan3A_109 = %scan3A_64 to %scan3A_66 step %scan3A_67 iter_args(%scan3A_110 = %scan3A_63) -> (i32)  : i32 {
        %shift_right_arithmetic3A = arith.constant 3 : i32
        %shift_right_arithmetic3A_111 = arith.shrsi %scan3A_109, %shift_right_arithmetic3A : i32
        %and3A = arith.constant 7 : i32
        %and3A_112 = arith.andi %scan3A_109, %and3A : i32
        %mul3A_113 = arith.constant 16 : i32
        %mul3A_114 = arith.muli %mul3A_113, %and3A_112 : i32
        %get3A = arith.index_cast %shift_right_arithmetic3A_111 : i32 to index
        %get3A_115 = arith.index_cast %mul3A_114 : i32 to index
        %get3A_116 = tpu.vector_load %arg18[%get3A, %get3A_115] {strides = array<i32>} : memref<8x128xf32, #tpu.memory_space<vmem>>, vector<1x16xf32>,
        %get3A_117 = vector.shape_cast %get3A_116 : vector<1x16xf32> to vector<16xf32>
        %get3A_118 = arith.index_cast %shift_right_arithmetic3A_111 : i32 to index
        %get3A_119 = arith.index_cast %mul3A_114 : i32 to index
        %get3A_120 = tpu.vector_load %arg19[%get3A_118, %get3A_119] {strides = array<i32>} : memref<8x128xf32, #tpu.memory_space<vmem>>, vector<1x16xf32>,
        %get3A_121 = vector.shape_cast %get3A_120 : vector<1x16xf32> to vector<16xf32>
        %mul3A_122 = arith.mulf %get3A_117, %get3A_121 : vector<16xf32>
        %swap3A = arith.index_cast %shift_right_arithmetic3A_111 : i32 to index
        %swap3A_123 = arith.index_cast %mul3A_114 : i32 to index
        %swap3A_124 = tpu.vector_load %arg20[%swap3A, %swap3A_123] {strides = array<i32>} : memref<8x128xf32, #tpu.memory_space<vmem>>, vector<1x16xf32>,
        %swap3A_125 = vector.shape_cast %swap3A_124 : vector<1x16xf32> to vector<16xf32>
        %swap3A_126 = vector.shape_cast %mul3A_122 : vector<16xf32> to vector<1x16xf32>
        tpu.vector_store %arg20[%swap3A, %swap3A_123], %swap3A_126 {strides = array<i32>} : memref<8x128xf32, #tpu.memory_space<vmem>>, vector<1x16xf32>,
        %scan3A_127 = arith.constant 0 : i32
        scf.yield %scan3A_127 : i32
      }
      %scan3A_69 = arith.constant 64 : i32
      %dma_start3A = arith.constant 0 : i32
      %dma_start3A_70 = tpu.memref_slice %arg9[%add3A_48, %dma_start3A] : memref<6400x128xf32, #tpu.memory_space<hbm>> -> memref<8x128xf32, #tpu.memory_space<hbm>>
      %dma_start3A_71 = arith.constant 0 : i32
      %dma_start3A_72 = tpu.memref_slice %arg9[%add3A_48, %dma_start3A_71] : memref<6400x128xf32, #tpu.memory_space<hbm>> -> memref<8x128xf32, #tpu.memory_space<hbm>>
      tpu.enqueue_dma source(%arg20 : memref<8x128xf32, #tpu.memory_space<vmem>>) target(%dma_start3A_72 : memref<8x128xf32, #tpu.memory_space<hbm>>) target_semaphore(%arg29 : memref<!tpu.dma_semaphore, #tpu.memory_space<semaphore_mem>>)
      %scan3A_73 = arith.constant 0 : i32
      %scan3A_74 = arith.constant 0 : i32
      %scan3A_75 = arith.constant 64 : i32
      %scan3A_76 = arith.addi %scan3A_74, %scan3A_75 : i32
      %scan3A_77 = arith.constant 1 : i32
      %scan3A_78 = scf.for %scan3A_109 = %scan3A_74 to %scan3A_76 step %scan3A_77 iter_args(%scan3A_110 = %scan3A_73) -> (i32)  : i32 {
        %shift_right_arithmetic3A = arith.constant 3 : i32
        %shift_right_arithmetic3A_111 = arith.shrsi %scan3A_109, %shift_right_arithmetic3A : i32
        %and3A = arith.constant 7 : i32
        %and3A_112 = arith.andi %scan3A_109, %and3A : i32
        %mul3A_113 = arith.constant 16 : i32
        %mul3A_114 = arith.muli %mul3A_113, %and3A_112 : i32
        %get3A = arith.index_cast %shift_right_arithmetic3A_111 : i32 to index
        %get3A_115 = arith.index_cast %mul3A_114 : i32 to index
        %get3A_116 = tpu.vector_load %arg21[%get3A, %get3A_115] {strides = array<i32>} : memref<8x128xf32, #tpu.memory_space<vmem>>, vector<1x16xf32>,
        %get3A_117 = vector.shape_cast %get3A_116 : vector<1x16xf32> to vector<16xf32>
        %get3A_118 = arith.index_cast %shift_right_arithmetic3A_111 : i32 to index
        %get3A_119 = arith.index_cast %mul3A_114 : i32 to index
        %get3A_120 = tpu.vector_load %arg20[%get3A_118, %get3A_119] {strides = array<i32>} : memref<8x128xf32, #tpu.memory_space<vmem>>, vector<1x16xf32>,
        %get3A_121 = vector.shape_cast %get3A_120 : vector<1x16xf32> to vector<16xf32>
        %mul3A_122 = arith.mulf %get3A_117, %get3A_121 : vector<16xf32>
        %swap3A = arith.index_cast %shift_right_arithmetic3A_111 : i32 to index
        %swap3A_123 = arith.index_cast %mul3A_114 : i32 to index
        %swap3A_124 = tpu.vector_load %arg24[%swap3A, %swap3A_123] {strides = array<i32>} : memref<8x128xf32, #tpu.memory_space<vmem>>, vector<1x16xf32>,
        %swap3A_125 = vector.shape_cast %swap3A_124 : vector<1x16xf32> to vector<16xf32>
        %swap3A_126 = vector.shape_cast %mul3A_122 : vector<16xf32> to vector<1x16xf32>
        tpu.vector_store %arg24[%swap3A, %swap3A_123], %swap3A_126 {strides = array<i32>} : memref<8x128xf32, #tpu.memory_space<vmem>>, vector<1x16xf32>,
        %scan3A_127 = arith.constant 0 : i32
        scf.yield %scan3A_127 : i32
      }
      %scan3A_79 = arith.constant 64 : i32
      %scan3A_80 = arith.constant 0 : i32
      %scan3A_81 = arith.constant 0 : i32
      %scan3A_82 = arith.constant 64 : i32
      %scan3A_83 = arith.addi %scan3A_81, %scan3A_82 : i32
      %scan3A_84 = arith.constant 1 : i32
      %scan3A_85 = scf.for %scan3A_109 = %scan3A_81 to %scan3A_83 step %scan3A_84 iter_args(%scan3A_110 = %scan3A_80) -> (i32)  : i32 {
        %shift_right_arithmetic3A = arith.constant 3 : i32
        %shift_right_arithmetic3A_111 = arith.shrsi %scan3A_109, %shift_right_arithmetic3A : i32
        %and3A = arith.constant 7 : i32
        %and3A_112 = arith.andi %scan3A_109, %and3A : i32
        %mul3A_113 = arith.constant 16 : i32
        %mul3A_114 = arith.muli %mul3A_113, %and3A_112 : i32
        %get3A = arith.index_cast %shift_right_arithmetic3A_111 : i32 to index
        %get3A_115 = arith.index_cast %mul3A_114 : i32 to index
        %get3A_116 = tpu.vector_load %arg22[%get3A, %get3A_115] {strides = array<i32>} : memref<8x128xf32, #tpu.memory_space<vmem>>, vector<1x16xf32>,
        %get3A_117 = vector.shape_cast %get3A_116 : vector<1x16xf32> to vector<16xf32>
        %get3A_118 = arith.index_cast %shift_right_arithmetic3A_111 : i32 to index
        %get3A_119 = arith.index_cast %mul3A_114 : i32 to index
        %get3A_120 = tpu.vector_load %arg20[%get3A_118, %get3A_119] {strides = array<i32>} : memref<8x128xf32, #tpu.memory_space<vmem>>, vector<1x16xf32>,
        %get3A_121 = vector.shape_cast %get3A_120 : vector<1x16xf32> to vector<16xf32>
        %mul3A_122 = arith.mulf %get3A_117, %get3A_121 : vector<16xf32>
        %swap3A = arith.index_cast %shift_right_arithmetic3A_111 : i32 to index
        %swap3A_123 = arith.index_cast %mul3A_114 : i32 to index
        %swap3A_124 = tpu.vector_load %arg25[%swap3A, %swap3A_123] {strides = array<i32>} : memref<8x128xf32, #tpu.memory_space<vmem>>, vector<1x16xf32>,
        %swap3A_125 = vector.shape_cast %swap3A_124 : vector<1x16xf32> to vector<16xf32>
        %swap3A_126 = vector.shape_cast %mul3A_122 : vector<16xf32> to vector<1x16xf32>
        tpu.vector_store %arg25[%swap3A, %swap3A_123], %swap3A_126 {strides = array<i32>} : memref<8x128xf32, #tpu.memory_space<vmem>>, vector<1x16xf32>,
        %scan3A_127 = arith.constant 0 : i32
        scf.yield %scan3A_127 : i32
      }
      %scan3A_86 = arith.constant 64 : i32
      %scan3A_87 = arith.constant 0 : i32
      %scan3A_88 = arith.constant 0 : i32
      %scan3A_89 = arith.constant 64 : i32
      %scan3A_90 = arith.addi %scan3A_88, %scan3A_89 : i32
      %scan3A_91 = arith.constant 1 : i32
      %scan3A_92 = scf.for %scan3A_109 = %scan3A_88 to %scan3A_90 step %scan3A_91 iter_args(%scan3A_110 = %scan3A_87) -> (i32)  : i32 {
        %shift_right_arithmetic3A = arith.constant 3 : i32
        %shift_right_arithmetic3A_111 = arith.shrsi %scan3A_109, %shift_right_arithmetic3A : i32
        %and3A = arith.constant 7 : i32
        %and3A_112 = arith.andi %scan3A_109, %and3A : i32
        %mul3A_113 = arith.constant 16 : i32
        %mul3A_114 = arith.muli %mul3A_113, %and3A_112 : i32
        %get3A = arith.index_cast %shift_right_arithmetic3A_111 : i32 to index
        %get3A_115 = arith.index_cast %mul3A_114 : i32 to index
        %get3A_116 = tpu.vector_load %arg23[%get3A, %get3A_115] {strides = array<i32>} : memref<8x128xf32, #tpu.memory_space<vmem>>, vector<1x16xf32>,
        %get3A_117 = vector.shape_cast %get3A_116 : vector<1x16xf32> to vector<16xf32>
        %get3A_118 = arith.index_cast %shift_right_arithmetic3A_111 : i32 to index
        %get3A_119 = arith.index_cast %mul3A_114 : i32 to index
        %get3A_120 = tpu.vector_load %arg20[%get3A_118, %get3A_119] {strides = array<i32>} : memref<8x128xf32, #tpu.memory_space<vmem>>, vector<1x16xf32>,
        %get3A_121 = vector.shape_cast %get3A_120 : vector<1x16xf32> to vector<16xf32>
        %mul3A_122 = arith.mulf %get3A_117, %get3A_121 : vector<16xf32>
        %swap3A = arith.index_cast %shift_right_arithmetic3A_111 : i32 to index
        %swap3A_123 = arith.index_cast %mul3A_114 : i32 to index
        %swap3A_124 = tpu.vector_load %arg26[%swap3A, %swap3A_123] {strides = array<i32>} : memref<8x128xf32, #tpu.memory_space<vmem>>, vector<1x16xf32>,
        %swap3A_125 = vector.shape_cast %swap3A_124 : vector<1x16xf32> to vector<16xf32>
        %swap3A_126 = vector.shape_cast %mul3A_122 : vector<16xf32> to vector<1x16xf32>
        tpu.vector_store %arg26[%swap3A, %swap3A_123], %swap3A_126 {strides = array<i32>} : memref<8x128xf32, #tpu.memory_space<vmem>>, vector<1x16xf32>,
        %scan3A_127 = arith.constant 0 : i32
        scf.yield %scan3A_127 : i32
      }
      %scan3A_93 = arith.constant 64 : i32
      %scan3A_94 = arith.constant 0 : i32
      %scan3A_95 = arith.constant 0 : i32
      %scan3A_96 = arith.constant 8 : i32
      %scan3A_97 = arith.addi %scan3A_95, %scan3A_96 : i32
      %scan3A_98 = arith.constant 1 : i32
      %scan3A_99 = scf.for %scan3A_109 = %scan3A_95 to %scan3A_97 step %scan3A_98 iter_args(%scan3A_110 = %scan3A_94) -> (i32)  : i32 {
        %dma_start3A_111 = arith.constant 0 : i32
        %dma_start3A_112 = tpu.memref_slice %arg24[%scan3A_109, %dma_start3A_111] : memref<8x128xf32, #tpu.memory_space<vmem>> -> memref<1x128xf32, #tpu.memory_space<vmem>>
        %dma_start3A_113 = tpu.memref_squeeze %dma_start3A_112 : memref<1x128xf32, #tpu.memory_space<vmem>> -> memref<128xf32, #tpu.memory_space<vmem>>
        %dma_start3A_114 = arith.constant 0 : i32
        %dma_start3A_115 = tpu.memref_slice %arg17[%scan3A_109, %dma_start3A_114] : memref<8x128xi32, #tpu.memory_space<vmem>> -> memref<1x128xi32, #tpu.memory_space<vmem>>
        %dma_start3A_116 = tpu.memref_squeeze %dma_start3A_115 : memref<1x128xi32, #tpu.memory_space<vmem>> -> memref<128xi32, #tpu.memory_space<vmem>>
        %dma_start3A_117 = arith.constant 0 : i32
        %dma_start3A_118 = tpu.memref_slice %arg13[%dma_start3A_117] : memref<50176xf32, #tpu.memory_space<vmem_shared>> -> memref<50176xf32, #tpu.memory_space<vmem_shared>>
        tpu.enqueue_indirect_dma source(%dma_start3A_113 : memref<128xf32, #tpu.memory_space<vmem>>) target(%dma_start3A_118 : memref<50176xf32, #tpu.memory_space<vmem_shared>>) offsets(%dma_start3A_116 : memref<128xi32, #tpu.memory_space<vmem>>) semaphore(%arg29 : memref<!tpu.dma_semaphore, #tpu.memory_space<semaphore_mem>>) {add = true}
        %dma_start3A_119 = arith.constant 0 : i32
        %dma_start3A_120 = tpu.memref_slice %arg25[%scan3A_109, %dma_start3A_119] : memref<8x128xf32, #tpu.memory_space<vmem>> -> memref<1x128xf32, #tpu.memory_space<vmem>>
        %dma_start3A_121 = tpu.memref_squeeze %dma_start3A_120 : memref<1x128xf32, #tpu.memory_space<vmem>> -> memref<128xf32, #tpu.memory_space<vmem>>
        %dma_start3A_122 = arith.constant 0 : i32
        %dma_start3A_123 = tpu.memref_slice %arg17[%scan3A_109, %dma_start3A_122] : memref<8x128xi32, #tpu.memory_space<vmem>> -> memref<1x128xi32, #tpu.memory_space<vmem>>
        %dma_start3A_124 = tpu.memref_squeeze %dma_start3A_123 : memref<1x128xi32, #tpu.memory_space<vmem>> -> memref<128xi32, #tpu.memory_space<vmem>>
        %dma_start3A_125 = arith.constant 0 : i32
        %dma_start3A_126 = tpu.memref_slice %arg14[%dma_start3A_125] : memref<50176xf32, #tpu.memory_space<vmem_shared>> -> memref<50176xf32, #tpu.memory_space<vmem_shared>>
        tpu.enqueue_indirect_dma source(%dma_start3A_121 : memref<128xf32, #tpu.memory_space<vmem>>) target(%dma_start3A_126 : memref<50176xf32, #tpu.memory_space<vmem_shared>>) offsets(%dma_start3A_124 : memref<128xi32, #tpu.memory_space<vmem>>) semaphore(%arg29 : memref<!tpu.dma_semaphore, #tpu.memory_space<semaphore_mem>>) {add = true}
        %dma_start3A_127 = arith.constant 0 : i32
        %dma_start3A_128 = tpu.memref_slice %arg26[%scan3A_109, %dma_start3A_127] : memref<8x128xf32, #tpu.memory_space<vmem>> -> memref<1x128xf32, #tpu.memory_space<vmem>>
        %dma_start3A_129 = tpu.memref_squeeze %dma_start3A_128 : memref<1x128xf32, #tpu.memory_space<vmem>> -> memref<128xf32, #tpu.memory_space<vmem>>
        %dma_start3A_130 = arith.constant 0 : i32
        %dma_start3A_131 = tpu.memref_slice %arg17[%scan3A_109, %dma_start3A_130] : memref<8x128xi32, #tpu.memory_space<vmem>> -> memref<1x128xi32, #tpu.memory_space<vmem>>
        %dma_start3A_132 = tpu.memref_squeeze %dma_start3A_131 : memref<1x128xi32, #tpu.memory_space<vmem>> -> memref<128xi32, #tpu.memory_space<vmem>>
        %dma_start3A_133 = arith.constant 0 : i32
        %dma_start3A_134 = tpu.memref_slice %arg15[%dma_start3A_133] : memref<50176xf32, #tpu.memory_space<vmem_shared>> -> memref<50176xf32, #tpu.memory_space<vmem_shared>>
        tpu.enqueue_indirect_dma source(%dma_start3A_129 : memref<128xf32, #tpu.memory_space<vmem>>) target(%dma_start3A_134 : memref<50176xf32, #tpu.memory_space<vmem_shared>>) offsets(%dma_start3A_132 : memref<128xi32, #tpu.memory_space<vmem>>) semaphore(%arg29 : memref<!tpu.dma_semaphore, #tpu.memory_space<semaphore_mem>>) {add = true}
        %scan3A_135 = arith.constant 0 : i32
        scf.yield %scan3A_135 : i32
      }
      %scan3A_100 = arith.constant 8 : i32
      %scan3A_101 = arith.constant 0 : i32
      %scan3A_102 = arith.constant 0 : i32
      %scan3A_103 = arith.constant 32 : i32
      %scan3A_104 = arith.addi %scan3A_102, %scan3A_103 : i32
      %scan3A_105 = arith.constant 1 : i32
      %scan3A_106 = scf.for %scan3A_109 = %scan3A_102 to %scan3A_104 step %scan3A_105 iter_args(%scan3A_110 = %scan3A_101) -> (i32)  : i32 {
        %dma_wait3A = arith.constant 0 : i32
        %dma_wait3A_111 = arith.constant 0 : i32
        %dma_wait3A_112 = tpu.memref_slice %arg24[%dma_wait3A, %dma_wait3A_111] : memref<8x128xf32, #tpu.memory_space<vmem>> -> memref<1x128xf32, #tpu.memory_space<vmem>>
        %dma_wait3A_113 = tpu.memref_squeeze %dma_wait3A_112 : memref<1x128xf32, #tpu.memory_space<vmem>> -> memref<128xf32, #tpu.memory_space<vmem>>
        %dma_wait3A_114 = arith.constant 0 : i32
        %dma_wait3A_115 = tpu.memref_slice %arg13[%dma_wait3A_114] : memref<50176xf32, #tpu.memory_space<vmem_shared>> -> memref<128xf32, #tpu.memory_space<vmem_shared>>
        %dma_wait3A_116 = arith.constant 0 : i32
        %dma_wait3A_117 = tpu.memref_slice %arg13[%dma_wait3A_116] : memref<50176xf32, #tpu.memory_space<vmem_shared>> -> memref<128xf32, #tpu.memory_space<vmem_shared>>
        %dma_wait3A_118 = arith.constant 0 : i32
        %dma_wait3A_119 = tpu.memref_slice %arg24[%dma_wait3A, %dma_wait3A_118] : memref<8x128xf32, #tpu.memory_space<vmem>> -> memref<1x128xf32, #tpu.memory_space<vmem>>
        %dma_wait3A_120 = tpu.memref_squeeze %dma_wait3A_119 : memref<1x128xf32, #tpu.memory_space<vmem>> -> memref<128xf32, #tpu.memory_space<vmem>>
        tpu.wait_dma2 semaphore(%arg29 : memref<!tpu.dma_semaphore, #tpu.memory_space<semaphore_mem>>) src(%dma_wait3A_120 : memref<128xf32, #tpu.memory_space<vmem>>) dst(%dma_wait3A_117 : memref<128xf32, #tpu.memory_space<vmem_shared>>)
        %scan3A_121 = arith.constant 0 : i32
        scf.yield %scan3A_121 : i32
      }
      %scan3A_107 = arith.constant 32 : i32
      %scan3A_108 = arith.constant 0 : i32
      scf.yield %scan3A_108 : i32
    }
    %scan3A_21 = arith.constant 25 : i32
    %barrier3A_22 = arith.constant 0 : index
    tpu.barrier barrier_id(%barrier3A_22)
    %mul3A_23 = arith.constant 3136 : i32
    %mul3A_24 = arith.muli %mul3A_23, %arg1 : i32
    "tpu.region"() ({
      %run_scoped3A = tpu.sem_alloc : memref<!tpu.dma_semaphore, #tpu.memory_space<semaphore_mem>>
      %dma_start3A = tpu.memref_slice %arg13[%mul3A_24] : memref<50176xf32, #tpu.memory_space<vmem_shared>> -> memref<3136xf32, #tpu.memory_space<vmem_shared>>
      %dma_start3A_44 = tpu.memref_slice %arg13[%mul3A_24] : memref<50176xf32, #tpu.memory_space<vmem_shared>> -> memref<3136xf32, #tpu.memory_space<vmem_shared>>
      tpu.enqueue_dma source(%dma_start3A_44 : memref<3136xf32, #tpu.memory_space<vmem_shared>>) target(%arg27 : memref<3136xf32, #tpu.memory_space<vmem>>) target_semaphore(%run_scoped3A : memref<!tpu.dma_semaphore, #tpu.memory_space<semaphore_mem>>)
      %dma_wait3A = tpu.memref_slice %arg13[%mul3A_24] : memref<50176xf32, #tpu.memory_space<vmem_shared>> -> memref<3136xf32, #tpu.memory_space<vmem_shared>>
      %dma_wait3A_45 = tpu.memref_slice %arg13[%mul3A_24] : memref<50176xf32, #tpu.memory_space<vmem_shared>> -> memref<3136xf32, #tpu.memory_space<vmem_shared>>
      tpu.wait_dma2 semaphore(%run_scoped3A : memref<!tpu.dma_semaphore, #tpu.memory_space<semaphore_mem>>) src(%dma_wait3A_45 : memref<3136xf32, #tpu.memory_space<vmem_shared>>) dst(%arg27 : memref<3136xf32, #tpu.memory_space<vmem>>)
      tpu.yield
    }) : () -> ()
    %mul3A_25 = arith.constant 50176 : i32
    %mul3A_26 = arith.muli %mul3A_25, %arg0 : i32
    %mul3A_27 = arith.constant 3136 : i32
    %mul3A_28 = arith.muli %mul3A_27, %arg1 : i32
    %add3A_29 = arith.addi %mul3A_26, %mul3A_28 : i32
    "tpu.region"() ({
      %run_scoped3A = tpu.sem_alloc : memref<!tpu.dma_semaphore, #tpu.memory_space<semaphore_mem>>
      %dma_start3A = tpu.memref_slice %arg10[%add3A_29] : memref<100352xf32, #tpu.memory_space<hbm>> -> memref<3136xf32, #tpu.memory_space<hbm>>
      %dma_start3A_44 = tpu.memref_slice %arg10[%add3A_29] : memref<100352xf32, #tpu.memory_space<hbm>> -> memref<3136xf32, #tpu.memory_space<hbm>>
      tpu.enqueue_dma source(%arg27 : memref<3136xf32, #tpu.memory_space<vmem>>) target(%dma_start3A_44 : memref<3136xf32, #tpu.memory_space<hbm>>) target_semaphore(%run_scoped3A : memref<!tpu.dma_semaphore, #tpu.memory_space<semaphore_mem>>)
      %dma_wait3A = tpu.memref_slice %arg10[%add3A_29] : memref<100352xf32, #tpu.memory_space<hbm>> -> memref<3136xf32, #tpu.memory_space<hbm>>
      %dma_wait3A_45 = tpu.memref_slice %arg10[%add3A_29] : memref<100352xf32, #tpu.memory_space<hbm>> -> memref<3136xf32, #tpu.memory_space<hbm>>
      tpu.wait_dma2 semaphore(%run_scoped3A : memref<!tpu.dma_semaphore, #tpu.memory_space<semaphore_mem>>) src(%arg27 : memref<3136xf32, #tpu.memory_space<vmem>>) dst(%dma_wait3A_45 : memref<3136xf32, #tpu.memory_space<hbm>>)
      tpu.yield
    }) : () -> ()
    %mul3A_30 = arith.constant 3136 : i32
    %mul3A_31 = arith.muli %mul3A_30, %arg1 : i32
    "tpu.region"() ({
      %run_scoped3A = tpu.sem_alloc : memref<!tpu.dma_semaphore, #tpu.memory_space<semaphore_mem>>
      %dma_start3A = tpu.memref_slice %arg14[%mul3A_31] : memref<50176xf32, #tpu.memory_space<vmem_shared>> -> memref<3136xf32, #tpu.memory_space<vmem_shared>>
      %dma_start3A_44 = tpu.memref_slice %arg14[%mul3A_31] : memref<50176xf32, #tpu.memory_space<vmem_shared>> -> memref<3136xf32, #tpu.memory_space<vmem_shared>>
      tpu.enqueue_dma source(%dma_start3A_44 : memref<3136xf32, #tpu.memory_space<vmem_shared>>) target(%arg27 : memref<3136xf32, #tpu.memory_space<vmem>>) target_semaphore(%run_scoped3A : memref<!tpu.dma_semaphore, #tpu.memory_space<semaphore_mem>>)
      %dma_wait3A = tpu.memref_slice %arg14[%mul3A_31] : memref<50176xf32, #tpu.memory_space<vmem_shared>> -> memref<3136xf32, #tpu.memory_space<vmem_shared>>
      %dma_wait3A_45 = tpu.memref_slice %arg14[%mul3A_31] : memref<50176xf32, #tpu.memory_space<vmem_shared>> -> memref<3136xf32, #tpu.memory_space<vmem_shared>>
      tpu.wait_dma2 semaphore(%run_scoped3A : memref<!tpu.dma_semaphore, #tpu.memory_space<semaphore_mem>>) src(%dma_wait3A_45 : memref<3136xf32, #tpu.memory_space<vmem_shared>>) dst(%arg27 : memref<3136xf32, #tpu.memory_space<vmem>>)
      tpu.yield
    }) : () -> ()
    %mul3A_32 = arith.constant 50176 : i32
    %mul3A_33 = arith.muli %mul3A_32, %arg0 : i32
    %mul3A_34 = arith.constant 3136 : i32
    %mul3A_35 = arith.muli %mul3A_34, %arg1 : i32
    %add3A_36 = arith.addi %mul3A_33, %mul3A_35 : i32
    "tpu.region"() ({
      %run_scoped3A = tpu.sem_alloc : memref<!tpu.dma_semaphore, #tpu.memory_space<semaphore_mem>>
      %dma_start3A = tpu.memref_slice %arg11[%add3A_36] : memref<100352xf32, #tpu.memory_space<hbm>> -> memref<3136xf32, #tpu.memory_space<hbm>>
      %dma_start3A_44 = tpu.memref_slice %arg11[%add3A_36] : memref<100352xf32, #tpu.memory_space<hbm>> -> memref<3136xf32, #tpu.memory_space<hbm>>
      tpu.enqueue_dma source(%arg27 : memref<3136xf32, #tpu.memory_space<vmem>>) target(%dma_start3A_44 : memref<3136xf32, #tpu.memory_space<hbm>>) target_semaphore(%run_scoped3A : memref<!tpu.dma_semaphore, #tpu.memory_space<semaphore_mem>>)
      %dma_wait3A = tpu.memref_slice %arg11[%add3A_36] : memref<100352xf32, #tpu.memory_space<hbm>> -> memref<3136xf32, #tpu.memory_space<hbm>>
      %dma_wait3A_45 = tpu.memref_slice %arg11[%add3A_36] : memref<100352xf32, #tpu.memory_space<hbm>> -> memref<3136xf32, #tpu.memory_space<hbm>>
      tpu.wait_dma2 semaphore(%run_scoped3A : memref<!tpu.dma_semaphore, #tpu.memory_space<semaphore_mem>>) src(%arg27 : memref<3136xf32, #tpu.memory_space<vmem>>) dst(%dma_wait3A_45 : memref<3136xf32, #tpu.memory_space<hbm>>)
      tpu.yield
    }) : () -> ()
    %mul3A_37 = arith.constant 3136 : i32
    %mul3A_38 = arith.muli %mul3A_37, %arg1 : i32
    "tpu.region"() ({
      %run_scoped3A = tpu.sem_alloc : memref<!tpu.dma_semaphore, #tpu.memory_space<semaphore_mem>>
      %dma_start3A = tpu.memref_slice %arg15[%mul3A_38] : memref<50176xf32, #tpu.memory_space<vmem_shared>> -> memref<3136xf32, #tpu.memory_space<vmem_shared>>
      %dma_start3A_44 = tpu.memref_slice %arg15[%mul3A_38] : memref<50176xf32, #tpu.memory_space<vmem_shared>> -> memref<3136xf32, #tpu.memory_space<vmem_shared>>
      tpu.enqueue_dma source(%dma_start3A_44 : memref<3136xf32, #tpu.memory_space<vmem_shared>>) target(%arg27 : memref<3136xf32, #tpu.memory_space<vmem>>) target_semaphore(%run_scoped3A : memref<!tpu.dma_semaphore, #tpu.memory_space<semaphore_mem>>)
      %dma_wait3A = tpu.memref_slice %arg15[%mul3A_38] : memref<50176xf32, #tpu.memory_space<vmem_shared>> -> memref<3136xf32, #tpu.memory_space<vmem_shared>>
      %dma_wait3A_45 = tpu.memref_slice %arg15[%mul3A_38] : memref<50176xf32, #tpu.memory_space<vmem_shared>> -> memref<3136xf32, #tpu.memory_space<vmem_shared>>
      tpu.wait_dma2 semaphore(%run_scoped3A : memref<!tpu.dma_semaphore, #tpu.memory_space<semaphore_mem>>) src(%dma_wait3A_45 : memref<3136xf32, #tpu.memory_space<vmem_shared>>) dst(%arg27 : memref<3136xf32, #tpu.memory_space<vmem>>)
      tpu.yield
    }) : () -> ()
    %mul3A_39 = arith.constant 50176 : i32
    %mul3A_40 = arith.muli %mul3A_39, %arg0 : i32
    %mul3A_41 = arith.constant 3136 : i32
    %mul3A_42 = arith.muli %mul3A_41, %arg1 : i32
    %add3A_43 = arith.addi %mul3A_40, %mul3A_42 : i32
    "tpu.region"() ({
      %run_scoped3A = tpu.sem_alloc : memref<!tpu.dma_semaphore, #tpu.memory_space<semaphore_mem>>
      %dma_start3A = tpu.memref_slice %arg12[%add3A_43] : memref<100352xf32, #tpu.memory_space<hbm>> -> memref<3136xf32, #tpu.memory_space<hbm>>
      %dma_start3A_44 = tpu.memref_slice %arg12[%add3A_43] : memref<100352xf32, #tpu.memory_space<hbm>> -> memref<3136xf32, #tpu.memory_space<hbm>>
      tpu.enqueue_dma source(%arg27 : memref<3136xf32, #tpu.memory_space<vmem>>) target(%dma_start3A_44 : memref<3136xf32, #tpu.memory_space<hbm>>) target_semaphore(%run_scoped3A : memref<!tpu.dma_semaphore, #tpu.memory_space<semaphore_mem>>)
      %dma_wait3A = tpu.memref_slice %arg12[%add3A_43] : memref<100352xf32, #tpu.memory_space<hbm>> -> memref<3136xf32, #tpu.memory_space<hbm>>
      %dma_wait3A_45 = tpu.memref_slice %arg12[%add3A_43] : memref<100352xf32, #tpu.memory_space<hbm>> -> memref<3136xf32, #tpu.memory_space<hbm>>
      tpu.wait_dma2 semaphore(%run_scoped3A : memref<!tpu.dma_semaphore, #tpu.memory_space<semaphore_mem>>) src(%arg27 : memref<3136xf32, #tpu.memory_space<vmem>>) dst(%dma_wait3A_45 : memref<3136xf32, #tpu.memory_space<hbm>>)
      tpu.yield
    }) : () -> ()
    return
  }
}

module attributes {stable_mosaic.version = 14 : i64} {
  func.func @_tc_dis_body(%arg0: i32, %arg1: memref<2x56x128xf32, #tpu.memory_space<vmem>>, %arg2: memref<56x128xf32, #tpu.memory_space<vmem>>, %arg3: memref<56x128xf32, #tpu.memory_space<vmem>>) attributes {dimension_semantics = [#tpu.dimension_semantics<arbitrary>], iteration_bounds = array<i64: 7>, scalar_prefetch = 0 : i64, scratch_operands = 0 : i64, tpu.core_type = #tpu.core_type<tc>, window_params = [{transform_indices = @transform_0, window_bounds = array<i64: 2, 56, 128>}, {transform_indices = @transform_1, window_bounds = array<i64: 56, 128>}, {transform_indices = @transform_2, window_bounds = array<i64: 56, 128>}]} {
    %get3A = arith.constant 0 : index
    %get3A_0 = arith.constant 0 : index
    %get3A_1 = arith.constant 0 : index
    %get3A_2 = vector.load %arg1[%get3A, %get3A_0, %get3A_1] : memref<2x56x128xf32, #tpu.memory_space<vmem>>, vector<1x56x128xf32>
    %get3A_3 = vector.shape_cast %get3A_2 : vector<1x56x128xf32> to vector<56x128xf32>
    %get3A_4 = arith.constant 1 : index
    %get3A_5 = arith.constant 0 : index
    %get3A_6 = arith.constant 0 : index
    %get3A_7 = vector.load %arg1[%get3A_4, %get3A_5, %get3A_6] : memref<2x56x128xf32, #tpu.memory_space<vmem>>, vector<1x56x128xf32>
    %get3A_8 = vector.shape_cast %get3A_7 : vector<1x56x128xf32> to vector<56x128xf32>
    %add3A = arith.addf %get3A_3, %get3A_8 : vector<56x128xf32>
    %add3A_9 = arith.constant 1.000000e+00 : f32
    %add3A_10 = vector.broadcast %add3A_9 : f32 to vector<56x128xf32>
    %add3A_11 = arith.addf %add3A, %add3A_10 : vector<56x128xf32>
    %rsqrt3A = math.rsqrt %add3A_11 : vector<56x128xf32>
    %mul3A = arith.constant 5.000000e-01 : f32
    %mul3A_12 = vector.broadcast %mul3A : f32 to vector<56x128xf32>
    %mul3A_13 = arith.mulf %mul3A_12, %add3A_11 : vector<56x128xf32>
    %mul3A_14 = arith.mulf %mul3A_13, %rsqrt3A : vector<56x128xf32>
    %mul3A_15 = arith.mulf %mul3A_14, %rsqrt3A : vector<56x128xf32>
    %sub3A = arith.constant 1.500000e+00 : f32
    %sub3A_16 = vector.broadcast %sub3A : f32 to vector<56x128xf32>
    %sub3A_17 = arith.subf %sub3A_16, %mul3A_15 : vector<56x128xf32>
    %mul3A_18 = arith.mulf %rsqrt3A, %sub3A_17 : vector<56x128xf32>
    %swap3A = arith.constant 0 : index
    %swap3A_19 = arith.constant 0 : index
    %swap3A_20 = vector.load %arg2[%swap3A, %swap3A_19] : memref<56x128xf32, #tpu.memory_space<vmem>>, vector<56x128xf32>
    tpu.vector_store %arg2[%swap3A, %swap3A_19], %mul3A_18 {strides = array<i32>} : memref<56x128xf32, #tpu.memory_space<vmem>>, vector<56x128xf32>,
    %mul3A_21 = arith.mulf %mul3A_18, %mul3A_18 : vector<56x128xf32>
    %swap3A_22 = arith.constant 0 : index
    %swap3A_23 = arith.constant 0 : index
    %swap3A_24 = vector.load %arg3[%swap3A_22, %swap3A_23] : memref<56x128xf32, #tpu.memory_space<vmem>>, vector<56x128xf32>
    tpu.vector_store %arg3[%swap3A_22, %swap3A_23], %mul3A_21 {strides = array<i32>} : memref<56x128xf32, #tpu.memory_space<vmem>>, vector<56x128xf32>,
    return
  }
  func.func @transform_0(%arg0: i32) -> (i32, i32, i32) {
    %c0_i32 = arith.constant 0 : i32
    %c0_i32_0 = arith.constant 0 : i32
    %c0_i32_1 = arith.constant 0 : i32
    return %c0_i32, %arg0, %c0_i32_0 : i32, i32, i32
  }
  func.func @transform_1(%arg0: i32) -> (i32, i32) {
    %c0_i32 = arith.constant 0 : i32
    %c0_i32_0 = arith.constant 0 : i32
    return %arg0, %c0_i32 : i32, i32
  }
  func.func @transform_2(%arg0: i32) -> (i32, i32) {
    %c0_i32 = arith.constant 0 : i32
    %c0_i32_0 = arith.constant 0 : i32
    return %arg0, %c0_i32 : i32, i32
  }
}

module attributes {stable_mosaic.version = 14 : i64} {
  func.func @_tc_h1_body(%arg0: i32, %arg1: memref<2x1024x1xf32, #tpu.memory_space<vmem>>, %arg2: memref<2x1024x1xf32, #tpu.memory_space<vmem>>, %arg3: memref<2x1024x1xf32, #tpu.memory_space<vmem>>, %arg4: memref<1024x1xf32, #tpu.memory_space<vmem>>, %arg5: memref<1024x1xf32, #tpu.memory_space<vmem>>, %arg6: memref<1024x1xf32, #tpu.memory_space<vmem>>, %arg7: memref<1024x1xf32, #tpu.memory_space<vmem>>, %arg8: memref<1024x1xf32, #tpu.memory_space<vmem>>, %arg9: memref<3x128xf32, #tpu.memory_space<vmem>>, %arg10: memref<1x128xf32, #tpu.memory_space<vmem>>, %arg11: memref<1024x128xf32, #tpu.memory_space<vmem>>) attributes {dimension_semantics = [#tpu.dimension_semantics<arbitrary>], iteration_bounds = array<i64: 49>, scalar_prefetch = 0 : i64, scratch_operands = 0 : i64, tpu.core_type = #tpu.core_type<tc>, window_params = [{transform_indices = @transform_0, window_bounds = array<i64: 2, 1024, 1>}, {transform_indices = @transform_1, window_bounds = array<i64: 2, 1024, 1>}, {transform_indices = @transform_2, window_bounds = array<i64: 2, 1024, 1>}, {transform_indices = @transform_3, window_bounds = array<i64: 1024, 1>}, {transform_indices = @transform_4, window_bounds = array<i64: 1024, 1>}, {transform_indices = @transform_5, window_bounds = array<i64: 1024, 1>}, {transform_indices = @transform_6, window_bounds = array<i64: 1024, 1>}, {transform_indices = @transform_7, window_bounds = array<i64: 1024, 1>}, {pipeline_mode = #tpu.pipeline_mode<synchronous>, transform_indices = @transform_8, window_bounds = array<i64: 3, 128>}, {pipeline_mode = #tpu.pipeline_mode<synchronous>, transform_indices = @transform_9, window_bounds = array<i64: 1, 128>}, {transform_indices = @transform_10, window_bounds = array<i64: 1024, 128>}]} {
    %get3A = arith.constant 0 : index
    %get3A_0 = arith.constant 0 : index
    %get3A_1 = vector.load %arg4[%get3A, %get3A_0] : memref<1024x1xf32, #tpu.memory_space<vmem>>, vector<1024x1xf32>
    %get3A_2 = arith.constant 0 : index
    %get3A_3 = arith.constant 0 : index
    %get3A_4 = vector.load %arg5[%get3A_2, %get3A_3] : memref<1024x1xf32, #tpu.memory_space<vmem>>, vector<1024x1xf32>
    %get3A_5 = arith.constant 0 : index
    %get3A_6 = arith.constant 0 : index
    %get3A_7 = vector.load %arg10[%get3A_5, %get3A_6] : memref<1x128xf32, #tpu.memory_space<vmem>>, vector<1x128xf32>
    %broadcast_in_dim3A = vector.shape_cast %get3A_7 : vector<1x128xf32> to vector<1x128xf32>
    %broadcast_in_dim3A_8 = vector.broadcast %broadcast_in_dim3A : vector<1x128xf32> to vector<1024x128xf32>
    %get3A_9 = arith.constant 0 : index
    %get3A_10 = arith.constant 0 : index
    %get3A_11 = arith.constant 0 : index
    %get3A_12 = vector.load %arg1[%get3A_9, %get3A_10, %get3A_11] : memref<2x1024x1xf32, #tpu.memory_space<vmem>>, vector<1x1024x1xf32>
    %get3A_13 = vector.shape_cast %get3A_12 : vector<1x1024x1xf32> to vector<1024x1xf32>
    %get3A_14 = arith.constant 1 : index
    %get3A_15 = arith.constant 0 : index
    %get3A_16 = arith.constant 0 : index
    %get3A_17 = vector.load %arg1[%get3A_14, %get3A_15, %get3A_16] : memref<2x1024x1xf32, #tpu.memory_space<vmem>>, vector<1x1024x1xf32>
    %get3A_18 = vector.shape_cast %get3A_17 : vector<1x1024x1xf32> to vector<1024x1xf32>
    %add3A = arith.addf %get3A_13, %get3A_18 : vector<1024x1xf32>
    %mul3A = arith.mulf %get3A_1, %add3A : vector<1024x1xf32>
    %get3A_19 = arith.constant 0 : index
    %get3A_20 = arith.constant 0 : index
    %get3A_21 = vector.load %arg6[%get3A_19, %get3A_20] : memref<1024x1xf32, #tpu.memory_space<vmem>>, vector<1024x1xf32>
    %mul3A_22 = arith.mulf %get3A_4, %get3A_21 : vector<1024x1xf32>
    %add3A_23 = arith.addf %mul3A, %mul3A_22 : vector<1024x1xf32>
    %get3A_24 = arith.constant 0 : index
    %get3A_25 = arith.constant 0 : index
    %get3A_26 = vector.load %arg9[%get3A_24, %get3A_25] : memref<3x128xf32, #tpu.memory_space<vmem>>, vector<1x128xf32>
    %mul3A_27 = vector.broadcast %add3A_23 : vector<1024x1xf32> to vector<1024x128xf32>
    %mul3A_28 = vector.broadcast %get3A_26 : vector<1x128xf32> to vector<1024x128xf32>
    %mul3A_29 = arith.mulf %mul3A_27, %mul3A_28 : vector<1024x128xf32>
    %add3A_30 = arith.addf %broadcast_in_dim3A_8, %mul3A_29 : vector<1024x128xf32>
    %get3A_31 = arith.constant 0 : index
    %get3A_32 = arith.constant 0 : index
    %get3A_33 = arith.constant 0 : index
    %get3A_34 = vector.load %arg2[%get3A_31, %get3A_32, %get3A_33] : memref<2x1024x1xf32, #tpu.memory_space<vmem>>, vector<1x1024x1xf32>
    %get3A_35 = vector.shape_cast %get3A_34 : vector<1x1024x1xf32> to vector<1024x1xf32>
    %get3A_36 = arith.constant 1 : index
    %get3A_37 = arith.constant 0 : index
    %get3A_38 = arith.constant 0 : index
    %get3A_39 = vector.load %arg2[%get3A_36, %get3A_37, %get3A_38] : memref<2x1024x1xf32, #tpu.memory_space<vmem>>, vector<1x1024x1xf32>
    %get3A_40 = vector.shape_cast %get3A_39 : vector<1x1024x1xf32> to vector<1024x1xf32>
    %add3A_41 = arith.addf %get3A_35, %get3A_40 : vector<1024x1xf32>
    %mul3A_42 = arith.mulf %get3A_1, %add3A_41 : vector<1024x1xf32>
    %get3A_43 = arith.constant 0 : index
    %get3A_44 = arith.constant 0 : index
    %get3A_45 = vector.load %arg7[%get3A_43, %get3A_44] : memref<1024x1xf32, #tpu.memory_space<vmem>>, vector<1024x1xf32>
    %mul3A_46 = arith.mulf %get3A_4, %get3A_45 : vector<1024x1xf32>
    %add3A_47 = arith.addf %mul3A_42, %mul3A_46 : vector<1024x1xf32>
    %get3A_48 = arith.constant 1 : index
    %get3A_49 = arith.constant 0 : index
    %get3A_50 = vector.load %arg9[%get3A_48, %get3A_49] : memref<3x128xf32, #tpu.memory_space<vmem>>, vector<1x128xf32>
    %mul3A_51 = vector.broadcast %add3A_47 : vector<1024x1xf32> to vector<1024x128xf32>
    %mul3A_52 = vector.broadcast %get3A_50 : vector<1x128xf32> to vector<1024x128xf32>
    %mul3A_53 = arith.mulf %mul3A_51, %mul3A_52 : vector<1024x128xf32>
    %add3A_54 = arith.addf %add3A_30, %mul3A_53 : vector<1024x128xf32>
    %get3A_55 = arith.constant 0 : index
    %get3A_56 = arith.constant 0 : index
    %get3A_57 = arith.constant 0 : index
    %get3A_58 = vector.load %arg3[%get3A_55, %get3A_56, %get3A_57] : memref<2x1024x1xf32, #tpu.memory_space<vmem>>, vector<1x1024x1xf32>
    %get3A_59 = vector.shape_cast %get3A_58 : vector<1x1024x1xf32> to vector<1024x1xf32>
    %get3A_60 = arith.constant 1 : index
    %get3A_61 = arith.constant 0 : index
    %get3A_62 = arith.constant 0 : index
    %get3A_63 = vector.load %arg3[%get3A_60, %get3A_61, %get3A_62] : memref<2x1024x1xf32, #tpu.memory_space<vmem>>, vector<1x1024x1xf32>
    %get3A_64 = vector.shape_cast %get3A_63 : vector<1x1024x1xf32> to vector<1024x1xf32>
    %add3A_65 = arith.addf %get3A_59, %get3A_64 : vector<1024x1xf32>
    %mul3A_66 = arith.mulf %get3A_1, %add3A_65 : vector<1024x1xf32>
    %get3A_67 = arith.constant 0 : index
    %get3A_68 = arith.constant 0 : index
    %get3A_69 = vector.load %arg8[%get3A_67, %get3A_68] : memref<1024x1xf32, #tpu.memory_space<vmem>>, vector<1024x1xf32>
    %mul3A_70 = arith.mulf %get3A_4, %get3A_69 : vector<1024x1xf32>
    %add3A_71 = arith.addf %mul3A_66, %mul3A_70 : vector<1024x1xf32>
    %get3A_72 = arith.constant 2 : index
    %get3A_73 = arith.constant 0 : index
    %get3A_74 = vector.load %arg9[%get3A_72, %get3A_73] : memref<3x128xf32, #tpu.memory_space<vmem>>, vector<1x128xf32>
    %mul3A_75 = vector.broadcast %add3A_71 : vector<1024x1xf32> to vector<1024x128xf32>
    %mul3A_76 = vector.broadcast %get3A_74 : vector<1x128xf32> to vector<1024x128xf32>
    %mul3A_77 = arith.mulf %mul3A_75, %mul3A_76 : vector<1024x128xf32>
    %add3A_78 = arith.addf %add3A_54, %mul3A_77 : vector<1024x128xf32>
    %mul3A_79 = arith.constant 5.000000e-01 : f32
    %mul3A_80 = vector.broadcast %mul3A_79 : f32 to vector<1024x128xf32>
    %mul3A_81 = arith.mulf %mul3A_80, %add3A_78 : vector<1024x128xf32>
    %tanh3A = math.tanh %mul3A_81 : vector<1024x128xf32>
    %mul3A_82 = arith.constant 5.000000e-01 : f32
    %mul3A_83 = vector.broadcast %mul3A_82 : f32 to vector<1024x128xf32>
    %mul3A_84 = arith.mulf %mul3A_83, %tanh3A : vector<1024x128xf32>
    %add3A_85 = arith.constant 5.000000e-01 : f32
    %add3A_86 = vector.broadcast %add3A_85 : f32 to vector<1024x128xf32>
    %add3A_87 = arith.addf %add3A_86, %mul3A_84 : vector<1024x128xf32>
    %mul3A_88 = arith.mulf %add3A_78, %add3A_87 : vector<1024x128xf32>
    %swap3A = arith.constant 0 : index
    %swap3A_89 = arith.constant 0 : index
    %swap3A_90 = vector.load %arg11[%swap3A, %swap3A_89] : memref<1024x128xf32, #tpu.memory_space<vmem>>, vector<1024x128xf32>
    tpu.vector_store %arg11[%swap3A, %swap3A_89], %mul3A_88 {strides = array<i32>} : memref<1024x128xf32, #tpu.memory_space<vmem>>, vector<1024x128xf32>,
    return
  }
  func.func @transform_0(%arg0: i32) -> (i32, i32, i32) {
    %c0_i32 = arith.constant 0 : i32
    %c0_i32_0 = arith.constant 0 : i32
    %c0_i32_1 = arith.constant 0 : i32
    return %c0_i32, %arg0, %c0_i32_0 : i32, i32, i32
  }
  func.func @transform_1(%arg0: i32) -> (i32, i32, i32) {
    %c0_i32 = arith.constant 0 : i32
    %c0_i32_0 = arith.constant 0 : i32
    %c0_i32_1 = arith.constant 0 : i32
    return %c0_i32, %arg0, %c0_i32_0 : i32, i32, i32
  }
  func.func @transform_2(%arg0: i32) -> (i32, i32, i32) {
    %c0_i32 = arith.constant 0 : i32
    %c0_i32_0 = arith.constant 0 : i32
    %c0_i32_1 = arith.constant 0 : i32
    return %c0_i32, %arg0, %c0_i32_0 : i32, i32, i32
  }
  func.func @transform_3(%arg0: i32) -> (i32, i32) {
    %c0_i32 = arith.constant 0 : i32
    %c0_i32_0 = arith.constant 0 : i32
    return %arg0, %c0_i32 : i32, i32
  }
  func.func @transform_4(%arg0: i32) -> (i32, i32) {
    %c0_i32 = arith.constant 0 : i32
    %c0_i32_0 = arith.constant 0 : i32
    return %arg0, %c0_i32 : i32, i32
  }
  func.func @transform_5(%arg0: i32) -> (i32, i32) {
    %c0_i32 = arith.constant 0 : i32
    %c0_i32_0 = arith.constant 0 : i32
    return %arg0, %c0_i32 : i32, i32
  }
  func.func @transform_6(%arg0: i32) -> (i32, i32) {
    %c0_i32 = arith.constant 0 : i32
    %c0_i32_0 = arith.constant 0 : i32
    return %arg0, %c0_i32 : i32, i32
  }
  func.func @transform_7(%arg0: i32) -> (i32, i32) {
    %c0_i32 = arith.constant 0 : i32
    %c0_i32_0 = arith.constant 0 : i32
    return %arg0, %c0_i32 : i32, i32
  }
  func.func @transform_8(%arg0: i32) -> (i32, i32) {
    %c0_i32 = arith.constant 0 : i32
    %c0_i32_0 = arith.constant 0 : i32
    %c0_i32_1 = arith.constant 0 : i32
    return %c0_i32, %c0_i32_0 : i32, i32
  }
  func.func @transform_9(%arg0: i32) -> (i32, i32) {
    %c0_i32 = arith.constant 0 : i32
    %c0_i32_0 = arith.constant 0 : i32
    %c0_i32_1 = arith.constant 0 : i32
    return %c0_i32, %c0_i32_0 : i32, i32
  }
  func.func @transform_10(%arg0: i32) -> (i32, i32) {
    %c0_i32 = arith.constant 0 : i32
    %c0_i32_0 = arith.constant 0 : i32
    return %arg0, %c0_i32 : i32, i32
  }
}

module attributes {stable_mosaic.version = 14 : i64} {
  func.func @_tc_final_body(%arg0: i32, %arg1: memref<2x4x1024x32xf32, #tpu.memory_space<vmem>>, %arg2: memref<1024x128xf32, #tpu.memory_space<vmem>>, %arg3: memref<1024x1xf32, #tpu.memory_space<vmem>>, %arg4: memref<1024x1xf32, #tpu.memory_space<vmem>>, %arg5: memref<1024x1xi32, #tpu.memory_space<vmem>>, %arg6: memref<128x256xf32, #tpu.memory_space<vmem>>, %arg7: memref<1x256xf32, #tpu.memory_space<vmem>>, %arg8: memref<256x128xf32, #tpu.memory_space<vmem>>, %arg9: memref<1x128xf32, #tpu.memory_space<vmem>>, %arg10: memref<128x128xf32, #tpu.memory_space<vmem>>, %arg11: memref<1x128xf32, #tpu.memory_space<vmem>>, %arg12: memref<16x128xf32, #tpu.memory_space<vmem>>, %arg13: memref<16x256xf32, #tpu.memory_space<vmem>>, %arg14: memref<16x256xf32, #tpu.memory_space<vmem>>, %arg15: memref<16x128xf32, #tpu.memory_space<vmem>>) attributes {dimension_semantics = [#tpu.dimension_semantics<arbitrary>], iteration_bounds = array<i64: 49>, scalar_prefetch = 0 : i64, scratch_operands = 3 : i64, tpu.core_type = #tpu.core_type<tc>, window_params = [{transform_indices = @transform_0, window_bounds = array<i64: 2, 4, 1024, 32>}, {transform_indices = @transform_1, window_bounds = array<i64: 1024, 128>}, {transform_indices = @transform_2, window_bounds = array<i64: 1024, 1>}, {transform_indices = @transform_3, window_bounds = array<i64: 1024, 1>}, {transform_indices = @transform_4, window_bounds = array<i64: 1024, 1>}, {pipeline_mode = #tpu.pipeline_mode<synchronous>, transform_indices = @transform_5, window_bounds = array<i64: 128, 256>}, {pipeline_mode = #tpu.pipeline_mode<synchronous>, transform_indices = @transform_6, window_bounds = array<i64: 1, 256>}, {pipeline_mode = #tpu.pipeline_mode<synchronous>, transform_indices = @transform_7, window_bounds = array<i64: 256, 128>}, {pipeline_mode = #tpu.pipeline_mode<synchronous>, transform_indices = @transform_8, window_bounds = array<i64: 1, 128>}, {pipeline_mode = #tpu.pipeline_mode<synchronous>, transform_indices = @transform_9, window_bounds = array<i64: 128, 128>}, {pipeline_mode = #tpu.pipeline_mode<synchronous>, transform_indices = @transform_10, window_bounds = array<i64: 1, 128>}, {pipeline_mode = #tpu.pipeline_mode<synchronous>, transform_indices = @transform_11, window_bounds = array<i64: 16, 128>}]} {
    %eq3A = arith.constant 0 : i32
    %eq3A_0 = arith.cmpi eq, %arg0, %eq3A : i32
    %convert_element_type3A = arith.extui %eq3A_0 : i1 to i32
    %cond3A = arith.constant 0 : i32
    %cond3A_1 = arith.cmpi ne, %convert_element_type3A, %cond3A : i32
    scf.if %cond3A_1 {
      %broadcast_in_dim3A_166 = arith.constant 0.000000e+00 : f32
      %broadcast_in_dim3A_167 = vector.broadcast %broadcast_in_dim3A_166 : f32 to vector<16x256xf32>
      %swap3A_168 = arith.constant 0 : index
      %swap3A_169 = arith.constant 0 : index
      %swap3A_170 = vector.load %arg13[%swap3A_168, %swap3A_169] : memref<16x256xf32, #tpu.memory_space<vmem>>, vector<16x256xf32>
      tpu.vector_store %arg13[%swap3A_168, %swap3A_169], %broadcast_in_dim3A_167 {strides = array<i32>} : memref<16x256xf32, #tpu.memory_space<vmem>>, vector<16x256xf32>,
      %broadcast_in_dim3A_171 = arith.constant 0.000000e+00 : f32
      %broadcast_in_dim3A_172 = vector.broadcast %broadcast_in_dim3A_171 : f32 to vector<16x256xf32>
      %swap3A_173 = arith.constant 0 : index
      %swap3A_174 = arith.constant 0 : index
      %swap3A_175 = vector.load %arg14[%swap3A_173, %swap3A_174] : memref<16x256xf32, #tpu.memory_space<vmem>>, vector<16x256xf32>
      tpu.vector_store %arg14[%swap3A_173, %swap3A_174], %broadcast_in_dim3A_172 {strides = array<i32>} : memref<16x256xf32, #tpu.memory_space<vmem>>, vector<16x256xf32>,
      %broadcast_in_dim3A_176 = arith.constant 0.000000e+00 : f32
      %broadcast_in_dim3A_177 = vector.broadcast %broadcast_in_dim3A_176 : f32 to vector<16x128xf32>
      %swap3A_178 = arith.constant 0 : index
      %swap3A_179 = arith.constant 0 : index
      %swap3A_180 = vector.load %arg15[%swap3A_178, %swap3A_179] : memref<16x128xf32, #tpu.memory_space<vmem>>, vector<16x128xf32>
      tpu.vector_store %arg15[%swap3A_178, %swap3A_179], %broadcast_in_dim3A_177 {strides = array<i32>} : memref<16x128xf32, #tpu.memory_space<vmem>>, vector<16x128xf32>,
    } else {
    }
    %get3A = arith.constant 0 : index
    %get3A_2 = arith.constant 0 : index
    %get3A_3 = vector.load %arg3[%get3A, %get3A_2] : memref<1024x1xf32, #tpu.memory_space<vmem>>, vector<1024x1xf32>
    %get3A_4 = arith.constant 0 : index
    %get3A_5 = arith.constant 0 : index
    %get3A_6 = vector.load %arg4[%get3A_4, %get3A_5] : memref<1024x1xf32, #tpu.memory_space<vmem>>, vector<1024x1xf32>
    %get3A_7 = arith.constant 0 : index
    %get3A_8 = arith.constant 0 : index
    %get3A_9 = vector.load %arg7[%get3A_7, %get3A_8] : memref<1x256xf32, #tpu.memory_space<vmem>>, vector<1x256xf32>
    %broadcast_in_dim3A = vector.shape_cast %get3A_9 : vector<1x256xf32> to vector<1x256xf32>
    %broadcast_in_dim3A_10 = vector.broadcast %broadcast_in_dim3A : vector<1x256xf32> to vector<1024x256xf32>
    %get3A_11 = arith.constant 0 : index
    %get3A_12 = arith.constant 0 : index
    %get3A_13 = arith.constant 0 : index
    %get3A_14 = arith.constant 0 : index
    %get3A_15 = vector.load %arg1[%get3A_11, %get3A_12, %get3A_13, %get3A_14] : memref<2x4x1024x32xf32, #tpu.memory_space<vmem>>, vector<1x1x1024x32xf32>
    %get3A_16 = vector.shape_cast %get3A_15 : vector<1x1x1024x32xf32> to vector<1024x32xf32>
    %get3A_17 = arith.constant 1 : index
    %get3A_18 = arith.constant 0 : index
    %get3A_19 = arith.constant 0 : index
    %get3A_20 = arith.constant 0 : index
    %get3A_21 = vector.load %arg1[%get3A_17, %get3A_18, %get3A_19, %get3A_20] : memref<2x4x1024x32xf32, #tpu.memory_space<vmem>>, vector<1x1x1024x32xf32>
    %get3A_22 = vector.shape_cast %get3A_21 : vector<1x1x1024x32xf32> to vector<1024x32xf32>
    %add3A = arith.addf %get3A_16, %get3A_22 : vector<1024x32xf32>
    %mul3A = vector.broadcast %get3A_3 : vector<1024x1xf32> to vector<1024x32xf32>
    %mul3A_23 = arith.mulf %mul3A, %add3A : vector<1024x32xf32>
    %get3A_24 = arith.constant 0 : index
    %get3A_25 = arith.constant 0 : index
    %get3A_26 = vector.load %arg2[%get3A_24, %get3A_25] : memref<1024x128xf32, #tpu.memory_space<vmem>>, vector<1024x32xf32>
    %mul3A_27 = vector.broadcast %get3A_6 : vector<1024x1xf32> to vector<1024x32xf32>
    %mul3A_28 = arith.mulf %mul3A_27, %get3A_26 : vector<1024x32xf32>
    %add3A_29 = arith.addf %mul3A_23, %mul3A_28 : vector<1024x32xf32>
    %get3A_30 = arith.constant 0 : index
    %get3A_31 = arith.constant 0 : index
    %get3A_32 = vector.load %arg6[%get3A_30, %get3A_31] : memref<128x256xf32, #tpu.memory_space<vmem>>, vector<32x256xf32>
    %dot_general3A = arith.constant dense<0.000000e+00> : vector<1024x256xf32>
    %dot_general3A_33 = tpu.matmul %add3A_29, %get3A_32, %dot_general3A {dimension_numbers = #tpu.dot_dimension_numbers<[1], [0], [0], [1], [0, 0, 1, 1], [], []>, precision = #tpu.contract_precision<fp32>, transpose_lhs_hint = false} : vector<1024x32xf32>, vector<32x256xf32>, vector<1024x256xf32> -> vector<1024x256xf32>
    %add3A_34 = arith.addf %broadcast_in_dim3A_10, %dot_general3A_33 : vector<1024x256xf32>
    %get3A_35 = arith.constant 0 : index
    %get3A_36 = arith.constant 1 : index
    %get3A_37 = arith.constant 0 : index
    %get3A_38 = arith.constant 0 : index
    %get3A_39 = vector.load %arg1[%get3A_35, %get3A_36, %get3A_37, %get3A_38] : memref<2x4x1024x32xf32, #tpu.memory_space<vmem>>, vector<1x1x1024x32xf32>
    %get3A_40 = vector.shape_cast %get3A_39 : vector<1x1x1024x32xf32> to vector<1024x32xf32>
    %get3A_41 = arith.constant 1 : index
    %get3A_42 = arith.constant 1 : index
    %get3A_43 = arith.constant 0 : index
    %get3A_44 = arith.constant 0 : index
    %get3A_45 = vector.load %arg1[%get3A_41, %get3A_42, %get3A_43, %get3A_44] : memref<2x4x1024x32xf32, #tpu.memory_space<vmem>>, vector<1x1x1024x32xf32>
    %get3A_46 = vector.shape_cast %get3A_45 : vector<1x1x1024x32xf32> to vector<1024x32xf32>
    %add3A_47 = arith.addf %get3A_40, %get3A_46 : vector<1024x32xf32>
    %mul3A_48 = vector.broadcast %get3A_3 : vector<1024x1xf32> to vector<1024x32xf32>
    %mul3A_49 = arith.mulf %mul3A_48, %add3A_47 : vector<1024x32xf32>
    %get3A_50 = arith.constant 0 : index
    %get3A_51 = arith.constant 32 : index
    %get3A_52 = vector.load %arg2[%get3A_50, %get3A_51] : memref<1024x128xf32, #tpu.memory_space<vmem>>, vector<1024x32xf32>
    %mul3A_53 = vector.broadcast %get3A_6 : vector<1024x1xf32> to vector<1024x32xf32>
    %mul3A_54 = arith.mulf %mul3A_53, %get3A_52 : vector<1024x32xf32>
    %add3A_55 = arith.addf %mul3A_49, %mul3A_54 : vector<1024x32xf32>
    %get3A_56 = arith.constant 32 : index
    %get3A_57 = arith.constant 0 : index
    %get3A_58 = vector.load %arg6[%get3A_56, %get3A_57] : memref<128x256xf32, #tpu.memory_space<vmem>>, vector<32x256xf32>
    %dot_general3A_59 = arith.constant dense<0.000000e+00> : vector<1024x256xf32>
    %dot_general3A_60 = tpu.matmul %add3A_55, %get3A_58, %dot_general3A_59 {dimension_numbers = #tpu.dot_dimension_numbers<[1], [0], [0], [1], [0, 0, 1, 1], [], []>, precision = #tpu.contract_precision<fp32>, transpose_lhs_hint = false} : vector<1024x32xf32>, vector<32x256xf32>, vector<1024x256xf32> -> vector<1024x256xf32>
    %add3A_61 = arith.addf %add3A_34, %dot_general3A_60 : vector<1024x256xf32>
    %get3A_62 = arith.constant 0 : index
    %get3A_63 = arith.constant 2 : index
    %get3A_64 = arith.constant 0 : index
    %get3A_65 = arith.constant 0 : index
    %get3A_66 = vector.load %arg1[%get3A_62, %get3A_63, %get3A_64, %get3A_65] : memref<2x4x1024x32xf32, #tpu.memory_space<vmem>>, vector<1x1x1024x32xf32>
    %get3A_67 = vector.shape_cast %get3A_66 : vector<1x1x1024x32xf32> to vector<1024x32xf32>
    %get3A_68 = arith.constant 1 : index
    %get3A_69 = arith.constant 2 : index
    %get3A_70 = arith.constant 0 : index
    %get3A_71 = arith.constant 0 : index
    %get3A_72 = vector.load %arg1[%get3A_68, %get3A_69, %get3A_70, %get3A_71] : memref<2x4x1024x32xf32, #tpu.memory_space<vmem>>, vector<1x1x1024x32xf32>
    %get3A_73 = vector.shape_cast %get3A_72 : vector<1x1x1024x32xf32> to vector<1024x32xf32>
    %add3A_74 = arith.addf %get3A_67, %get3A_73 : vector<1024x32xf32>
    %mul3A_75 = vector.broadcast %get3A_3 : vector<1024x1xf32> to vector<1024x32xf32>
    %mul3A_76 = arith.mulf %mul3A_75, %add3A_74 : vector<1024x32xf32>
    %get3A_77 = arith.constant 0 : index
    %get3A_78 = arith.constant 64 : index
    %get3A_79 = vector.load %arg2[%get3A_77, %get3A_78] : memref<1024x128xf32, #tpu.memory_space<vmem>>, vector<1024x32xf32>
    %mul3A_80 = vector.broadcast %get3A_6 : vector<1024x1xf32> to vector<1024x32xf32>
    %mul3A_81 = arith.mulf %mul3A_80, %get3A_79 : vector<1024x32xf32>
    %add3A_82 = arith.addf %mul3A_76, %mul3A_81 : vector<1024x32xf32>
    %get3A_83 = arith.constant 64 : index
    %get3A_84 = arith.constant 0 : index
    %get3A_85 = vector.load %arg6[%get3A_83, %get3A_84] : memref<128x256xf32, #tpu.memory_space<vmem>>, vector<32x256xf32>
    %dot_general3A_86 = arith.constant dense<0.000000e+00> : vector<1024x256xf32>
    %dot_general3A_87 = tpu.matmul %add3A_82, %get3A_85, %dot_general3A_86 {dimension_numbers = #tpu.dot_dimension_numbers<[1], [0], [0], [1], [0, 0, 1, 1], [], []>, precision = #tpu.contract_precision<fp32>, transpose_lhs_hint = false} : vector<1024x32xf32>, vector<32x256xf32>, vector<1024x256xf32> -> vector<1024x256xf32>
    %add3A_88 = arith.addf %add3A_61, %dot_general3A_87 : vector<1024x256xf32>
    %get3A_89 = arith.constant 0 : index
    %get3A_90 = arith.constant 3 : index
    %get3A_91 = arith.constant 0 : index
    %get3A_92 = arith.constant 0 : index
    %get3A_93 = vector.load %arg1[%get3A_89, %get3A_90, %get3A_91, %get3A_92] : memref<2x4x1024x32xf32, #tpu.memory_space<vmem>>, vector<1x1x1024x32xf32>
    %get3A_94 = vector.shape_cast %get3A_93 : vector<1x1x1024x32xf32> to vector<1024x32xf32>
    %get3A_95 = arith.constant 1 : index
    %get3A_96 = arith.constant 3 : index
    %get3A_97 = arith.constant 0 : index
    %get3A_98 = arith.constant 0 : index
    %get3A_99 = vector.load %arg1[%get3A_95, %get3A_96, %get3A_97, %get3A_98] : memref<2x4x1024x32xf32, #tpu.memory_space<vmem>>, vector<1x1x1024x32xf32>
    %get3A_100 = vector.shape_cast %get3A_99 : vector<1x1x1024x32xf32> to vector<1024x32xf32>
    %add3A_101 = arith.addf %get3A_94, %get3A_100 : vector<1024x32xf32>
    %mul3A_102 = vector.broadcast %get3A_3 : vector<1024x1xf32> to vector<1024x32xf32>
    %mul3A_103 = arith.mulf %mul3A_102, %add3A_101 : vector<1024x32xf32>
    %get3A_104 = arith.constant 0 : index
    %get3A_105 = arith.constant 96 : index
    %get3A_106 = vector.load %arg2[%get3A_104, %get3A_105] : memref<1024x128xf32, #tpu.memory_space<vmem>>, vector<1024x32xf32>
    %mul3A_107 = vector.broadcast %get3A_6 : vector<1024x1xf32> to vector<1024x32xf32>
    %mul3A_108 = arith.mulf %mul3A_107, %get3A_106 : vector<1024x32xf32>
    %add3A_109 = arith.addf %mul3A_103, %mul3A_108 : vector<1024x32xf32>
    %get3A_110 = arith.constant 96 : index
    %get3A_111 = arith.constant 0 : index
    %get3A_112 = vector.load %arg6[%get3A_110, %get3A_111] : memref<128x256xf32, #tpu.memory_space<vmem>>, vector<32x256xf32>
    %dot_general3A_113 = arith.constant dense<0.000000e+00> : vector<1024x256xf32>
    %dot_general3A_114 = tpu.matmul %add3A_109, %get3A_112, %dot_general3A_113 {dimension_numbers = #tpu.dot_dimension_numbers<[1], [0], [0], [1], [0, 0, 1, 1], [], []>, precision = #tpu.contract_precision<fp32>, transpose_lhs_hint = false} : vector<1024x32xf32>, vector<32x256xf32>, vector<1024x256xf32> -> vector<1024x256xf32>
    %add3A_115 = arith.addf %add3A_88, %dot_general3A_114 : vector<1024x256xf32>
    %mul3A_116 = arith.constant 5.000000e-01 : f32
    %mul3A_117 = vector.broadcast %mul3A_116 : f32 to vector<1024x256xf32>
    %mul3A_118 = arith.mulf %mul3A_117, %add3A_115 : vector<1024x256xf32>
    %tanh3A = math.tanh %mul3A_118 : vector<1024x256xf32>
    %mul3A_119 = arith.constant 5.000000e-01 : f32
    %mul3A_120 = vector.broadcast %mul3A_119 : f32 to vector<1024x256xf32>
    %mul3A_121 = arith.mulf %mul3A_120, %tanh3A : vector<1024x256xf32>
    %add3A_122 = arith.constant 5.000000e-01 : f32
    %add3A_123 = vector.broadcast %add3A_122 : f32 to vector<1024x256xf32>
    %add3A_124 = arith.addf %add3A_123, %mul3A_121 : vector<1024x256xf32>
    %mul3A_125 = arith.mulf %add3A_115, %add3A_124 : vector<1024x256xf32>
    %get3A_126 = arith.constant 0 : index
    %get3A_127 = arith.constant 0 : index
    %get3A_128 = vector.load %arg5[%get3A_126, %get3A_127] : memref<1024x1xi32, #tpu.memory_space<vmem>>, vector<1024x1xi32>
    %iota3A = tpu.iota {dimensions = array<i32: 1>} : vector<1024x16xi32>
    %eq3A_129 = vector.broadcast %get3A_128 : vector<1024x1xi32> to vector<1024x16xi32>
    %eq3A_130 = arith.cmpi eq, %eq3A_129, %iota3A : vector<1024x16xi32>
    %jit3A = arith.constant 1.000000e+00 : f32
    %jit3A_131 = arith.constant 0.000000e+00 : f32
    %broadcast_in_dim3A_132 = vector.broadcast %jit3A : f32 to vector<1024x16xf32>
    %broadcast_in_dim3A_133 = vector.broadcast %jit3A_131 : f32 to vector<1024x16xf32>
    %select_n3A = arith.select %eq3A_130, %broadcast_in_dim3A_132, %broadcast_in_dim3A_133 : vector<1024x16xi1>, vector<1024x16xf32>
    %dot_general3A_134 = arith.constant dense<0.000000e+00> : vector<16x256xf32>
    %dot_general3A_135 = tpu.matmul %select_n3A, %mul3A_125, %dot_general3A_134 {dimension_numbers = #tpu.dot_dimension_numbers<[0], [0], [1], [1], [0, 1, 1, 1], [], []>, precision = #tpu.contract_precision<fp32>, transpose_lhs_hint = false} : vector<1024x16xf32>, vector<1024x256xf32>, vector<16x256xf32> -> vector<16x256xf32>
    %get3A_136 = arith.constant 0 : index
    %get3A_137 = arith.constant 0 : index
    %get3A_138 = vector.load %arg14[%get3A_136, %get3A_137] : memref<16x256xf32, #tpu.memory_space<vmem>>, vector<16x256xf32>
    %sub3A = arith.subf %dot_general3A_135, %get3A_138 : vector<16x256xf32>
    %get3A_139 = arith.constant 0 : index
    %get3A_140 = arith.constant 0 : index
    %get3A_141 = vector.load %arg13[%get3A_139, %get3A_140] : memref<16x256xf32, #tpu.memory_space<vmem>>, vector<16x256xf32>
    %add3A_142 = arith.addf %get3A_141, %sub3A : vector<16x256xf32>
    %sub3A_143 = arith.subf %add3A_142, %get3A_141 : vector<16x256xf32>
    %sub3A_144 = arith.subf %sub3A_143, %sub3A : vector<16x256xf32>
    %swap3A = arith.constant 0 : index
    %swap3A_145 = arith.constant 0 : index
    %swap3A_146 = vector.load %arg14[%swap3A, %swap3A_145] : memref<16x256xf32, #tpu.memory_space<vmem>>, vector<16x256xf32>
    tpu.vector_store %arg14[%swap3A, %swap3A_145], %sub3A_144 {strides = array<i32>} : memref<16x256xf32, #tpu.memory_space<vmem>>, vector<16x256xf32>,
    %swap3A_147 = arith.constant 0 : index
    %swap3A_148 = arith.constant 0 : index
    %swap3A_149 = vector.load %arg13[%swap3A_147, %swap3A_148] : memref<16x256xf32, #tpu.memory_space<vmem>>, vector<16x256xf32>
    tpu.vector_store %arg13[%swap3A_147, %swap3A_148], %add3A_142 {strides = array<i32>} : memref<16x256xf32, #tpu.memory_space<vmem>>, vector<16x256xf32>,
    %broadcast_in_dim3A_150 = arith.constant 1.000000e+00 : f32
    %broadcast_in_dim3A_151 = vector.broadcast %broadcast_in_dim3A_150 : f32 to vector<1024x128xf32>
    %get3A_152 = arith.constant 0 : index
    %get3A_153 = arith.constant 0 : index
    %get3A_154 = vector.load %arg15[%get3A_152, %get3A_153] : memref<16x128xf32, #tpu.memory_space<vmem>>, vector<16x128xf32>
    %dot_general3A_155 = arith.constant dense<0.000000e+00> : vector<16x128xf32>
    %dot_general3A_156 = tpu.matmul %select_n3A, %broadcast_in_dim3A_151, %dot_general3A_155 {dimension_numbers = #tpu.dot_dimension_numbers<[0], [0], [1], [1], [0, 1, 1, 1], [], []>, precision = #tpu.contract_precision<fp32>, transpose_lhs_hint = false} : vector<1024x16xf32>, vector<1024x128xf32>, vector<16x128xf32> -> vector<16x128xf32>
    %add3A_157 = arith.addf %get3A_154, %dot_general3A_156 : vector<16x128xf32>
    %swap3A_158 = arith.constant 0 : index
    %swap3A_159 = arith.constant 0 : index
    %swap3A_160 = vector.load %arg15[%swap3A_158, %swap3A_159] : memref<16x128xf32, #tpu.memory_space<vmem>>, vector<16x128xf32>
    tpu.vector_store %arg15[%swap3A_158, %swap3A_159], %add3A_157 {strides = array<i32>} : memref<16x128xf32, #tpu.memory_space<vmem>>, vector<16x128xf32>,
    %eq3A_161 = arith.constant 48 : i32
    %eq3A_162 = arith.cmpi eq, %arg0, %eq3A_161 : i32
    %convert_element_type3A_163 = arith.extui %eq3A_162 : i1 to i32
    %cond3A_164 = arith.constant 0 : i32
    %cond3A_165 = arith.cmpi ne, %convert_element_type3A_163, %cond3A_164 : i32
    scf.if %cond3A_165 {
      %get3A_166 = arith.constant 0 : index
      %get3A_167 = arith.constant 0 : index
      %get3A_168 = vector.load %arg13[%get3A_166, %get3A_167] : memref<16x256xf32, #tpu.memory_space<vmem>>, vector<16x256xf32>
      %get3A_169 = arith.constant 0 : index
      %get3A_170 = arith.constant 0 : index
      %get3A_171 = vector.load %arg15[%get3A_169, %get3A_170] : memref<16x128xf32, #tpu.memory_space<vmem>>, vector<16x128xf32>
      %slice3A = vector.extract_strided_slice %get3A_171 {offsets = [0, 0], sizes = [16, 1], strides = [1, 1]} : vector<16x128xf32> to vector<16x1xf32>
      %max3A = arith.constant 1.000000e+00 : f32
      %max3A_172 = vector.broadcast %max3A : f32 to vector<16x1xf32>
      %max3A_173 = arith.maximumf %slice3A, %max3A_172 : vector<16x1xf32>
      %div3A = vector.broadcast %max3A_173 : vector<16x1xf32> to vector<16x256xf32>
      %div3A_174 = arith.divf %get3A_168, %div3A : vector<16x256xf32>
      %get3A_175 = arith.constant 0 : index
      %get3A_176 = arith.constant 0 : index
      %get3A_177 = vector.load %arg8[%get3A_175, %get3A_176] : memref<256x128xf32, #tpu.memory_space<vmem>>, vector<256x128xf32>
      %dot_general3A_178 = arith.constant dense<0.000000e+00> : vector<16x128xf32>
      %dot_general3A_179 = tpu.matmul %div3A_174, %get3A_177, %dot_general3A_178 {dimension_numbers = #tpu.dot_dimension_numbers<[1], [0], [0], [1], [0, 0, 1, 1], [], []>, precision = #tpu.contract_precision<fp32>, transpose_lhs_hint = false} : vector<16x256xf32>, vector<256x128xf32>, vector<16x128xf32> -> vector<16x128xf32>
      %get3A_180 = arith.constant 0 : index
      %get3A_181 = arith.constant 0 : index
      %get3A_182 = vector.load %arg9[%get3A_180, %get3A_181] : memref<1x128xf32, #tpu.memory_space<vmem>>, vector<1x128xf32>
      %add3A_183 = vector.broadcast %get3A_182 : vector<1x128xf32> to vector<16x128xf32>
      %add3A_184 = arith.addf %dot_general3A_179, %add3A_183 : vector<16x128xf32>
      %mul3A_185 = arith.constant 5.000000e-01 : f32
      %mul3A_186 = vector.broadcast %mul3A_185 : f32 to vector<16x128xf32>
      %mul3A_187 = arith.mulf %mul3A_186, %add3A_184 : vector<16x128xf32>
      %tanh3A_188 = math.tanh %mul3A_187 : vector<16x128xf32>
      %mul3A_189 = arith.constant 5.000000e-01 : f32
      %mul3A_190 = vector.broadcast %mul3A_189 : f32 to vector<16x128xf32>
      %mul3A_191 = arith.mulf %mul3A_190, %tanh3A_188 : vector<16x128xf32>
      %add3A_192 = arith.constant 5.000000e-01 : f32
      %add3A_193 = vector.broadcast %add3A_192 : f32 to vector<16x128xf32>
      %add3A_194 = arith.addf %add3A_193, %mul3A_191 : vector<16x128xf32>
      %mul3A_195 = arith.mulf %add3A_184, %add3A_194 : vector<16x128xf32>
      %get3A_196 = arith.constant 0 : index
      %get3A_197 = arith.constant 0 : index
      %get3A_198 = vector.load %arg10[%get3A_196, %get3A_197] : memref<128x128xf32, #tpu.memory_space<vmem>>, vector<128x128xf32>
      %dot_general3A_199 = arith.constant dense<0.000000e+00> : vector<16x128xf32>
      %dot_general3A_200 = tpu.matmul %mul3A_195, %get3A_198, %dot_general3A_199 {dimension_numbers = #tpu.dot_dimension_numbers<[1], [0], [0], [1], [0, 0, 1, 1], [], []>, precision = #tpu.contract_precision<fp32>, transpose_lhs_hint = false} : vector<16x128xf32>, vector<128x128xf32>, vector<16x128xf32> -> vector<16x128xf32>
      %get3A_201 = arith.constant 0 : index
      %get3A_202 = arith.constant 0 : index
      %get3A_203 = vector.load %arg11[%get3A_201, %get3A_202] : memref<1x128xf32, #tpu.memory_space<vmem>>, vector<1x128xf32>
      %add3A_204 = vector.broadcast %get3A_203 : vector<1x128xf32> to vector<16x128xf32>
      %add3A_205 = arith.addf %dot_general3A_200, %add3A_204 : vector<16x128xf32>
      %swap3A_206 = arith.constant 0 : index
      %swap3A_207 = arith.constant 0 : index
      %swap3A_208 = vector.load %arg12[%swap3A_206, %swap3A_207] : memref<16x128xf32, #tpu.memory_space<vmem>>, vector<16x128xf32>
      tpu.vector_store %arg12[%swap3A_206, %swap3A_207], %add3A_205 {strides = array<i32>} : memref<16x128xf32, #tpu.memory_space<vmem>>, vector<16x128xf32>,
    } else {
    }
    return
  }
  func.func @transform_0(%arg0: i32) -> (i32, i32, i32, i32) {
    %c0_i32 = arith.constant 0 : i32
    %c0_i32_0 = arith.constant 0 : i32
    %c0_i32_1 = arith.constant 0 : i32
    %c0_i32_2 = arith.constant 0 : i32
    return %c0_i32, %c0_i32_0, %arg0, %c0_i32_1 : i32, i32, i32, i32
  }
  func.func @transform_1(%arg0: i32) -> (i32, i32) {
    %c0_i32 = arith.constant 0 : i32
    %c0_i32_0 = arith.constant 0 : i32
    return %arg0, %c0_i32 : i32, i32
  }
  func.func @transform_2(%arg0: i32) -> (i32, i32) {
    %c0_i32 = arith.constant 0 : i32
    %c0_i32_0 = arith.constant 0 : i32
    return %arg0, %c0_i32 : i32, i32
  }
  func.func @transform_3(%arg0: i32) -> (i32, i32) {
    %c0_i32 = arith.constant 0 : i32
    %c0_i32_0 = arith.constant 0 : i32
    return %arg0, %c0_i32 : i32, i32
  }
  func.func @transform_4(%arg0: i32) -> (i32, i32) {
    %c0_i32 = arith.constant 0 : i32
    %c0_i32_0 = arith.constant 0 : i32
    return %arg0, %c0_i32 : i32, i32
  }
  func.func @transform_5(%arg0: i32) -> (i32, i32) {
    %c0_i32 = arith.constant 0 : i32
    %c0_i32_0 = arith.constant 0 : i32
    %c0_i32_1 = arith.constant 0 : i32
    return %c0_i32, %c0_i32_0 : i32, i32
  }
  func.func @transform_6(%arg0: i32) -> (i32, i32) {
    %c0_i32 = arith.constant 0 : i32
    %c0_i32_0 = arith.constant 0 : i32
    %c0_i32_1 = arith.constant 0 : i32
    return %c0_i32, %c0_i32_0 : i32, i32
  }
  func.func @transform_7(%arg0: i32) -> (i32, i32) {
    %c0_i32 = arith.constant 0 : i32
    %c0_i32_0 = arith.constant 0 : i32
    %c0_i32_1 = arith.constant 0 : i32
    return %c0_i32, %c0_i32_0 : i32, i32
  }
  func.func @transform_8(%arg0: i32) -> (i32, i32) {
    %c0_i32 = arith.constant 0 : i32
    %c0_i32_0 = arith.constant 0 : i32
    %c0_i32_1 = arith.constant 0 : i32
    return %c0_i32, %c0_i32_0 : i32, i32
  }
  func.func @transform_9(%arg0: i32) -> (i32, i32) {
    %c0_i32 = arith.constant 0 : i32
    %c0_i32_0 = arith.constant 0 : i32
    %c0_i32_1 = arith.constant 0 : i32
    return %c0_i32, %c0_i32_0 : i32, i32
  }
  func.func @transform_10(%arg0: i32) -> (i32, i32) {
    %c0_i32 = arith.constant 0 : i32
    %c0_i32_0 = arith.constant 0 : i32
    %c0_i32_1 = arith.constant 0 : i32
    return %c0_i32, %c0_i32_0 : i32, i32
  }
  func.func @transform_11(%arg0: i32) -> (i32, i32) {
    %c0_i32 = arith.constant 0 : i32
    %c0_i32_0 = arith.constant 0 : i32
    %c0_i32_1 = arith.constant 0 : i32
    return %c0_i32, %c0_i32_0 : i32, i32
  }
}

</mosaic_0001>

<sc_bundles>
// kernel: kernel.11.cloned.1.call-start
scs
__scs_entry_jumppad:
0x0: {  	(pc) =	sbr.rel $0x88, $3  }
0x1: {  	(tag) =	ssettag $0x0;
	lr =	simm.s32 $0x1  }
0x2: {  	[smem:$0x3F95] =	sst lr;
	_ =	strace $0xD0000000  }
0x3: {  	_ = 	snop  }
0x4: {  	_ = 	snop  }
0x5: {  	_ = 	snop  }
0x6: {  	_ = 	snop  }
0x7: {  	_ = 	snop  }
__scs_overlays_trampoline_lowered:
0x8: {  	[smem:$0x3FA4] =	sst s0  }
0x9: {  	[smem:$0x3FA5] =	sst s1  }
0xa: {  	[smem:$0x3FA6] =	sst s2  }
0xb: {  	[smem:$0x3FA7] =	sst s3  }
0xc: {  	[smem:$0x3FA8] =	sst s4  }
0xd: {  	[smem:$0x3FA9] =	sst s5  }
0xe: {  	[smem:$0x3FAA] =	sst s6  }
0xf: {  	[smem:$0x3FAB] =	sst s7  }
0x10: {  	[smem:$0x3FAC] =	sst s8  }
0x11: {  	[smem:$0x3FAD] =	sst s9;
	s0 =	simm.s32 @!p0 $0x0  }
0x12: {  	s1 =	sld [smem:$0x3F93];
	s0 =	simm.s32 @p0 $0x1  }
0x13: {  	[smem:$0x3FAE] =	sst s0;
	s0 =	simm.s32 @!p1 $0x0  }
0x14: {  	s2 =	sld [smem:$0x3F92];
	s0 =	simm.s32 @p1 $0x1  }
0x15: {  	[smem:$0x3FAF] =	sst s0;
	s0 =	simm.s32 @!p2 $0x0  }
0x16: {  	s3 =	sld [smem:$0x3FDB];
	s0 =	simm.s32 @p2 $0x1  }
0x17: {  	s4 =	simm.s32 $0x1BF5;
	[smem:$0x3FB1] =	sst s0  }
0x18: {  	s0 =	sld [smem:$0x3F94];
	_ =	swait.ge [sflag:s4], $0x0  }
0x19: {  	s7 =	sld [smem:$0x3F95]  }
0x1a: {  	s8 =	sadd.s32 $0xFFFFE003, lr  }
0x1b: {  	s9 =	sadd.s32 $0xFFFFFEF7, lr;
	s5 =	simm.s32 $0xFFFFFFFF;
	p2 =	slt.u32 s8, $0xFFFFF086  }
0x1c: {  	p1 =	slt.u32 s9, $0xF7A;
	s5 =	simm.s32 @!p2 $0x0  }
0x1d: {  	s5 =	simm.s32 @p1 $0x1;
	p0 =	seq.s32 s7, s2  }
0x1e: {  	s7 =	smul.u32 @!p0 $0xF7A, s2;
	p2 =	seq.s32 @!p0 s5, $0x0  }
0x1f: {  	s9 =	smul.u32 $0xF7A, s1;
	s8 =	simm.s32 @!p0 $0x1BF5;
	p2 =	por !p2, p0  }
0x20: {  	[sflag:s8] =	ssyncset.s32 @!p0 $0xFFFFF086;
	s6 =	sadd.s32 @!p0 s3, s7;
	s7 =	simm.s32 @!p0 $0x108  }
0x21: {  	s3 =	sadd.s32 s3, s9;
	s6 =	sadd.s32 @!p0 $0x88, s6;
	s7 =	simm.s32 @p2 $0x1082  }
0x22: {  	[simem:s7], [sflag:s8] =	dma.local @!p0 [hbm:s6], $0xF7A  }
0x23: {  	s9 =	sor.u32 $0xD0000000, s2;
	s6 =	simm.s32 $0x108;
	_ =	swait.ge @!p0 [sflag:s8], $0x0  }
0x24: {  	s3 =	sadd.s32 $0x88, s3;
	s6 =	simm.s32 @!p1 $0x1082;
	[sflag:s4] =	ssyncset.s32 $0xFFFFF086  }
0x25: {  	[simem:s6], [sflag:s4] =	dma.local [hbm:s3], $0xF7A  }
0x26: {  	[smem:$0x3F95] =	sst s1;
	(tag) =	ssettag s2;
	_ =	strace s9  }
0x27: {  	s1 =	sld [smem:$0x3FA5]  }
0x28: {  	s2 =	sld [smem:$0x3FA6]  }
0x29: {  	s4 =	sld [smem:$0x3FA8]  }
0x2a: {  	p0 =	seq.s32 s5, $0x0;
	s5 =	sld [smem:$0x3FA9]  }
0x2b: {  	s6 =	sld [smem:$0x3FAA]  }
0x2c: {  	s7 =	sld [smem:$0x3FAB]  }
0x2d: {  	s3 =	simm.s32 $0x108;
	s8 =	sld [smem:$0x3FAC]  }
0x2e: {  	s3 =	simm.s32 @!p0 $0x1082;
	s9 =	sld [smem:$0x3FAD]  }
0x2f: {  	lr =	sadd.s32 s0, s3;
	s0 =	sld [smem:$0x3FA4]  }
0x30: {  	s3 =	sld [smem:$0x3FA7]  }
0x31: {  	[smem:$0x3FB0] =	sst s10  }
0x32: {  	s10 =	sld [smem:$0x3FAE];
	_ =	sdelay $0x3  }
0x33: {  	p0 =	seq.s32 s10, $0x1;
	s10 =	sld [smem:$0x3FB0];
	_ =	sdelay $0x3  }
0x34: {  	[smem:$0x3FB0] =	sst s10  }
0x35: {  	s10 =	sld [smem:$0x3FAF];
	_ =	sdelay $0x3  }
0x36: {  	p1 =	seq.s32 s10, $0x1;
	s10 =	sld [smem:$0x3FB0];
	_ =	sdelay $0x3  }
0x37: {  	[smem:$0x3FB0] =	sst s10  }
0x38: {  	s10 =	sld [smem:$0x3FB1]  }
0x39: {  	_ = 	snop;
	(pc) =	sbr.ind lr, $3  }
0x3a: {  	_ = 	snop  }
0x3b: {  	_ = 	snop  }
0x3c: {  	p2 =	seq.s32 s10, $0x1;
	s10 =	sld [smem:$0x3FB0]  }
0x3d: {  	_ =	shalt  }
0x3e: {  	_ =	shalt  }
0x3f: {  	_ =	shalt  }
0x40: {  	_ =	shalt  }
0x41: {  	_ =	shalt  }
0x42: {  	_ =	shalt  }
0x43: {  	_ =	shalt  }
0x44: {  	_ =	shalt  }
0x45: {  	_ =	shalt  }
0x46: {  	_ =	shalt  }
0x47: {  	_ =	shalt  }
0x48: {  	_ =	shalt  }
0x49: {  	_ =	shalt  }
0x4a: {  	_ =	shalt  }
0x4b: {  	_ =	shalt  }
0x4c: {  	_ =	shalt  }
0x4d: {  	_ =	shalt  }
0x4e: {  	_ =	shalt  }
0x4f: {  	_ =	shalt  }
0x50: {  	_ =	shalt  }
0x51: {  	_ =	shalt  }
0x52: {  	_ =	shalt  }
0x53: {  	_ =	shalt  }
0x54: {  	_ =	shalt  }
0x55: {  	_ =	shalt  }
0x56: {  	_ =	shalt  }
0x57: {  	_ =	shalt  }
0x58: {  	_ =	shalt  }
0x59: {  	_ =	shalt  }
0x5a: {  	_ =	shalt  }
0x5b: {  	_ =	shalt  }
0x5c: {  	_ =	shalt  }
0x5d: {  	_ =	shalt  }
0x5e: {  	_ =	shalt  }
0x5f: {  	_ =	shalt  }
0x60: {  	_ =	shalt  }
0x61: {  	_ =	shalt  }
0x62: {  	_ =	shalt  }
0x63: {  	_ =	shalt  }
0x64: {  	_ =	shalt  }
0x65: {  	_ =	shalt  }
0x66: {  	_ =	shalt  }
0x67: {  	_ =	shalt  }
0x68: {  	_ =	shalt  }
0x69: {  	_ =	shalt  }
0x6a: {  	_ =	shalt  }
0x6b: {  	_ =	shalt  }
0x6c: {  	_ =	shalt  }
0x6d: {  	_ =	shalt  }
0x6e: {  	_ =	shalt  }
0x6f: {  	_ =	shalt  }
0x70: {  	_ =	shalt  }
0x71: {  	_ =	shalt  }
0x72: {  	_ =	shalt  }
0x73: {  	_ =	shalt  }
0x74: {  	_ =	shalt  }
0x75: {  	_ =	shalt  }
0x76: {  	_ =	shalt  }
0x77: {  	_ =	shalt  }
0x78: {  	_ =	shalt  }
0x79: {  	_ =	shalt  }
0x7a: {  	_ =	shalt  }
0x7b: {  	_ =	shalt  }
0x7c: {  	_ =	shalt  }
0x7d: {  	_ =	shalt  }
0x7e: {  	_ =	shalt  }
0x7f: {  	_ =	shalt  }
0x80: {  	_ =	shalt  }
0x81: {  	_ =	shalt  }
0x82: {  	_ =	shalt  }
0x83: {  	_ =	shalt  }
0x84: {  	_ =	shalt  }
0x85: {  	_ =	shalt  }
0x86: {  	_ =	shalt  }
0x87: {  	_ =	shalt  }
.Lfunc_end0:
.L_simem_size_0:
called_computation.1_lowered:
.L_overlay_start_0:
0x88: {  	s2 =	sld [smem:$0x3FD9]  }
0x89: {  	s3 =	sld [smem:$0x3FFE];
	_ =	sdelay $0x1  }
0x8a: {  	s1 =	srdreg.scid  }
0x8b: {  	s0 =	sand.u32 $0x1, s1  }
0x8c: {  	s16 =	sshll.u32 s0, $0xA;
	s2 =	sadd.s32 s3, s2  }
0x8d: {  	s2 =	sadd.s32 s2, s16  }
0x8e: {  	[smem:$0x3FBC] =	sst s2  }
0x8f: {  	_ = 	snop  }
0x90: {  	(tm) =	ssettm $0x1  }
0x91: {  	s17 =	sld [smem:$0x3FFB];
	_ =	sdelay $0x3  }
0x92: {  	_ =	strace s17  }
0x93: {  	s2 =	sld [smem:$0x3FFC];
	_ =	sdelay $0x3  }
0x94: {  	_ =	strace s2  }
0x95: {  	s2 =	sld [smem:$0x3FFD];
	_ =	sdelay $0x3  }
0x96: {  	_ =	strace s2  }
0x97: {  	_ =	strace $0x8FFFFFFF  }
0x98: {  	s18 =	sld [smem:$0x3FDB];
	_ =	sdelay $0x1  }
0x99: {  	s19 =	simm.s32 $_scs_section_size  }
0x9a: {  	s4 =	simm.s32 $_size__tile_overlayer_lowered;
	s5 =	simm.s32 $_tile_overlayer_lowered  }
0x9b: {  	s22 =	simm.s32 $0x1BFF;
	s21 =	sshll.u32 s5, $0x1;
	s2 =	sadd.s32 s19, s18  }
0x9c: {  	s6 =	simm.s32 $0x0;
	s20 =	sshll.u32 s4, $0x1;
	s4 =	sadd.s32 s21, s2  }
0x9d: {  	[timem:s6], [sflag:s22] =	dma.local [hbm:s4], s20  }
0x9e: {  	_ =	swait.ge [sflag:s22], s20  }
0x9f: {  	s3 =	ssub.s32 $0x0, s20;
	[sflag:s22] =	ssyncset.done $0x0  }
0xa0: {  	[sflag:s22] =	ssyncadd.s32 s3;
	_ =	sdelay $0x1  }
0xa1: {  	s23 =	simm.s32 $0x1B8B  }
0xa2: {  	_ =	swait.ge [sflag:s23], $0x1  }
0xa3: {  	[sflag:s23] =	ssyncset.done $0x0  }
0xa4: {  	s25 =	simm.s32 $0x1B8E;
	s24 =	sld [smem:$0x3FFE];
	[sflag:s23] =	ssyncadd.s32 $0xFFFFFFFF  }
0xa5: {  	s26 =	simm.s32 $execute0_lowered;
	[smem:$0x3FD2] =	sst s25  }
0xa6: {  	s4 =	sshll.u32 s26, $0x1;
	_ =	strace $0x80000049;
	[dreg:$0x1] =	wrdreg $0xFFFFFFFF  }
0xa7: {  	s28 =	simm.s32 $_size_execute0_lowered;
	s2 =	sadd.s32 s2, s4;
	[dreg:$0x0] =	wrdreg $0x0  }
0xa8: {  	s4 =	sshll.u32 s28, $0x1;
	[dreg:$0x2] =	wrdreg s2  }
0xa9: {  	[dreg:$0x3] =	wrdreg s4  }
0xaa: {  	[dreg:$0x4] =	wrdreg $0xC0  }
0xab: {  	_ =	task [dreg:s6], $0x5FFFF  }
0xac: {  	[dreg:$0x1] =	wrdreg $0xFFFFFFFF  }
0xad: {  	[dreg:$0x0] =	wrdreg $0x60  }
0xae: {  	[dreg:$0x2] =	wrdreg s24  }
0xaf: {  	[dreg:$0x3] =	wrdreg $0x0  }
0xb0: {  	[dreg:$0x4] =	wrdreg $0xC400  }
0xb1: {  	[dreg:$0x5] =	wrdreg $0x18800  }
0xb2: {  	[dreg:$0x6] =	wrdreg $0x9  }
0xb3: {  	_ =	task.clear_ibuf [dreg:s6], $0x7FFFF;
	_ =	strace $0x90000049  }
0xb4: {  	s29 =	simm.s32 $0x9;
	_ =	strace $0x8000004B  }
0xb5: {  	_ =	swait.ge [sflag:s29], $0x1  }
0xb6: {  	[sflag:s29] =	ssyncadd.s32 $0xFFFFFFFF  }
0xb7: {  	_ =	strace $0x9000004B  }
0xb8: {  	_ =	sfence  }
0xb9: {  	s30 =	sld [smem:$0x0];
	_ =	sdelay $0x2  }
0xba: {  	s31 =	sshll.u32 s1, $0xD;
	s1 =	sshrl.u32 s1, $0x2  }
0xbb: {  	s3 =	sand.u32 $0x4000, s31;
	s1 =	sadd.s32 s1, s30  }
0xbc: {  	s0 =	sor.u32 s3, s0;
	s1 =	sshll.u32 s1, $0x11  }
0xbd: {  	s0 =	sor.u32 s1, s0  }
0xbe: {  	s0 =	sadd.s32 $0x8F2B, s0  }
0xbf: {  	[sflag:s0] =	ssyncadd.remote.s32 $0x1  }
0xc0: {  	_ =	sfence.sel $0xFFFF  }
0xc1: {  	[dreg:$0x0] =	wrdreg $0xFFFFFFFF;
	(pc) =	sbr.abs _section_cstart, $3  }
0xc2: {  	[dreg:$0x1] =	wrdreg $0xFFFFFFFF  }
0xc3: {  	_ =	task.clear_ibuf [dreg:s6], $0x2FFFF;
	_ =	strace $0x9FFFFFFF  }
0xc4: {  	(tm) =	ssettm $0x7FFFFFFF  }
0xc5: {  	_ =	shalt  }
tec
execute0_lowered:
.L_overlay_start_1:
0x0: {  	(tag) =	ssettag $0x1  }
0x1: {  	s0 =	rddreg [dreg:$0x0]  }
0x2: {  	s1 =	rddreg [dreg:$0x1]  }
0x3: {  	s2 =	rddreg [dreg:$0x2]  }
0x4: {  	s3 =	rddreg [dreg:$0x3]  }
0x5: {  	s4 =	simm.s32 $0x0;
	s18 =	srdreg.scid;
	s8 =	stileid.u32  }
0x6: {  	s28 =	simm.s32 $0x80;
	s17 =	simm.s32 $0x26C0;
	s15 =	simm.s32 $0x2740  }
0x7: {  	s31 =	simm.s32 $0x27C0;
	s14 =	simm.s32 $0x2840;
	s30 =	simm.s32 $0x2A40  }
0x8: {  	s29 =	simm.s32 $0x2AC0;
	[smem:$0x7FF] =	sst s4;
	s4 =	sand.u32 $0x1, s18  }
0x9: {  	s5 =	smul.u32 $0xC40, s8;
	s6 =	sadd.s32 $0x36400, s0;
	s19 =	sadd.s32 $0x1200, s0  }
0xa: {  	s7 =	sadd.s32 $0x1A200, s0;
	s9 =	sadd.s32 $0x33200, s0;
	s10 =	sadd.s32 $0x52800, s0  }
0xb: {  	s11 =	sadd.s32 $0x50E00, s0;
	_ =	strace $0x8000004A;
	[dreg:$0x5] =	wrdreg s6  }
0xc: {  	s12 =	sadd.s32 $0x4F400, s0;
	s21 =	sadd.s32 $0x2A9800, s0;
	[dreg:$0x6] =	wrdreg s19  }
0xd: {  	s18 =	simm.s32 $0x2BC0;
	s20 =	smul.u32 $0xC400, s4;
	[dreg:$0x7] =	wrdreg s7  }
0xe: {  	[dreg:$0x8] =	wrdreg s21;
	s22 =	ssub.s32 $0x2, s4;
	s4 =	sshll.u32 s4, $0x4  }
0xf: {  	s19 =	simm.s32 $0x2B40;
	s21 =	simm.s32 $0x2C40;
	s23 =	sshrl.u32 s22, $0x1  }
0x10: {  	s13 =	sadd.s32 s5, s1;
	s4 =	sor.u32 s8, s4;
	s16 =	sadd.s32 s5, s2  }
0x11: {  	s6 =	sadd.s32 s5, s20;
	s4 =	smul.u32 $0x6400, s4;
	[dreg:$0x9] =	wrdreg s13  }
0x12: {  	s20 =	sadd.s32 s5, s3;
	[dreg:$0xa] =	wrdreg s16;
	s6 =	sshrl.u32 s6, $0x3  }
0x13: {  	s8 =	simm.s32 $0x0;
	[dreg:$0xd] =	wrdreg s20;
	s0 =	sadd.s32 s6, s0  }
0x14: {  	s5 =	simm.s32 $0x25C0;
	[dreg:$0xb] =	wrdreg s4;
	s24 =	sadd.s32 $0x2A0200, s0  }
0x15: {  	s6 =	ssub.s32 s22, s23;
	s25 =	sadd.s32 $0x2A3400, s0;
	[dreg:$0xc] =	wrdreg s24  }
0x16: {  	s23 =	simm.s32 $0x3;
	s0 =	sadd.s32 $0x2A6600, s0;
	[dreg:$0xe] =	wrdreg s25  }
0x17: {  	s4 =	simm.s32 $0x2540;
	s26 =	smax.u32 s6, $0x1;
	[dreg:$0xf] =	wrdreg s0  }
0x18: {  	s6 =	simm.s32 $0x2;
	[dreg:$0x10] =	wrdreg s26;
	s24 =	simm.s32 $0x24C0  }
0x19: {  	v0 =	vimm.f32 $0.0e+00;
	s25 =	simm.s32 $0x28C0;
	s26 =	simm.s32 $0x2640;
	s0 =	simm.s32 $0x1  }
.LBB2_1:
0x1a: {  	[dreg:$0x11] =	wrdreg s8;
	s7 =	simm.s32 $0x40;
	s8 =	simm.s32 $0x0  }
.LBB2_2:
0x1b: {  	p0 =	sne.s32 s7, $0x30C0;
	[tilespmem:s8+$0x50C0] =	vst v0;
	s8 =	smov.u32 s7;
	s7 =	sadd.s32 $0x40, s7  }
.Ltmp0:
0x1c: {  	(pc) =	sbr.rel @p0 .LBB2_2-.Ltmp0, $2  }
0x1d: {  	_ =	sdelay $0x2  }
0x1e: {  	s8 =	sshra.s32 s8, $0x2  }
0x1f: {  	[tilespmem:s8+$0x50C0] =	vst v0;
	s7 =	simm.s32 $0x50C0  }
0x20: {  	[spmem:s13] =	stream.linear.scatter [tilespmem:s7], [sflag:$0x3], $0xC40, $0x38;
	[tilespmem:$0x5D00] =	vst v63  }
0x21: {  	_ =	swait.ge [sflag:s23], $0xC40  }
0x22: {  	[sflag:s23] =	ssyncset.done $0x0  }
0x23: {  	[sflag:s23] =	ssyncadd.s32 $0xFFFFF3C0  }
0x24: {  	[spmem:s16] =	stream.linear.scatter [tilespmem:s7], [sflag:$0x3], $0xC40, $0x38;
	[tilespmem:$0x5D00] =	vst v63  }
0x25: {  	_ =	swait.ge [sflag:s23], $0xC40  }
0x26: {  	[sflag:s23] =	ssyncset.done $0x0  }
0x27: {  	[sflag:s23] =	ssyncadd.s32 $0xFFFFF3C0  }
0x28: {  	[spmem:s20] =	stream.linear.scatter [tilespmem:s7], [sflag:$0x3], $0xC40, $0x38;
	[tilespmem:$0x5D00] =	vst v63  }
0x29: {  	_ =	swait.ge [sflag:s23], $0xC40  }
0x2a: {  	[sflag:s23] =	ssyncset.done $0x0  }
0x2b: {  	[sflag:s23] =	ssyncadd.s32 $0xFFFFF3C0  }
0x2c: {  	s8 =	simm.s32 $0x0;
	s7 =	simm.s32 $0x0;
	[bflag:$0x0] =	sbarrier.arrive $0xFFFF  }
.LBB2_4:
0x2d: {  	s13 =	sshll.u32 s8, $0xA;
	s16 =	rddreg [dreg:$0xb]  }
0x2e: {  	s13 =	sadd.s32 s16, s13  }
0x2f: {  	s22 =	rddreg [dreg:$0x5];
	s13 =	sshrl.u32 s13, $0x3  }
0x30: {  	s16 =	sadd.s32 s22, s13  }
0x31: {  	[tilespmem:s24], [sflag:$0x3] =	stream.linear.gather [hbm4b:s16+s7], $0x400, $0x38;
	[tilespmem:$0x5D00] =	vst v63  }
0x32: {  	_ =	swait.ge [sflag:s23], $0x400  }
0x33: {  	[sflag:s23] =	ssyncset.done $0x0;
	s20 =	rddreg [dreg:$0x6]  }
0x34: {  	[sflag:s23] =	ssyncadd.s32 $0xFFFFFC00;
	s16 =	sadd.s32 s20, s13  }
0x35: {  	[tilespmem:s25], [sflag:$0x3] =	stream.linear.gather [hbm4b:s16+s7], $0x400, $0x38;
	[tilespmem:$0x5D00] =	vst v63  }
0x36: {  	_ =	swait.ge [sflag:s23], $0x400  }
0x37: {  	[sflag:s23] =	ssyncset.done $0x0;
	s22 =	rddreg [dreg:$0x7]  }
0x38: {  	s20 =	simm.s32 $0x2CC0;
	[sflag:s23] =	ssyncadd.s32 $0xFFFFFC00;
	s16 =	sadd.s32 s22, s13  }
0x39: {  	[tilespmem:s20], [sflag:$0x3] =	stream.linear.gather [hbm4b:s16+s7], $0x400, $0x38;
	[tilespmem:$0x5D00] =	vst v63  }
0x3a: {  	_ =	swait.ge [sflag:s23], $0x400  }
0x3b: {  	[sflag:s23] =	ssyncset.done $0x0  }
0x3c: {  	s20 =	simm.s32 $0x30C0;
	[sflag:s23] =	ssyncadd.s32 $0xFFFFFC00  }
0x3d: {  	[tilespmem:s20], [sflag:$0x1] =	stream.indirect.gather [hbm4b:s9+s28], $0x1, s24, s28, $0xb8;
	[tilespmem:$0x5D00] =	vst v63  }
0x3e: {  	s22 =	simm.s32 $0x38C0  }
0x3f: {  	[tilespmem:s22], [sflag:$0x1] =	stream.indirect.gather [hbm4b:s10+s28], $0x1, s24, s28, $0xb8;
	[tilespmem:$0x5D00] =	vst v63  }
0x40: {  	s20 =	simm.s32 $0x3CC0  }
0x41: {  	[tilespmem:s20], [sflag:$0x1] =	stream.indirect.gather [hbm4b:s11+s28], $0x1, s24, s28, $0xb8;
	[tilespmem:$0x5D00] =	vst v63  }
0x42: {  	s22 =	simm.s32 $0x40C0  }
0x43: {  	[tilespmem:s22], [sflag:$0x1] =	stream.indirect.gather [hbm4b:s12+s28], $0x1, s24, s28, $0xb8;
	[tilespmem:$0x5D00] =	vst v63  }
0x44: {  	s20 =	simm.s32 $0x3140  }
0x45: {  	[tilespmem:s20], [sflag:$0x1] =	stream.indirect.gather [hbm4b:s9+s28], $0x1, s4, s28, $0xb8;
	[tilespmem:$0x5D00] =	vst v63  }
0x46: {  	s22 =	simm.s32 $0x3940  }
0x47: {  	[tilespmem:s22], [sflag:$0x1] =	stream.indirect.gather [hbm4b:s10+s28], $0x1, s4, s28, $0xb8;
	[tilespmem:$0x5D00] =	vst v63  }
0x48: {  	s20 =	simm.s32 $0x3D40  }
0x49: {  	[tilespmem:s20], [sflag:$0x1] =	stream.indirect.gather [hbm4b:s11+s28], $0x1, s4, s28, $0xb8;
	[tilespmem:$0x5D00] =	vst v63  }
0x4a: {  	s22 =	simm.s32 $0x4140  }
0x4b: {  	[tilespmem:s22], [sflag:$0x1] =	stream.indirect.gather [hbm4b:s12+s28], $0x1, s4, s28, $0xb8;
	[tilespmem:$0x5D00] =	vst v63  }
0x4c: {  	s20 =	simm.s32 $0x31C0  }
0x4d: {  	[tilespmem:s20], [sflag:$0x1] =	stream.indirect.gather [hbm4b:s9+s28], $0x1, s5, s28, $0xb8;
	[tilespmem:$0x5D00] =	vst v63  }
0x4e: {  	s22 =	simm.s32 $0x39C0  }
0x4f: {  	[tilespmem:s22], [sflag:$0x1] =	stream.indirect.gather [hbm4b:s10+s28], $0x1, s5, s28, $0xb8;
	[tilespmem:$0x5D00] =	vst v63  }
0x50: {  	s20 =	simm.s32 $0x3DC0  }
0x51: {  	[tilespmem:s20], [sflag:$0x1] =	stream.indirect.gather [hbm4b:s11+s28], $0x1, s5, s28, $0xb8;
	[tilespmem:$0x5D00] =	vst v63  }
0x52: {  	s22 =	simm.s32 $0x41C0  }
0x53: {  	[tilespmem:s22], [sflag:$0x1] =	stream.indirect.gather [hbm4b:s12+s28], $0x1, s5, s28, $0xb8;
	[tilespmem:$0x5D00] =	vst v63  }
0x54: {  	s20 =	simm.s32 $0x3240  }
0x55: {  	[tilespmem:s20], [sflag:$0x1] =	stream.indirect.gather [hbm4b:s9+s28], $0x1, s26, s28, $0xb8;
	[tilespmem:$0x5D00] =	vst v63  }
0x56: {  	s22 =	simm.s32 $0x3A40  }
0x57: {  	[tilespmem:s22], [sflag:$0x1] =	stream.indirect.gather [hbm4b:s10+s28], $0x1, s26, s28, $0xb8;
	[tilespmem:$0x5D00] =	vst v63  }
0x58: {  	s20 =	simm.s32 $0x3E40  }
0x59: {  	[tilespmem:s20], [sflag:$0x1] =	stream.indirect.gather [hbm4b:s11+s28], $0x1, s26, s28, $0xb8;
	[tilespmem:$0x5D00] =	vst v63  }
0x5a: {  	s22 =	simm.s32 $0x4240  }
0x5b: {  	[tilespmem:s22], [sflag:$0x1] =	stream.indirect.gather [hbm4b:s12+s28], $0x1, s26, s28, $0xb8;
	[tilespmem:$0x5D00] =	vst v63  }
0x5c: {  	s20 =	simm.s32 $0x32C0  }
0x5d: {  	[tilespmem:s20], [sflag:$0x1] =	stream.indirect.gather [hbm4b:s9+s28], $0x1, s17, s28, $0xb8;
	[tilespmem:$0x5D00] =	vst v63  }
0x5e: {  	s22 =	simm.s32 $0x3AC0  }
0x5f: {  	[tilespmem:s22], [sflag:$0x1] =	stream.indirect.gather [hbm4b:s10+s28], $0x1, s17, s28, $0xb8;
	[tilespmem:$0x5D00] =	vst v63  }
0x60: {  	s20 =	simm.s32 $0x3EC0  }
0x61: {  	[tilespmem:s20], [sflag:$0x1] =	stream.indirect.gather [hbm4b:s11+s28], $0x1, s17, s28, $0xb8;
	[tilespmem:$0x5D00] =	vst v63  }
0x62: {  	s22 =	simm.s32 $0x42C0  }
0x63: {  	[tilespmem:s22], [sflag:$0x1] =	stream.indirect.gather [hbm4b:s12+s28], $0x1, s17, s28, $0xb8;
	[tilespmem:$0x5D00] =	vst v63  }
0x64: {  	s20 =	simm.s32 $0x3340  }
0x65: {  	[tilespmem:s20], [sflag:$0x1] =	stream.indirect.gather [hbm4b:s9+s28], $0x1, s15, s28, $0xb8;
	[tilespmem:$0x5D00] =	vst v63  }
0x66: {  	s22 =	simm.s32 $0x3B40  }
0x67: {  	[tilespmem:s22], [sflag:$0x1] =	stream.indirect.gather [hbm4b:s10+s28], $0x1, s15, s28, $0xb8;
	[tilespmem:$0x5D00] =	vst v63  }
0x68: {  	s20 =	simm.s32 $0x3F40  }
0x69: {  	[tilespmem:s20], [sflag:$0x1] =	stream.indirect.gather [hbm4b:s11+s28], $0x1, s15, s28, $0xb8;
	[tilespmem:$0x5D00] =	vst v63  }
0x6a: {  	s22 =	simm.s32 $0x4340  }
0x6b: {  	[tilespmem:s22], [sflag:$0x1] =	stream.indirect.gather [hbm4b:s12+s28], $0x1, s15, s28, $0xb8;
	[tilespmem:$0x5D00] =	vst v63  }
0x6c: {  	s20 =	simm.s32 $0x33C0  }
0x6d: {  	[tilespmem:s20], [sflag:$0x1] =	stream.indirect.gather [hbm4b:s9+s28], $0x1, s31, s28, $0xb8;
	[tilespmem:$0x5D00] =	vst v63  }
0x6e: {  	s22 =	simm.s32 $0x3BC0  }
0x6f: {  	[tilespmem:s22], [sflag:$0x1] =	stream.indirect.gather [hbm4b:s10+s28], $0x1, s31, s28, $0xb8;
	[tilespmem:$0x5D00] =	vst v63  }
0x70: {  	s20 =	simm.s32 $0x3FC0  }
0x71: {  	[tilespmem:s20], [sflag:$0x1] =	stream.indirect.gather [hbm4b:s11+s28], $0x1, s31, s28, $0xb8;
	[tilespmem:$0x5D00] =	vst v63  }
0x72: {  	s22 =	simm.s32 $0x43C0  }
0x73: {  	[tilespmem:s22], [sflag:$0x1] =	stream.indirect.gather [hbm4b:s12+s28], $0x1, s31, s28, $0xb8;
	[tilespmem:$0x5D00] =	vst v63  }
0x74: {  	s20 =	simm.s32 $0x3440  }
0x75: {  	[tilespmem:s20], [sflag:$0x1] =	stream.indirect.gather [hbm4b:s9+s28], $0x1, s14, s28, $0xb8;
	[tilespmem:$0x5D00] =	vst v63  }
0x76: {  	s22 =	simm.s32 $0x3C40  }
0x77: {  	[tilespmem:s22], [sflag:$0x1] =	stream.indirect.gather [hbm4b:s10+s28], $0x1, s14, s28, $0xb8;
	[tilespmem:$0x5D00] =	vst v63  }
0x78: {  	s20 =	simm.s32 $0x4040  }
0x79: {  	[tilespmem:s20], [sflag:$0x1] =	stream.indirect.gather [hbm4b:s11+s28], $0x1, s14, s28, $0xb8;
	[tilespmem:$0x5D00] =	vst v63  }
0x7a: {  	s22 =	simm.s32 $0x4440  }
0x7b: {  	[tilespmem:s22], [sflag:$0x1] =	stream.indirect.gather [hbm4b:s12+s28], $0x1, s14, s28, $0xb8;
	[tilespmem:$0x5D00] =	vst v63  }
0x7c: {  	_ =	swait.ge [sflag:s0], $0x80  }
0x7d: {  	[sflag:s0] =	ssyncset.done $0x0  }
0x7e: {  	[sflag:s0] =	ssyncadd.s32 $0xFFFFFF80  }
0x7f: {  	_ =	swait.ge [sflag:s0], $0x80  }
0x80: {  	[sflag:s0] =	ssyncset.done $0x0  }
0x81: {  	[sflag:s0] =	ssyncadd.s32 $0xFFFFFF80  }
0x82: {  	_ =	swait.ge [sflag:s0], $0x80  }
0x83: {  	[sflag:s0] =	ssyncset.done $0x0  }
0x84: {  	[sflag:s0] =	ssyncadd.s32 $0xFFFFFF80  }
0x85: {  	_ =	swait.ge [sflag:s0], $0x80  }
0x86: {  	[sflag:s0] =	ssyncset.done $0x0  }
0x87: {  	[sflag:s0] =	ssyncadd.s32 $0xFFFFFF80  }
0x88: {  	_ =	swait.ge [sflag:s0], $0x80  }
0x89: {  	[sflag:s0] =	ssyncset.done $0x0  }
0x8a: {  	[sflag:s0] =	ssyncadd.s32 $0xFFFFFF80  }
0x8b: {  	_ =	swait.ge [sflag:s0], $0x80  }
0x8c: {  	[sflag:s0] =	ssyncset.done $0x0  }
0x8d: {  	[sflag:s0] =	ssyncadd.s32 $0xFFFFFF80  }
0x8e: {  	_ =	swait.ge [sflag:s0], $0x80  }
0x8f: {  	[sflag:s0] =	ssyncset.done $0x0  }
0x90: {  	[sflag:s0] =	ssyncadd.s32 $0xFFFFFF80  }
0x91: {  	_ =	swait.ge [sflag:s0], $0x80  }
0x92: {  	[sflag:s0] =	ssyncset.done $0x0  }
0x93: {  	[sflag:s0] =	ssyncadd.s32 $0xFFFFFF80  }
0x94: {  	_ =	swait.ge [sflag:s0], $0x80  }
0x95: {  	[sflag:s0] =	ssyncset.done $0x0  }
0x96: {  	[sflag:s0] =	ssyncadd.s32 $0xFFFFFF80  }
0x97: {  	_ =	swait.ge [sflag:s0], $0x80  }
0x98: {  	[sflag:s0] =	ssyncset.done $0x0  }
0x99: {  	[sflag:s0] =	ssyncadd.s32 $0xFFFFFF80  }
0x9a: {  	_ =	swait.ge [sflag:s0], $0x80  }
0x9b: {  	[sflag:s0] =	ssyncset.done $0x0  }
0x9c: {  	[sflag:s0] =	ssyncadd.s32 $0xFFFFFF80  }
0x9d: {  	_ =	swait.ge [sflag:s0], $0x80  }
0x9e: {  	[sflag:s0] =	ssyncset.done $0x0  }
0x9f: {  	[sflag:s0] =	ssyncadd.s32 $0xFFFFFF80  }
0xa0: {  	_ =	swait.ge [sflag:s0], $0x80  }
0xa1: {  	[sflag:s0] =	ssyncset.done $0x0  }
0xa2: {  	[sflag:s0] =	ssyncadd.s32 $0xFFFFFF80  }
0xa3: {  	_ =	swait.ge [sflag:s0], $0x80  }
0xa4: {  	[sflag:s0] =	ssyncset.done $0x0  }
0xa5: {  	[sflag:s0] =	ssyncadd.s32 $0xFFFFFF80  }
0xa6: {  	_ =	swait.ge [sflag:s0], $0x80  }
0xa7: {  	[sflag:s0] =	ssyncset.done $0x0  }
0xa8: {  	[sflag:s0] =	ssyncadd.s32 $0xFFFFFF80  }
0xa9: {  	_ =	swait.ge [sflag:s0], $0x80  }
0xaa: {  	[sflag:s0] =	ssyncset.done $0x0  }
0xab: {  	[sflag:s0] =	ssyncadd.s32 $0xFFFFFF80  }
0xac: {  	_ =	swait.ge [sflag:s0], $0x80  }
0xad: {  	[sflag:s0] =	ssyncset.done $0x0  }
0xae: {  	[sflag:s0] =	ssyncadd.s32 $0xFFFFFF80  }
0xaf: {  	_ =	swait.ge [sflag:s0], $0x80  }
0xb0: {  	[sflag:s0] =	ssyncset.done $0x0  }
0xb1: {  	[sflag:s0] =	ssyncadd.s32 $0xFFFFFF80  }
0xb2: {  	_ =	swait.ge [sflag:s0], $0x80  }
0xb3: {  	[sflag:s0] =	ssyncset.done $0x0  }
0xb4: {  	[sflag:s0] =	ssyncadd.s32 $0xFFFFFF80  }
0xb5: {  	_ =	swait.ge [sflag:s0], $0x80  }
0xb6: {  	[sflag:s0] =	ssyncset.done $0x0  }
0xb7: {  	[sflag:s0] =	ssyncadd.s32 $0xFFFFFF80  }
0xb8: {  	_ =	swait.ge [sflag:s0], $0x80  }
0xb9: {  	[sflag:s0] =	ssyncset.done $0x0  }
0xba: {  	[sflag:s0] =	ssyncadd.s32 $0xFFFFFF80  }
0xbb: {  	_ =	swait.ge [sflag:s0], $0x80  }
0xbc: {  	[sflag:s0] =	ssyncset.done $0x0  }
0xbd: {  	[sflag:s0] =	ssyncadd.s32 $0xFFFFFF80  }
0xbe: {  	_ =	swait.ge [sflag:s0], $0x80  }
0xbf: {  	[sflag:s0] =	ssyncset.done $0x0  }
0xc0: {  	[sflag:s0] =	ssyncadd.s32 $0xFFFFFF80  }
0xc1: {  	_ =	swait.ge [sflag:s0], $0x80  }
0xc2: {  	[sflag:s0] =	ssyncset.done $0x0  }
0xc3: {  	[sflag:s0] =	ssyncadd.s32 $0xFFFFFF80  }
0xc4: {  	_ =	swait.ge [sflag:s0], $0x80  }
0xc5: {  	[sflag:s0] =	ssyncset.done $0x0  }
0xc6: {  	[sflag:s0] =	ssyncadd.s32 $0xFFFFFF80  }
0xc7: {  	_ =	swait.ge [sflag:s0], $0x80  }
0xc8: {  	[sflag:s0] =	ssyncset.done $0x0  }
0xc9: {  	[sflag:s0] =	ssyncadd.s32 $0xFFFFFF80  }
0xca: {  	_ =	swait.ge [sflag:s0], $0x80  }
0xcb: {  	[sflag:s0] =	ssyncset.done $0x0  }
0xcc: {  	[sflag:s0] =	ssyncadd.s32 $0xFFFFFF80  }
0xcd: {  	_ =	swait.ge [sflag:s0], $0x80  }
0xce: {  	[sflag:s0] =	ssyncset.done $0x0  }
0xcf: {  	[sflag:s0] =	ssyncadd.s32 $0xFFFFFF80  }
0xd0: {  	_ =	swait.ge [sflag:s0], $0x80  }
0xd1: {  	[sflag:s0] =	ssyncset.done $0x0  }
0xd2: {  	[sflag:s0] =	ssyncadd.s32 $0xFFFFFF80  }
0xd3: {  	_ =	swait.ge [sflag:s0], $0x80  }
0xd4: {  	[sflag:s0] =	ssyncset.done $0x0  }
0xd5: {  	[sflag:s0] =	ssyncadd.s32 $0xFFFFFF80  }
0xd6: {  	_ =	swait.ge [sflag:s0], $0x80  }
0xd7: {  	[sflag:s0] =	ssyncset.done $0x0  }
0xd8: {  	[sflag:s0] =	ssyncadd.s32 $0xFFFFFF80  }
0xd9: {  	_ =	swait.ge [sflag:s0], $0x80  }
0xda: {  	[sflag:s0] =	ssyncset.done $0x0  }
0xdb: {  	s16 =	simm.s32 $0x0;
	[sflag:s0] =	ssyncadd.s32 $0xFFFFFF80  }
0xdc: {  	v1 =	vld [tilespmem:s16+$0x2CC0]  }
0xdd: {  	s22 =	simm.s32 $0x40;
	v2 =	vld [tilespmem:s16+$0x30C0]  }
.LBB2_5:
0xde: {  	_ = 	snop  }
0xdf: {  	p0 =	sne.s32 s22, $0xFC0  }
.Ltmp1:
0xe0: {  	_ = 	snop;
	(pc) =	sbr.rel @p0 .LBB2_5-.Ltmp1, $4  }
0xe1: {  	_ = 	snop  }
0xe2: {  	s20 =	sshra.s32 s22, $0x2;
	v3 =	vmul.f32 v2, v1  }
0xe3: {  	v1 =	vld [tilespmem:s20+$0x2CC0]  }
0xe4: {  	s22 =	sadd.s32 $0x40, s22;
	v2 =	vld [tilespmem:s20+$0x30C0];
	[tilespmem:s16+$0x34C0] =	vst v3;
	s16 =	smov.u32 s20  }
0xe5: {  	_ =	sdelay $0x3  }
0xe6: {  	v1 =	vmul.f32 v2, v1  }
0xe7: {  	s20 =	rddreg [dreg:$0x8]  }
0xe8: {  	s22 =	simm.s32 $0x0;
	s13 =	sadd.s32 s20, s13;
	s20 =	simm.s32 $0x34C0;
	[tilespmem:s16+$0x34C0] =	vst v1  }
0xe9: {  	[hbm4b:s13+s22] =	stream.linear.scatter [tilespmem:s20], [sflag:$0x2], $0x400, $0x38;
	[tilespmem:$0x5D00] =	vst v63  }
0xea: {  	s13 =	simm.s32 $0x0  }
0xeb: {  	v1 =	vld [tilespmem:s13+$0x38C0]  }
0xec: {  	s16 =	simm.s32 $0x40;
	s22 =	simm.s32 $0x0;
	v2 =	vld [tilespmem:s13+$0x34C0]  }
.LBB2_7:
0xed: {  	_ = 	snop  }
0xee: {  	p0 =	sne.s32 s16, $0xFC0  }
.Ltmp2:
0xef: {  	_ = 	snop;
	(pc) =	sbr.rel @p0 .LBB2_7-.Ltmp2, $4  }
0xf0: {  	_ = 	snop  }
0xf1: {  	s20 =	sshra.s32 s16, $0x2;
	v3 =	vmul.f32 v2, v1  }
0xf2: {  	v1 =	vld [tilespmem:s20+$0x38C0]  }
0xf3: {  	s16 =	sadd.s32 $0x40, s16;
	v2 =	vld [tilespmem:s20+$0x34C0];
	[tilespmem:s22+$0x44C0] =	vst v3;
	s22 =	smov.u32 s20  }
0xf4: {  	_ =	sdelay $0x3  }
0xf5: {  	v1 =	vmul.f32 v2, v1;
	_ =	sdelay $0x1  }
0xf6: {  	[tilespmem:s22+$0x44C0] =	vst v1  }
0xf7: {  	v1 =	vld [tilespmem:s13+$0x3CC0]  }
0xf8: {  	s16 =	simm.s32 $0x40;
	v2 =	vld [tilespmem:s13+$0x34C0]  }
.LBB2_9:
0xf9: {  	_ = 	snop  }
0xfa: {  	p0 =	sne.s32 s16, $0xFC0  }
.Ltmp3:
0xfb: {  	_ = 	snop;
	(pc) =	sbr.rel @p0 .LBB2_9-.Ltmp3, $4  }
0xfc: {  	_ = 	snop  }
0xfd: {  	s20 =	sshra.s32 s16, $0x2;
	v3 =	vmul.f32 v2, v1  }
0xfe: {  	v1 =	vld [tilespmem:s20+$0x3CC0]  }
0xff: {  	s16 =	sadd.s32 $0x40, s16;
	v2 =	vld [tilespmem:s20+$0x34C0];
	[tilespmem:s13+$0x48C0] =	vst v3;
	s13 =	smov.u32 s20  }
0x100: {  	_ =	sdelay $0x3  }
0x101: {  	v1 =	vmul.f32 v2, v1;
	_ =	sdelay $0x1  }
0x102: {  	[tilespmem:s13+$0x48C0] =	vst v1;
	s13 =	simm.s32 $0x0  }
0x103: {  	v1 =	vld [tilespmem:s13+$0x40C0]  }
0x104: {  	s16 =	simm.s32 $0x40;
	v2 =	vld [tilespmem:s13+$0x34C0]  }
.LBB2_11:
0x105: {  	_ = 	snop  }
0x106: {  	p0 =	sne.s32 s16, $0xFC0  }
.Ltmp4:
0x107: {  	_ = 	snop;
	(pc) =	sbr.rel @p0 .LBB2_11-.Ltmp4, $4  }
0x108: {  	_ = 	snop  }
0x109: {  	s20 =	sshra.s32 s16, $0x2;
	v3 =	vmul.f32 v2, v1  }
0x10a: {  	v1 =	vld [tilespmem:s20+$0x40C0]  }
0x10b: {  	s16 =	sadd.s32 $0x40, s16;
	v2 =	vld [tilespmem:s20+$0x34C0];
	[tilespmem:s13+$0x4CC0] =	vst v3;
	s13 =	smov.u32 s20  }
0x10c: {  	_ =	sdelay $0x3  }
0x10d: {  	v1 =	vmul.f32 v2, v1;
	_ =	sdelay $0x1  }
0x10e: {  	s22 =	simm.s32 $0x44C0;
	[tilespmem:s13+$0x4CC0] =	vst v1  }
0x10f: {  	[spmem:s1] =	stream.indirect.scatter.add.f32 [tilespmem:s22], [sflag:$0x2], $0x1, s25, s28, $0xb8;
	[tilespmem:$0x5D00] =	vst v63  }
0x110: {  	s16 =	simm.s32 $0x48C0  }
0x111: {  	[spmem:s2] =	stream.indirect.scatter.add.f32 [tilespmem:s16], [sflag:$0x2], $0x1, s25, s28, $0xb8;
	[tilespmem:$0x5D00] =	vst v63  }
0x112: {  	s20 =	simm.s32 $0x4CC0  }
0x113: {  	[spmem:s3] =	stream.indirect.scatter.add.f32 [tilespmem:s20], [sflag:$0x2], $0x1, s25, s28, $0xb8;
	[tilespmem:$0x5D00] =	vst v63  }
0x114: {  	s13 =	simm.s32 $0x2940;
	s16 =	simm.s32 $0x4540  }
0x115: {  	[spmem:s1] =	stream.indirect.scatter.add.f32 [tilespmem:s16], [sflag:$0x2], $0x1, s13, s28, $0xb8;
	[tilespmem:$0x5D00] =	vst v63  }
0x116: {  	s22 =	simm.s32 $0x4940  }
0x117: {  	[spmem:s2] =	stream.indirect.scatter.add.f32 [tilespmem:s22], [sflag:$0x2], $0x1, s13, s28, $0xb8;
	[tilespmem:$0x5D00] =	vst v63  }
0x118: {  	s20 =	simm.s32 $0x4D40  }
0x119: {  	[spmem:s3] =	stream.indirect.scatter.add.f32 [tilespmem:s20], [sflag:$0x2], $0x1, s13, s28, $0xb8;
	[tilespmem:$0x5D00] =	vst v63  }
0x11a: {  	s22 =	simm.s32 $0x45C0;
	s13 =	simm.s32 $0x29C0  }
0x11b: {  	[spmem:s1] =	stream.indirect.scatter.add.f32 [tilespmem:s22], [sflag:$0x2], $0x1, s13, s28, $0xb8;
	[tilespmem:$0x5D00] =	vst v63  }
0x11c: {  	s20 =	simm.s32 $0x49C0  }
0x11d: {  	[spmem:s2] =	stream.indirect.scatter.add.f32 [tilespmem:s20], [sflag:$0x2], $0x1, s13, s28, $0xb8;
	[tilespmem:$0x5D00] =	vst v63  }
0x11e: {  	s22 =	simm.s32 $0x4DC0  }
0x11f: {  	[spmem:s3] =	stream.indirect.scatter.add.f32 [tilespmem:s22], [sflag:$0x2], $0x1, s13, s28, $0xb8;
	[tilespmem:$0x5D00] =	vst v63  }
0x120: {  	s16 =	simm.s32 $0x4640  }
0x121: {  	[spmem:s1] =	stream.indirect.scatter.add.f32 [tilespmem:s16], [sflag:$0x2], $0x1, s30, s28, $0xb8;
	[tilespmem:$0x5D00] =	vst v63  }
0x122: {  	s20 =	simm.s32 $0x4A40  }
0x123: {  	[spmem:s2] =	stream.indirect.scatter.add.f32 [tilespmem:s20], [sflag:$0x2], $0x1, s30, s28, $0xb8;
	[tilespmem:$0x5D00] =	vst v63  }
0x124: {  	s22 =	simm.s32 $0x4E40  }
0x125: {  	[spmem:s3] =	stream.indirect.scatter.add.f32 [tilespmem:s22], [sflag:$0x2], $0x1, s30, s28, $0xb8;
	[tilespmem:$0x5D00] =	vst v63  }
0x126: {  	s16 =	simm.s32 $0x46C0  }
0x127: {  	[spmem:s1] =	stream.indirect.scatter.add.f32 [tilespmem:s16], [sflag:$0x2], $0x1, s29, s28, $0xb8;
	[tilespmem:$0x5D00] =	vst v63  }
0x128: {  	s20 =	simm.s32 $0x4AC0  }
0x129: {  	[spmem:s2] =	stream.indirect.scatter.add.f32 [tilespmem:s20], [sflag:$0x2], $0x1, s29, s28, $0xb8;
	[tilespmem:$0x5D00] =	vst v63  }
0x12a: {  	s22 =	simm.s32 $0x4EC0  }
0x12b: {  	[spmem:s3] =	stream.indirect.scatter.add.f32 [tilespmem:s22], [sflag:$0x2], $0x1, s29, s28, $0xb8;
	[tilespmem:$0x5D00] =	vst v63  }
0x12c: {  	s16 =	simm.s32 $0x4740  }
0x12d: {  	[spmem:s1] =	stream.indirect.scatter.add.f32 [tilespmem:s16], [sflag:$0x2], $0x1, s19, s28, $0xb8;
	[tilespmem:$0x5D00] =	vst v63  }
0x12e: {  	s20 =	simm.s32 $0x4B40  }
0x12f: {  	[spmem:s2] =	stream.indirect.scatter.add.f32 [tilespmem:s20], [sflag:$0x2], $0x1, s19, s28, $0xb8;
	[tilespmem:$0x5D00] =	vst v63  }
0x130: {  	s22 =	simm.s32 $0x4F40  }
0x131: {  	[spmem:s3] =	stream.indirect.scatter.add.f32 [tilespmem:s22], [sflag:$0x2], $0x1, s19, s28, $0xb8;
	[tilespmem:$0x5D00] =	vst v63  }
0x132: {  	s16 =	simm.s32 $0x47C0  }
0x133: {  	[spmem:s1] =	stream.indirect.scatter.add.f32 [tilespmem:s16], [sflag:$0x2], $0x1, s18, s28, $0xb8;
	[tilespmem:$0x5D00] =	vst v63  }
0x134: {  	s20 =	simm.s32 $0x4BC0  }
0x135: {  	[spmem:s2] =	stream.indirect.scatter.add.f32 [tilespmem:s20], [sflag:$0x2], $0x1, s18, s28, $0xb8;
	[tilespmem:$0x5D00] =	vst v63  }
0x136: {  	s22 =	simm.s32 $0x4FC0  }
0x137: {  	[spmem:s3] =	stream.indirect.scatter.add.f32 [tilespmem:s22], [sflag:$0x2], $0x1, s18, s28, $0xb8;
	[tilespmem:$0x5D00] =	vst v63  }
0x138: {  	s16 =	simm.s32 $0x4840  }
0x139: {  	[spmem:s1] =	stream.indirect.scatter.add.f32 [tilespmem:s16], [sflag:$0x2], $0x1, s21, s28, $0xb8;
	[tilespmem:$0x5D00] =	vst v63  }
0x13a: {  	s20 =	simm.s32 $0x4C40  }
0x13b: {  	[spmem:s2] =	stream.indirect.scatter.add.f32 [tilespmem:s20], [sflag:$0x2], $0x1, s21, s28, $0xb8;
	[tilespmem:$0x5D00] =	vst v63  }
0x13c: {  	s22 =	simm.s32 $0x5040  }
0x13d: {  	[spmem:s3] =	stream.indirect.scatter.add.f32 [tilespmem:s22], [sflag:$0x2], $0x1, s21, s28, $0xb8;
	[tilespmem:$0x5D00] =	vst v63  }
0x13e: {  	_ =	swait.ge [sflag:s6], $0x80  }
0x13f: {  	[sflag:s6] =	ssyncset.done $0x0  }
0x140: {  	[sflag:s6] =	ssyncadd.s32 $0xFFFFFF80  }
0x141: {  	_ =	swait.ge [sflag:s6], $0x80  }
0x142: {  	[sflag:s6] =	ssyncset.done $0x0  }
0x143: {  	[sflag:s6] =	ssyncadd.s32 $0xFFFFFF80  }
0x144: {  	_ =	swait.ge [sflag:s6], $0x80  }
0x145: {  	[sflag:s6] =	ssyncset.done $0x0  }
0x146: {  	[sflag:s6] =	ssyncadd.s32 $0xFFFFFF80  }
0x147: {  	_ =	swait.ge [sflag:s6], $0x80  }
0x148: {  	[sflag:s6] =	ssyncset.done $0x0  }
0x149: {  	[sflag:s6] =	ssyncadd.s32 $0xFFFFFF80  }
0x14a: {  	_ =	swait.ge [sflag:s6], $0x80  }
0x14b: {  	[sflag:s6] =	ssyncset.done $0x0  }
0x14c: {  	[sflag:s6] =	ssyncadd.s32 $0xFFFFFF80  }
0x14d: {  	_ =	swait.ge [sflag:s6], $0x80  }
0x14e: {  	[sflag:s6] =	ssyncset.done $0x0  }
0x14f: {  	[sflag:s6] =	ssyncadd.s32 $0xFFFFFF80  }
0x150: {  	_ =	swait.ge [sflag:s6], $0x80  }
0x151: {  	[sflag:s6] =	ssyncset.done $0x0  }
0x152: {  	[sflag:s6] =	ssyncadd.s32 $0xFFFFFF80  }
0x153: {  	_ =	swait.ge [sflag:s6], $0x80  }
0x154: {  	[sflag:s6] =	ssyncset.done $0x0  }
0x155: {  	[sflag:s6] =	ssyncadd.s32 $0xFFFFFF80  }
0x156: {  	_ =	swait.ge [sflag:s6], $0x80  }
0x157: {  	[sflag:s6] =	ssyncset.done $0x0  }
0x158: {  	[sflag:s6] =	ssyncadd.s32 $0xFFFFFF80  }
0x159: {  	_ =	swait.ge [sflag:s6], $0x80  }
0x15a: {  	[sflag:s6] =	ssyncset.done $0x0  }
0x15b: {  	[sflag:s6] =	ssyncadd.s32 $0xFFFFFF80  }
0x15c: {  	_ =	swait.ge [sflag:s6], $0x80  }
0x15d: {  	[sflag:s6] =	ssyncset.done $0x0  }
0x15e: {  	[sflag:s6] =	ssyncadd.s32 $0xFFFFFF80  }
0x15f: {  	_ =	swait.ge [sflag:s6], $0x80  }
0x160: {  	[sflag:s6] =	ssyncset.done $0x0  }
0x161: {  	[sflag:s6] =	ssyncadd.s32 $0xFFFFFF80  }
0x162: {  	_ =	swait.ge [sflag:s6], $0x80  }
0x163: {  	[sflag:s6] =	ssyncset.done $0x0  }
0x164: {  	[sflag:s6] =	ssyncadd.s32 $0xFFFFFF80  }
0x165: {  	_ =	swait.ge [sflag:s6], $0x80  }
0x166: {  	[sflag:s6] =	ssyncset.done $0x0  }
0x167: {  	[sflag:s6] =	ssyncadd.s32 $0xFFFFFF80  }
0x168: {  	_ =	swait.ge [sflag:s6], $0x80  }
0x169: {  	[sflag:s6] =	ssyncset.done $0x0  }
0x16a: {  	[sflag:s6] =	ssyncadd.s32 $0xFFFFFF80  }
0x16b: {  	_ =	swait.ge [sflag:s6], $0x80  }
0x16c: {  	[sflag:s6] =	ssyncset.done $0x0  }
0x16d: {  	[sflag:s6] =	ssyncadd.s32 $0xFFFFFF80  }
0x16e: {  	_ =	swait.ge [sflag:s6], $0x80  }
0x16f: {  	[sflag:s6] =	ssyncset.done $0x0  }
0x170: {  	[sflag:s6] =	ssyncadd.s32 $0xFFFFFF80  }
0x171: {  	_ =	swait.ge [sflag:s6], $0x80  }
0x172: {  	[sflag:s6] =	ssyncset.done $0x0  }
0x173: {  	[sflag:s6] =	ssyncadd.s32 $0xFFFFFF80  }
0x174: {  	_ =	swait.ge [sflag:s6], $0x80  }
0x175: {  	[sflag:s6] =	ssyncset.done $0x0  }
0x176: {  	[sflag:s6] =	ssyncadd.s32 $0xFFFFFF80  }
0x177: {  	_ =	swait.ge [sflag:s6], $0x80  }
0x178: {  	[sflag:s6] =	ssyncset.done $0x0  }
0x179: {  	[sflag:s6] =	ssyncadd.s32 $0xFFFFFF80  }
0x17a: {  	_ =	swait.ge [sflag:s6], $0x80  }
0x17b: {  	[sflag:s6] =	ssyncset.done $0x0  }
0x17c: {  	[sflag:s6] =	ssyncadd.s32 $0xFFFFFF80  }
0x17d: {  	_ =	swait.ge [sflag:s6], $0x80  }
0x17e: {  	[sflag:s6] =	ssyncset.done $0x0  }
0x17f: {  	[sflag:s6] =	ssyncadd.s32 $0xFFFFFF80  }
0x180: {  	_ =	swait.ge [sflag:s6], $0x80  }
0x181: {  	[sflag:s6] =	ssyncset.done $0x0  }
0x182: {  	[sflag:s6] =	ssyncadd.s32 $0xFFFFFF80  }
0x183: {  	_ =	swait.ge [sflag:s6], $0x80  }
0x184: {  	[sflag:s6] =	ssyncset.done $0x0  }
0x185: {  	[sflag:s6] =	ssyncadd.s32 $0xFFFFFF80  }
0x186: {  	_ =	swait.ge [sflag:s6], $0x80  }
0x187: {  	[sflag:s6] =	ssyncset.done $0x0  }
0x188: {  	[sflag:s6] =	ssyncadd.s32 $0xFFFFFF80  }
0x189: {  	_ =	swait.ge [sflag:s6], $0x80  }
0x18a: {  	[sflag:s6] =	ssyncset.done $0x0  }
0x18b: {  	[sflag:s6] =	ssyncadd.s32 $0xFFFFFF80  }
0x18c: {  	_ =	swait.ge [sflag:s6], $0x80  }
0x18d: {  	[sflag:s6] =	ssyncset.done $0x0  }
0x18e: {  	[sflag:s6] =	ssyncadd.s32 $0xFFFFFF80  }
0x18f: {  	_ =	swait.ge [sflag:s6], $0x80  }
0x190: {  	[sflag:s6] =	ssyncset.done $0x0  }
0x191: {  	[sflag:s6] =	ssyncadd.s32 $0xFFFFFF80  }
0x192: {  	_ =	swait.ge [sflag:s6], $0x80  }
0x193: {  	[sflag:s6] =	ssyncset.done $0x0  }
0x194: {  	[sflag:s6] =	ssyncadd.s32 $0xFFFFFF80  }
0x195: {  	_ =	swait.ge [sflag:s6], $0x80  }
0x196: {  	[sflag:s6] =	ssyncset.done $0x0  }
0x197: {  	s8 =	sadd.s32 $0x1, s8;
	[sflag:s6] =	ssyncadd.s32 $0xFFFFFF80  }
0x198: {  	p0 =	sne.s32 s8, $0x19;
	_ =	swait.ge [sflag:s6], $0x80  }
.Ltmp5:
0x199: {  	[sflag:s6] =	ssyncset.done $0x0;
	(pc) =	sbr.rel @p0 .LBB2_4-.Ltmp5, $4  }
0x19a: {  	[sflag:s6] =	ssyncadd.s32 $0xFFFFFF80  }
0x19b: {  	_ =	swait.ge [sflag:s6], $0x80  }
0x19c: {  	[sflag:s6] =	ssyncset.done $0x0  }
0x19d: {  	[sflag:s6] =	ssyncadd.s32 $0xFFFFFF80  }
0x19e: {  	[bflag:$0x0] =	sbarrier.arrive $0xFFFF  }
0x19f: {  	s22 =	simm.s32 $0x50C0;
	s13 =	rddreg [dreg:$0x9]  }
0x1a0: {  	[tilespmem:s22], [sflag:$0x3] =	stream.linear.gather [spmem:s13], $0xC40, $0x38;
	[tilespmem:$0x5D00] =	vst v63  }
0x1a1: {  	_ =	swait.ge [sflag:s23], $0xC40  }
0x1a2: {  	[sflag:s23] =	ssyncset.done $0x0  }
0x1a3: {  	s7 =	simm.s32 $0x0;
	s8 =	rddreg [dreg:$0xc];
	[sflag:s23] =	ssyncadd.s32 $0xFFFFF3C0  }
0x1a4: {  	[hbm4b:s8+s7] =	stream.linear.scatter [tilespmem:s22], [sflag:$0x3], $0xC40, $0x38;
	[tilespmem:$0x5D00] =	vst v63  }
0x1a5: {  	_ =	swait.ge [sflag:s23], $0xC40  }
0x1a6: {  	[sflag:s23] =	ssyncset.done $0x0  }
0x1a7: {  	s16 =	rddreg [dreg:$0xa];
	[sflag:s23] =	ssyncadd.s32 $0xFFFFF3C0  }
0x1a8: {  	[tilespmem:s22], [sflag:$0x3] =	stream.linear.gather [spmem:s16], $0xC40, $0x38;
	[tilespmem:$0x5D00] =	vst v63  }
0x1a9: {  	_ =	swait.ge [sflag:s23], $0xC40  }
0x1aa: {  	[sflag:s23] =	ssyncset.done $0x0  }
0x1ab: {  	s20 =	rddreg [dreg:$0xe];
	[sflag:s23] =	ssyncadd.s32 $0xFFFFF3C0  }
0x1ac: {  	[hbm4b:s20+s7] =	stream.linear.scatter [tilespmem:s22], [sflag:$0x3], $0xC40, $0x38;
	[tilespmem:$0x5D00] =	vst v63  }
0x1ad: {  	_ =	swait.ge [sflag:s23], $0xC40  }
0x1ae: {  	[sflag:s23] =	ssyncset.done $0x0  }
0x1af: {  	s20 =	rddreg [dreg:$0xd];
	[sflag:s23] =	ssyncadd.s32 $0xFFFFF3C0  }
0x1b0: {  	[tilespmem:s22], [sflag:$0x3] =	stream.linear.gather [spmem:s20], $0xC40, $0x38;
	[tilespmem:$0x5D00] =	vst v63  }
0x1b1: {  	_ =	swait.ge [sflag:s23], $0xC40  }
0x1b2: {  	[sflag:s23] =	ssyncset.done $0x0  }
0x1b3: {  	s8 =	rddreg [dreg:$0xf];
	[sflag:s23] =	ssyncadd.s32 $0xFFFFF3C0  }
0x1b4: {  	[hbm4b:s8+s7] =	stream.linear.scatter [tilespmem:s22], [sflag:$0x3], $0xC40, $0x38;
	[tilespmem:$0x5D00] =	vst v63  }
0x1b5: {  	_ =	swait.ge [sflag:s23], $0xC40  }
0x1b6: {  	s7 =	rddreg [dreg:$0x11]  }
0x1b7: {  	s22 =	rddreg [dreg:$0x10];
	s8 =	sadd.s32 $0x1, s7  }
0x1b8: {  	p0 =	sne.s32 s8, s22  }
.Ltmp6:
0x1b9: {  	_ = 	snop;
	(pc) =	sbr.rel @p0 .LBB2_1-.Ltmp6, $3  }
0x1ba: {  	_ =	sdelay $0x1  }
0x1bb: {  	[sflag:s23] =	ssyncset.done $0x0  }
0x1bc: {  	[sflag:s23] =	ssyncadd.s32 $0xFFFFF3C0  }
0x1bd: {  	_ =	sfence.sel $0x180000  }
0x1be: {  	[bflag:$0x0] =	sbarrier.arrive $0xFFFF  }
0x1bf: {  	_ =	strace $0x9000004A  }
0x1c0: {  	s0 =	stileid.u32;
	[bflag:$0x2] =	sbarrier.arrive $0xFFFF  }
0x1c1: {  	p0 =	sne.s32 s0, $0x0;
	s0 =	rddreg [dreg:$0x4]  }
0x1c2: {  	s0 =	sadd.s32 @!p0 $0x100000, s0  }
0x1c3: {  	[sflag:s0] =	ssyncadd.tile.s32 @!p0 $0x1;
	_ =	shalt  }
.Lfunc_end2:
_tile_overlayer_lowered:
.L_overlay_start_2:
0x1c4: {  	(tag) =	ssettag $0x2  }
0x1c5: {  	s0 =	rddreg [dreg:$0x0];
	s2 =	stileid.u32  }
0x1c6: {  	s1 =	rddreg [dreg:$0x1];
	p0 =	sne.s32 s2, $0x0  }
0x1c7: {  	s3 =	rddreg [dreg:$0x2];
	[bflag:$0x3] =	sbarrier.arrive $0xFFFF;
	s2 =	simm.s32 @!p0 $0x1C03  }
0x1c8: {  	[timem:s3], [sflag:s2] =	dma.local @!p0 [hbm:s0], s1  }
0x1c9: {  	s0 =	simm.s32 @!p0 $0x3  }
0x1ca: {  	_ =	swait.ge @!p0 [sflag:s0], s1  }
0x1cb: {  	s1 =	ssub.s32 @!p0 $0x0, s1;
	[sflag:s0] =	ssyncset.done @!p0 $0x0  }
0x1cc: {  	[sflag:s0] =	ssyncadd.s32 @!p0 s1  }
0x1cd: {  	[bflag:$0x3] =	sbarrier.arrive $0xFFFF  }
0x1ce: {  	_ =	shalt  }

// kernel: kernel.14.cloned.1.call-start
scs
__scs_entry_jumppad:
0x0: {  	(pc) =	sbr.rel $0x88, $3  }
0x1: {  	(tag) =	ssettag $0x0;
	lr =	simm.s32 $0x1  }
0x2: {  	[smem:$0x3F95] =	sst lr;
	_ =	strace $0xD0000000  }
0x3: {  	_ = 	snop  }
0x4: {  	_ = 	snop  }
0x5: {  	_ = 	snop  }
0x6: {  	_ = 	snop  }
0x7: {  	_ = 	snop  }
__scs_overlays_trampoline_lowered:
0x8: {  	[smem:$0x3FA4] =	sst s0  }
0x9: {  	[smem:$0x3FA5] =	sst s1  }
0xa: {  	[smem:$0x3FA6] =	sst s2  }
0xb: {  	[smem:$0x3FA7] =	sst s3  }
0xc: {  	[smem:$0x3FA8] =	sst s4  }
0xd: {  	[smem:$0x3FA9] =	sst s5  }
0xe: {  	[smem:$0x3FAA] =	sst s6  }
0xf: {  	[smem:$0x3FAB] =	sst s7  }
0x10: {  	[smem:$0x3FAC] =	sst s8  }
0x11: {  	[smem:$0x3FAD] =	sst s9;
	s0 =	simm.s32 @!p0 $0x0  }
0x12: {  	s1 =	sld [smem:$0x3F93];
	s0 =	simm.s32 @p0 $0x1  }
0x13: {  	[smem:$0x3FAE] =	sst s0;
	s0 =	simm.s32 @!p1 $0x0  }
0x14: {  	s2 =	sld [smem:$0x3F92];
	s0 =	simm.s32 @p1 $0x1  }
0x15: {  	[smem:$0x3FAF] =	sst s0;
	s0 =	simm.s32 @!p2 $0x0  }
0x16: {  	s3 =	sld [smem:$0x3FDB];
	s0 =	simm.s32 @p2 $0x1  }
0x17: {  	s4 =	simm.s32 $0x1BF5;
	[smem:$0x3FB1] =	sst s0  }
0x18: {  	s0 =	sld [smem:$0x3F94];
	_ =	swait.ge [sflag:s4], $0x0  }
0x19: {  	s7 =	sld [smem:$0x3F95]  }
0x1a: {  	s8 =	sadd.s32 $0xFFFFE003, lr  }
0x1b: {  	s9 =	sadd.s32 $0xFFFFFEF7, lr;
	s5 =	simm.s32 $0xFFFFFFFF;
	p2 =	slt.u32 s8, $0xFFFFF086  }
0x1c: {  	p1 =	slt.u32 s9, $0xF7A;
	s5 =	simm.s32 @!p2 $0x0  }
0x1d: {  	s5 =	simm.s32 @p1 $0x1;
	p0 =	seq.s32 s7, s2  }
0x1e: {  	s7 =	smul.u32 @!p0 $0xF7A, s2;
	p2 =	seq.s32 @!p0 s5, $0x0  }
0x1f: {  	s9 =	smul.u32 $0xF7A, s1;
	s8 =	simm.s32 @!p0 $0x1BF5;
	p2 =	por !p2, p0  }
0x20: {  	[sflag:s8] =	ssyncset.s32 @!p0 $0xFFFFF086;
	s6 =	sadd.s32 @!p0 s3, s7;
	s7 =	simm.s32 @!p0 $0x108  }
0x21: {  	s3 =	sadd.s32 s3, s9;
	s6 =	sadd.s32 @!p0 $0x88, s6;
	s7 =	simm.s32 @p2 $0x1082  }
0x22: {  	[simem:s7], [sflag:s8] =	dma.local @!p0 [hbm:s6], $0xF7A  }
0x23: {  	s9 =	sor.u32 $0xD0000000, s2;
	s6 =	simm.s32 $0x108;
	_ =	swait.ge @!p0 [sflag:s8], $0x0  }
0x24: {  	s3 =	sadd.s32 $0x88, s3;
	s6 =	simm.s32 @!p1 $0x1082;
	[sflag:s4] =	ssyncset.s32 $0xFFFFF086  }
0x25: {  	[simem:s6], [sflag:s4] =	dma.local [hbm:s3], $0xF7A  }
0x26: {  	[smem:$0x3F95] =	sst s1;
	(tag) =	ssettag s2;
	_ =	strace s9  }
0x27: {  	s1 =	sld [smem:$0x3FA5]  }
0x28: {  	s2 =	sld [smem:$0x3FA6]  }
0x29: {  	s4 =	sld [smem:$0x3FA8]  }
0x2a: {  	p0 =	seq.s32 s5, $0x0;
	s5 =	sld [smem:$0x3FA9]  }
0x2b: {  	s6 =	sld [smem:$0x3FAA]  }
0x2c: {  	s7 =	sld [smem:$0x3FAB]  }
0x2d: {  	s3 =	simm.s32 $0x108;
	s8 =	sld [smem:$0x3FAC]  }
0x2e: {  	s3 =	simm.s32 @!p0 $0x1082;
	s9 =	sld [smem:$0x3FAD]  }
0x2f: {  	lr =	sadd.s32 s0, s3;
	s0 =	sld [smem:$0x3FA4]  }
0x30: {  	s3 =	sld [smem:$0x3FA7]  }
0x31: {  	[smem:$0x3FB0] =	sst s10  }
0x32: {  	s10 =	sld [smem:$0x3FAE];
	_ =	sdelay $0x3  }
0x33: {  	p0 =	seq.s32 s10, $0x1;
	s10 =	sld [smem:$0x3FB0];
	_ =	sdelay $0x3  }
0x34: {  	[smem:$0x3FB0] =	sst s10  }
0x35: {  	s10 =	sld [smem:$0x3FAF];
	_ =	sdelay $0x3  }
0x36: {  	p1 =	seq.s32 s10, $0x1;
	s10 =	sld [smem:$0x3FB0];
	_ =	sdelay $0x3  }
0x37: {  	[smem:$0x3FB0] =	sst s10  }
0x38: {  	s10 =	sld [smem:$0x3FB1]  }
0x39: {  	_ = 	snop;
	(pc) =	sbr.ind lr, $3  }
0x3a: {  	_ = 	snop  }
0x3b: {  	_ = 	snop  }
0x3c: {  	p2 =	seq.s32 s10, $0x1;
	s10 =	sld [smem:$0x3FB0]  }
0x3d: {  	_ =	shalt  }
0x3e: {  	_ =	shalt  }
0x3f: {  	_ =	shalt  }
0x40: {  	_ =	shalt  }
0x41: {  	_ =	shalt  }
0x42: {  	_ =	shalt  }
0x43: {  	_ =	shalt  }
0x44: {  	_ =	shalt  }
0x45: {  	_ =	shalt  }
0x46: {  	_ =	shalt  }
0x47: {  	_ =	shalt  }
0x48: {  	_ =	shalt  }
0x49: {  	_ =	shalt  }
0x4a: {  	_ =	shalt  }
0x4b: {  	_ =	shalt  }
0x4c: {  	_ =	shalt  }
0x4d: {  	_ =	shalt  }
0x4e: {  	_ =	shalt  }
0x4f: {  	_ =	shalt  }
0x50: {  	_ =	shalt  }
0x51: {  	_ =	shalt  }
0x52: {  	_ =	shalt  }
0x53: {  	_ =	shalt  }
0x54: {  	_ =	shalt  }
0x55: {  	_ =	shalt  }
0x56: {  	_ =	shalt  }
0x57: {  	_ =	shalt  }
0x58: {  	_ =	shalt  }
0x59: {  	_ =	shalt  }
0x5a: {  	_ =	shalt  }
0x5b: {  	_ =	shalt  }
0x5c: {  	_ =	shalt  }
0x5d: {  	_ =	shalt  }
0x5e: {  	_ =	shalt  }
0x5f: {  	_ =	shalt  }
0x60: {  	_ =	shalt  }
0x61: {  	_ =	shalt  }
0x62: {  	_ =	shalt  }
0x63: {  	_ =	shalt  }
0x64: {  	_ =	shalt  }
0x65: {  	_ =	shalt  }
0x66: {  	_ =	shalt  }
0x67: {  	_ =	shalt  }
0x68: {  	_ =	shalt  }
0x69: {  	_ =	shalt  }
0x6a: {  	_ =	shalt  }
0x6b: {  	_ =	shalt  }
0x6c: {  	_ =	shalt  }
0x6d: {  	_ =	shalt  }
0x6e: {  	_ =	shalt  }
0x6f: {  	_ =	shalt  }
0x70: {  	_ =	shalt  }
0x71: {  	_ =	shalt  }
0x72: {  	_ =	shalt  }
0x73: {  	_ =	shalt  }
0x74: {  	_ =	shalt  }
0x75: {  	_ =	shalt  }
0x76: {  	_ =	shalt  }
0x77: {  	_ =	shalt  }
0x78: {  	_ =	shalt  }
0x79: {  	_ =	shalt  }
0x7a: {  	_ =	shalt  }
0x7b: {  	_ =	shalt  }
0x7c: {  	_ =	shalt  }
0x7d: {  	_ =	shalt  }
0x7e: {  	_ =	shalt  }
0x7f: {  	_ =	shalt  }
0x80: {  	_ =	shalt  }
0x81: {  	_ =	shalt  }
0x82: {  	_ =	shalt  }
0x83: {  	_ =	shalt  }
0x84: {  	_ =	shalt  }
0x85: {  	_ =	shalt  }
0x86: {  	_ =	shalt  }
0x87: {  	_ =	shalt  }
.Lfunc_end0:
.L_simem_size_0:
called_computation.2_lowered:
.L_overlay_start_0:
0x88: {  	s2 =	sld [smem:$0x3FD9]  }
0x89: {  	s3 =	sld [smem:$0x3FFE];
	_ =	sdelay $0x1  }
0x8a: {  	s1 =	srdreg.scid  }
0x8b: {  	s0 =	sand.u32 $0x1, s1  }
0x8c: {  	s16 =	sshll.u32 s0, $0xA;
	s2 =	sadd.s32 s3, s2  }
0x8d: {  	s2 =	sadd.s32 s2, s16  }
0x8e: {  	[smem:$0x3FBC] =	sst s2  }
0x8f: {  	_ = 	snop  }
0x90: {  	(tm) =	ssettm $0x1  }
0x91: {  	s17 =	sld [smem:$0x3FFB];
	_ =	sdelay $0x3  }
0x92: {  	_ =	strace s17  }
0x93: {  	s2 =	sld [smem:$0x3FFC];
	_ =	sdelay $0x3  }
0x94: {  	_ =	strace s2  }
0x95: {  	s2 =	sld [smem:$0x3FFD];
	_ =	sdelay $0x3  }
0x96: {  	_ =	strace s2  }
0x97: {  	_ =	strace $0x8FFFFFFF  }
0x98: {  	s18 =	sld [smem:$0x3FDB];
	_ =	sdelay $0x1  }
0x99: {  	s19 =	simm.s32 $_scs_section_size  }
0x9a: {  	s4 =	simm.s32 $_size__tile_overlayer_lowered;
	s5 =	simm.s32 $_tile_overlayer_lowered  }
0x9b: {  	s22 =	simm.s32 $0x1BFF;
	s21 =	sshll.u32 s5, $0x1;
	s2 =	sadd.s32 s19, s18  }
0x9c: {  	s6 =	simm.s32 $0x0;
	s20 =	sshll.u32 s4, $0x1;
	s4 =	sadd.s32 s21, s2  }
0x9d: {  	[timem:s6], [sflag:s22] =	dma.local [hbm:s4], s20  }
0x9e: {  	_ =	swait.ge [sflag:s22], s20  }
0x9f: {  	s3 =	ssub.s32 $0x0, s20;
	[sflag:s22] =	ssyncset.done $0x0  }
0xa0: {  	[sflag:s22] =	ssyncadd.s32 s3;
	_ =	sdelay $0x1  }
0xa1: {  	s23 =	simm.s32 $0x1B8B  }
0xa2: {  	_ =	swait.ge [sflag:s23], $0x1  }
0xa3: {  	[sflag:s23] =	ssyncset.done $0x0  }
0xa4: {  	s25 =	simm.s32 $0x1B8E;
	s24 =	sld [smem:$0x3FFE];
	[sflag:s23] =	ssyncadd.s32 $0xFFFFFFFF  }
0xa5: {  	s26 =	simm.s32 $execute0_lowered;
	[smem:$0x3FD2] =	sst s25  }
0xa6: {  	s4 =	sshll.u32 s26, $0x1;
	_ =	strace $0x8000004C;
	[dreg:$0x1] =	wrdreg $0xFFFFFFFF  }
0xa7: {  	s28 =	simm.s32 $_size_execute0_lowered;
	s2 =	sadd.s32 s2, s4;
	[dreg:$0x0] =	wrdreg $0x0  }
0xa8: {  	s4 =	sshll.u32 s28, $0x1;
	[dreg:$0x2] =	wrdreg s2  }
0xa9: {  	[dreg:$0x3] =	wrdreg s4  }
0xaa: {  	[dreg:$0x4] =	wrdreg $0xC0  }
0xab: {  	_ =	task [dreg:s6], $0x5FFFF  }
0xac: {  	[dreg:$0x1] =	wrdreg $0xFFFFFFFF  }
0xad: {  	[dreg:$0x0] =	wrdreg $0x60  }
0xae: {  	[dreg:$0x2] =	wrdreg s24  }
0xaf: {  	[dreg:$0x3] =	wrdreg $0x0  }
0xb0: {  	[dreg:$0x4] =	wrdreg $0x9  }
0xb1: {  	_ =	task.clear_ibuf [dreg:s6], $0x5FFFF;
	_ =	strace $0x9000004C  }
0xb2: {  	s29 =	simm.s32 $0x9;
	_ =	strace $0x8000004E  }
0xb3: {  	_ =	swait.ge [sflag:s29], $0x1  }
0xb4: {  	[sflag:s29] =	ssyncadd.s32 $0xFFFFFFFF  }
0xb5: {  	_ =	strace $0x9000004E  }
0xb6: {  	_ =	sfence  }
0xb7: {  	s30 =	sld [smem:$0x0];
	_ =	sdelay $0x2  }
0xb8: {  	s31 =	sshll.u32 s1, $0xD;
	s1 =	sshrl.u32 s1, $0x2  }
0xb9: {  	s3 =	sand.u32 $0x4000, s31;
	s1 =	sadd.s32 s1, s30  }
0xba: {  	s0 =	sor.u32 s3, s0;
	s1 =	sshll.u32 s1, $0x11  }
0xbb: {  	s0 =	sor.u32 s1, s0  }
0xbc: {  	s0 =	sadd.s32 $0x8F2B, s0  }
0xbd: {  	[sflag:s0] =	ssyncadd.remote.s32 $0x1  }
0xbe: {  	_ =	sfence.sel $0xFFFF  }
0xbf: {  	[dreg:$0x0] =	wrdreg $0xFFFFFFFF;
	(pc) =	sbr.abs _section_cstart, $3  }
0xc0: {  	[dreg:$0x1] =	wrdreg $0xFFFFFFFF  }
0xc1: {  	_ =	task.clear_ibuf [dreg:s6], $0x2FFFF;
	_ =	strace $0x9FFFFFFF  }
0xc2: {  	(tm) =	ssettm $0x7FFFFFFF  }
0xc3: {  	_ =	shalt  }
tec
execute0_lowered:
.L_overlay_start_1:
0x0: {  	(tag) =	ssettag $0x1  }
0x1: {  	s0 =	rddreg [dreg:$0x0]  }
0x2: {  	s1 =	rddreg [dreg:$0x1]  }
0x3: {  	s2 =	simm.s32 $0x0;
	s3 =	srdreg.scid;
	s26 =	stileid.u32  }
0x4: {  	s9 =	simm.s32 $0x7;
	s14 =	simm.s32 $0x5;
	s15 =	simm.s32 $0x18800  }
0x5: {  	s18 =	simm.s32 $0x20;
	s19 =	simm.s32 $0x1A600;
	s21 =	simm.s32 $0x1B600  }
0x6: {  	s22 =	simm.s32 $0x1;
	s23 =	simm.s32 $0x1C600;
	s24 =	simm.s32 $0x2  }
0x7: {  	s25 =	simm.s32 $0x4;
	s28 =	simm.s32 $0x3;
	s10 =	smul.u32 $0x230, s26  }
0x8: {  	[smem:$0x7FF] =	sst s2;
	s4 =	sadd.s32 $0x36400, s0;
	s29 =	smul.u32 $0x410, s26  }
0x9: {  	s3 =	sand.u32 $0x1, s3;
	s5 =	sadd.s32 $0x2A9800, s0;
	s30 =	smul.u32 $0x62000, s26  }
0xa: {  	s6 =	sadd.s32 $0x1200, s0;
	s7 =	sadd.s32 $0x8E2800, s0;
	s13 =	smul.u32 $0x3100, s26  }
0xb: {  	s26 =	simm.s32 $0x1CA00;
	_ =	strace $0x8000004D;
	[dreg:$0x3] =	wrdreg s4  }
0xc: {  	v0 =	vimm.f32 $0.0e+00;
	v1 =	vimm.s32 $0x0;
	s8 =	smul.u32 $0xC4000, s3;
	s11 =	ssub.s32 $0x2, s3;
	p0 =	seq.s32 s3, $0x0  }
0xd: {  	v2 =	vimm.s32 $0x1;
	v3 =	vimm.s32 $0x2;
	v4 =	vimm.s32 $0x3;
	s12 =	sshrl.u32 s11, $0x1;
	s9 =	simm.s32 @!p0 $0xD;
	s3 =	sshrl.u32 s30, $0x2  }
0xe: {  	v5 =	vimm.s32 $0x4;
	v6 =	vimm.s32 $0x5;
	v7 =	vimm.s32 $0x6;
	s0 =	sadd.s32 s8, s0;
	s8 =	sadd.s32 $0x2300, s29;
	s11 =	ssub.s32 s11, s12  }
0xf: {  	v8 =	vimm.s32 $0x7;
	v9 =	vimm.s32 $0x8;
	v10 =	vimm.s32 $0x9;
	s8 =	smov.u32 @p0 s10;
	s31 =	smax.u32 s11, $0x1;
	s0 =	sadd.s32 s13, s0  }
0x10: {  	v11 =	vimm.s32 $0xA;
	v12 =	vimm.s32 $0xB;
	v13 =	vimm.s32 $0xC;
	s11 =	sadd.s32 s3, s1;
	[dreg:$0x4] =	wrdreg s31;
	s0 =	sadd.s32 $0x4F400, s0  }
0x11: {  	v14 =	vimm.s32 $0xD;
	v15 =	vimm.s32 $0xE;
	v16 =	vimm.s32 $0xF;
	s13 =	simm.s32 $0x1CE00;
	s3 =	simm.s32 $0x0;
	[dreg:$0x5] =	wrdreg s0  }
.LBB2_1:
0x12: {  	[dreg:$0x6] =	wrdreg s3  }
0x13: {  	s30 =	rddreg [dreg:$0x5];
	s4 =	simm.s32 $0x0  }
.LBB2_2:
0x14: {  	s3 =	simm.s32 $0x0  }
0x15: {  	s0 =	simm.s32 $0x10;
	s3 =	sand.u32 $0xFF0, s3  }
.LBB2_3:
0x16: {  	p0 =	sne.s32 s0, $0xDF0;
	[tilespmem:s3+$0x1CE00] =	vst v0;
	s3 =	smov.u32 s0;
	s0 =	sadd.s32 $0x10, s0  }
.Ltmp0:
0x17: {  	(pc) =	sbr.rel @p0 .LBB2_3-.Ltmp0, $2  }
0x18: {  	_ =	sdelay $0x2  }
0x19: {  	s3 =	sand.u32 $0xFF0, s3  }
0x1a: {  	[tilespmem:s3+$0x1CE00] =	vst v0;
	s0 =	sadd.s32 $0x0, s11  }
0x1b: {  	[spmem:s0] =	stream.linear.scatter [tilespmem:s13], [sflag:$0x5], $0xE00, $0x38;
	[tilespmem:$0x1DC00] =	vst v63  }
0x1c: {  	s0 =	simm.s32 $0x3800;
	_ =	swait.ge [sflag:s14], $0xE00  }
.LBB2_5:
0x1d: {  	s3 =	sshra.s32 s0, $0x2;
	[sflag:s14] =	ssyncset.done $0x0;
	p0 =	sne.s32 s0, $0x5E800  }
.Ltmp1:
0x1e: {  	s3 =	sadd.s32 s3, s11;
	[sflag:s14] =	ssyncadd.s32 $0xFFFFF200;
	(pc) =	sbr.rel @p0 .LBB2_5-.Ltmp1, $3  }
0x1f: {  	[spmem:s3] =	stream.linear.scatter [tilespmem:s13], [sflag:$0x5], $0xE00, $0x38;
	[tilespmem:$0x1DC00] =	vst v63  }
0x20: {  	s0 =	sadd.s32 $0x3800, s0;
	_ =	sdelay $0x1  }
0x21: {  	_ =	swait.ge [sflag:s14], $0xE00  }
.Ltmp2:
0x22: {  	(pc) =	sbr.rel .LBB2_7-.Ltmp2, $4  }
0x23: {  	[sflag:s14] =	ssyncset.done $0x0  }
0x24: {  	[dreg:$0x7] =	wrdreg s4;
	s3 =	sshll.u32 s4, $0x5;
	[sflag:s14] =	ssyncadd.s32 $0xFFFFF200  }
0x25: {  	s10 =	sor.u32 $0x10, s3;
	v17 =	vmov s3;
	[bflag:$0x0] =	sbarrier.arrive $0xFFFF  }
0x26: {  	s0 =	simm.s32 $0x0;
	s3 =	simm.s32 $0x0;
	v18 =	vmov s10  }
.LBB2_18:
0x27: {  	s3 =	sadd.s32 $0x1, s3  }
0x28: {  	_ =	swait.ge [sflag:s28], $0x400;
	p0 =	sne.s32 s3, s9  }
.Ltmp3:
0x29: {  	[sflag:s28] =	ssyncset.done $0x0;
	(pc) =	sbr.rel @!p0 .LBB2_19-.Ltmp3, $4  }
0x2a: {  	[sflag:s28] =	ssyncadd.s32 $0xFFFFFC00  }
0x2b: {  	_ =	swait.ge [sflag:s25], $0x400  }
0x2c: {  	[sflag:s25] =	ssyncset.done $0x0  }
0x2d: {  	[sflag:s25] =	ssyncadd.s32 $0xFFFFFC00  }
.LBB2_7:
0x2e: {  	s10 =	smul.u32 $0x50, s3;
	_ =	sdelay $0x1  }
0x2f: {  	s10 =	sadd.s32 s8, s10  }
0x30: {  	s10 =	sshll.u32 s10, $0x2  }
0x31: {  	s4 =	rddreg [dreg:$0x3];
	s10 =	sand.u32 $0x1FFFFFC0, s10  }
0x32: {  	s12 =	sadd.s32 s4, s10  }
0x33: {  	[tilespmem:s15], [sflag:$0x5] =	stream.linear.gather [hbm4b:s12+s0], $0xA00, $0x38;
	[tilespmem:$0x1DC00] =	vst v63  }
0x34: {  	_ =	swait.ge [sflag:s14], $0xA00  }
0x35: {  	[sflag:s14] =	ssyncset.done $0x0  }
0x36: {  	s20 =	simm.s32 $0x19200;
	s17 =	sadd.s32 s6, s10;
	[sflag:s14] =	ssyncadd.s32 $0xFFFFF600  }
0x37: {  	[tilespmem:s20], [sflag:$0x5] =	stream.linear.gather [hbm4b:s17+s0], $0xA00, $0x38;
	[tilespmem:$0x1DC00] =	vst v63  }
0x38: {  	_ =	swait.ge [sflag:s14], $0xA00  }
0x39: {  	[sflag:s14] =	ssyncset.done $0x0  }
0x3a: {  	s29 =	simm.s32 $0x19C00;
	s10 =	sadd.s32 s5, s10;
	[sflag:s14] =	ssyncadd.s32 $0xFFFFF600  }
0x3b: {  	[tilespmem:s29], [sflag:$0x5] =	stream.linear.gather [hbm4b:s10+s0], $0xA00, $0x38;
	[tilespmem:$0x1DC00] =	vst v63  }
0x3c: {  	_ =	swait.ge [sflag:s14], $0xA00  }
0x3d: {  	[sflag:s14] =	ssyncset.done $0x0  }
0x3e: {  	[sflag:s14] =	ssyncadd.s32 $0xFFFFF600  }
0x3f: {  	[tilespmem:s19], [sflag:$0x1] =	stream.indirect.gather [hbm4b:s7+s18], $0x80, s15, s18, $0xb8;
	[tilespmem:$0x1DC00] =	vst v63  }
0x40: {  	s31 =	simm.s32 $0x18820;
	s10 =	simm.s32 $0x0  }
0x41: {  	[tilespmem:s21], [sflag:$0x2] =	stream.indirect.gather [hbm4b:s7+s18], $0x80, s31, s18, $0xb8;
	[tilespmem:$0x1DC00] =	vst v63  }
.LBB2_8:
0x42: {  	s16 =	sshll.u32 s10, $0x8  }
0x43: {  	_ =	swait.ge [sflag:s22], $0x1000;
	s12 =	sshra.s32 s16, $0x2  }
0x44: {  	p0 =	seq.s32 s10, $0x0;
	[sflag:s22] =	ssyncset.done $0x0;
	s20 =	sadd.s32 $0x19C00, s12  }
0x45: {  	s31 =	simm.s32 @!p0 $0x3;
	[sflag:s22] =	ssyncadd.s32 $0xFFFFF000;
	v19 =	vmov s20  }
0x46: {  	_ =	swait.ge @!p0 [sflag:s31], $0x400  }
0x47: {  	p1 =	por $0x1, $0x1;
	[sflag:s31] =	ssyncset.done @!p0 $0x0  }
0x48: {  	s29 =	sor.u32 $0x80, s16;
	[sflag:s31] =	ssyncadd.s32 @!p0 $0xFFFFFC00;
	s31 =	simm.s32 $0x0  }
.LBB2_9:
0x49: {  	s16 =	sshll.u32 s31, $0x4;
	s17 =	sshll.u32 s31, $0xB  }
0x4a: {  	v20 =	vld.idx.msk [tilespmem:v19+s16+$0x0 ss:$0x1], $0xffff;
	s17 =	sand.u32 $0x3FFFF800, s17  }
0x4b: {  	s17 =	sadd.s32 $0x1A600, s17  }
0x4c: {  	v21 =	vld.idx.msk [tilespmem:v17+s17+$0x0 ss:$0x1], $0xffff;
	_ =	sdelay $0x2  }
0x4d: {  	v22 =	vperm.xlane v20, v1;
	_ =	sdelay $0x1  }
0x4e: {  	s20 =	sshll.u32 s31, $0x9;
	v21 =	vmul.f32 v21, v22  }
0x4f: {  	s20 =	sand.u32 $0x3FFFFE00, s20  }
0x50: {  	[tilespmem:s20+$0x1C600] =	vst v21  }
0x51: {  	v21 =	vld.idx.msk [tilespmem:v18+s17+$0x0 ss:$0x1], $0xffff;
	_ =	sdelay $0x3  }
0x52: {  	s17 =	sor.u32 $0x1, s16  }
0x53: {  	s4 =	sshll.u32 s17, $0x7;
	v21 =	vmul.f32 v21, v22  }
0x54: {  	s4 =	sand.u32 $0x3FFFF880, s4  }
0x55: {  	s4 =	sadd.s32 $0x1A600, s4;
	[tilespmem:s20+$0x1C610] =	vst v21  }
0x56: {  	v21 =	vld.idx.msk [tilespmem:v17+s4+$0x0 ss:$0x1], $0xffff;
	_ =	sdelay $0x2  }
0x57: {  	v50 =	vperm.xlane v20, v2;
	_ =	sdelay $0x1  }
0x58: {  	s17 =	sshll.u32 s17, $0x5;
	v21 =	vmul.f32 v21, v50  }
0x59: {  	s17 =	sand.u32 $0x3FFFFE20, s17  }
0x5a: {  	[tilespmem:s17+$0x1C600] =	vst v21  }
0x5b: {  	v21 =	vld.idx.msk [tilespmem:v18+s4+$0x0 ss:$0x1], $0xffff;
	_ =	sdelay $0x3  }
0x5c: {  	s4 =	sor.u32 $0x2, s16  }
0x5d: {  	s20 =	sshll.u32 s4, $0x7;
	v21 =	vmul.f32 v21, v50  }
0x5e: {  	s20 =	sand.u32 $0x3FFFF900, s20  }
0x5f: {  	s20 =	sadd.s32 $0x1A600, s20;
	[tilespmem:s17+$0x1C610] =	vst v21  }
0x60: {  	v21 =	vld.idx.msk [tilespmem:v17+s20+$0x0 ss:$0x1], $0xffff;
	_ =	sdelay $0x2  }
0x61: {  	v51 =	vperm.xlane v20, v3;
	_ =	sdelay $0x1  }
0x62: {  	s4 =	sshll.u32 s4, $0x5;
	v21 =	vmul.f32 v21, v51  }
0x63: {  	s4 =	sand.u32 $0x3FFFFE40, s4  }
0x64: {  	[tilespmem:s4+$0x1C600] =	vst v21  }
0x65: {  	v21 =	vld.idx.msk [tilespmem:v18+s20+$0x0 ss:$0x1], $0xffff;
	_ =	sdelay $0x3  }
0x66: {  	s17 =	sor.u32 $0x3, s16  }
0x67: {  	s20 =	sshll.u32 s17, $0x7;
	v21 =	vmul.f32 v21, v51  }
0x68: {  	s20 =	sand.u32 $0x3FFFF980, s20  }
0x69: {  	s20 =	sadd.s32 $0x1A600, s20;
	[tilespmem:s4+$0x1C610] =	vst v21  }
0x6a: {  	v21 =	vld.idx.msk [tilespmem:v17+s20+$0x0 ss:$0x1], $0xffff;
	_ =	sdelay $0x2  }
0x6b: {  	v52 =	vperm.xlane v20, v4;
	_ =	sdelay $0x1  }
0x6c: {  	s17 =	sshll.u32 s17, $0x5;
	v21 =	vmul.f32 v21, v52  }
0x6d: {  	s17 =	sand.u32 $0x3FFFFE60, s17  }
0x6e: {  	[tilespmem:s17+$0x1C600] =	vst v21  }
0x6f: {  	v21 =	vld.idx.msk [tilespmem:v18+s20+$0x0 ss:$0x1], $0xffff;
	_ =	sdelay $0x3  }
0x70: {  	s4 =	sor.u32 $0x4, s16  }
0x71: {  	s20 =	sshll.u32 s4, $0x7;
	v21 =	vmul.f32 v21, v52  }
0x72: {  	s20 =	sand.u32 $0x3FFFFA00, s20  }
0x73: {  	s20 =	sadd.s32 $0x1A600, s20;
	[tilespmem:s17+$0x1C610] =	vst v21  }
0x74: {  	v21 =	vld.idx.msk [tilespmem:v17+s20+$0x0 ss:$0x1], $0xffff;
	_ =	sdelay $0x2  }
0x75: {  	v53 =	vperm.xlane v20, v5;
	_ =	sdelay $0x1  }
0x76: {  	s4 =	sshll.u32 s4, $0x5;
	v21 =	vmul.f32 v21, v53  }
0x77: {  	s4 =	sand.u32 $0x3FFFFE80, s4  }
0x78: {  	[tilespmem:s4+$0x1C600] =	vst v21  }
0x79: {  	v21 =	vld.idx.msk [tilespmem:v18+s20+$0x0 ss:$0x1], $0xffff;
	_ =	sdelay $0x3  }
0x7a: {  	s17 =	sor.u32 $0x5, s16  }
0x7b: {  	s20 =	sshll.u32 s17, $0x7;
	v21 =	vmul.f32 v21, v53  }
0x7c: {  	s20 =	sand.u32 $0x3FFFFA80, s20  }
0x7d: {  	s20 =	sadd.s32 $0x1A600, s20;
	[tilespmem:s4+$0x1C610] =	vst v21  }
0x7e: {  	v21 =	vld.idx.msk [tilespmem:v17+s20+$0x0 ss:$0x1], $0xffff;
	_ =	sdelay $0x2  }
0x7f: {  	v54 =	vperm.xlane v20, v6;
	_ =	sdelay $0x1  }
0x80: {  	s17 =	sshll.u32 s17, $0x5;
	v21 =	vmul.f32 v21, v54  }
0x81: {  	s17 =	sand.u32 $0x3FFFFEA0, s17  }
0x82: {  	[tilespmem:s17+$0x1C600] =	vst v21  }
0x83: {  	v21 =	vld.idx.msk [tilespmem:v18+s20+$0x0 ss:$0x1], $0xffff;
	_ =	sdelay $0x3  }
0x84: {  	s4 =	sor.u32 $0x6, s16  }
0x85: {  	s20 =	sshll.u32 s4, $0x7;
	v21 =	vmul.f32 v21, v54  }
0x86: {  	s20 =	sand.u32 $0x3FFFFB00, s20  }
0x87: {  	s20 =	sadd.s32 $0x1A600, s20;
	[tilespmem:s17+$0x1C610] =	vst v21  }
0x88: {  	v21 =	vld.idx.msk [tilespmem:v17+s20+$0x0 ss:$0x1], $0xffff;
	_ =	sdelay $0x2  }
0x89: {  	v55 =	vperm.xlane v20, v7;
	_ =	sdelay $0x1  }
0x8a: {  	s4 =	sshll.u32 s4, $0x5;
	v21 =	vmul.f32 v21, v55  }
0x8b: {  	s4 =	sand.u32 $0x3FFFFEC0, s4  }
0x8c: {  	[tilespmem:s4+$0x1C600] =	vst v21  }
0x8d: {  	v21 =	vld.idx.msk [tilespmem:v18+s20+$0x0 ss:$0x1], $0xffff;
	_ =	sdelay $0x3  }
0x8e: {  	s17 =	sor.u32 $0x7, s16  }
0x8f: {  	s20 =	sshll.u32 s17, $0x7;
	v21 =	vmul.f32 v21, v55  }
0x90: {  	s20 =	sand.u32 $0x3FFFFB80, s20  }
0x91: {  	s20 =	sadd.s32 $0x1A600, s20;
	[tilespmem:s4+$0x1C610] =	vst v21  }
0x92: {  	v21 =	vld.idx.msk [tilespmem:v17+s20+$0x0 ss:$0x1], $0xffff;
	_ =	sdelay $0x2  }
0x93: {  	v56 =	vperm.xlane v20, v8;
	_ =	sdelay $0x1  }
0x94: {  	s17 =	sshll.u32 s17, $0x5;
	v21 =	vmul.f32 v21, v56  }
0x95: {  	s17 =	sand.u32 $0x3FFFFEE0, s17  }
0x96: {  	[tilespmem:s17+$0x1C600] =	vst v21  }
0x97: {  	v21 =	vld.idx.msk [tilespmem:v18+s20+$0x0 ss:$0x1], $0xffff;
	_ =	sdelay $0x3  }
0x98: {  	s4 =	sor.u32 $0x8, s16  }
0x99: {  	s20 =	sshll.u32 s4, $0x7;
	v21 =	vmul.f32 v21, v56  }
0x9a: {  	s20 =	sand.u32 $0x3FFFFC00, s20  }
0x9b: {  	s20 =	sadd.s32 $0x1A600, s20;
	[tilespmem:s17+$0x1C610] =	vst v21  }
0x9c: {  	v21 =	vld.idx.msk [tilespmem:v17+s20+$0x0 ss:$0x1], $0xffff;
	_ =	sdelay $0x2  }
0x9d: {  	v57 =	vperm.xlane v20, v9;
	_ =	sdelay $0x1  }
0x9e: {  	s4 =	sshll.u32 s4, $0x5;
	v21 =	vmul.f32 v21, v57  }
0x9f: {  	s4 =	sand.u32 $0x3FFFFF00, s4  }
0xa0: {  	[tilespmem:s4+$0x1C600] =	vst v21  }
0xa1: {  	v21 =	vld.idx.msk [tilespmem:v18+s20+$0x0 ss:$0x1], $0xffff;
	_ =	sdelay $0x3  }
0xa2: {  	s17 =	sor.u32 $0x9, s16  }
0xa3: {  	s20 =	sshll.u32 s17, $0x7;
	v21 =	vmul.f32 v21, v57  }
0xa4: {  	s20 =	sand.u32 $0x3FFFFC80, s20  }
0xa5: {  	s20 =	sadd.s32 $0x1A600, s20;
	[tilespmem:s4+$0x1C610] =	vst v21  }
0xa6: {  	v21 =	vld.idx.msk [tilespmem:v17+s20+$0x0 ss:$0x1], $0xffff;
	_ =	sdelay $0x2  }
0xa7: {  	v58 =	vperm.xlane v20, v10;
	_ =	sdelay $0x1  }
0xa8: {  	s17 =	sshll.u32 s17, $0x5;
	v21 =	vmul.f32 v21, v58  }
0xa9: {  	s17 =	sand.u32 $0x3FFFFF20, s17  }
0xaa: {  	[tilespmem:s17+$0x1C600] =	vst v21  }
0xab: {  	v21 =	vld.idx.msk [tilespmem:v18+s20+$0x0 ss:$0x1], $0xffff;
	_ =	sdelay $0x3  }
0xac: {  	s4 =	sor.u32 $0xA, s16  }
0xad: {  	s20 =	sshll.u32 s4, $0x7;
	v21 =	vmul.f32 v21, v58  }
0xae: {  	s20 =	sand.u32 $0x3FFFFD00, s20  }
0xaf: {  	s20 =	sadd.s32 $0x1A600, s20;
	[tilespmem:s17+$0x1C610] =	vst v21  }
0xb0: {  	v21 =	vld.idx.msk [tilespmem:v17+s20+$0x0 ss:$0x1], $0xffff;
	_ =	sdelay $0x2  }
0xb1: {  	v59 =	vperm.xlane v20, v11;
	_ =	sdelay $0x1  }
0xb2: {  	s4 =	sshll.u32 s4, $0x5;
	v21 =	vmul.f32 v21, v59  }
0xb3: {  	s4 =	sand.u32 $0x3FFFFF40, s4  }
0xb4: {  	[tilespmem:s4+$0x1C600] =	vst v21  }
0xb5: {  	v21 =	vld.idx.msk [tilespmem:v18+s20+$0x0 ss:$0x1], $0xffff;
	_ =	sdelay $0x3  }
0xb6: {  	s17 =	sor.u32 $0xB, s16  }
0xb7: {  	s20 =	sshll.u32 s17, $0x7;
	v21 =	vmul.f32 v21, v59  }
0xb8: {  	s20 =	sand.u32 $0x3FFFFD80, s20  }
0xb9: {  	s20 =	sadd.s32 $0x1A600, s20;
	[tilespmem:s4+$0x1C610] =	vst v21  }
0xba: {  	v21 =	vld.idx.msk [tilespmem:v17+s20+$0x0 ss:$0x1], $0xffff;
	_ =	sdelay $0x2  }
0xbb: {  	v60 =	vperm.xlane v20, v12;
	_ =	sdelay $0x1  }
0xbc: {  	s17 =	sshll.u32 s17, $0x5;
	v21 =	vmul.f32 v21, v60  }
0xbd: {  	s17 =	sand.u32 $0x3FFFFF60, s17  }
0xbe: {  	[tilespmem:s17+$0x1C600] =	vst v21  }
0xbf: {  	v21 =	vld.idx.msk [tilespmem:v18+s20+$0x0 ss:$0x1], $0xffff;
	_ =	sdelay $0x3  }
0xc0: {  	s4 =	sor.u32 $0xC, s16  }
0xc1: {  	s20 =	sshll.u32 s4, $0x7;
	v21 =	vmul.f32 v21, v60  }
0xc2: {  	s20 =	sand.u32 $0x3FFFFE00, s20  }
0xc3: {  	s20 =	sadd.s32 $0x1A600, s20;
	[tilespmem:s17+$0x1C610] =	vst v21  }
0xc4: {  	v21 =	vld.idx.msk [tilespmem:v17+s20+$0x0 ss:$0x1], $0xffff;
	_ =	sdelay $0x2  }
0xc5: {  	v61 =	vperm.xlane v20, v13;
	_ =	sdelay $0x1  }
0xc6: {  	s4 =	sshll.u32 s4, $0x5;
	v21 =	vmul.f32 v21, v61  }
0xc7: {  	s4 =	sand.u32 $0x3FFFFF80, s4  }
0xc8: {  	[tilespmem:s4+$0x1C600] =	vst v21  }
0xc9: {  	v21 =	vld.idx.msk [tilespmem:v18+s20+$0x0 ss:$0x1], $0xffff;
	_ =	sdelay $0x3  }
0xca: {  	s17 =	sor.u32 $0xD, s16  }
0xcb: {  	s20 =	sshll.u32 s17, $0x7;
	v21 =	vmul.f32 v21, v61  }
0xcc: {  	s20 =	sand.u32 $0x3FFFFE80, s20  }
0xcd: {  	s20 =	sadd.s32 $0x1A600, s20;
	[tilespmem:s4+$0x1C610] =	vst v21  }
0xce: {  	v21 =	vld.idx.msk [tilespmem:v17+s20+$0x0 ss:$0x1], $0xffff;
	_ =	sdelay $0x2  }
0xcf: {  	v62 =	vperm.xlane v20, v14;
	_ =	sdelay $0x1  }
0xd0: {  	s17 =	sshll.u32 s17, $0x5;
	v21 =	vmul.f32 v21, v62  }
0xd1: {  	s17 =	sand.u32 $0x3FFFFFA0, s17  }
0xd2: {  	[tilespmem:s17+$0x1C600] =	vst v21  }
0xd3: {  	v21 =	vld.idx.msk [tilespmem:v18+s20+$0x0 ss:$0x1], $0xffff;
	_ =	sdelay $0x3  }
0xd4: {  	s20 =	sor.u32 $0xE, s16  }
0xd5: {  	s16 =	sshll.u32 s20, $0x7;
	v21 =	vmul.f32 v21, v62  }
0xd6: {  	s16 =	sand.u32 $0x3FFFFF00, s16  }
0xd7: {  	s16 =	sadd.s32 $0x1A600, s16;
	[tilespmem:s17+$0x1C610] =	vst v21  }
0xd8: {  	v21 =	vld.idx.msk [tilespmem:v17+s16+$0x0 ss:$0x1], $0xffff;
	_ =	sdelay $0x2  }
0xd9: {  	v63 =	vperm.xlane v20, v15;
	_ =	sdelay $0x1  }
0xda: {  	s4 =	sshll.u32 s20, $0x5;
	v21 =	vmul.f32 v21, v63  }
0xdb: {  	s4 =	sand.u32 $0x3FFFFFC0, s4  }
0xdc: {  	[tilespmem:s4+$0x1C600] =	vst v21  }
0xdd: {  	v21 =	vld.idx.msk [tilespmem:v18+s16+$0x0 ss:$0x1], $0xffff;
	_ =	sdelay $0x3  }
0xde: {  	s16 =	sshllo.u32 s31, $0x4  }
0xdf: {  	s20 =	sshll.u32 s16, $0x7;
	v21 =	vmul.f32 v21, v63  }
0xe0: {  	s17 =	sand.u32 $0x3FFFFF80, s20  }
0xe1: {  	s20 =	sadd.s32 $0x1A600, s17;
	[tilespmem:s4+$0x1C610] =	vst v21  }
0xe2: {  	v21 =	vld.idx.msk [tilespmem:v17+s20+$0x0 ss:$0x1], $0xffff;
	_ =	sdelay $0x2  }
0xe3: {  	v20 =	vperm.xlane v20, v16;
	_ =	sdelay $0x1  }
0xe4: {  	s16 =	sshll.u32 s16, $0x5;
	v21 =	vmul.f32 v21, v20  }
0xe5: {  	s16 =	sand.u32 $0x3FFFFFE0, s16  }
0xe6: {  	[tilespmem:s16+$0x1C600] =	vst v21  }
0xe7: {  	v21 =	vld.idx.msk [tilespmem:v18+s20+$0x0 ss:$0x1], $0xffff;
	_ =	sdelay $0x1  }
0xe8: {  	p2 =	por p1, p1  }
.Ltmp4:
0xe9: {  	_ = 	snop;
	(pc) =	sbr.rel @p2 .LBB2_9-.Ltmp4, $3  }
0xea: {  	_ = 	snop  }
0xeb: {  	v20 =	vmul.f32 v21, v20;
	_ =	sdelay $0x1  }
0xec: {  	p1 =	por $0x0, $0x0;
	s31 =	simm.s32 $0x1;
	[tilespmem:s16+$0x1C610] =	vst v20  }
0xed: {  	p1 =	sne.s32 s10, $0x27  }
.Ltmp5:
0xee: {  	_ = 	snop;
	(pc) =	sbr.rel @p1 .LBB2_12-.Ltmp5, $3  }
0xef: {  	_ =	sdelay $0x1  }
0xf0: {  	s4 =	sadd.s32 $0x19200, s12  }
0xf1: {  	[spmem:s1] =	stream.indirect.scatter.add.f32 [tilespmem:s23], [sflag:$0x3], $0x20, s4, s18, $0xb8;
	[tilespmem:$0x1DC00] =	vst v63  }
.Ltmp6:
0xf2: {  	(pc) =	sbr.rel .LBB2_13-.Ltmp6, $4  }
0xf3: {  	_ = 	snop  }
0xf4: {  	_ =	swait.ge [sflag:s24], $0x1000  }
0xf5: {  	[sflag:s24] =	ssyncset.done $0x0  }
0xf6: {  	[sflag:s24] =	ssyncadd.s32 $0xFFFFF000  }
.LBB2_12:
.Ltmp7:
0xf7: {  	s4 =	sadd.s32 $0x18840, s12;
	(pc) =	sbr.rel @p0 .LBB2_14-.Ltmp7, $4  }
0xf8: {  	[tilespmem:s19], [sflag:$0x1] =	stream.indirect.gather [hbm4b:s7+s18], $0x80, s4, s18, $0xb8;
	[tilespmem:$0x1DC00] =	vst v63  }
0xf9: {  	_ =	swait.ge [sflag:s24], $0x1000  }
0xfa: {  	[sflag:s24] =	ssyncset.done $0x0  }
0xfb: {  	[sflag:s24] =	ssyncadd.s32 $0xFFFFF000  }
.LBB2_13:
0xfc: {  	_ =	swait.ge [sflag:s25], $0x400  }
0xfd: {  	[sflag:s25] =	ssyncset.done $0x0  }
0xfe: {  	[sflag:s25] =	ssyncadd.s32 $0xFFFFFC00  }
.LBB2_14:
0xff: {  	s29 =	sshra.s32 s29, $0x2  }
0x100: {  	s4 =	sadd.s32 $0x19C00, s29  }
0x101: {  	v19 =	vmov s4;
	_ =	sdelay $0x2  }
0x102: {  	s31 =	simm.s32 $0x0;
	p0 =	por $0x1, $0x1  }
.LBB2_15:
0x103: {  	s16 =	sshll.u32 s31, $0x4;
	s4 =	sshll.u32 s31, $0xB  }
0x104: {  	v20 =	vld.idx.msk [tilespmem:v19+s16+$0x0 ss:$0x1], $0xffff;
	s4 =	sand.u32 $0x3FFFF800, s4  }
0x105: {  	s4 =	sadd.s32 $0x1B600, s4  }
0x106: {  	v21 =	vld.idx.msk [tilespmem:v17+s4+$0x0 ss:$0x1], $0xffff;
	_ =	sdelay $0x2  }
0x107: {  	v22 =	vperm.xlane v20, v1;
	_ =	sdelay $0x1  }
0x108: {  	s17 =	sshll.u32 s31, $0x9;
	v21 =	vmul.f32 v21, v22  }
0x109: {  	s17 =	sand.u32 $0x3FFFFE00, s17  }
0x10a: {  	[tilespmem:s17+$0x1CA00] =	vst v21  }
0x10b: {  	v21 =	vld.idx.msk [tilespmem:v18+s4+$0x0 ss:$0x1], $0xffff;
	_ =	sdelay $0x3  }
0x10c: {  	s4 =	sor.u32 $0x1, s16  }
0x10d: {  	s20 =	sshll.u32 s4, $0x7;
	v21 =	vmul.f32 v21, v22  }
0x10e: {  	s20 =	sand.u32 $0x3FFFF880, s20  }
0x10f: {  	s20 =	sadd.s32 $0x1B600, s20;
	[tilespmem:s17+$0x1CA10] =	vst v21  }
0x110: {  	v21 =	vld.idx.msk [tilespmem:v17+s20+$0x0 ss:$0x1], $0xffff;
	_ =	sdelay $0x2  }
0x111: {  	v50 =	vperm.xlane v20, v2;
	_ =	sdelay $0x1  }
0x112: {  	s4 =	sshll.u32 s4, $0x5;
	v21 =	vmul.f32 v21, v50  }
0x113: {  	s4 =	sand.u32 $0x3FFFFE20, s4  }
0x114: {  	[tilespmem:s4+$0x1CA00] =	vst v21  }
0x115: {  	v21 =	vld.idx.msk [tilespmem:v18+s20+$0x0 ss:$0x1], $0xffff;
	_ =	sdelay $0x3  }
0x116: {  	s17 =	sor.u32 $0x2, s16  }
0x117: {  	s20 =	sshll.u32 s17, $0x7;
	v21 =	vmul.f32 v21, v50  }
0x118: {  	s20 =	sand.u32 $0x3FFFF900, s20  }
0x119: {  	s20 =	sadd.s32 $0x1B600, s20;
	[tilespmem:s4+$0x1CA10] =	vst v21  }
0x11a: {  	v21 =	vld.idx.msk [tilespmem:v17+s20+$0x0 ss:$0x1], $0xffff;
	_ =	sdelay $0x2  }
0x11b: {  	v51 =	vperm.xlane v20, v3;
	_ =	sdelay $0x1  }
0x11c: {  	s17 =	sshll.u32 s17, $0x5;
	v21 =	vmul.f32 v21, v51  }
0x11d: {  	s17 =	sand.u32 $0x3FFFFE40, s17  }
0x11e: {  	[tilespmem:s17+$0x1CA00] =	vst v21  }
0x11f: {  	v21 =	vld.idx.msk [tilespmem:v18+s20+$0x0 ss:$0x1], $0xffff;
	_ =	sdelay $0x3  }
0x120: {  	s4 =	sor.u32 $0x3, s16  }
0x121: {  	s20 =	sshll.u32 s4, $0x7;
	v21 =	vmul.f32 v21, v51  }
0x122: {  	s20 =	sand.u32 $0x3FFFF980, s20  }
0x123: {  	s20 =	sadd.s32 $0x1B600, s20;
	[tilespmem:s17+$0x1CA10] =	vst v21  }
0x124: {  	v21 =	vld.idx.msk [tilespmem:v17+s20+$0x0 ss:$0x1], $0xffff;
	_ =	sdelay $0x2  }
0x125: {  	v52 =	vperm.xlane v20, v4;
	_ =	sdelay $0x1  }
0x126: {  	s4 =	sshll.u32 s4, $0x5;
	v21 =	vmul.f32 v21, v52  }
0x127: {  	s4 =	sand.u32 $0x3FFFFE60, s4  }
0x128: {  	[tilespmem:s4+$0x1CA00] =	vst v21  }
0x129: {  	v21 =	vld.idx.msk [tilespmem:v18+s20+$0x0 ss:$0x1], $0xffff;
	_ =	sdelay $0x3  }
0x12a: {  	s17 =	sor.u32 $0x4, s16  }
0x12b: {  	s20 =	sshll.u32 s17, $0x7;
	v21 =	vmul.f32 v21, v52  }
0x12c: {  	s20 =	sand.u32 $0x3FFFFA00, s20  }
0x12d: {  	s20 =	sadd.s32 $0x1B600, s20;
	[tilespmem:s4+$0x1CA10] =	vst v21  }
0x12e: {  	v21 =	vld.idx.msk [tilespmem:v17+s20+$0x0 ss:$0x1], $0xffff;
	_ =	sdelay $0x2  }
0x12f: {  	v53 =	vperm.xlane v20, v5;
	_ =	sdelay $0x1  }
0x130: {  	s17 =	sshll.u32 s17, $0x5;
	v21 =	vmul.f32 v21, v53  }
0x131: {  	s17 =	sand.u32 $0x3FFFFE80, s17  }
0x132: {  	[tilespmem:s17+$0x1CA00] =	vst v21  }
0x133: {  	v21 =	vld.idx.msk [tilespmem:v18+s20+$0x0 ss:$0x1], $0xffff;
	_ =	sdelay $0x3  }
0x134: {  	s4 =	sor.u32 $0x5, s16  }
0x135: {  	s20 =	sshll.u32 s4, $0x7;
	v21 =	vmul.f32 v21, v53  }
0x136: {  	s20 =	sand.u32 $0x3FFFFA80, s20  }
0x137: {  	s20 =	sadd.s32 $0x1B600, s20;
	[tilespmem:s17+$0x1CA10] =	vst v21  }
0x138: {  	v21 =	vld.idx.msk [tilespmem:v17+s20+$0x0 ss:$0x1], $0xffff;
	_ =	sdelay $0x2  }
0x139: {  	v54 =	vperm.xlane v20, v6;
	_ =	sdelay $0x1  }
0x13a: {  	s4 =	sshll.u32 s4, $0x5;
	v21 =	vmul.f32 v21, v54  }
0x13b: {  	s4 =	sand.u32 $0x3FFFFEA0, s4  }
0x13c: {  	[tilespmem:s4+$0x1CA00] =	vst v21  }
0x13d: {  	v21 =	vld.idx.msk [tilespmem:v18+s20+$0x0 ss:$0x1], $0xffff;
	_ =	sdelay $0x3  }
0x13e: {  	s17 =	sor.u32 $0x6, s16  }
0x13f: {  	s20 =	sshll.u32 s17, $0x7;
	v21 =	vmul.f32 v21, v54  }
0x140: {  	s20 =	sand.u32 $0x3FFFFB00, s20  }
0x141: {  	s20 =	sadd.s32 $0x1B600, s20;
	[tilespmem:s4+$0x1CA10] =	vst v21  }
0x142: {  	v21 =	vld.idx.msk [tilespmem:v17+s20+$0x0 ss:$0x1], $0xffff;
	_ =	sdelay $0x2  }
0x143: {  	v55 =	vperm.xlane v20, v7;
	_ =	sdelay $0x1  }
0x144: {  	s17 =	sshll.u32 s17, $0x5;
	v21 =	vmul.f32 v21, v55  }
0x145: {  	s17 =	sand.u32 $0x3FFFFEC0, s17  }
0x146: {  	[tilespmem:s17+$0x1CA00] =	vst v21  }
0x147: {  	v21 =	vld.idx.msk [tilespmem:v18+s20+$0x0 ss:$0x1], $0xffff;
	_ =	sdelay $0x3  }
0x148: {  	s4 =	sor.u32 $0x7, s16  }
0x149: {  	s20 =	sshll.u32 s4, $0x7;
	v21 =	vmul.f32 v21, v55  }
0x14a: {  	s20 =	sand.u32 $0x3FFFFB80, s20  }
0x14b: {  	s20 =	sadd.s32 $0x1B600, s20;
	[tilespmem:s17+$0x1CA10] =	vst v21  }
0x14c: {  	v21 =	vld.idx.msk [tilespmem:v17+s20+$0x0 ss:$0x1], $0xffff;
	_ =	sdelay $0x2  }
0x14d: {  	v56 =	vperm.xlane v20, v8;
	_ =	sdelay $0x1  }
0x14e: {  	s4 =	sshll.u32 s4, $0x5;
	v21 =	vmul.f32 v21, v56  }
0x14f: {  	s4 =	sand.u32 $0x3FFFFEE0, s4  }
0x150: {  	[tilespmem:s4+$0x1CA00] =	vst v21  }
0x151: {  	v21 =	vld.idx.msk [tilespmem:v18+s20+$0x0 ss:$0x1], $0xffff;
	_ =	sdelay $0x3  }
0x152: {  	s17 =	sor.u32 $0x8, s16  }
0x153: {  	s20 =	sshll.u32 s17, $0x7;
	v21 =	vmul.f32 v21, v56  }
0x154: {  	s20 =	sand.u32 $0x3FFFFC00, s20  }
0x155: {  	s20 =	sadd.s32 $0x1B600, s20;
	[tilespmem:s4+$0x1CA10] =	vst v21  }
0x156: {  	v21 =	vld.idx.msk [tilespmem:v17+s20+$0x0 ss:$0x1], $0xffff;
	_ =	sdelay $0x2  }
0x157: {  	v57 =	vperm.xlane v20, v9;
	_ =	sdelay $0x1  }
0x158: {  	s17 =	sshll.u32 s17, $0x5;
	v21 =	vmul.f32 v21, v57  }
0x159: {  	s17 =	sand.u32 $0x3FFFFF00, s17  }
0x15a: {  	[tilespmem:s17+$0x1CA00] =	vst v21  }
0x15b: {  	v21 =	vld.idx.msk [tilespmem:v18+s20+$0x0 ss:$0x1], $0xffff;
	_ =	sdelay $0x3  }
0x15c: {  	s4 =	sor.u32 $0x9, s16  }
0x15d: {  	s20 =	sshll.u32 s4, $0x7;
	v21 =	vmul.f32 v21, v57  }
0x15e: {  	s20 =	sand.u32 $0x3FFFFC80, s20  }
0x15f: {  	s20 =	sadd.s32 $0x1B600, s20;
	[tilespmem:s17+$0x1CA10] =	vst v21  }
0x160: {  	v21 =	vld.idx.msk [tilespmem:v17+s20+$0x0 ss:$0x1], $0xffff;
	_ =	sdelay $0x2  }
0x161: {  	v58 =	vperm.xlane v20, v10;
	_ =	sdelay $0x1  }
0x162: {  	s4 =	sshll.u32 s4, $0x5;
	v21 =	vmul.f32 v21, v58  }
0x163: {  	s4 =	sand.u32 $0x3FFFFF20, s4  }
0x164: {  	[tilespmem:s4+$0x1CA00] =	vst v21  }
0x165: {  	v21 =	vld.idx.msk [tilespmem:v18+s20+$0x0 ss:$0x1], $0xffff;
	_ =	sdelay $0x3  }
0x166: {  	s17 =	sor.u32 $0xA, s16  }
0x167: {  	s20 =	sshll.u32 s17, $0x7;
	v21 =	vmul.f32 v21, v58  }
0x168: {  	s20 =	sand.u32 $0x3FFFFD00, s20  }
0x169: {  	s20 =	sadd.s32 $0x1B600, s20;
	[tilespmem:s4+$0x1CA10] =	vst v21  }
0x16a: {  	v21 =	vld.idx.msk [tilespmem:v17+s20+$0x0 ss:$0x1], $0xffff;
	_ =	sdelay $0x2  }
0x16b: {  	v59 =	vperm.xlane v20, v11;
	_ =	sdelay $0x1  }
0x16c: {  	s17 =	sshll.u32 s17, $0x5;
	v21 =	vmul.f32 v21, v59  }
0x16d: {  	s17 =	sand.u32 $0x3FFFFF40, s17  }
0x16e: {  	[tilespmem:s17+$0x1CA00] =	vst v21  }
0x16f: {  	v21 =	vld.idx.msk [tilespmem:v18+s20+$0x0 ss:$0x1], $0xffff;
	_ =	sdelay $0x3  }
0x170: {  	s4 =	sor.u32 $0xB, s16  }
0x171: {  	s20 =	sshll.u32 s4, $0x7;
	v21 =	vmul.f32 v21, v59  }
0x172: {  	s20 =	sand.u32 $0x3FFFFD80, s20  }
0x173: {  	s20 =	sadd.s32 $0x1B600, s20;
	[tilespmem:s17+$0x1CA10] =	vst v21  }
0x174: {  	v21 =	vld.idx.msk [tilespmem:v17+s20+$0x0 ss:$0x1], $0xffff;
	_ =	sdelay $0x2  }
0x175: {  	v60 =	vperm.xlane v20, v12;
	_ =	sdelay $0x1  }
0x176: {  	s4 =	sshll.u32 s4, $0x5;
	v21 =	vmul.f32 v21, v60  }
0x177: {  	s4 =	sand.u32 $0x3FFFFF60, s4  }
0x178: {  	[tilespmem:s4+$0x1CA00] =	vst v21  }
0x179: {  	v21 =	vld.idx.msk [tilespmem:v18+s20+$0x0 ss:$0x1], $0xffff;
	_ =	sdelay $0x3  }
0x17a: {  	s17 =	sor.u32 $0xC, s16  }
0x17b: {  	s20 =	sshll.u32 s17, $0x7;
	v21 =	vmul.f32 v21, v60  }
0x17c: {  	s20 =	sand.u32 $0x3FFFFE00, s20  }
0x17d: {  	s20 =	sadd.s32 $0x1B600, s20;
	[tilespmem:s4+$0x1CA10] =	vst v21  }
0x17e: {  	v21 =	vld.idx.msk [tilespmem:v17+s20+$0x0 ss:$0x1], $0xffff;
	_ =	sdelay $0x2  }
0x17f: {  	v61 =	vperm.xlane v20, v13;
	_ =	sdelay $0x1  }
0x180: {  	s17 =	sshll.u32 s17, $0x5;
	v21 =	vmul.f32 v21, v61  }
0x181: {  	s17 =	sand.u32 $0x3FFFFF80, s17  }
0x182: {  	[tilespmem:s17+$0x1CA00] =	vst v21  }
0x183: {  	v21 =	vld.idx.msk [tilespmem:v18+s20+$0x0 ss:$0x1], $0xffff;
	_ =	sdelay $0x3  }
0x184: {  	s4 =	sor.u32 $0xD, s16  }
0x185: {  	s20 =	sshll.u32 s4, $0x7;
	v21 =	vmul.f32 v21, v61  }
0x186: {  	s20 =	sand.u32 $0x3FFFFE80, s20  }
0x187: {  	s20 =	sadd.s32 $0x1B600, s20;
	[tilespmem:s17+$0x1CA10] =	vst v21  }
0x188: {  	v21 =	vld.idx.msk [tilespmem:v17+s20+$0x0 ss:$0x1], $0xffff;
	_ =	sdelay $0x2  }
0x189: {  	v62 =	vperm.xlane v20, v14;
	_ =	sdelay $0x1  }
0x18a: {  	s4 =	sshll.u32 s4, $0x5;
	v21 =	vmul.f32 v21, v62  }
0x18b: {  	s4 =	sand.u32 $0x3FFFFFA0, s4  }
0x18c: {  	[tilespmem:s4+$0x1CA00] =	vst v21  }
0x18d: {  	v21 =	vld.idx.msk [tilespmem:v18+s20+$0x0 ss:$0x1], $0xffff;
	_ =	sdelay $0x3  }
0x18e: {  	s16 =	sor.u32 $0xE, s16  }
0x18f: {  	s20 =	sshll.u32 s16, $0x7;
	v21 =	vmul.f32 v21, v62  }
0x190: {  	s17 =	sand.u32 $0x3FFFFF00, s20  }
0x191: {  	s17 =	sadd.s32 $0x1B600, s17;
	[tilespmem:s4+$0x1CA10] =	vst v21  }
0x192: {  	v21 =	vld.idx.msk [tilespmem:v17+s17+$0x0 ss:$0x1], $0xffff;
	_ =	sdelay $0x2  }
0x193: {  	v63 =	vperm.xlane v20, v15;
	_ =	sdelay $0x1  }
0x194: {  	s16 =	sshll.u32 s16, $0x5;
	v21 =	vmul.f32 v21, v63  }
0x195: {  	s16 =	sand.u32 $0x3FFFFFC0, s16  }
0x196: {  	[tilespmem:s16+$0x1CA00] =	vst v21  }
0x197: {  	v21 =	vld.idx.msk [tilespmem:v18+s17+$0x0 ss:$0x1], $0xffff;
	_ =	sdelay $0x3  }
0x198: {  	s4 =	sshllo.u32 s31, $0x4  }
0x199: {  	s20 =	sshll.u32 s4, $0x7;
	v21 =	vmul.f32 v21, v63  }
0x19a: {  	s17 =	sand.u32 $0x3FFFFF80, s20  }
0x19b: {  	s20 =	sadd.s32 $0x1B600, s17;
	[tilespmem:s16+$0x1CA10] =	vst v21  }
0x19c: {  	v21 =	vld.idx.msk [tilespmem:v17+s20+$0x0 ss:$0x1], $0xffff;
	_ =	sdelay $0x2  }
0x19d: {  	v20 =	vperm.xlane v20, v16;
	_ =	sdelay $0x1  }
0x19e: {  	s4 =	sshll.u32 s4, $0x5;
	v21 =	vmul.f32 v21, v20  }
0x19f: {  	s4 =	sand.u32 $0x3FFFFFE0, s4  }
0x1a0: {  	[tilespmem:s4+$0x1CA00] =	vst v21  }
0x1a1: {  	v21 =	vld.idx.msk [tilespmem:v18+s20+$0x0 ss:$0x1], $0xffff;
	_ =	sdelay $0x1  }
0x1a2: {  	p1 =	por p0, p0  }
.Ltmp8:
0x1a3: {  	_ = 	snop;
	(pc) =	sbr.rel @p1 .LBB2_15-.Ltmp8, $3  }
0x1a4: {  	_ = 	snop  }
0x1a5: {  	v20 =	vmul.f32 v21, v20;
	_ =	sdelay $0x1  }
0x1a6: {  	p0 =	por $0x0, $0x0;
	s31 =	simm.s32 $0x1;
	[tilespmem:s4+$0x1CA10] =	vst v20  }
0x1a7: {  	p0 =	seq.s32 s10, $0x27  }
.Ltmp9:
0x1a8: {  	_ = 	snop;
	(pc) =	sbr.rel @p0 .LBB2_18-.Ltmp9, $3  }
0x1a9: {  	_ =	sdelay $0x1  }
0x1aa: {  	s4 =	sadd.s32 $0x19200, s29  }
0x1ab: {  	[spmem:s1] =	stream.indirect.scatter.add.f32 [tilespmem:s26], [sflag:$0x4], $0x20, s4, s18, $0xb8;
	[tilespmem:$0x1DC00] =	vst v63  }
.Ltmp10:
0x1ac: {  	(pc) =	sbr.rel .LBB2_8-.Ltmp10, $3  }
0x1ad: {  	_ =	sdelay $0x1  }
0x1ae: {  	s4 =	sadd.s32 $0x18860, s12;
	s10 =	sadd.s32 $0x1, s10  }
0x1af: {  	[tilespmem:s21], [sflag:$0x2] =	stream.indirect.gather [hbm4b:s7+s18], $0x80, s4, s18, $0xb8;
	[tilespmem:$0x1DC00] =	vst v63  }
.LBB2_19:
0x1b0: {  	[bflag:$0x0] =	sbarrier.arrive $0xFFFF  }
0x1b1: {  	[tilespmem:s13], [sflag:$0x5] =	stream.linear.gather [spmem:s11], $0xE00, $0x38;
	[tilespmem:$0x1DC00] =	vst v63  }
0x1b2: {  	_ =	swait.ge [sflag:s14], $0xE00  }
0x1b3: {  	[sflag:s14] =	ssyncset.done $0x0  }
0x1b4: {  	s0 =	sadd.s32 $0x0, s30;
	[sflag:s14] =	ssyncadd.s32 $0xFFFFF200  }
0x1b5: {  	[hbm4b:s0+s2] =	stream.linear.scatter [tilespmem:s13], [sflag:$0x5], $0xE00, $0x38;
	[tilespmem:$0x1DC00] =	vst v63  }
0x1b6: {  	_ =	swait.ge [sflag:s14], $0xE00  }
0x1b7: {  	s3 =	smov.u32 s11;
	s0 =	simm.s32 $0x1C0;
	[sflag:s14] =	ssyncset.done $0x0  }
.LBB2_20:
0x1b8: {  	p0 =	sne.s32 s0, $0x2F40;
	[sflag:s14] =	ssyncadd.s32 $0xFFFFF200;
	s3 =	sadd.s32 $0xE00, s3  }
0x1b9: {  	[tilespmem:s13], [sflag:$0x5] =	stream.linear.gather [spmem:s3], $0xE00, $0x38;
	[tilespmem:$0x1DC00] =	vst v63  }
0x1ba: {  	s4 =	smov.u32 s0;
	s0 =	sadd.s32 $0x1C0, s0;
	_ =	swait.ge [sflag:s14], $0xE00  }
.Ltmp11:
0x1bb: {  	[sflag:s14] =	ssyncset.done $0x0;
	(pc) =	sbr.rel @p0 .LBB2_20-.Ltmp11, $4  }
0x1bc: {  	s4 =	sadd.s32 s4, s30;
	[sflag:s14] =	ssyncadd.s32 $0xFFFFF200  }
0x1bd: {  	[hbm4b:s4+s2] =	stream.linear.scatter [tilespmem:s13], [sflag:$0x5], $0xE00, $0x38;
	[tilespmem:$0x1DC00] =	vst v63  }
0x1be: {  	_ =	swait.ge [sflag:s14], $0xE00  }
0x1bf: {  	[sflag:s14] =	ssyncset.done $0x0  }
0x1c0: {  	s4 =	rddreg [dreg:$0x7]  }
0x1c1: {  	s4 =	sadd.s32 $0x1, s4  }
0x1c2: {  	p0 =	sne.s32 s4, $0x4  }
.Ltmp12:
0x1c3: {  	_ = 	snop;
	(pc) =	sbr.rel @p0 .LBB2_2-.Ltmp12, $4  }
0x1c4: {  	_ = 	snop  }
0x1c5: {  	[sflag:s14] =	ssyncadd.s32 $0xFFFFF200  }
0x1c6: {  	[bflag:$0x0] =	sbarrier.arrive $0xFFFF  }
0x1c7: {  	s30 =	sadd.s32 $0x31000, s30  }
0x1c8: {  	s3 =	rddreg [dreg:$0x6]  }
0x1c9: {  	s0 =	rddreg [dreg:$0x4];
	s3 =	sadd.s32 $0x1, s3  }
0x1ca: {  	p0 =	sne.s32 s3, s0  }
.Ltmp13:
0x1cb: {  	_ = 	snop;
	(pc) =	sbr.rel @p0 .LBB2_1-.Ltmp13, $1  }
0x1cc: {  	_ =	sdelay $0x3  }
0x1cd: {  	_ =	sfence.sel $0x180000  }
0x1ce: {  	[bflag:$0x0] =	sbarrier.arrive $0xFFFF  }
0x1cf: {  	_ =	strace $0x9000004D  }
0x1d0: {  	s0 =	stileid.u32;
	[bflag:$0x2] =	sbarrier.arrive $0xFFFF  }
0x1d1: {  	p0 =	sne.s32 s0, $0x0;
	s0 =	rddreg [dreg:$0x2]  }
0x1d2: {  	s0 =	sadd.s32 @!p0 $0x100000, s0  }
0x1d3: {  	[sflag:s0] =	ssyncadd.tile.s32 @!p0 $0x1;
	_ =	shalt  }
.Lfunc_end2:
_tile_overlayer_lowered:
.L_overlay_start_2:
0x1d4: {  	(tag) =	ssettag $0x2  }
0x1d5: {  	s0 =	rddreg [dreg:$0x0];
	s2 =	stileid.u32  }
0x1d6: {  	s1 =	rddreg [dreg:$0x1];
	p0 =	sne.s32 s2, $0x0  }
0x1d7: {  	s3 =	rddreg [dreg:$0x2];
	[bflag:$0x3] =	sbarrier.arrive $0xFFFF;
	s2 =	simm.s32 @!p0 $0x1C05  }
0x1d8: {  	[timem:s3], [sflag:s2] =	dma.local @!p0 [hbm:s0], s1  }
0x1d9: {  	s0 =	simm.s32 @!p0 $0x5  }
0x1da: {  	_ =	swait.ge @!p0 [sflag:s0], s1  }
0x1db: {  	s1 =	ssub.s32 @!p0 $0x0, s1;
	[sflag:s0] =	ssyncset.done @!p0 $0x0  }
0x1dc: {  	[sflag:s0] =	ssyncadd.s32 @!p0 s1  }
0x1dd: {  	[bflag:$0x3] =	sbarrier.arrive $0xFFFF  }
0x1de: {  	_ =	shalt  }

// kernel: kernel.8.cloned.1.call-start
scs
__scs_entry_jumppad:
0x0: {  	(pc) =	sbr.rel $0x88, $3  }
0x1: {  	(tag) =	ssettag $0x0;
	lr =	simm.s32 $0x1  }
0x2: {  	[smem:$0x3F95] =	sst lr;
	_ =	strace $0xD0000000  }
0x3: {  	_ = 	snop  }
0x4: {  	_ = 	snop  }
0x5: {  	_ = 	snop  }
0x6: {  	_ = 	snop  }
0x7: {  	_ = 	snop  }
__scs_overlays_trampoline_lowered:
0x8: {  	[smem:$0x3FA4] =	sst s0  }
0x9: {  	[smem:$0x3FA5] =	sst s1  }
0xa: {  	[smem:$0x3FA6] =	sst s2  }
0xb: {  	[smem:$0x3FA7] =	sst s3  }
0xc: {  	[smem:$0x3FA8] =	sst s4  }
0xd: {  	[smem:$0x3FA9] =	sst s5  }
0xe: {  	[smem:$0x3FAA] =	sst s6  }
0xf: {  	[smem:$0x3FAB] =	sst s7  }
0x10: {  	[smem:$0x3FAC] =	sst s8  }
0x11: {  	[smem:$0x3FAD] =	sst s9;
	s0 =	simm.s32 @!p0 $0x0  }
0x12: {  	s1 =	sld [smem:$0x3F93];
	s0 =	simm.s32 @p0 $0x1  }
0x13: {  	[smem:$0x3FAE] =	sst s0;
	s0 =	simm.s32 @!p1 $0x0  }
0x14: {  	s2 =	sld [smem:$0x3F92];
	s0 =	simm.s32 @p1 $0x1  }
0x15: {  	[smem:$0x3FAF] =	sst s0;
	s0 =	simm.s32 @!p2 $0x0  }
0x16: {  	s3 =	sld [smem:$0x3FDB];
	s0 =	simm.s32 @p2 $0x1  }
0x17: {  	s4 =	simm.s32 $0x1BF5;
	[smem:$0x3FB1] =	sst s0  }
0x18: {  	s0 =	sld [smem:$0x3F94];
	_ =	swait.ge [sflag:s4], $0x0  }
0x19: {  	s7 =	sld [smem:$0x3F95]  }
0x1a: {  	s8 =	sadd.s32 $0xFFFFE003, lr  }
0x1b: {  	s9 =	sadd.s32 $0xFFFFFEF7, lr;
	s5 =	simm.s32 $0xFFFFFFFF;
	p2 =	slt.u32 s8, $0xFFFFF086  }
0x1c: {  	p1 =	slt.u32 s9, $0xF7A;
	s5 =	simm.s32 @!p2 $0x0  }
0x1d: {  	s5 =	simm.s32 @p1 $0x1;
	p0 =	seq.s32 s7, s2  }
0x1e: {  	s7 =	smul.u32 @!p0 $0xF7A, s2;
	p2 =	seq.s32 @!p0 s5, $0x0  }
0x1f: {  	s9 =	smul.u32 $0xF7A, s1;
	s8 =	simm.s32 @!p0 $0x1BF5;
	p2 =	por !p2, p0  }
0x20: {  	[sflag:s8] =	ssyncset.s32 @!p0 $0xFFFFF086;
	s6 =	sadd.s32 @!p0 s3, s7;
	s7 =	simm.s32 @!p0 $0x108  }
0x21: {  	s3 =	sadd.s32 s3, s9;
	s6 =	sadd.s32 @!p0 $0x88, s6;
	s7 =	simm.s32 @p2 $0x1082  }
0x22: {  	[simem:s7], [sflag:s8] =	dma.local @!p0 [hbm:s6], $0xF7A  }
0x23: {  	s9 =	sor.u32 $0xD0000000, s2;
	s6 =	simm.s32 $0x108;
	_ =	swait.ge @!p0 [sflag:s8], $0x0  }
0x24: {  	s3 =	sadd.s32 $0x88, s3;
	s6 =	simm.s32 @!p1 $0x1082;
	[sflag:s4] =	ssyncset.s32 $0xFFFFF086  }
0x25: {  	[simem:s6], [sflag:s4] =	dma.local [hbm:s3], $0xF7A  }
0x26: {  	[smem:$0x3F95] =	sst s1;
	(tag) =	ssettag s2;
	_ =	strace s9  }
0x27: {  	s1 =	sld [smem:$0x3FA5]  }
0x28: {  	s2 =	sld [smem:$0x3FA6]  }
0x29: {  	s4 =	sld [smem:$0x3FA8]  }
0x2a: {  	p0 =	seq.s32 s5, $0x0;
	s5 =	sld [smem:$0x3FA9]  }
0x2b: {  	s6 =	sld [smem:$0x3FAA]  }
0x2c: {  	s7 =	sld [smem:$0x3FAB]  }
0x2d: {  	s3 =	simm.s32 $0x108;
	s8 =	sld [smem:$0x3FAC]  }
0x2e: {  	s3 =	simm.s32 @!p0 $0x1082;
	s9 =	sld [smem:$0x3FAD]  }
0x2f: {  	lr =	sadd.s32 s0, s3;
	s0 =	sld [smem:$0x3FA4]  }
0x30: {  	s3 =	sld [smem:$0x3FA7]  }
0x31: {  	[smem:$0x3FB0] =	sst s10  }
0x32: {  	s10 =	sld [smem:$0x3FAE];
	_ =	sdelay $0x3  }
0x33: {  	p0 =	seq.s32 s10, $0x1;
	s10 =	sld [smem:$0x3FB0];
	_ =	sdelay $0x3  }
0x34: {  	[smem:$0x3FB0] =	sst s10  }
0x35: {  	s10 =	sld [smem:$0x3FAF];
	_ =	sdelay $0x3  }
0x36: {  	p1 =	seq.s32 s10, $0x1;
	s10 =	sld [smem:$0x3FB0];
	_ =	sdelay $0x3  }
0x37: {  	[smem:$0x3FB0] =	sst s10  }
0x38: {  	s10 =	sld [smem:$0x3FB1]  }
0x39: {  	_ = 	snop;
	(pc) =	sbr.ind lr, $3  }
0x3a: {  	_ = 	snop  }
0x3b: {  	_ = 	snop  }
0x3c: {  	p2 =	seq.s32 s10, $0x1;
	s10 =	sld [smem:$0x3FB0]  }
0x3d: {  	_ =	shalt  }
0x3e: {  	_ =	shalt  }
0x3f: {  	_ =	shalt  }
0x40: {  	_ =	shalt  }
0x41: {  	_ =	shalt  }
0x42: {  	_ =	shalt  }
0x43: {  	_ =	shalt  }
0x44: {  	_ =	shalt  }
0x45: {  	_ =	shalt  }
0x46: {  	_ =	shalt  }
0x47: {  	_ =	shalt  }
0x48: {  	_ =	shalt  }
0x49: {  	_ =	shalt  }
0x4a: {  	_ =	shalt  }
0x4b: {  	_ =	shalt  }
0x4c: {  	_ =	shalt  }
0x4d: {  	_ =	shalt  }
0x4e: {  	_ =	shalt  }
0x4f: {  	_ =	shalt  }
0x50: {  	_ =	shalt  }
0x51: {  	_ =	shalt  }
0x52: {  	_ =	shalt  }
0x53: {  	_ =	shalt  }
0x54: {  	_ =	shalt  }
0x55: {  	_ =	shalt  }
0x56: {  	_ =	shalt  }
0x57: {  	_ =	shalt  }
0x58: {  	_ =	shalt  }
0x59: {  	_ =	shalt  }
0x5a: {  	_ =	shalt  }
0x5b: {  	_ =	shalt  }
0x5c: {  	_ =	shalt  }
0x5d: {  	_ =	shalt  }
0x5e: {  	_ =	shalt  }
0x5f: {  	_ =	shalt  }
0x60: {  	_ =	shalt  }
0x61: {  	_ =	shalt  }
0x62: {  	_ =	shalt  }
0x63: {  	_ =	shalt  }
0x64: {  	_ =	shalt  }
0x65: {  	_ =	shalt  }
0x66: {  	_ =	shalt  }
0x67: {  	_ =	shalt  }
0x68: {  	_ =	shalt  }
0x69: {  	_ =	shalt  }
0x6a: {  	_ =	shalt  }
0x6b: {  	_ =	shalt  }
0x6c: {  	_ =	shalt  }
0x6d: {  	_ =	shalt  }
0x6e: {  	_ =	shalt  }
0x6f: {  	_ =	shalt  }
0x70: {  	_ =	shalt  }
0x71: {  	_ =	shalt  }
0x72: {  	_ =	shalt  }
0x73: {  	_ =	shalt  }
0x74: {  	_ =	shalt  }
0x75: {  	_ =	shalt  }
0x76: {  	_ =	shalt  }
0x77: {  	_ =	shalt  }
0x78: {  	_ =	shalt  }
0x79: {  	_ =	shalt  }
0x7a: {  	_ =	shalt  }
0x7b: {  	_ =	shalt  }
0x7c: {  	_ =	shalt  }
0x7d: {  	_ =	shalt  }
0x7e: {  	_ =	shalt  }
0x7f: {  	_ =	shalt  }
0x80: {  	_ =	shalt  }
0x81: {  	_ =	shalt  }
0x82: {  	_ =	shalt  }
0x83: {  	_ =	shalt  }
0x84: {  	_ =	shalt  }
0x85: {  	_ =	shalt  }
0x86: {  	_ =	shalt  }
0x87: {  	_ =	shalt  }
.Lfunc_end0:
.L_simem_size_0:
called_computation_lowered:
.L_overlay_start_0:
0x88: {  	s2 =	sld [smem:$0x3FD9]  }
0x89: {  	s3 =	sld [smem:$0x3FFE];
	_ =	sdelay $0x1  }
0x8a: {  	s1 =	srdreg.scid  }
0x8b: {  	s0 =	sand.u32 $0x1, s1  }
0x8c: {  	s16 =	sshll.u32 s0, $0xA;
	s2 =	sadd.s32 s3, s2  }
0x8d: {  	s2 =	sadd.s32 s2, s16  }
0x8e: {  	[smem:$0x3FBC] =	sst s2  }
0x8f: {  	_ = 	snop  }
0x90: {  	(tm) =	ssettm $0x1  }
0x91: {  	s17 =	sld [smem:$0x3FFB];
	_ =	sdelay $0x3  }
0x92: {  	_ =	strace s17  }
0x93: {  	s2 =	sld [smem:$0x3FFC];
	_ =	sdelay $0x3  }
0x94: {  	_ =	strace s2  }
0x95: {  	s2 =	sld [smem:$0x3FFD];
	_ =	sdelay $0x3  }
0x96: {  	_ =	strace s2  }
0x97: {  	_ =	strace $0x8FFFFFFF  }
0x98: {  	s18 =	sld [smem:$0x3FDB];
	_ =	sdelay $0x1  }
0x99: {  	s19 =	simm.s32 $_scs_section_size  }
0x9a: {  	s4 =	simm.s32 $_size__tile_overlayer_lowered;
	s5 =	simm.s32 $_tile_overlayer_lowered  }
0x9b: {  	s22 =	simm.s32 $0x1BFF;
	s21 =	sshll.u32 s5, $0x1;
	s2 =	sadd.s32 s19, s18  }
0x9c: {  	s6 =	simm.s32 $0x0;
	s20 =	sshll.u32 s4, $0x1;
	s4 =	sadd.s32 s21, s2  }
0x9d: {  	[timem:s6], [sflag:s22] =	dma.local [hbm:s4], s20  }
0x9e: {  	_ =	swait.ge [sflag:s22], s20  }
0x9f: {  	s3 =	ssub.s32 $0x0, s20;
	[sflag:s22] =	ssyncset.done $0x0  }
0xa0: {  	[sflag:s22] =	ssyncadd.s32 s3;
	_ =	sdelay $0x1  }
0xa1: {  	s23 =	simm.s32 $0x1B8B  }
0xa2: {  	_ =	swait.ge [sflag:s23], $0x1  }
0xa3: {  	[sflag:s23] =	ssyncset.done $0x0  }
0xa4: {  	s25 =	simm.s32 $0x1B8E;
	s24 =	sld [smem:$0x3FFE];
	[sflag:s23] =	ssyncadd.s32 $0xFFFFFFFF  }
0xa5: {  	s26 =	simm.s32 $execute0_lowered;
	[smem:$0x3FD2] =	sst s25  }
0xa6: {  	s4 =	sshll.u32 s26, $0x1;
	_ =	strace $0x80000046;
	[dreg:$0x1] =	wrdreg $0xFFFFFFFF  }
0xa7: {  	s28 =	simm.s32 $_size_execute0_lowered;
	s2 =	sadd.s32 s2, s4;
	[dreg:$0x0] =	wrdreg $0x0  }
0xa8: {  	s4 =	sshll.u32 s28, $0x1;
	[dreg:$0x2] =	wrdreg s2  }
0xa9: {  	[dreg:$0x3] =	wrdreg s4  }
0xaa: {  	[dreg:$0x4] =	wrdreg $0xC0  }
0xab: {  	_ =	task [dreg:s6], $0x5FFFF  }
0xac: {  	[dreg:$0x1] =	wrdreg $0xFFFFFFFF  }
0xad: {  	[dreg:$0x0] =	wrdreg $0x60  }
0xae: {  	[dreg:$0x2] =	wrdreg s24  }
0xaf: {  	[dreg:$0x3] =	wrdreg $0x0  }
0xb0: {  	[dreg:$0x4] =	wrdreg $0x9  }
0xb1: {  	_ =	task.clear_ibuf [dreg:s6], $0x5FFFF;
	_ =	strace $0x90000046  }
0xb2: {  	s29 =	simm.s32 $0x9;
	_ =	strace $0x80000048  }
0xb3: {  	_ =	swait.ge [sflag:s29], $0x1  }
0xb4: {  	[sflag:s29] =	ssyncadd.s32 $0xFFFFFFFF  }
0xb5: {  	_ =	strace $0x90000048  }
0xb6: {  	_ =	sfence  }
0xb7: {  	s30 =	sld [smem:$0x0];
	_ =	sdelay $0x2  }
0xb8: {  	s31 =	sshll.u32 s1, $0xD;
	s1 =	sshrl.u32 s1, $0x2  }
0xb9: {  	s3 =	sand.u32 $0x4000, s31;
	s1 =	sadd.s32 s1, s30  }
0xba: {  	s0 =	sor.u32 s3, s0;
	s1 =	sshll.u32 s1, $0x11  }
0xbb: {  	s0 =	sor.u32 s1, s0  }
0xbc: {  	s0 =	sadd.s32 $0x8F2B, s0  }
0xbd: {  	[sflag:s0] =	ssyncadd.remote.s32 $0x1  }
0xbe: {  	_ =	sfence.sel $0xFFFF  }
0xbf: {  	[dreg:$0x0] =	wrdreg $0xFFFFFFFF;
	(pc) =	sbr.abs _section_cstart, $3  }
0xc0: {  	[dreg:$0x1] =	wrdreg $0xFFFFFFFF  }
0xc1: {  	_ =	task.clear_ibuf [dreg:s6], $0x2FFFF;
	_ =	strace $0x9FFFFFFF  }
0xc2: {  	(tm) =	ssettm $0x7FFFFFFF  }
0xc3: {  	_ =	shalt  }
tec
execute0_lowered:
.L_overlay_start_1:
0x0: {  	(tag) =	ssettag $0x1  }
0x1: {  	s0 =	srdreg.scid;
	s4 =	rddreg [dreg:$0x0]  }
0x2: {  	s3 =	stileid.u32;
	s2 =	rddreg [dreg:$0x1]  }
0x3: {  	s9 =	simm.s32 $0x1440;
	s10 =	simm.s32 $0x2;
	s11 =	simm.s32 $0xC40  }
0x4: {  	s12 =	simm.s32 $0x1040;
	s13 =	simm.s32 $0x80;
	s14 =	simm.s32 $0xCC0  }
0x5: {  	s15 =	simm.s32 $0x10C0;
	s16 =	simm.s32 $0xD40;
	s17 =	simm.s32 $0x1140  }
0x6: {  	s18 =	simm.s32 $0xDC0;
	s19 =	simm.s32 $0x11C0;
	s20 =	simm.s32 $0xE40  }
0x7: {  	s21 =	simm.s32 $0x1240;
	s22 =	simm.s32 $0xEC0;
	s23 =	simm.s32 $0x12C0  }
0x8: {  	s24 =	simm.s32 $0xF40;
	s25 =	simm.s32 $0x1340;
	s5 =	smul.u32 $0x6400, s3  }
0x9: {  	s28 =	simm.s32 $0x13C0;
	s0 =	sand.u32 $0x1, s0;
	s6 =	smul.u32 $0xC40, s3  }
0xa: {  	s29 =	simm.s32 $0x1;
	s3 =	simm.s32 $0x0;
	s1 =	smul.u32 $0x64000, s0  }
0xb: {  	s7 =	smul.u32 $0xC400, s0;
	[smem:$0x7FF] =	sst s3;
	s0 =	ssub.s32 $0x2, s0  }
0xc: {  	s30 =	simm.s32 $0x0;
	_ =	strace $0x80000047;
	s31 =	sshrl.u32 s0, $0x1  }
0xd: {  	s1 =	sadd.s32 s5, s1;
	s26 =	sadd.s32 s6, s7;
	s0 =	ssub.s32 s0, s31  }
0xe: {  	s1 =	sshrl.u32 s1, $0x3;
	s5 =	sshrl.u32 s26, $0x3;
	s0 =	smax.u32 s0, $0x1  }
0xf: {  	s26 =	simm.s32 $0xFC0;
	s1 =	sadd.s32 s1, s4;
	s5 =	sadd.s32 s5, s4  }
0x10: {  	s4 =	sadd.s32 s6, s2;
	[dreg:$0x4] =	wrdreg s0;
	s5 =	sadd.s32 $0x33200, s5  }
0x11: {  	v0 =	vimm.f32 $0.0e+00;
	s7 =	sadd.s32 $0x1A200, s1;
	s8 =	sadd.s32 $0x1200, s1;
	[dreg:$0x3] =	wrdreg s5  }
.LBB2_1:
0x12: {  	s1 =	simm.s32 $0x40;
	s0 =	simm.s32 $0x0  }
.LBB2_2:
0x13: {  	p0 =	sne.s32 s1, $0x30C0;
	[tilespmem:s0+$0x1440] =	vst v0;
	s0 =	smov.u32 s1;
	s1 =	sadd.s32 $0x40, s1  }
.Ltmp0:
0x14: {  	(pc) =	sbr.rel @p0 .LBB2_2-.Ltmp0, $2  }
0x15: {  	_ =	sdelay $0x2  }
0x16: {  	s0 =	sshra.s32 s0, $0x2  }
0x17: {  	[tilespmem:s0+$0x1440] =	vst v0  }
0x18: {  	[spmem:s4] =	stream.linear.scatter [tilespmem:s9], [sflag:$0x2], $0xC40, $0x38;
	[tilespmem:$0x2080] =	vst v63  }
0x19: {  	_ =	swait.ge [sflag:s10], $0xC40  }
0x1a: {  	[sflag:s10] =	ssyncset.done $0x0  }
0x1b: {  	[sflag:s10] =	ssyncadd.s32 $0xFFFFF3C0  }
0x1c: {  	s5 =	sadd.s32 $0x0, s8;
	[bflag:$0x0] =	sbarrier.arrive $0xFFFF  }
0x1d: {  	[tilespmem:s11], [sflag:$0x2] =	stream.linear.gather [hbm4b:s5+s3], $0x400, $0x38;
	[tilespmem:$0x2080] =	vst v63  }
0x1e: {  	_ =	swait.ge [sflag:s10], $0x400  }
0x1f: {  	[sflag:s10] =	ssyncset.done $0x0  }
0x20: {  	s6 =	sadd.s32 $0x0, s7;
	[sflag:s10] =	ssyncadd.s32 $0xFFFFFC00  }
0x21: {  	[tilespmem:s12], [sflag:$0x2] =	stream.linear.gather [hbm4b:s6+s3], $0x400, $0x38;
	[tilespmem:$0x2080] =	vst v63  }
0x22: {  	_ =	swait.ge [sflag:s10], $0x400  }
0x23: {  	[sflag:s10] =	ssyncset.done $0x0  }
0x24: {  	[sflag:s10] =	ssyncadd.s32 $0xFFFFFC00  }
0x25: {  	[spmem:s2] =	stream.indirect.scatter.add.f32 [tilespmem:s12], [sflag:$0x1], $0x1, s11, s13, $0xb8;
	[tilespmem:$0x2080] =	vst v63  }
0x26: {  	_ = 	snop  }
0x27: {  	[spmem:s2] =	stream.indirect.scatter.add.f32 [tilespmem:s15], [sflag:$0x1], $0x1, s14, s13, $0xb8;
	[tilespmem:$0x2080] =	vst v63  }
0x28: {  	_ = 	snop  }
0x29: {  	[spmem:s2] =	stream.indirect.scatter.add.f32 [tilespmem:s17], [sflag:$0x1], $0x1, s16, s13, $0xb8;
	[tilespmem:$0x2080] =	vst v63  }
0x2a: {  	_ = 	snop  }
0x2b: {  	[spmem:s2] =	stream.indirect.scatter.add.f32 [tilespmem:s19], [sflag:$0x1], $0x1, s18, s13, $0xb8;
	[tilespmem:$0x2080] =	vst v63  }
0x2c: {  	_ = 	snop  }
0x2d: {  	[spmem:s2] =	stream.indirect.scatter.add.f32 [tilespmem:s21], [sflag:$0x1], $0x1, s20, s13, $0xb8;
	[tilespmem:$0x2080] =	vst v63  }
0x2e: {  	_ = 	snop  }
0x2f: {  	[spmem:s2] =	stream.indirect.scatter.add.f32 [tilespmem:s23], [sflag:$0x1], $0x1, s22, s13, $0xb8;
	[tilespmem:$0x2080] =	vst v63  }
0x30: {  	_ = 	snop  }
0x31: {  	[spmem:s2] =	stream.indirect.scatter.add.f32 [tilespmem:s25], [sflag:$0x1], $0x1, s24, s13, $0xb8;
	[tilespmem:$0x2080] =	vst v63  }
0x32: {  	_ = 	snop  }
0x33: {  	[spmem:s2] =	stream.indirect.scatter.add.f32 [tilespmem:s28], [sflag:$0x1], $0x1, s26, s13, $0xb8;
	[tilespmem:$0x2080] =	vst v63  }
0x34: {  	_ =	swait.ge [sflag:s29], $0x80  }
0x35: {  	[sflag:s29] =	ssyncset.done $0x0  }
0x36: {  	[sflag:s29] =	ssyncadd.s32 $0xFFFFFF80  }
0x37: {  	_ =	swait.ge [sflag:s29], $0x80  }
0x38: {  	[sflag:s29] =	ssyncset.done $0x0  }
0x39: {  	[sflag:s29] =	ssyncadd.s32 $0xFFFFFF80  }
0x3a: {  	_ =	swait.ge [sflag:s29], $0x80  }
0x3b: {  	[sflag:s29] =	ssyncset.done $0x0  }
0x3c: {  	[sflag:s29] =	ssyncadd.s32 $0xFFFFFF80  }
0x3d: {  	_ =	swait.ge [sflag:s29], $0x80  }
0x3e: {  	[sflag:s29] =	ssyncset.done $0x0  }
0x3f: {  	[sflag:s29] =	ssyncadd.s32 $0xFFFFFF80  }
0x40: {  	_ =	swait.ge [sflag:s29], $0x80  }
0x41: {  	[sflag:s29] =	ssyncset.done $0x0  }
0x42: {  	[sflag:s29] =	ssyncadd.s32 $0xFFFFFF80  }
0x43: {  	_ =	swait.ge [sflag:s29], $0x80  }
0x44: {  	[sflag:s29] =	ssyncset.done $0x0  }
0x45: {  	[sflag:s29] =	ssyncadd.s32 $0xFFFFFF80  }
0x46: {  	_ =	swait.ge [sflag:s29], $0x80  }
0x47: {  	[sflag:s29] =	ssyncset.done $0x0  }
0x48: {  	[sflag:s29] =	ssyncadd.s32 $0xFFFFFF80  }
0x49: {  	_ =	swait.ge [sflag:s29], $0x80  }
0x4a: {  	s31 =	simm.s32 $0x80;
	s1 =	simm.s32 $0x100;
	[sflag:s29] =	ssyncset.done $0x0  }
.LBB2_4:
0x4b: {  	s5 =	sadd.s32 s31, s8  }
0x4c: {  	[sflag:s29] =	ssyncadd.s32 $0xFFFFFF80;
	s6 =	smov.u32 s1;
	s0 =	sadd.s32 $0x80, s1  }
0x4d: {  	[tilespmem:s11], [sflag:$0x2] =	stream.linear.gather [hbm4b:s5+s3], $0x400, $0x38;
	[tilespmem:$0x2080] =	vst v63  }
0x4e: {  	p0 =	sne.s32 s1, $0xC00;
	_ =	swait.ge [sflag:s10], $0x400  }
0x4f: {  	[sflag:s10] =	ssyncset.done $0x0  }
0x50: {  	s1 =	sadd.s32 s31, s7;
	s31 =	smov.u32 s6;
	[sflag:s10] =	ssyncadd.s32 $0xFFFFFC00  }
0x51: {  	[tilespmem:s12], [sflag:$0x2] =	stream.linear.gather [hbm4b:s1+s3], $0x400, $0x38;
	[tilespmem:$0x2080] =	vst v63  }
0x52: {  	_ =	swait.ge [sflag:s10], $0x400  }
0x53: {  	[sflag:s10] =	ssyncset.done $0x0  }
0x54: {  	[sflag:s10] =	ssyncadd.s32 $0xFFFFFC00  }
0x55: {  	[spmem:s2] =	stream.indirect.scatter.add.f32 [tilespmem:s12], [sflag:$0x1], $0x1, s11, s13, $0xb8;
	[tilespmem:$0x2080] =	vst v63  }
0x56: {  	_ = 	snop  }
0x57: {  	[spmem:s2] =	stream.indirect.scatter.add.f32 [tilespmem:s15], [sflag:$0x1], $0x1, s14, s13, $0xb8;
	[tilespmem:$0x2080] =	vst v63  }
0x58: {  	_ = 	snop  }
0x59: {  	[spmem:s2] =	stream.indirect.scatter.add.f32 [tilespmem:s17], [sflag:$0x1], $0x1, s16, s13, $0xb8;
	[tilespmem:$0x2080] =	vst v63  }
0x5a: {  	_ = 	snop  }
0x5b: {  	[spmem:s2] =	stream.indirect.scatter.add.f32 [tilespmem:s19], [sflag:$0x1], $0x1, s18, s13, $0xb8;
	[tilespmem:$0x2080] =	vst v63  }
0x5c: {  	_ = 	snop  }
0x5d: {  	[spmem:s2] =	stream.indirect.scatter.add.f32 [tilespmem:s21], [sflag:$0x1], $0x1, s20, s13, $0xb8;
	[tilespmem:$0x2080] =	vst v63  }
0x5e: {  	_ = 	snop  }
0x5f: {  	[spmem:s2] =	stream.indirect.scatter.add.f32 [tilespmem:s23], [sflag:$0x1], $0x1, s22, s13, $0xb8;
	[tilespmem:$0x2080] =	vst v63  }
0x60: {  	_ = 	snop  }
0x61: {  	[spmem:s2] =	stream.indirect.scatter.add.f32 [tilespmem:s25], [sflag:$0x1], $0x1, s24, s13, $0xb8;
	[tilespmem:$0x2080] =	vst v63  }
0x62: {  	_ = 	snop  }
0x63: {  	[spmem:s2] =	stream.indirect.scatter.add.f32 [tilespmem:s28], [sflag:$0x1], $0x1, s26, s13, $0xb8;
	[tilespmem:$0x2080] =	vst v63  }
0x64: {  	_ =	swait.ge [sflag:s29], $0x80  }
0x65: {  	[sflag:s29] =	ssyncset.done $0x0  }
0x66: {  	[sflag:s29] =	ssyncadd.s32 $0xFFFFFF80  }
0x67: {  	_ =	swait.ge [sflag:s29], $0x80  }
0x68: {  	[sflag:s29] =	ssyncset.done $0x0  }
0x69: {  	[sflag:s29] =	ssyncadd.s32 $0xFFFFFF80  }
0x6a: {  	_ =	swait.ge [sflag:s29], $0x80  }
0x6b: {  	[sflag:s29] =	ssyncset.done $0x0  }
0x6c: {  	[sflag:s29] =	ssyncadd.s32 $0xFFFFFF80  }
0x6d: {  	_ =	swait.ge [sflag:s29], $0x80  }
0x6e: {  	[sflag:s29] =	ssyncset.done $0x0  }
0x6f: {  	[sflag:s29] =	ssyncadd.s32 $0xFFFFFF80  }
0x70: {  	_ =	swait.ge [sflag:s29], $0x80  }
0x71: {  	[sflag:s29] =	ssyncset.done $0x0  }
0x72: {  	[sflag:s29] =	ssyncadd.s32 $0xFFFFFF80  }
0x73: {  	_ =	swait.ge [sflag:s29], $0x80  }
0x74: {  	[sflag:s29] =	ssyncset.done $0x0  }
0x75: {  	[sflag:s29] =	ssyncadd.s32 $0xFFFFFF80  }
.Ltmp1:
0x76: {  	_ =	swait.ge [sflag:s29], $0x80;
	(pc) =	sbr.rel @p0 .LBB2_4-.Ltmp1, $4  }
0x77: {  	[sflag:s29] =	ssyncset.done $0x0  }
0x78: {  	[sflag:s29] =	ssyncadd.s32 $0xFFFFFF80  }
0x79: {  	_ =	swait.ge [sflag:s29], $0x80  }
0x7a: {  	s1 =	smov.u32 s0;
	[sflag:s29] =	ssyncset.done $0x0  }
0x7b: {  	s0 =	sadd.s32 s31, s8;
	[sflag:s29] =	ssyncadd.s32 $0xFFFFFF80  }
0x7c: {  	[tilespmem:s11], [sflag:$0x2] =	stream.linear.gather [hbm4b:s0+s3], $0x400, $0x38;
	[tilespmem:$0x2080] =	vst v63  }
0x7d: {  	_ =	swait.ge [sflag:s10], $0x400  }
0x7e: {  	[sflag:s10] =	ssyncset.done $0x0  }
0x7f: {  	s5 =	sadd.s32 s31, s7;
	[sflag:s10] =	ssyncadd.s32 $0xFFFFFC00  }
0x80: {  	[tilespmem:s12], [sflag:$0x2] =	stream.linear.gather [hbm4b:s5+s3], $0x400, $0x38;
	[tilespmem:$0x2080] =	vst v63  }
0x81: {  	_ =	swait.ge [sflag:s10], $0x400  }
0x82: {  	[sflag:s10] =	ssyncset.done $0x0  }
0x83: {  	[sflag:s10] =	ssyncadd.s32 $0xFFFFFC00  }
0x84: {  	[spmem:s2] =	stream.indirect.scatter.add.f32 [tilespmem:s12], [sflag:$0x1], $0x1, s11, s13, $0xb8;
	[tilespmem:$0x2080] =	vst v63  }
0x85: {  	_ = 	snop  }
0x86: {  	[spmem:s2] =	stream.indirect.scatter.add.f32 [tilespmem:s15], [sflag:$0x1], $0x1, s14, s13, $0xb8;
	[tilespmem:$0x2080] =	vst v63  }
0x87: {  	_ = 	snop  }
0x88: {  	[spmem:s2] =	stream.indirect.scatter.add.f32 [tilespmem:s17], [sflag:$0x1], $0x1, s16, s13, $0xb8;
	[tilespmem:$0x2080] =	vst v63  }
0x89: {  	_ = 	snop  }
0x8a: {  	[spmem:s2] =	stream.indirect.scatter.add.f32 [tilespmem:s19], [sflag:$0x1], $0x1, s18, s13, $0xb8;
	[tilespmem:$0x2080] =	vst v63  }
0x8b: {  	_ = 	snop  }
0x8c: {  	[spmem:s2] =	stream.indirect.scatter.add.f32 [tilespmem:s21], [sflag:$0x1], $0x1, s20, s13, $0xb8;
	[tilespmem:$0x2080] =	vst v63  }
0x8d: {  	_ = 	snop  }
0x8e: {  	[spmem:s2] =	stream.indirect.scatter.add.f32 [tilespmem:s23], [sflag:$0x1], $0x1, s22, s13, $0xb8;
	[tilespmem:$0x2080] =	vst v63  }
0x8f: {  	_ = 	snop  }
0x90: {  	[spmem:s2] =	stream.indirect.scatter.add.f32 [tilespmem:s25], [sflag:$0x1], $0x1, s24, s13, $0xb8;
	[tilespmem:$0x2080] =	vst v63  }
0x91: {  	_ = 	snop  }
0x92: {  	[spmem:s2] =	stream.indirect.scatter.add.f32 [tilespmem:s28], [sflag:$0x1], $0x1, s26, s13, $0xb8;
	[tilespmem:$0x2080] =	vst v63  }
0x93: {  	_ =	swait.ge [sflag:s29], $0x80  }
0x94: {  	[sflag:s29] =	ssyncset.done $0x0  }
0x95: {  	[sflag:s29] =	ssyncadd.s32 $0xFFFFFF80  }
0x96: {  	_ =	swait.ge [sflag:s29], $0x80  }
0x97: {  	[sflag:s29] =	ssyncset.done $0x0  }
0x98: {  	[sflag:s29] =	ssyncadd.s32 $0xFFFFFF80  }
0x99: {  	_ =	swait.ge [sflag:s29], $0x80  }
0x9a: {  	[sflag:s29] =	ssyncset.done $0x0  }
0x9b: {  	[sflag:s29] =	ssyncadd.s32 $0xFFFFFF80  }
0x9c: {  	_ =	swait.ge [sflag:s29], $0x80  }
0x9d: {  	[sflag:s29] =	ssyncset.done $0x0  }
0x9e: {  	[sflag:s29] =	ssyncadd.s32 $0xFFFFFF80  }
0x9f: {  	_ =	swait.ge [sflag:s29], $0x80  }
0xa0: {  	[sflag:s29] =	ssyncset.done $0x0  }
0xa1: {  	[sflag:s29] =	ssyncadd.s32 $0xFFFFFF80  }
0xa2: {  	_ =	swait.ge [sflag:s29], $0x80  }
0xa3: {  	[sflag:s29] =	ssyncset.done $0x0  }
0xa4: {  	[sflag:s29] =	ssyncadd.s32 $0xFFFFFF80  }
0xa5: {  	_ =	swait.ge [sflag:s29], $0x80  }
0xa6: {  	[sflag:s29] =	ssyncset.done $0x0  }
0xa7: {  	[sflag:s29] =	ssyncadd.s32 $0xFFFFFF80  }
0xa8: {  	_ =	swait.ge [sflag:s29], $0x80  }
0xa9: {  	[sflag:s29] =	ssyncset.done $0x0  }
0xaa: {  	[sflag:s29] =	ssyncadd.s32 $0xFFFFFF80  }
0xab: {  	[bflag:$0x0] =	sbarrier.arrive $0xFFFF  }
0xac: {  	[tilespmem:s9], [sflag:$0x2] =	stream.linear.gather [spmem:s4], $0xC40, $0x38;
	[tilespmem:$0x2080] =	vst v63  }
0xad: {  	_ =	swait.ge [sflag:s10], $0xC40  }
0xae: {  	[sflag:s10] =	ssyncset.done $0x0  }
0xaf: {  	s6 =	rddreg [dreg:$0x3];
	[sflag:s10] =	ssyncadd.s32 $0xFFFFF3C0  }
0xb0: {  	[hbm4b:s6+s3] =	stream.linear.scatter [tilespmem:s9], [sflag:$0x2], $0xC40, $0x38;
	[tilespmem:$0x2080] =	vst v63  }
0xb1: {  	_ =	swait.ge [sflag:s10], $0xC40  }
0xb2: {  	s30 =	sadd.s32 $0x1, s30;
	s31 =	rddreg [dreg:$0x4]  }
0xb3: {  	p0 =	sne.s32 s30, s31  }
.Ltmp2:
0xb4: {  	_ = 	snop;
	(pc) =	sbr.rel @p0 .LBB2_1-.Ltmp2, $3  }
0xb5: {  	_ =	sdelay $0x1  }
0xb6: {  	[sflag:s10] =	ssyncset.done $0x0  }
0xb7: {  	[sflag:s10] =	ssyncadd.s32 $0xFFFFF3C0  }
0xb8: {  	_ =	sfence.sel $0x180000  }
0xb9: {  	[bflag:$0x0] =	sbarrier.arrive $0xFFFF  }
0xba: {  	_ =	strace $0x90000047  }
0xbb: {  	s0 =	stileid.u32;
	[bflag:$0x2] =	sbarrier.arrive $0xFFFF  }
0xbc: {  	p0 =	sne.s32 s0, $0x0;
	s0 =	rddreg [dreg:$0x2]  }
0xbd: {  	s0 =	sadd.s32 @!p0 $0x100000, s0  }
0xbe: {  	[sflag:s0] =	ssyncadd.tile.s32 @!p0 $0x1;
	_ =	shalt  }
.Lfunc_end2:
_tile_overlayer_lowered:
.L_overlay_start_2:
0xbf: {  	(tag) =	ssettag $0x2  }
0xc0: {  	s0 =	rddreg [dreg:$0x0];
	s2 =	stileid.u32  }
0xc1: {  	s1 =	rddreg [dreg:$0x1];
	p0 =	sne.s32 s2, $0x0  }
0xc2: {  	s3 =	rddreg [dreg:$0x2];
	[bflag:$0x3] =	sbarrier.arrive $0xFFFF;
	s2 =	simm.s32 @!p0 $0x1C02  }
0xc3: {  	[timem:s3], [sflag:s2] =	dma.local @!p0 [hbm:s0], s1  }
0xc4: {  	s0 =	simm.s32 @!p0 $0x2  }
0xc5: {  	_ =	swait.ge @!p0 [sflag:s0], s1  }
0xc6: {  	s1 =	ssub.s32 @!p0 $0x0, s1;
	[sflag:s0] =	ssyncset.done @!p0 $0x0  }
0xc7: {  	[sflag:s0] =	ssyncadd.s32 @!p0 s1  }
0xc8: {  	[bflag:$0x3] =	sbarrier.arrive $0xFFFF  }
0xc9: {  	_ =	shalt  }

</sc_bundles>
